<compile_context>
chip_gen: v7x
topology: tpu7x:2x2x1
jax: 0.10.2.dev20260603
libtpu: 0.0.44.dev20260713+nightly
codegen_flags: <defaults>
</compile_context>

<pallas_src>
import functools

import jax
import jax.numpy as jnp
from jax import lax
from jax.experimental import pallas as pl
from jax.experimental.pallas import tpu as pltpu
from jax.experimental.pallas import tpu_sc as plsc

_N = 10000
_NP = 10240
_D = 128
_CHUNK = 128
_CPT = 80
_EP = 32 * _CPT * _CHUNK
_RPT = _NP // 16
_NB = _NP // 128



def _sc_mesh():
    return plsc.VectorSubcoreMesh(core_axis_name="c", subcore_axis_name="s",
                                  num_cores=2, num_subcores=16)


_KPT = _RPT // _CHUNK


def _hist_body(dst_hbm, ones_hbm, zero_hbm, iota_hbm, out_hbm,
               didx, ones_v, zrows_v, gidx, rowbuf, deg):
    c = lax.axis_index("c")
    s = lax.axis_index("s")
    w = c * 16 + s
    pltpu.sync_copy(ones_hbm, ones_v)
    pltpu.sync_copy(zero_hbm, zrows_v)
    for k in range(_KPT):
        pltpu.sync_copy(
            iota_hbm.at[pl.ds(s * _RPT + k * _CHUNK, _CHUNK)], gidx)
        pltpu.sync_copy(zrows_v, deg.at[gidx])
    plsc.subcore_barrier()

    def step(j, carry):
        base = (w * _CPT + j) * _CHUNK
        pltpu.sync_copy(dst_hbm.at[pl.ds(base, _CHUNK)], didx)
        pltpu.sync_copy(ones_v, deg.at[didx], add=True)
        return carry

    lax.fori_loop(0, _CPT, step, 0)
    plsc.subcore_barrier()
    for k in range(_KPT):
        pltpu.sync_copy(
            iota_hbm.at[pl.ds(s * _RPT + k * _CHUNK, _CHUNK)], gidx)
        pltpu.sync_copy(deg.at[gidx], rowbuf)
        pltpu.sync_copy(
            rowbuf, out_hbm.at[pl.ds(c * _NP + s * _RPT + k * _CHUNK, _CHUNK)])


def _sc_hist(dst_pad, ones_rows, zero_rows, iota1):
    return pl.kernel(
        _hist_body,
        out_type=jax.ShapeDtypeStruct((2 * _NP, 16), jnp.float32),
        mesh=_sc_mesh(),
        scratch_types=[
            pltpu.VMEM((_CHUNK,), jnp.int32),
            pltpu.VMEM((_CHUNK, 16), jnp.float32),
            pltpu.VMEM((_CHUNK, 16), jnp.float32),
            pltpu.VMEM((_CHUNK,), jnp.int32),
            pltpu.VMEM((_CHUNK, 16), jnp.float32),
            pltpu.VMEM_SHARED((_NP, 16), jnp.float32),
        ],
    )(dst_pad, ones_rows, zero_rows, iota1)


_DH = _D // 2


def _prop_body(h_hbm, src_hbm, dst_hbm, zero_hbm, iota_hbm, out_hbm,
               sidx, didx0, didx1, gidx, rows0, rows1, hsp, acc,
               sems0, sems1):
    c = lax.axis_index("c")
    s = lax.axis_index("s")
    w = c * 16 + s
    didx = (didx0, didx1)
    rows = (rows0, rows1)
    sems = (sems0, sems1)
    fo = c * _DH
    pltpu.sync_copy(zero_hbm.at[pl.ds(0, _CHUNK), pl.ds(0, _DH)], rows0)
    for k in range(_KPT):
        r = s * _RPT + k * _CHUNK
        pltpu.sync_copy(iota_hbm.at[pl.ds(r, _CHUNK)], gidx)
        pltpu.sync_copy(rows0, acc.at[gidx])
        pltpu.sync_copy(h_hbm.at[pl.ds(r, _CHUNK), pl.ds(fo, _DH)], rows1)
        pltpu.sync_copy(rows1, hsp.at[gidx])
    plsc.subcore_barrier()

    def drain_scat(b):
        pltpu.make_async_copy(rows[b], acc.at[didx[b]], sems[b]).wait()

    def stage(j, b, first):
        base = (w * _CPT + j) * _CHUNK
        if not first:
            drain_scat(b)
        pltpu.sync_copy(src_hbm.at[pl.ds(base, _CHUNK)], sidx)
        pltpu.sync_copy(dst_hbm.at[pl.ds(base, _CHUNK)], didx[b])
        pltpu.sync_copy(hsp.at[sidx], rows[b])
        pltpu.async_copy(rows[b], acc.at[didx[b]], sems[b], add=True)

    stage(0, 0, True)
    stage(1, 1, True)

    def pair(k, carry):
        stage(2 * k + 2, 0, False)
        stage(2 * k + 3, 1, False)
        return carry

    lax.fori_loop(0, (_CPT - 2) // 2, pair, 0)
    drain_scat(0)
    drain_scat(1)
    plsc.subcore_barrier()
    for k in range(_KPT):
        r = s * _RPT + k * _CHUNK
        pltpu.sync_copy(iota_hbm.at[pl.ds(r, _CHUNK)], gidx)
        pltpu.sync_copy(acc.at[gidx], rows0)
        pltpu.sync_copy(rows0,
                        out_hbm.at[pl.ds(r, _CHUNK), pl.ds(fo, _DH)])


def _sc_propagate(h, src_pad, dst_pad, zero_rows, iota1):
    return pl.kernel(
        _prop_body,
        out_type=jax.ShapeDtypeStruct((_NP, _D), jnp.float32),
        mesh=_sc_mesh(),
        compiler_params=pltpu.CompilerParams(use_tc_tiling_on_sc=False),
        scratch_types=(
            [pltpu.VMEM((_CHUNK,), jnp.int32)] * 4
            + [pltpu.VMEM((_CHUNK, _DH), jnp.float32)] * 2
            + [pltpu.VMEM_SHARED((_NP, _DH), jnp.float32)] * 2
            + [pltpu.SemaphoreType.DMA] * 2
        ),
    )(h, src_pad, dst_pad, zero_rows, iota1)



def _tc_first_body(dega_ref, degb_ref, x_ref, w_ref, dinv_ref, h_ref):
    i = pl.program_id(0)
    deg = dega_ref[:, 0:1] + degb_ref[:, 0:1] + 1.0
    row = lax.broadcasted_iota(jnp.int32, (128, 1), 0) + i * 128
    dinv = jnp.where(row < _N, lax.rsqrt(deg), 0.0)
    dinv_b = jnp.broadcast_to(dinv, (128, _D))
    dinv_ref[...] = dinv_b
    h_ref[...] = dinv_b * jnp.dot(x_ref[...], w_ref[...],
                                  preferred_element_type=jnp.float32)


def _tc_first(degp, xp, W0):
    return pl.pallas_call(
        _tc_first_body,
        grid=(_NB,),
        in_specs=[
            pl.BlockSpec((128, 16), lambda i: (i, 0)),
            pl.BlockSpec((128, 16), lambda i: (i + _NB, 0)),
            pl.BlockSpec((128, _D), lambda i: (i, 0)),
            pl.BlockSpec((_D, _D), lambda i: (0, 0)),
        ],
        out_specs=[pl.BlockSpec((128, _D), lambda i: (i, 0))] * 2,
        out_shape=[jax.ShapeDtypeStruct((_NP, _D), jnp.float32)] * 2,
    )(degp, degp, xp, W0)


def _tc_mid_body(p_ref, h_ref, dinv_ref, b_ref, w_ref, o_ref):
    pre = dinv_ref[...] * (p_ref[...] + h_ref[...]) + b_ref[...]
    a = jnp.tanh(pre)
    o_ref[...] = dinv_ref[...] * jnp.dot(a, w_ref[...],
                                         preferred_element_type=jnp.float32)


def _tc_mid(p, h_prev, dinv, b, W):
    return pl.pallas_call(
        _tc_mid_body,
        grid=(_NB,),
        in_specs=[
            pl.BlockSpec((128, _D), lambda i: (i, 0)),
            pl.BlockSpec((128, _D), lambda i: (i, 0)),
            pl.BlockSpec((128, _D), lambda i: (i, 0)),
            pl.BlockSpec((1, _D), lambda i: (0, 0)),
            pl.BlockSpec((_D, _D), lambda i: (0, 0)),
        ],
        out_specs=pl.BlockSpec((128, _D), lambda i: (i, 0)),
        out_shape=jax.ShapeDtypeStruct((_NP, _D), jnp.float32),
    )(p, h_prev, dinv, b.reshape(1, _D), W)


def _tc_final_body(p_ref, h_ref, dinv_ref, b_ref, o_ref):
    pre = dinv_ref[...] * (p_ref[...] + h_ref[...]) + b_ref[...]
    o_ref[...] = jnp.tanh(pre)


def _tc_final(p, h_prev, dinv, b):
    return pl.pallas_call(
        _tc_final_body,
        grid=(_NB,),
        in_specs=[
            pl.BlockSpec((128, _D), lambda i: (i, 0)),
            pl.BlockSpec((128, _D), lambda i: (i, 0)),
            pl.BlockSpec((128, _D), lambda i: (i, 0)),
            pl.BlockSpec((1, _D), lambda i: (0, 0)),
        ],
        out_specs=pl.BlockSpec((128, _D), lambda i: (i, 0)),
        out_shape=jax.ShapeDtypeStruct((_NP, _D), jnp.float32),
    )(p, h_prev, dinv, b.reshape(1, _D))



def kernel(x, edge_index, W0, b0, W1, b1, W2, b2, W3, b3):
    n = x.shape[0]
    e = edge_index.shape[1]
    npad = _NP - n
    epad = _EP - e
    pad_src = jnp.arange(epad, dtype=jnp.int32) % n
    pad_dst = n + (jnp.arange(epad, dtype=jnp.int32) % npad)
    src_pad = jnp.concatenate([edge_index[0], pad_src])
    dst_pad = jnp.concatenate([edge_index[1], pad_dst])
    xp = jnp.pad(x, ((0, npad), (0, 0)))

    ones_rows = jnp.ones((_CHUNK, 16), jnp.float32)
    zero16 = jnp.zeros((_CHUNK, 16), jnp.float32)
    zero_rows = jnp.zeros((_CHUNK, _D), jnp.float32)
    iota1 = jnp.arange(_NP, dtype=jnp.int32)

    def prop(h):
        return _sc_propagate(h, src_pad, dst_pad, zero_rows, iota1)

    degp = _sc_hist(dst_pad, ones_rows, zero16, iota1)
    dinv, h = _tc_first(degp, xp, W0)
    p = prop(h)
    h = _tc_mid(p, h, dinv, b0, W1)
    p = prop(h)
    h = _tc_mid(p, h, dinv, b1, W2)
    p = prop(h)
    h = _tc_mid(p, h, dinv, b2, W3)
    p = prop(h)
    out = _tc_final(p, h, dinv, b3)
    return out[:n]

# --- scband reference (transcript-rebuilt; emitter-appended) ---
"""Pipeline reference for scband-gcn-4011499454552 (READ-ONLY COPY).

The authoritative reference and input builder live on the scoring server;
editing this copy changes nothing except your own understanding.
"""

import jax, jax.numpy as jnp
import numpy as np

N = 10000
E = 320000
D = 128
H = 128


def setup_inputs(seed: int = 0) -> dict:
    key = jax.random.key(seed)
    ks = jax.random.split(key, 12)
    x = jax.random.normal(ks[0], (N, D), dtype=jnp.float32)
    edge_index = jax.random.randint(ks[1], (2, E), 0, N, dtype=jnp.int32)
    s = 0.1
    W0 = jax.random.normal(ks[2], (D, H), dtype=jnp.float32) * s
    b0 = jnp.zeros((H,), dtype=jnp.float32)
    W1 = jax.random.normal(ks[3], (H, H), dtype=jnp.float32) * s
    b1 = jnp.zeros((H,), dtype=jnp.float32)
    W2 = jax.random.normal(ks[4], (H, H), dtype=jnp.float32) * s
    b2 = jnp.zeros((H,), dtype=jnp.float32)
    W3 = jax.random.normal(ks[5], (H, H), dtype=jnp.float32) * s
    b3 = jnp.zeros((H,), dtype=jnp.float32)
    return {"x": x, "edge_index": edge_index, "W0": W0, "b0": b0, "W1": W1, "b1": b1, "W2": W2, "b2": b2, "W3": W3, "b3": b3}


def _gcn_conv(x, W, b, src, dst, norm, n):
    # PyG GCNConv: out = D^{-1/2} (A + I) D^{-1/2} X W + b
    h = x @ W
    msg = h[src] * norm[:, None]
    out = jax.ops.segment_sum(msg, dst, num_segments=n)
    return out + b


def reference(x, edge_index, W0, b0, W1, b1, W2, b2, W3, b3):
    n = x.shape[0]
    # add self-loops (GCNConv default)
    loop = jnp.arange(n, dtype=edge_index.dtype)
    src = jnp.concatenate([edge_index[0], loop])
    dst = jnp.concatenate([edge_index[1], loop])
    ones = jnp.ones(src.shape[0], dtype=jnp.float32)
    deg = jax.ops.segment_sum(ones, dst, num_segments=n)
    dinv = jnp.where(deg > 0, 1.0 / jnp.sqrt(deg), 0.0)
    norm = dinv[src] * dinv[dst]
    h = jnp.tanh(_gcn_conv(x, W0, b0, src, dst, norm, n))
    h = jnp.tanh(_gcn_conv(h, W1, b1, src, dst, norm, n))
    h = jnp.tanh(_gcn_conv(h, W2, b2, src, dst, norm, n))
    h = jnp.tanh(_gcn_conv(h, W3, b3, src, dst, norm, n))
    return h

if __name__ == "__main__":
    import jax
    _d = setup_inputs()
    print(jax.jit(kernel)(*tuple(_d.values())))

</pallas_src>

<mosaic_0001>
#map = affine_map<(d0, d1) -> (0)>
#map1 = affine_map<(d0, d1) -> (0, 0)>
module attributes {stable_mosaic.version = 14 : i64} {
  func.func @_hist_body(%arg0: i32, %arg1: i32, %arg2: memref<327680xi32, #tpu.memory_space<hbm>>, %arg3: memref<128x16xf32, #tpu.memory_space<hbm>>, %arg4: memref<128x16xf32, #tpu.memory_space<hbm>>, %arg5: memref<10240xi32, #tpu.memory_space<hbm>>, %arg6: memref<20480x16xf32, #tpu.memory_space<hbm>>, %arg7: memref<128xi32, #tpu.memory_space<vmem>>, %arg8: memref<128x16xf32, #tpu.memory_space<vmem>>, %arg9: memref<128x16xf32, #tpu.memory_space<vmem>>, %arg10: memref<128xi32, #tpu.memory_space<vmem>>, %arg11: memref<128x16xf32, #tpu.memory_space<vmem>>, %arg12: memref<10240x16xf32, #tpu.memory_space<vmem_shared>>) attributes {dimension_semantics = [#tpu.dimension_semantics<core_parallel>, #tpu.dimension_semantics<subcore_parallel>], iteration_bounds = array<i64: 2, 16>, scalar_prefetch = 0 : i64, scratch_operands = 6 : i64, tpu.core_type = #tpu.core_type<sc_vector_subcore>, window_params = [{transform_indices = #map}, {transform_indices = #map1}, {transform_indices = #map1}, {transform_indices = #map}, {transform_indices = #map1}]} {
    %mul3A = arith.constant 16 : i32
    %mul3A_0 = arith.muli %arg0, %mul3A : i32
    %add3A = arith.addi %mul3A_0, %arg1 : i32
    "tpu.region"() ({
      %run_scoped3A = tpu.sem_alloc : memref<!tpu.dma_semaphore, #tpu.memory_space<semaphore_mem>>
      tpu.enqueue_dma source(%arg3 : memref<128x16xf32, #tpu.memory_space<hbm>>) target(%arg8 : memref<128x16xf32, #tpu.memory_space<vmem>>) target_semaphore(%run_scoped3A : memref<!tpu.dma_semaphore, #tpu.memory_space<semaphore_mem>>)
      tpu.wait_dma2 semaphore(%run_scoped3A : memref<!tpu.dma_semaphore, #tpu.memory_space<semaphore_mem>>) src(%arg3 : memref<128x16xf32, #tpu.memory_space<hbm>>) dst(%arg8 : memref<128x16xf32, #tpu.memory_space<vmem>>)
      tpu.yield
    }) : () -> ()
    "tpu.region"() ({
      %run_scoped3A = tpu.sem_alloc : memref<!tpu.dma_semaphore, #tpu.memory_space<semaphore_mem>>
      tpu.enqueue_dma source(%arg4 : memref<128x16xf32, #tpu.memory_space<hbm>>) target(%arg9 : memref<128x16xf32, #tpu.memory_space<vmem>>) target_semaphore(%run_scoped3A : memref<!tpu.dma_semaphore, #tpu.memory_space<semaphore_mem>>)
      tpu.wait_dma2 semaphore(%run_scoped3A : memref<!tpu.dma_semaphore, #tpu.memory_space<semaphore_mem>>) src(%arg4 : memref<128x16xf32, #tpu.memory_space<hbm>>) dst(%arg9 : memref<128x16xf32, #tpu.memory_space<vmem>>)
      tpu.yield
    }) : () -> ()
    %mul3A_1 = arith.constant 640 : i32
    %mul3A_2 = arith.muli %arg1, %mul3A_1 : i32
    %add3A_3 = arith.constant 0 : i32
    %add3A_4 = arith.addi %mul3A_2, %add3A_3 : i32
    "tpu.region"() ({
      %run_scoped3A = tpu.sem_alloc : memref<!tpu.dma_semaphore, #tpu.memory_space<semaphore_mem>>
      %dma_start3A = tpu.memref_slice %arg5[%add3A_4] : memref<10240xi32, #tpu.memory_space<hbm>> -> memref<128xi32, #tpu.memory_space<hbm>>
      %dma_start3A_82 = tpu.memref_slice %arg5[%add3A_4] : memref<10240xi32, #tpu.memory_space<hbm>> -> memref<128xi32, #tpu.memory_space<hbm>>
      tpu.enqueue_dma source(%dma_start3A_82 : memref<128xi32, #tpu.memory_space<hbm>>) target(%arg10 : memref<128xi32, #tpu.memory_space<vmem>>) target_semaphore(%run_scoped3A : memref<!tpu.dma_semaphore, #tpu.memory_space<semaphore_mem>>)
      %dma_wait3A = tpu.memref_slice %arg5[%add3A_4] : memref<10240xi32, #tpu.memory_space<hbm>> -> memref<128xi32, #tpu.memory_space<hbm>>
      %dma_wait3A_83 = tpu.memref_slice %arg5[%add3A_4] : memref<10240xi32, #tpu.memory_space<hbm>> -> memref<128xi32, #tpu.memory_space<hbm>>
      tpu.wait_dma2 semaphore(%run_scoped3A : memref<!tpu.dma_semaphore, #tpu.memory_space<semaphore_mem>>) src(%dma_wait3A_83 : memref<128xi32, #tpu.memory_space<hbm>>) dst(%arg10 : memref<128xi32, #tpu.memory_space<vmem>>)
      tpu.yield
    }) : () -> ()
    "tpu.region"() ({
      %run_scoped3A = tpu.sem_alloc : memref<!tpu.dma_semaphore, #tpu.memory_space<semaphore_mem>>
      %dma_start3A = arith.constant 0 : i32
      %dma_start3A_82 = arith.constant 0 : i32
      %dma_start3A_83 = tpu.memref_slice %arg12[%dma_start3A, %dma_start3A_82] : memref<10240x16xf32, #tpu.memory_space<vmem_shared>> -> memref<10240x16xf32, #tpu.memory_space<vmem_shared>>
      tpu.enqueue_indirect_dma source(%arg9 : memref<128x16xf32, #tpu.memory_space<vmem>>) target(%dma_start3A_83 : memref<10240x16xf32, #tpu.memory_space<vmem_shared>>) offsets(%arg10 : memref<128xi32, #tpu.memory_space<vmem>>) semaphore(%run_scoped3A : memref<!tpu.dma_semaphore, #tpu.memory_space<semaphore_mem>>)
      %dma_wait3A = arith.constant 0 : i32
      %dma_wait3A_84 = arith.constant 0 : i32
      %dma_wait3A_85 = tpu.memref_slice %arg12[%dma_wait3A, %dma_wait3A_84] : memref<10240x16xf32, #tpu.memory_space<vmem_shared>> -> memref<10240x16xf32, #tpu.memory_space<vmem_shared>>
      tpu.wait_indirect_dma semaphore(%run_scoped3A : memref<!tpu.dma_semaphore, #tpu.memory_space<semaphore_mem>>) src(%arg9 : memref<128x16xf32, #tpu.memory_space<vmem>>) dst(%dma_wait3A_85 : memref<10240x16xf32, #tpu.memory_space<vmem_shared>>)
      tpu.yield
    }) : () -> ()
    %mul3A_5 = arith.constant 640 : i32
    %mul3A_6 = arith.muli %arg1, %mul3A_5 : i32
    %add3A_7 = arith.constant 128 : i32
    %add3A_8 = arith.addi %mul3A_6, %add3A_7 : i32
    "tpu.region"() ({
      %run_scoped3A = tpu.sem_alloc : memref<!tpu.dma_semaphore, #tpu.memory_space<semaphore_mem>>
      %dma_start3A = tpu.memref_slice %arg5[%add3A_8] : memref<10240xi32, #tpu.memory_space<hbm>> -> memref<128xi32, #tpu.memory_space<hbm>>
      %dma_start3A_82 = tpu.memref_slice %arg5[%add3A_8] : memref<10240xi32, #tpu.memory_space<hbm>> -> memref<128xi32, #tpu.memory_space<hbm>>
      tpu.enqueue_dma source(%dma_start3A_82 : memref<128xi32, #tpu.memory_space<hbm>>) target(%arg10 : memref<128xi32, #tpu.memory_space<vmem>>) target_semaphore(%run_scoped3A : memref<!tpu.dma_semaphore, #tpu.memory_space<semaphore_mem>>)
      %dma_wait3A = tpu.memref_slice %arg5[%add3A_8] : memref<10240xi32, #tpu.memory_space<hbm>> -> memref<128xi32, #tpu.memory_space<hbm>>
      %dma_wait3A_83 = tpu.memref_slice %arg5[%add3A_8] : memref<10240xi32, #tpu.memory_space<hbm>> -> memref<128xi32, #tpu.memory_space<hbm>>
      tpu.wait_dma2 semaphore(%run_scoped3A : memref<!tpu.dma_semaphore, #tpu.memory_space<semaphore_mem>>) src(%dma_wait3A_83 : memref<128xi32, #tpu.memory_space<hbm>>) dst(%arg10 : memref<128xi32, #tpu.memory_space<vmem>>)
      tpu.yield
    }) : () -> ()
    "tpu.region"() ({
      %run_scoped3A = tpu.sem_alloc : memref<!tpu.dma_semaphore, #tpu.memory_space<semaphore_mem>>
      %dma_start3A = arith.constant 0 : i32
      %dma_start3A_82 = arith.constant 0 : i32
      %dma_start3A_83 = tpu.memref_slice %arg12[%dma_start3A, %dma_start3A_82] : memref<10240x16xf32, #tpu.memory_space<vmem_shared>> -> memref<10240x16xf32, #tpu.memory_space<vmem_shared>>
      tpu.enqueue_indirect_dma source(%arg9 : memref<128x16xf32, #tpu.memory_space<vmem>>) target(%dma_start3A_83 : memref<10240x16xf32, #tpu.memory_space<vmem_shared>>) offsets(%arg10 : memref<128xi32, #tpu.memory_space<vmem>>) semaphore(%run_scoped3A : memref<!tpu.dma_semaphore, #tpu.memory_space<semaphore_mem>>)
      %dma_wait3A = arith.constant 0 : i32
      %dma_wait3A_84 = arith.constant 0 : i32
      %dma_wait3A_85 = tpu.memref_slice %arg12[%dma_wait3A, %dma_wait3A_84] : memref<10240x16xf32, #tpu.memory_space<vmem_shared>> -> memref<10240x16xf32, #tpu.memory_space<vmem_shared>>
      tpu.wait_indirect_dma semaphore(%run_scoped3A : memref<!tpu.dma_semaphore, #tpu.memory_space<semaphore_mem>>) src(%arg9 : memref<128x16xf32, #tpu.memory_space<vmem>>) dst(%dma_wait3A_85 : memref<10240x16xf32, #tpu.memory_space<vmem_shared>>)
      tpu.yield
    }) : () -> ()
    %mul3A_9 = arith.constant 640 : i32
    %mul3A_10 = arith.muli %arg1, %mul3A_9 : i32
    %add3A_11 = arith.constant 256 : i32
    %add3A_12 = arith.addi %mul3A_10, %add3A_11 : i32
    "tpu.region"() ({
      %run_scoped3A = tpu.sem_alloc : memref<!tpu.dma_semaphore, #tpu.memory_space<semaphore_mem>>
      %dma_start3A = tpu.memref_slice %arg5[%add3A_12] : memref<10240xi32, #tpu.memory_space<hbm>> -> memref<128xi32, #tpu.memory_space<hbm>>
      %dma_start3A_82 = tpu.memref_slice %arg5[%add3A_12] : memref<10240xi32, #tpu.memory_space<hbm>> -> memref<128xi32, #tpu.memory_space<hbm>>
      tpu.enqueue_dma source(%dma_start3A_82 : memref<128xi32, #tpu.memory_space<hbm>>) target(%arg10 : memref<128xi32, #tpu.memory_space<vmem>>) target_semaphore(%run_scoped3A : memref<!tpu.dma_semaphore, #tpu.memory_space<semaphore_mem>>)
      %dma_wait3A = tpu.memref_slice %arg5[%add3A_12] : memref<10240xi32, #tpu.memory_space<hbm>> -> memref<128xi32, #tpu.memory_space<hbm>>
      %dma_wait3A_83 = tpu.memref_slice %arg5[%add3A_12] : memref<10240xi32, #tpu.memory_space<hbm>> -> memref<128xi32, #tpu.memory_space<hbm>>
      tpu.wait_dma2 semaphore(%run_scoped3A : memref<!tpu.dma_semaphore, #tpu.memory_space<semaphore_mem>>) src(%dma_wait3A_83 : memref<128xi32, #tpu.memory_space<hbm>>) dst(%arg10 : memref<128xi32, #tpu.memory_space<vmem>>)
      tpu.yield
    }) : () -> ()
    "tpu.region"() ({
      %run_scoped3A = tpu.sem_alloc : memref<!tpu.dma_semaphore, #tpu.memory_space<semaphore_mem>>
      %dma_start3A = arith.constant 0 : i32
      %dma_start3A_82 = arith.constant 0 : i32
      %dma_start3A_83 = tpu.memref_slice %arg12[%dma_start3A, %dma_start3A_82] : memref<10240x16xf32, #tpu.memory_space<vmem_shared>> -> memref<10240x16xf32, #tpu.memory_space<vmem_shared>>
      tpu.enqueue_indirect_dma source(%arg9 : memref<128x16xf32, #tpu.memory_space<vmem>>) target(%dma_start3A_83 : memref<10240x16xf32, #tpu.memory_space<vmem_shared>>) offsets(%arg10 : memref<128xi32, #tpu.memory_space<vmem>>) semaphore(%run_scoped3A : memref<!tpu.dma_semaphore, #tpu.memory_space<semaphore_mem>>)
      %dma_wait3A = arith.constant 0 : i32
      %dma_wait3A_84 = arith.constant 0 : i32
      %dma_wait3A_85 = tpu.memref_slice %arg12[%dma_wait3A, %dma_wait3A_84] : memref<10240x16xf32, #tpu.memory_space<vmem_shared>> -> memref<10240x16xf32, #tpu.memory_space<vmem_shared>>
      tpu.wait_indirect_dma semaphore(%run_scoped3A : memref<!tpu.dma_semaphore, #tpu.memory_space<semaphore_mem>>) src(%arg9 : memref<128x16xf32, #tpu.memory_space<vmem>>) dst(%dma_wait3A_85 : memref<10240x16xf32, #tpu.memory_space<vmem_shared>>)
      tpu.yield
    }) : () -> ()
    %mul3A_13 = arith.constant 640 : i32
    %mul3A_14 = arith.muli %arg1, %mul3A_13 : i32
    %add3A_15 = arith.constant 384 : i32
    %add3A_16 = arith.addi %mul3A_14, %add3A_15 : i32
    "tpu.region"() ({
      %run_scoped3A = tpu.sem_alloc : memref<!tpu.dma_semaphore, #tpu.memory_space<semaphore_mem>>
      %dma_start3A = tpu.memref_slice %arg5[%add3A_16] : memref<10240xi32, #tpu.memory_space<hbm>> -> memref<128xi32, #tpu.memory_space<hbm>>
      %dma_start3A_82 = tpu.memref_slice %arg5[%add3A_16] : memref<10240xi32, #tpu.memory_space<hbm>> -> memref<128xi32, #tpu.memory_space<hbm>>
      tpu.enqueue_dma source(%dma_start3A_82 : memref<128xi32, #tpu.memory_space<hbm>>) target(%arg10 : memref<128xi32, #tpu.memory_space<vmem>>) target_semaphore(%run_scoped3A : memref<!tpu.dma_semaphore, #tpu.memory_space<semaphore_mem>>)
      %dma_wait3A = tpu.memref_slice %arg5[%add3A_16] : memref<10240xi32, #tpu.memory_space<hbm>> -> memref<128xi32, #tpu.memory_space<hbm>>
      %dma_wait3A_83 = tpu.memref_slice %arg5[%add3A_16] : memref<10240xi32, #tpu.memory_space<hbm>> -> memref<128xi32, #tpu.memory_space<hbm>>
      tpu.wait_dma2 semaphore(%run_scoped3A : memref<!tpu.dma_semaphore, #tpu.memory_space<semaphore_mem>>) src(%dma_wait3A_83 : memref<128xi32, #tpu.memory_space<hbm>>) dst(%arg10 : memref<128xi32, #tpu.memory_space<vmem>>)
      tpu.yield
    }) : () -> ()
    "tpu.region"() ({
      %run_scoped3A = tpu.sem_alloc : memref<!tpu.dma_semaphore, #tpu.memory_space<semaphore_mem>>
      %dma_start3A = arith.constant 0 : i32
      %dma_start3A_82 = arith.constant 0 : i32
      %dma_start3A_83 = tpu.memref_slice %arg12[%dma_start3A, %dma_start3A_82] : memref<10240x16xf32, #tpu.memory_space<vmem_shared>> -> memref<10240x16xf32, #tpu.memory_space<vmem_shared>>
      tpu.enqueue_indirect_dma source(%arg9 : memref<128x16xf32, #tpu.memory_space<vmem>>) target(%dma_start3A_83 : memref<10240x16xf32, #tpu.memory_space<vmem_shared>>) offsets(%arg10 : memref<128xi32, #tpu.memory_space<vmem>>) semaphore(%run_scoped3A : memref<!tpu.dma_semaphore, #tpu.memory_space<semaphore_mem>>)
      %dma_wait3A = arith.constant 0 : i32
      %dma_wait3A_84 = arith.constant 0 : i32
      %dma_wait3A_85 = tpu.memref_slice %arg12[%dma_wait3A, %dma_wait3A_84] : memref<10240x16xf32, #tpu.memory_space<vmem_shared>> -> memref<10240x16xf32, #tpu.memory_space<vmem_shared>>
      tpu.wait_indirect_dma semaphore(%run_scoped3A : memref<!tpu.dma_semaphore, #tpu.memory_space<semaphore_mem>>) src(%arg9 : memref<128x16xf32, #tpu.memory_space<vmem>>) dst(%dma_wait3A_85 : memref<10240x16xf32, #tpu.memory_space<vmem_shared>>)
      tpu.yield
    }) : () -> ()
    %mul3A_17 = arith.constant 640 : i32
    %mul3A_18 = arith.muli %arg1, %mul3A_17 : i32
    %add3A_19 = arith.constant 512 : i32
    %add3A_20 = arith.addi %mul3A_18, %add3A_19 : i32
    "tpu.region"() ({
      %run_scoped3A = tpu.sem_alloc : memref<!tpu.dma_semaphore, #tpu.memory_space<semaphore_mem>>
      %dma_start3A = tpu.memref_slice %arg5[%add3A_20] : memref<10240xi32, #tpu.memory_space<hbm>> -> memref<128xi32, #tpu.memory_space<hbm>>
      %dma_start3A_82 = tpu.memref_slice %arg5[%add3A_20] : memref<10240xi32, #tpu.memory_space<hbm>> -> memref<128xi32, #tpu.memory_space<hbm>>
      tpu.enqueue_dma source(%dma_start3A_82 : memref<128xi32, #tpu.memory_space<hbm>>) target(%arg10 : memref<128xi32, #tpu.memory_space<vmem>>) target_semaphore(%run_scoped3A : memref<!tpu.dma_semaphore, #tpu.memory_space<semaphore_mem>>)
      %dma_wait3A = tpu.memref_slice %arg5[%add3A_20] : memref<10240xi32, #tpu.memory_space<hbm>> -> memref<128xi32, #tpu.memory_space<hbm>>
      %dma_wait3A_83 = tpu.memref_slice %arg5[%add3A_20] : memref<10240xi32, #tpu.memory_space<hbm>> -> memref<128xi32, #tpu.memory_space<hbm>>
      tpu.wait_dma2 semaphore(%run_scoped3A : memref<!tpu.dma_semaphore, #tpu.memory_space<semaphore_mem>>) src(%dma_wait3A_83 : memref<128xi32, #tpu.memory_space<hbm>>) dst(%arg10 : memref<128xi32, #tpu.memory_space<vmem>>)
      tpu.yield
    }) : () -> ()
    "tpu.region"() ({
      %run_scoped3A = tpu.sem_alloc : memref<!tpu.dma_semaphore, #tpu.memory_space<semaphore_mem>>
      %dma_start3A = arith.constant 0 : i32
      %dma_start3A_82 = arith.constant 0 : i32
      %dma_start3A_83 = tpu.memref_slice %arg12[%dma_start3A, %dma_start3A_82] : memref<10240x16xf32, #tpu.memory_space<vmem_shared>> -> memref<10240x16xf32, #tpu.memory_space<vmem_shared>>
      tpu.enqueue_indirect_dma source(%arg9 : memref<128x16xf32, #tpu.memory_space<vmem>>) target(%dma_start3A_83 : memref<10240x16xf32, #tpu.memory_space<vmem_shared>>) offsets(%arg10 : memref<128xi32, #tpu.memory_space<vmem>>) semaphore(%run_scoped3A : memref<!tpu.dma_semaphore, #tpu.memory_space<semaphore_mem>>)
      %dma_wait3A = arith.constant 0 : i32
      %dma_wait3A_84 = arith.constant 0 : i32
      %dma_wait3A_85 = tpu.memref_slice %arg12[%dma_wait3A, %dma_wait3A_84] : memref<10240x16xf32, #tpu.memory_space<vmem_shared>> -> memref<10240x16xf32, #tpu.memory_space<vmem_shared>>
      tpu.wait_indirect_dma semaphore(%run_scoped3A : memref<!tpu.dma_semaphore, #tpu.memory_space<semaphore_mem>>) src(%arg9 : memref<128x16xf32, #tpu.memory_space<vmem>>) dst(%dma_wait3A_85 : memref<10240x16xf32, #tpu.memory_space<vmem_shared>>)
      tpu.yield
    }) : () -> ()
    %barrier3A = arith.constant 0 : index
    tpu.barrier barrier_id(%barrier3A)
    %scan3A = arith.constant 0 : i32
    %scan3A_21 = arith.constant 0 : i32
    %scan3A_22 = arith.constant 80 : i32
    %scan3A_23 = arith.addi %scan3A_21, %scan3A_22 : i32
    %scan3A_24 = arith.constant 1 : i32
    scf.for %scan3A_82 = %scan3A_21 to %scan3A_23 step %scan3A_24  : i32 {
      %mul3A_83 = arith.constant 80 : i32
      %mul3A_84 = arith.muli %add3A, %mul3A_83 : i32
      %add3A_85 = arith.addi %mul3A_84, %scan3A_82 : i32
      %mul3A_86 = arith.constant 128 : i32
      %mul3A_87 = arith.muli %add3A_85, %mul3A_86 : i32
      "tpu.region"() ({
        %run_scoped3A = tpu.sem_alloc : memref<!tpu.dma_semaphore, #tpu.memory_space<semaphore_mem>>
        %dma_start3A = tpu.memref_slice %arg2[%mul3A_87] : memref<327680xi32, #tpu.memory_space<hbm>> -> memref<128xi32, #tpu.memory_space<hbm>>
        %dma_start3A_88 = tpu.memref_slice %arg2[%mul3A_87] : memref<327680xi32, #tpu.memory_space<hbm>> -> memref<128xi32, #tpu.memory_space<hbm>>
        tpu.enqueue_dma source(%dma_start3A_88 : memref<128xi32, #tpu.memory_space<hbm>>) target(%arg7 : memref<128xi32, #tpu.memory_space<vmem>>) target_semaphore(%run_scoped3A : memref<!tpu.dma_semaphore, #tpu.memory_space<semaphore_mem>>)
        %dma_wait3A = tpu.memref_slice %arg2[%mul3A_87] : memref<327680xi32, #tpu.memory_space<hbm>> -> memref<128xi32, #tpu.memory_space<hbm>>
        %dma_wait3A_89 = tpu.memref_slice %arg2[%mul3A_87] : memref<327680xi32, #tpu.memory_space<hbm>> -> memref<128xi32, #tpu.memory_space<hbm>>
        tpu.wait_dma2 semaphore(%run_scoped3A : memref<!tpu.dma_semaphore, #tpu.memory_space<semaphore_mem>>) src(%dma_wait3A_89 : memref<128xi32, #tpu.memory_space<hbm>>) dst(%arg7 : memref<128xi32, #tpu.memory_space<vmem>>)
        tpu.yield
      }) : () -> ()
      "tpu.region"() ({
        %run_scoped3A = tpu.sem_alloc : memref<!tpu.dma_semaphore, #tpu.memory_space<semaphore_mem>>
        %dma_start3A = arith.constant 0 : i32
        %dma_start3A_88 = arith.constant 0 : i32
        %dma_start3A_89 = tpu.memref_slice %arg12[%dma_start3A, %dma_start3A_88] : memref<10240x16xf32, #tpu.memory_space<vmem_shared>> -> memref<10240x16xf32, #tpu.memory_space<vmem_shared>>
        tpu.enqueue_indirect_dma source(%arg8 : memref<128x16xf32, #tpu.memory_space<vmem>>) target(%dma_start3A_89 : memref<10240x16xf32, #tpu.memory_space<vmem_shared>>) offsets(%arg7 : memref<128xi32, #tpu.memory_space<vmem>>) semaphore(%run_scoped3A : memref<!tpu.dma_semaphore, #tpu.memory_space<semaphore_mem>>) {add = true}
        %dma_wait3A = arith.constant 0 : i32
        %dma_wait3A_90 = arith.constant 0 : i32
        %dma_wait3A_91 = tpu.memref_slice %arg12[%dma_wait3A, %dma_wait3A_90] : memref<10240x16xf32, #tpu.memory_space<vmem_shared>> -> memref<10240x16xf32, #tpu.memory_space<vmem_shared>>
        tpu.wait_indirect_dma semaphore(%run_scoped3A : memref<!tpu.dma_semaphore, #tpu.memory_space<semaphore_mem>>) src(%arg8 : memref<128x16xf32, #tpu.memory_space<vmem>>) dst(%dma_wait3A_91 : memref<10240x16xf32, #tpu.memory_space<vmem_shared>>)
        tpu.yield
      }) : () -> ()
    }
    %scan3A_25 = arith.constant 80 : i32
    %barrier3A_26 = arith.constant 0 : index
    tpu.barrier barrier_id(%barrier3A_26)
    %mul3A_27 = arith.constant 640 : i32
    %mul3A_28 = arith.muli %arg1, %mul3A_27 : i32
    %add3A_29 = arith.constant 0 : i32
    %add3A_30 = arith.addi %mul3A_28, %add3A_29 : i32
    "tpu.region"() ({
      %run_scoped3A = tpu.sem_alloc : memref<!tpu.dma_semaphore, #tpu.memory_space<semaphore_mem>>
      %dma_start3A = tpu.memref_slice %arg5[%add3A_30] : memref<10240xi32, #tpu.memory_space<hbm>> -> memref<128xi32, #tpu.memory_space<hbm>>
      %dma_start3A_82 = tpu.memref_slice %arg5[%add3A_30] : memref<10240xi32, #tpu.memory_space<hbm>> -> memref<128xi32, #tpu.memory_space<hbm>>
      tpu.enqueue_dma source(%dma_start3A_82 : memref<128xi32, #tpu.memory_space<hbm>>) target(%arg10 : memref<128xi32, #tpu.memory_space<vmem>>) target_semaphore(%run_scoped3A : memref<!tpu.dma_semaphore, #tpu.memory_space<semaphore_mem>>)
      %dma_wait3A = tpu.memref_slice %arg5[%add3A_30] : memref<10240xi32, #tpu.memory_space<hbm>> -> memref<128xi32, #tpu.memory_space<hbm>>
      %dma_wait3A_83 = tpu.memref_slice %arg5[%add3A_30] : memref<10240xi32, #tpu.memory_space<hbm>> -> memref<128xi32, #tpu.memory_space<hbm>>
      tpu.wait_dma2 semaphore(%run_scoped3A : memref<!tpu.dma_semaphore, #tpu.memory_space<semaphore_mem>>) src(%dma_wait3A_83 : memref<128xi32, #tpu.memory_space<hbm>>) dst(%arg10 : memref<128xi32, #tpu.memory_space<vmem>>)
      tpu.yield
    }) : () -> ()
    "tpu.region"() ({
      %run_scoped3A = tpu.sem_alloc : memref<!tpu.dma_semaphore, #tpu.memory_space<semaphore_mem>>
      %dma_start3A = arith.constant 0 : i32
      %dma_start3A_82 = arith.constant 0 : i32
      %dma_start3A_83 = tpu.memref_slice %arg12[%dma_start3A, %dma_start3A_82] : memref<10240x16xf32, #tpu.memory_space<vmem_shared>> -> memref<10240x16xf32, #tpu.memory_space<vmem_shared>>
      tpu.enqueue_indirect_dma source(%dma_start3A_83 : memref<10240x16xf32, #tpu.memory_space<vmem_shared>>) target(%arg11 : memref<128x16xf32, #tpu.memory_space<vmem>>) offsets(%arg10 : memref<128xi32, #tpu.memory_space<vmem>>) semaphore(%run_scoped3A : memref<!tpu.dma_semaphore, #tpu.memory_space<semaphore_mem>>)
      %dma_wait3A = arith.constant 0 : i32
      %dma_wait3A_84 = arith.constant 0 : i32
      %dma_wait3A_85 = tpu.memref_slice %arg12[%dma_wait3A, %dma_wait3A_84] : memref<10240x16xf32, #tpu.memory_space<vmem_shared>> -> memref<10240x16xf32, #tpu.memory_space<vmem_shared>>
      tpu.wait_indirect_dma semaphore(%run_scoped3A : memref<!tpu.dma_semaphore, #tpu.memory_space<semaphore_mem>>) src(%dma_wait3A_85 : memref<10240x16xf32, #tpu.memory_space<vmem_shared>>) dst(%arg11 : memref<128x16xf32, #tpu.memory_space<vmem>>)
      tpu.yield
    }) : () -> ()
    %mul3A_31 = arith.constant 10240 : i32
    %mul3A_32 = arith.muli %arg0, %mul3A_31 : i32
    %mul3A_33 = arith.constant 640 : i32
    %mul3A_34 = arith.muli %arg1, %mul3A_33 : i32
    %add3A_35 = arith.addi %mul3A_32, %mul3A_34 : i32
    %add3A_36 = arith.constant 0 : i32
    %add3A_37 = arith.addi %add3A_35, %add3A_36 : i32
    "tpu.region"() ({
      %run_scoped3A = tpu.sem_alloc : memref<!tpu.dma_semaphore, #tpu.memory_space<semaphore_mem>>
      %dma_start3A = arith.constant 0 : i32
      %dma_start3A_82 = tpu.memref_slice %arg6[%add3A_37, %dma_start3A] : memref<20480x16xf32, #tpu.memory_space<hbm>> -> memref<128x16xf32, #tpu.memory_space<hbm>>
      %dma_start3A_83 = arith.constant 0 : i32
      %dma_start3A_84 = tpu.memref_slice %arg6[%add3A_37, %dma_start3A_83] : memref<20480x16xf32, #tpu.memory_space<hbm>> -> memref<128x16xf32, #tpu.memory_space<hbm>>
      tpu.enqueue_dma source(%arg11 : memref<128x16xf32, #tpu.memory_space<vmem>>) target(%dma_start3A_84 : memref<128x16xf32, #tpu.memory_space<hbm>>) target_semaphore(%run_scoped3A : memref<!tpu.dma_semaphore, #tpu.memory_space<semaphore_mem>>)
      %dma_wait3A = arith.constant 0 : i32
      %dma_wait3A_85 = tpu.memref_slice %arg6[%add3A_37, %dma_wait3A] : memref<20480x16xf32, #tpu.memory_space<hbm>> -> memref<128x16xf32, #tpu.memory_space<hbm>>
      %dma_wait3A_86 = arith.constant 0 : i32
      %dma_wait3A_87 = tpu.memref_slice %arg6[%add3A_37, %dma_wait3A_86] : memref<20480x16xf32, #tpu.memory_space<hbm>> -> memref<128x16xf32, #tpu.memory_space<hbm>>
      tpu.wait_dma2 semaphore(%run_scoped3A : memref<!tpu.dma_semaphore, #tpu.memory_space<semaphore_mem>>) src(%arg11 : memref<128x16xf32, #tpu.memory_space<vmem>>) dst(%dma_wait3A_87 : memref<128x16xf32, #tpu.memory_space<hbm>>)
      tpu.yield
    }) : () -> ()
    %mul3A_38 = arith.constant 640 : i32
    %mul3A_39 = arith.muli %arg1, %mul3A_38 : i32
    %add3A_40 = arith.constant 128 : i32
    %add3A_41 = arith.addi %mul3A_39, %add3A_40 : i32
    "tpu.region"() ({
      %run_scoped3A = tpu.sem_alloc : memref<!tpu.dma_semaphore, #tpu.memory_space<semaphore_mem>>
      %dma_start3A = tpu.memref_slice %arg5[%add3A_41] : memref<10240xi32, #tpu.memory_space<hbm>> -> memref<128xi32, #tpu.memory_space<hbm>>
      %dma_start3A_82 = tpu.memref_slice %arg5[%add3A_41] : memref<10240xi32, #tpu.memory_space<hbm>> -> memref<128xi32, #tpu.memory_space<hbm>>
      tpu.enqueue_dma source(%dma_start3A_82 : memref<128xi32, #tpu.memory_space<hbm>>) target(%arg10 : memref<128xi32, #tpu.memory_space<vmem>>) target_semaphore(%run_scoped3A : memref<!tpu.dma_semaphore, #tpu.memory_space<semaphore_mem>>)
      %dma_wait3A = tpu.memref_slice %arg5[%add3A_41] : memref<10240xi32, #tpu.memory_space<hbm>> -> memref<128xi32, #tpu.memory_space<hbm>>
      %dma_wait3A_83 = tpu.memref_slice %arg5[%add3A_41] : memref<10240xi32, #tpu.memory_space<hbm>> -> memref<128xi32, #tpu.memory_space<hbm>>
      tpu.wait_dma2 semaphore(%run_scoped3A : memref<!tpu.dma_semaphore, #tpu.memory_space<semaphore_mem>>) src(%dma_wait3A_83 : memref<128xi32, #tpu.memory_space<hbm>>) dst(%arg10 : memref<128xi32, #tpu.memory_space<vmem>>)
      tpu.yield
    }) : () -> ()
    "tpu.region"() ({
      %run_scoped3A = tpu.sem_alloc : memref<!tpu.dma_semaphore, #tpu.memory_space<semaphore_mem>>
      %dma_start3A = arith.constant 0 : i32
      %dma_start3A_82 = arith.constant 0 : i32
      %dma_start3A_83 = tpu.memref_slice %arg12[%dma_start3A, %dma_start3A_82] : memref<10240x16xf32, #tpu.memory_space<vmem_shared>> -> memref<10240x16xf32, #tpu.memory_space<vmem_shared>>
      tpu.enqueue_indirect_dma source(%dma_start3A_83 : memref<10240x16xf32, #tpu.memory_space<vmem_shared>>) target(%arg11 : memref<128x16xf32, #tpu.memory_space<vmem>>) offsets(%arg10 : memref<128xi32, #tpu.memory_space<vmem>>) semaphore(%run_scoped3A : memref<!tpu.dma_semaphore, #tpu.memory_space<semaphore_mem>>)
      %dma_wait3A = arith.constant 0 : i32
      %dma_wait3A_84 = arith.constant 0 : i32
      %dma_wait3A_85 = tpu.memref_slice %arg12[%dma_wait3A, %dma_wait3A_84] : memref<10240x16xf32, #tpu.memory_space<vmem_shared>> -> memref<10240x16xf32, #tpu.memory_space<vmem_shared>>
      tpu.wait_indirect_dma semaphore(%run_scoped3A : memref<!tpu.dma_semaphore, #tpu.memory_space<semaphore_mem>>) src(%dma_wait3A_85 : memref<10240x16xf32, #tpu.memory_space<vmem_shared>>) dst(%arg11 : memref<128x16xf32, #tpu.memory_space<vmem>>)
      tpu.yield
    }) : () -> ()
    %mul3A_42 = arith.constant 10240 : i32
    %mul3A_43 = arith.muli %arg0, %mul3A_42 : i32
    %mul3A_44 = arith.constant 640 : i32
    %mul3A_45 = arith.muli %arg1, %mul3A_44 : i32
    %add3A_46 = arith.addi %mul3A_43, %mul3A_45 : i32
    %add3A_47 = arith.constant 128 : i32
    %add3A_48 = arith.addi %add3A_46, %add3A_47 : i32
    "tpu.region"() ({
      %run_scoped3A = tpu.sem_alloc : memref<!tpu.dma_semaphore, #tpu.memory_space<semaphore_mem>>
      %dma_start3A = arith.constant 0 : i32
      %dma_start3A_82 = tpu.memref_slice %arg6[%add3A_48, %dma_start3A] : memref<20480x16xf32, #tpu.memory_space<hbm>> -> memref<128x16xf32, #tpu.memory_space<hbm>>
      %dma_start3A_83 = arith.constant 0 : i32
      %dma_start3A_84 = tpu.memref_slice %arg6[%add3A_48, %dma_start3A_83] : memref<20480x16xf32, #tpu.memory_space<hbm>> -> memref<128x16xf32, #tpu.memory_space<hbm>>
      tpu.enqueue_dma source(%arg11 : memref<128x16xf32, #tpu.memory_space<vmem>>) target(%dma_start3A_84 : memref<128x16xf32, #tpu.memory_space<hbm>>) target_semaphore(%run_scoped3A : memref<!tpu.dma_semaphore, #tpu.memory_space<semaphore_mem>>)
      %dma_wait3A = arith.constant 0 : i32
      %dma_wait3A_85 = tpu.memref_slice %arg6[%add3A_48, %dma_wait3A] : memref<20480x16xf32, #tpu.memory_space<hbm>> -> memref<128x16xf32, #tpu.memory_space<hbm>>
      %dma_wait3A_86 = arith.constant 0 : i32
      %dma_wait3A_87 = tpu.memref_slice %arg6[%add3A_48, %dma_wait3A_86] : memref<20480x16xf32, #tpu.memory_space<hbm>> -> memref<128x16xf32, #tpu.memory_space<hbm>>
      tpu.wait_dma2 semaphore(%run_scoped3A : memref<!tpu.dma_semaphore, #tpu.memory_space<semaphore_mem>>) src(%arg11 : memref<128x16xf32, #tpu.memory_space<vmem>>) dst(%dma_wait3A_87 : memref<128x16xf32, #tpu.memory_space<hbm>>)
      tpu.yield
    }) : () -> ()
    %mul3A_49 = arith.constant 640 : i32
    %mul3A_50 = arith.muli %arg1, %mul3A_49 : i32
    %add3A_51 = arith.constant 256 : i32
    %add3A_52 = arith.addi %mul3A_50, %add3A_51 : i32
    "tpu.region"() ({
      %run_scoped3A = tpu.sem_alloc : memref<!tpu.dma_semaphore, #tpu.memory_space<semaphore_mem>>
      %dma_start3A = tpu.memref_slice %arg5[%add3A_52] : memref<10240xi32, #tpu.memory_space<hbm>> -> memref<128xi32, #tpu.memory_space<hbm>>
      %dma_start3A_82 = tpu.memref_slice %arg5[%add3A_52] : memref<10240xi32, #tpu.memory_space<hbm>> -> memref<128xi32, #tpu.memory_space<hbm>>
      tpu.enqueue_dma source(%dma_start3A_82 : memref<128xi32, #tpu.memory_space<hbm>>) target(%arg10 : memref<128xi32, #tpu.memory_space<vmem>>) target_semaphore(%run_scoped3A : memref<!tpu.dma_semaphore, #tpu.memory_space<semaphore_mem>>)
      %dma_wait3A = tpu.memref_slice %arg5[%add3A_52] : memref<10240xi32, #tpu.memory_space<hbm>> -> memref<128xi32, #tpu.memory_space<hbm>>
      %dma_wait3A_83 = tpu.memref_slice %arg5[%add3A_52] : memref<10240xi32, #tpu.memory_space<hbm>> -> memref<128xi32, #tpu.memory_space<hbm>>
      tpu.wait_dma2 semaphore(%run_scoped3A : memref<!tpu.dma_semaphore, #tpu.memory_space<semaphore_mem>>) src(%dma_wait3A_83 : memref<128xi32, #tpu.memory_space<hbm>>) dst(%arg10 : memref<128xi32, #tpu.memory_space<vmem>>)
      tpu.yield
    }) : () -> ()
    "tpu.region"() ({
      %run_scoped3A = tpu.sem_alloc : memref<!tpu.dma_semaphore, #tpu.memory_space<semaphore_mem>>
      %dma_start3A = arith.constant 0 : i32
      %dma_start3A_82 = arith.constant 0 : i32
      %dma_start3A_83 = tpu.memref_slice %arg12[%dma_start3A, %dma_start3A_82] : memref<10240x16xf32, #tpu.memory_space<vmem_shared>> -> memref<10240x16xf32, #tpu.memory_space<vmem_shared>>
      tpu.enqueue_indirect_dma source(%dma_start3A_83 : memref<10240x16xf32, #tpu.memory_space<vmem_shared>>) target(%arg11 : memref<128x16xf32, #tpu.memory_space<vmem>>) offsets(%arg10 : memref<128xi32, #tpu.memory_space<vmem>>) semaphore(%run_scoped3A : memref<!tpu.dma_semaphore, #tpu.memory_space<semaphore_mem>>)
      %dma_wait3A = arith.constant 0 : i32
      %dma_wait3A_84 = arith.constant 0 : i32
      %dma_wait3A_85 = tpu.memref_slice %arg12[%dma_wait3A, %dma_wait3A_84] : memref<10240x16xf32, #tpu.memory_space<vmem_shared>> -> memref<10240x16xf32, #tpu.memory_space<vmem_shared>>
      tpu.wait_indirect_dma semaphore(%run_scoped3A : memref<!tpu.dma_semaphore, #tpu.memory_space<semaphore_mem>>) src(%dma_wait3A_85 : memref<10240x16xf32, #tpu.memory_space<vmem_shared>>) dst(%arg11 : memref<128x16xf32, #tpu.memory_space<vmem>>)
      tpu.yield
    }) : () -> ()
    %mul3A_53 = arith.constant 10240 : i32
    %mul3A_54 = arith.muli %arg0, %mul3A_53 : i32
    %mul3A_55 = arith.constant 640 : i32
    %mul3A_56 = arith.muli %arg1, %mul3A_55 : i32
    %add3A_57 = arith.addi %mul3A_54, %mul3A_56 : i32
    %add3A_58 = arith.constant 256 : i32
    %add3A_59 = arith.addi %add3A_57, %add3A_58 : i32
    "tpu.region"() ({
      %run_scoped3A = tpu.sem_alloc : memref<!tpu.dma_semaphore, #tpu.memory_space<semaphore_mem>>
      %dma_start3A = arith.constant 0 : i32
      %dma_start3A_82 = tpu.memref_slice %arg6[%add3A_59, %dma_start3A] : memref<20480x16xf32, #tpu.memory_space<hbm>> -> memref<128x16xf32, #tpu.memory_space<hbm>>
      %dma_start3A_83 = arith.constant 0 : i32
      %dma_start3A_84 = tpu.memref_slice %arg6[%add3A_59, %dma_start3A_83] : memref<20480x16xf32, #tpu.memory_space<hbm>> -> memref<128x16xf32, #tpu.memory_space<hbm>>
      tpu.enqueue_dma source(%arg11 : memref<128x16xf32, #tpu.memory_space<vmem>>) target(%dma_start3A_84 : memref<128x16xf32, #tpu.memory_space<hbm>>) target_semaphore(%run_scoped3A : memref<!tpu.dma_semaphore, #tpu.memory_space<semaphore_mem>>)
      %dma_wait3A = arith.constant 0 : i32
      %dma_wait3A_85 = tpu.memref_slice %arg6[%add3A_59, %dma_wait3A] : memref<20480x16xf32, #tpu.memory_space<hbm>> -> memref<128x16xf32, #tpu.memory_space<hbm>>
      %dma_wait3A_86 = arith.constant 0 : i32
      %dma_wait3A_87 = tpu.memref_slice %arg6[%add3A_59, %dma_wait3A_86] : memref<20480x16xf32, #tpu.memory_space<hbm>> -> memref<128x16xf32, #tpu.memory_space<hbm>>
      tpu.wait_dma2 semaphore(%run_scoped3A : memref<!tpu.dma_semaphore, #tpu.memory_space<semaphore_mem>>) src(%arg11 : memref<128x16xf32, #tpu.memory_space<vmem>>) dst(%dma_wait3A_87 : memref<128x16xf32, #tpu.memory_space<hbm>>)
      tpu.yield
    }) : () -> ()
    %mul3A_60 = arith.constant 640 : i32
    %mul3A_61 = arith.muli %arg1, %mul3A_60 : i32
    %add3A_62 = arith.constant 384 : i32
    %add3A_63 = arith.addi %mul3A_61, %add3A_62 : i32
    "tpu.region"() ({
      %run_scoped3A = tpu.sem_alloc : memref<!tpu.dma_semaphore, #tpu.memory_space<semaphore_mem>>
      %dma_start3A = tpu.memref_slice %arg5[%add3A_63] : memref<10240xi32, #tpu.memory_space<hbm>> -> memref<128xi32, #tpu.memory_space<hbm>>
      %dma_start3A_82 = tpu.memref_slice %arg5[%add3A_63] : memref<10240xi32, #tpu.memory_space<hbm>> -> memref<128xi32, #tpu.memory_space<hbm>>
      tpu.enqueue_dma source(%dma_start3A_82 : memref<128xi32, #tpu.memory_space<hbm>>) target(%arg10 : memref<128xi32, #tpu.memory_space<vmem>>) target_semaphore(%run_scoped3A : memref<!tpu.dma_semaphore, #tpu.memory_space<semaphore_mem>>)
      %dma_wait3A = tpu.memref_slice %arg5[%add3A_63] : memref<10240xi32, #tpu.memory_space<hbm>> -> memref<128xi32, #tpu.memory_space<hbm>>
      %dma_wait3A_83 = tpu.memref_slice %arg5[%add3A_63] : memref<10240xi32, #tpu.memory_space<hbm>> -> memref<128xi32, #tpu.memory_space<hbm>>
      tpu.wait_dma2 semaphore(%run_scoped3A : memref<!tpu.dma_semaphore, #tpu.memory_space<semaphore_mem>>) src(%dma_wait3A_83 : memref<128xi32, #tpu.memory_space<hbm>>) dst(%arg10 : memref<128xi32, #tpu.memory_space<vmem>>)
      tpu.yield
    }) : () -> ()
    "tpu.region"() ({
      %run_scoped3A = tpu.sem_alloc : memref<!tpu.dma_semaphore, #tpu.memory_space<semaphore_mem>>
      %dma_start3A = arith.constant 0 : i32
      %dma_start3A_82 = arith.constant 0 : i32
      %dma_start3A_83 = tpu.memref_slice %arg12[%dma_start3A, %dma_start3A_82] : memref<10240x16xf32, #tpu.memory_space<vmem_shared>> -> memref<10240x16xf32, #tpu.memory_space<vmem_shared>>
      tpu.enqueue_indirect_dma source(%dma_start3A_83 : memref<10240x16xf32, #tpu.memory_space<vmem_shared>>) target(%arg11 : memref<128x16xf32, #tpu.memory_space<vmem>>) offsets(%arg10 : memref<128xi32, #tpu.memory_space<vmem>>) semaphore(%run_scoped3A : memref<!tpu.dma_semaphore, #tpu.memory_space<semaphore_mem>>)
      %dma_wait3A = arith.constant 0 : i32
      %dma_wait3A_84 = arith.constant 0 : i32
      %dma_wait3A_85 = tpu.memref_slice %arg12[%dma_wait3A, %dma_wait3A_84] : memref<10240x16xf32, #tpu.memory_space<vmem_shared>> -> memref<10240x16xf32, #tpu.memory_space<vmem_shared>>
      tpu.wait_indirect_dma semaphore(%run_scoped3A : memref<!tpu.dma_semaphore, #tpu.memory_space<semaphore_mem>>) src(%dma_wait3A_85 : memref<10240x16xf32, #tpu.memory_space<vmem_shared>>) dst(%arg11 : memref<128x16xf32, #tpu.memory_space<vmem>>)
      tpu.yield
    }) : () -> ()
    %mul3A_64 = arith.constant 10240 : i32
    %mul3A_65 = arith.muli %arg0, %mul3A_64 : i32
    %mul3A_66 = arith.constant 640 : i32
    %mul3A_67 = arith.muli %arg1, %mul3A_66 : i32
    %add3A_68 = arith.addi %mul3A_65, %mul3A_67 : i32
    %add3A_69 = arith.constant 384 : i32
    %add3A_70 = arith.addi %add3A_68, %add3A_69 : i32
    "tpu.region"() ({
      %run_scoped3A = tpu.sem_alloc : memref<!tpu.dma_semaphore, #tpu.memory_space<semaphore_mem>>
      %dma_start3A = arith.constant 0 : i32
      %dma_start3A_82 = tpu.memref_slice %arg6[%add3A_70, %dma_start3A] : memref<20480x16xf32, #tpu.memory_space<hbm>> -> memref<128x16xf32, #tpu.memory_space<hbm>>
      %dma_start3A_83 = arith.constant 0 : i32
      %dma_start3A_84 = tpu.memref_slice %arg6[%add3A_70, %dma_start3A_83] : memref<20480x16xf32, #tpu.memory_space<hbm>> -> memref<128x16xf32, #tpu.memory_space<hbm>>
      tpu.enqueue_dma source(%arg11 : memref<128x16xf32, #tpu.memory_space<vmem>>) target(%dma_start3A_84 : memref<128x16xf32, #tpu.memory_space<hbm>>) target_semaphore(%run_scoped3A : memref<!tpu.dma_semaphore, #tpu.memory_space<semaphore_mem>>)
      %dma_wait3A = arith.constant 0 : i32
      %dma_wait3A_85 = tpu.memref_slice %arg6[%add3A_70, %dma_wait3A] : memref<20480x16xf32, #tpu.memory_space<hbm>> -> memref<128x16xf32, #tpu.memory_space<hbm>>
      %dma_wait3A_86 = arith.constant 0 : i32
      %dma_wait3A_87 = tpu.memref_slice %arg6[%add3A_70, %dma_wait3A_86] : memref<20480x16xf32, #tpu.memory_space<hbm>> -> memref<128x16xf32, #tpu.memory_space<hbm>>
      tpu.wait_dma2 semaphore(%run_scoped3A : memref<!tpu.dma_semaphore, #tpu.memory_space<semaphore_mem>>) src(%arg11 : memref<128x16xf32, #tpu.memory_space<vmem>>) dst(%dma_wait3A_87 : memref<128x16xf32, #tpu.memory_space<hbm>>)
      tpu.yield
    }) : () -> ()
    %mul3A_71 = arith.constant 640 : i32
    %mul3A_72 = arith.muli %arg1, %mul3A_71 : i32
    %add3A_73 = arith.constant 512 : i32
    %add3A_74 = arith.addi %mul3A_72, %add3A_73 : i32
    "tpu.region"() ({
      %run_scoped3A = tpu.sem_alloc : memref<!tpu.dma_semaphore, #tpu.memory_space<semaphore_mem>>
      %dma_start3A = tpu.memref_slice %arg5[%add3A_74] : memref<10240xi32, #tpu.memory_space<hbm>> -> memref<128xi32, #tpu.memory_space<hbm>>
      %dma_start3A_82 = tpu.memref_slice %arg5[%add3A_74] : memref<10240xi32, #tpu.memory_space<hbm>> -> memref<128xi32, #tpu.memory_space<hbm>>
      tpu.enqueue_dma source(%dma_start3A_82 : memref<128xi32, #tpu.memory_space<hbm>>) target(%arg10 : memref<128xi32, #tpu.memory_space<vmem>>) target_semaphore(%run_scoped3A : memref<!tpu.dma_semaphore, #tpu.memory_space<semaphore_mem>>)
      %dma_wait3A = tpu.memref_slice %arg5[%add3A_74] : memref<10240xi32, #tpu.memory_space<hbm>> -> memref<128xi32, #tpu.memory_space<hbm>>
      %dma_wait3A_83 = tpu.memref_slice %arg5[%add3A_74] : memref<10240xi32, #tpu.memory_space<hbm>> -> memref<128xi32, #tpu.memory_space<hbm>>
      tpu.wait_dma2 semaphore(%run_scoped3A : memref<!tpu.dma_semaphore, #tpu.memory_space<semaphore_mem>>) src(%dma_wait3A_83 : memref<128xi32, #tpu.memory_space<hbm>>) dst(%arg10 : memref<128xi32, #tpu.memory_space<vmem>>)
      tpu.yield
    }) : () -> ()
    "tpu.region"() ({
      %run_scoped3A = tpu.sem_alloc : memref<!tpu.dma_semaphore, #tpu.memory_space<semaphore_mem>>
      %dma_start3A = arith.constant 0 : i32
      %dma_start3A_82 = arith.constant 0 : i32
      %dma_start3A_83 = tpu.memref_slice %arg12[%dma_start3A, %dma_start3A_82] : memref<10240x16xf32, #tpu.memory_space<vmem_shared>> -> memref<10240x16xf32, #tpu.memory_space<vmem_shared>>
      tpu.enqueue_indirect_dma source(%dma_start3A_83 : memref<10240x16xf32, #tpu.memory_space<vmem_shared>>) target(%arg11 : memref<128x16xf32, #tpu.memory_space<vmem>>) offsets(%arg10 : memref<128xi32, #tpu.memory_space<vmem>>) semaphore(%run_scoped3A : memref<!tpu.dma_semaphore, #tpu.memory_space<semaphore_mem>>)
      %dma_wait3A = arith.constant 0 : i32
      %dma_wait3A_84 = arith.constant 0 : i32
      %dma_wait3A_85 = tpu.memref_slice %arg12[%dma_wait3A, %dma_wait3A_84] : memref<10240x16xf32, #tpu.memory_space<vmem_shared>> -> memref<10240x16xf32, #tpu.memory_space<vmem_shared>>
      tpu.wait_indirect_dma semaphore(%run_scoped3A : memref<!tpu.dma_semaphore, #tpu.memory_space<semaphore_mem>>) src(%dma_wait3A_85 : memref<10240x16xf32, #tpu.memory_space<vmem_shared>>) dst(%arg11 : memref<128x16xf32, #tpu.memory_space<vmem>>)
      tpu.yield
    }) : () -> ()
    %mul3A_75 = arith.constant 10240 : i32
    %mul3A_76 = arith.muli %arg0, %mul3A_75 : i32
    %mul3A_77 = arith.constant 640 : i32
    %mul3A_78 = arith.muli %arg1, %mul3A_77 : i32
    %add3A_79 = arith.addi %mul3A_76, %mul3A_78 : i32
    %add3A_80 = arith.constant 512 : i32
    %add3A_81 = arith.addi %add3A_79, %add3A_80 : i32
    "tpu.region"() ({
      %run_scoped3A = tpu.sem_alloc : memref<!tpu.dma_semaphore, #tpu.memory_space<semaphore_mem>>
      %dma_start3A = arith.constant 0 : i32
      %dma_start3A_82 = tpu.memref_slice %arg6[%add3A_81, %dma_start3A] : memref<20480x16xf32, #tpu.memory_space<hbm>> -> memref<128x16xf32, #tpu.memory_space<hbm>>
      %dma_start3A_83 = arith.constant 0 : i32
      %dma_start3A_84 = tpu.memref_slice %arg6[%add3A_81, %dma_start3A_83] : memref<20480x16xf32, #tpu.memory_space<hbm>> -> memref<128x16xf32, #tpu.memory_space<hbm>>
      tpu.enqueue_dma source(%arg11 : memref<128x16xf32, #tpu.memory_space<vmem>>) target(%dma_start3A_84 : memref<128x16xf32, #tpu.memory_space<hbm>>) target_semaphore(%run_scoped3A : memref<!tpu.dma_semaphore, #tpu.memory_space<semaphore_mem>>)
      %dma_wait3A = arith.constant 0 : i32
      %dma_wait3A_85 = tpu.memref_slice %arg6[%add3A_81, %dma_wait3A] : memref<20480x16xf32, #tpu.memory_space<hbm>> -> memref<128x16xf32, #tpu.memory_space<hbm>>
      %dma_wait3A_86 = arith.constant 0 : i32
      %dma_wait3A_87 = tpu.memref_slice %arg6[%add3A_81, %dma_wait3A_86] : memref<20480x16xf32, #tpu.memory_space<hbm>> -> memref<128x16xf32, #tpu.memory_space<hbm>>
      tpu.wait_dma2 semaphore(%run_scoped3A : memref<!tpu.dma_semaphore, #tpu.memory_space<semaphore_mem>>) src(%arg11 : memref<128x16xf32, #tpu.memory_space<vmem>>) dst(%dma_wait3A_87 : memref<128x16xf32, #tpu.memory_space<hbm>>)
      tpu.yield
    }) : () -> ()
    return
  }
}

#map = affine_map<(d0, d1) -> (0, 0)>
#map1 = affine_map<(d0, d1) -> (0)>
module attributes {stable_mosaic.version = 14 : i64} {
  func.func @_prop_body(%arg0: i32, %arg1: i32, %arg2: memref<10240x128xf32, #tpu.memory_space<hbm>>, %arg3: memref<327680xi32, #tpu.memory_space<hbm>>, %arg4: memref<327680xi32, #tpu.memory_space<hbm>>, %arg5: memref<128x128xf32, #tpu.memory_space<hbm>>, %arg6: memref<10240xi32, #tpu.memory_space<hbm>>, %arg7: memref<10240x128xf32, #tpu.memory_space<hbm>>, %arg8: memref<128xi32, #tpu.memory_space<vmem>>, %arg9: memref<128xi32, #tpu.memory_space<vmem>>, %arg10: memref<128xi32, #tpu.memory_space<vmem>>, %arg11: memref<128xi32, #tpu.memory_space<vmem>>, %arg12: memref<128x64xf32, #tpu.memory_space<vmem>>, %arg13: memref<128x64xf32, #tpu.memory_space<vmem>>, %arg14: memref<10240x64xf32, #tpu.memory_space<vmem_shared>>, %arg15: memref<10240x64xf32, #tpu.memory_space<vmem_shared>>, %arg16: memref<!tpu.dma_semaphore, #tpu.memory_space<semaphore_mem>>, %arg17: memref<!tpu.dma_semaphore, #tpu.memory_space<semaphore_mem>>) attributes {dimension_semantics = [#tpu.dimension_semantics<core_parallel>, #tpu.dimension_semantics<subcore_parallel>], iteration_bounds = array<i64: 2, 16>, scalar_prefetch = 0 : i64, scratch_operands = 10 : i64, tpu.core_type = #tpu.core_type<sc_vector_subcore>, window_params = [{transform_indices = #map}, {transform_indices = #map1}, {transform_indices = #map1}, {transform_indices = #map}, {transform_indices = #map1}, {transform_indices = #map}]} {
    %mul3A = arith.constant 16 : i32
    %mul3A_0 = arith.muli %arg0, %mul3A : i32
    %add3A = arith.addi %mul3A_0, %arg1 : i32
    %mul3A_1 = arith.constant 64 : i32
    %mul3A_2 = arith.muli %arg0, %mul3A_1 : i32
    "tpu.region"() ({
      %run_scoped3A = tpu.sem_alloc : memref<!tpu.dma_semaphore, #tpu.memory_space<semaphore_mem>>
      %dma_start3A_71 = arith.constant 0 : i32
      %dma_start3A_72 = arith.constant 0 : i32
      %dma_start3A_73 = tpu.memref_slice %arg5[%dma_start3A_71, %dma_start3A_72] : memref<128x128xf32, #tpu.memory_space<hbm>> -> memref<128x64xf32, #tpu.memory_space<hbm>>
      %dma_start3A_74 = arith.constant 0 : i32
      %dma_start3A_75 = arith.constant 0 : i32
      %dma_start3A_76 = tpu.memref_slice %arg5[%dma_start3A_74, %dma_start3A_75] : memref<128x128xf32, #tpu.memory_space<hbm>> -> memref<128x64xf32, #tpu.memory_space<hbm>>
      tpu.enqueue_dma source(%dma_start3A_76 : memref<128x64xf32, #tpu.memory_space<hbm>>) target(%arg12 : memref<128x64xf32, #tpu.memory_space<vmem>>) target_semaphore(%run_scoped3A : memref<!tpu.dma_semaphore, #tpu.memory_space<semaphore_mem>>)
      %dma_wait3A_77 = arith.constant 0 : i32
      %dma_wait3A_78 = arith.constant 0 : i32
      %dma_wait3A_79 = tpu.memref_slice %arg5[%dma_wait3A_77, %dma_wait3A_78] : memref<128x128xf32, #tpu.memory_space<hbm>> -> memref<128x64xf32, #tpu.memory_space<hbm>>
      %dma_wait3A_80 = arith.constant 0 : i32
      %dma_wait3A_81 = arith.constant 0 : i32
      %dma_wait3A_82 = tpu.memref_slice %arg5[%dma_wait3A_80, %dma_wait3A_81] : memref<128x128xf32, #tpu.memory_space<hbm>> -> memref<128x64xf32, #tpu.memory_space<hbm>>
      tpu.wait_dma2 semaphore(%run_scoped3A : memref<!tpu.dma_semaphore, #tpu.memory_space<semaphore_mem>>) src(%dma_wait3A_82 : memref<128x64xf32, #tpu.memory_space<hbm>>) dst(%arg12 : memref<128x64xf32, #tpu.memory_space<vmem>>)
      tpu.yield
    }) : () -> ()
    %mul3A_3 = arith.constant 640 : i32
    %mul3A_4 = arith.muli %arg1, %mul3A_3 : i32
    %add3A_5 = arith.constant 0 : i32
    %add3A_6 = arith.addi %mul3A_4, %add3A_5 : i32
    "tpu.region"() ({
      %run_scoped3A = tpu.sem_alloc : memref<!tpu.dma_semaphore, #tpu.memory_space<semaphore_mem>>
      %dma_start3A_71 = tpu.memref_slice %arg6[%add3A_6] : memref<10240xi32, #tpu.memory_space<hbm>> -> memref<128xi32, #tpu.memory_space<hbm>>
      %dma_start3A_72 = tpu.memref_slice %arg6[%add3A_6] : memref<10240xi32, #tpu.memory_space<hbm>> -> memref<128xi32, #tpu.memory_space<hbm>>
      tpu.enqueue_dma source(%dma_start3A_72 : memref<128xi32, #tpu.memory_space<hbm>>) target(%arg11 : memref<128xi32, #tpu.memory_space<vmem>>) target_semaphore(%run_scoped3A : memref<!tpu.dma_semaphore, #tpu.memory_space<semaphore_mem>>)
      %dma_wait3A_73 = tpu.memref_slice %arg6[%add3A_6] : memref<10240xi32, #tpu.memory_space<hbm>> -> memref<128xi32, #tpu.memory_space<hbm>>
      %dma_wait3A_74 = tpu.memref_slice %arg6[%add3A_6] : memref<10240xi32, #tpu.memory_space<hbm>> -> memref<128xi32, #tpu.memory_space<hbm>>
      tpu.wait_dma2 semaphore(%run_scoped3A : memref<!tpu.dma_semaphore, #tpu.memory_space<semaphore_mem>>) src(%dma_wait3A_74 : memref<128xi32, #tpu.memory_space<hbm>>) dst(%arg11 : memref<128xi32, #tpu.memory_space<vmem>>)
      tpu.yield
    }) : () -> ()
    "tpu.region"() ({
      %run_scoped3A = tpu.sem_alloc : memref<!tpu.dma_semaphore, #tpu.memory_space<semaphore_mem>>
      %dma_start3A_71 = arith.constant 0 : i32
      %dma_start3A_72 = arith.constant 0 : i32
      %dma_start3A_73 = tpu.memref_slice %arg15[%dma_start3A_71, %dma_start3A_72] : memref<10240x64xf32, #tpu.memory_space<vmem_shared>> -> memref<10240x64xf32, #tpu.memory_space<vmem_shared>>
      tpu.enqueue_indirect_dma source(%arg12 : memref<128x64xf32, #tpu.memory_space<vmem>>) target(%dma_start3A_73 : memref<10240x64xf32, #tpu.memory_space<vmem_shared>>) offsets(%arg11 : memref<128xi32, #tpu.memory_space<vmem>>) semaphore(%run_scoped3A : memref<!tpu.dma_semaphore, #tpu.memory_space<semaphore_mem>>)
      %dma_wait3A_74 = arith.constant 0 : i32
      %dma_wait3A_75 = arith.constant 0 : i32
      %dma_wait3A_76 = tpu.memref_slice %arg15[%dma_wait3A_74, %dma_wait3A_75] : memref<10240x64xf32, #tpu.memory_space<vmem_shared>> -> memref<10240x64xf32, #tpu.memory_space<vmem_shared>>
      tpu.wait_indirect_dma semaphore(%run_scoped3A : memref<!tpu.dma_semaphore, #tpu.memory_space<semaphore_mem>>) src(%arg12 : memref<128x64xf32, #tpu.memory_space<vmem>>) dst(%dma_wait3A_76 : memref<10240x64xf32, #tpu.memory_space<vmem_shared>>)
      tpu.yield
    }) : () -> ()
    "tpu.region"() ({
      %run_scoped3A = tpu.sem_alloc : memref<!tpu.dma_semaphore, #tpu.memory_space<semaphore_mem>>
      %dma_start3A_71 = tpu.memref_slice %arg2[%add3A_6, %mul3A_2] : memref<10240x128xf32, #tpu.memory_space<hbm>> -> memref<128x64xf32, #tpu.memory_space<hbm>>
      %dma_start3A_72 = tpu.memref_slice %arg2[%add3A_6, %mul3A_2] : memref<10240x128xf32, #tpu.memory_space<hbm>> -> memref<128x64xf32, #tpu.memory_space<hbm>>
      tpu.enqueue_dma source(%dma_start3A_72 : memref<128x64xf32, #tpu.memory_space<hbm>>) target(%arg13 : memref<128x64xf32, #tpu.memory_space<vmem>>) target_semaphore(%run_scoped3A : memref<!tpu.dma_semaphore, #tpu.memory_space<semaphore_mem>>)
      %dma_wait3A_73 = tpu.memref_slice %arg2[%add3A_6, %mul3A_2] : memref<10240x128xf32, #tpu.memory_space<hbm>> -> memref<128x64xf32, #tpu.memory_space<hbm>>
      %dma_wait3A_74 = tpu.memref_slice %arg2[%add3A_6, %mul3A_2] : memref<10240x128xf32, #tpu.memory_space<hbm>> -> memref<128x64xf32, #tpu.memory_space<hbm>>
      tpu.wait_dma2 semaphore(%run_scoped3A : memref<!tpu.dma_semaphore, #tpu.memory_space<semaphore_mem>>) src(%dma_wait3A_74 : memref<128x64xf32, #tpu.memory_space<hbm>>) dst(%arg13 : memref<128x64xf32, #tpu.memory_space<vmem>>)
      tpu.yield
    }) : () -> ()
    "tpu.region"() ({
      %run_scoped3A = tpu.sem_alloc : memref<!tpu.dma_semaphore, #tpu.memory_space<semaphore_mem>>
      %dma_start3A_71 = arith.constant 0 : i32
      %dma_start3A_72 = arith.constant 0 : i32
      %dma_start3A_73 = tpu.memref_slice %arg14[%dma_start3A_71, %dma_start3A_72] : memref<10240x64xf32, #tpu.memory_space<vmem_shared>> -> memref<10240x64xf32, #tpu.memory_space<vmem_shared>>
      tpu.enqueue_indirect_dma source(%arg13 : memref<128x64xf32, #tpu.memory_space<vmem>>) target(%dma_start3A_73 : memref<10240x64xf32, #tpu.memory_space<vmem_shared>>) offsets(%arg11 : memref<128xi32, #tpu.memory_space<vmem>>) semaphore(%run_scoped3A : memref<!tpu.dma_semaphore, #tpu.memory_space<semaphore_mem>>)
      %dma_wait3A_74 = arith.constant 0 : i32
      %dma_wait3A_75 = arith.constant 0 : i32
      %dma_wait3A_76 = tpu.memref_slice %arg14[%dma_wait3A_74, %dma_wait3A_75] : memref<10240x64xf32, #tpu.memory_space<vmem_shared>> -> memref<10240x64xf32, #tpu.memory_space<vmem_shared>>
      tpu.wait_indirect_dma semaphore(%run_scoped3A : memref<!tpu.dma_semaphore, #tpu.memory_space<semaphore_mem>>) src(%arg13 : memref<128x64xf32, #tpu.memory_space<vmem>>) dst(%dma_wait3A_76 : memref<10240x64xf32, #tpu.memory_space<vmem_shared>>)
      tpu.yield
    }) : () -> ()
    %mul3A_7 = arith.constant 640 : i32
    %mul3A_8 = arith.muli %arg1, %mul3A_7 : i32
    %add3A_9 = arith.constant 128 : i32
    %add3A_10 = arith.addi %mul3A_8, %add3A_9 : i32
    "tpu.region"() ({
      %run_scoped3A = tpu.sem_alloc : memref<!tpu.dma_semaphore, #tpu.memory_space<semaphore_mem>>
      %dma_start3A_71 = tpu.memref_slice %arg6[%add3A_10] : memref<10240xi32, #tpu.memory_space<hbm>> -> memref<128xi32, #tpu.memory_space<hbm>>
      %dma_start3A_72 = tpu.memref_slice %arg6[%add3A_10] : memref<10240xi32, #tpu.memory_space<hbm>> -> memref<128xi32, #tpu.memory_space<hbm>>
      tpu.enqueue_dma source(%dma_start3A_72 : memref<128xi32, #tpu.memory_space<hbm>>) target(%arg11 : memref<128xi32, #tpu.memory_space<vmem>>) target_semaphore(%run_scoped3A : memref<!tpu.dma_semaphore, #tpu.memory_space<semaphore_mem>>)
      %dma_wait3A_73 = tpu.memref_slice %arg6[%add3A_10] : memref<10240xi32, #tpu.memory_space<hbm>> -> memref<128xi32, #tpu.memory_space<hbm>>
      %dma_wait3A_74 = tpu.memref_slice %arg6[%add3A_10] : memref<10240xi32, #tpu.memory_space<hbm>> -> memref<128xi32, #tpu.memory_space<hbm>>
      tpu.wait_dma2 semaphore(%run_scoped3A : memref<!tpu.dma_semaphore, #tpu.memory_space<semaphore_mem>>) src(%dma_wait3A_74 : memref<128xi32, #tpu.memory_space<hbm>>) dst(%arg11 : memref<128xi32, #tpu.memory_space<vmem>>)
      tpu.yield
    }) : () -> ()
    "tpu.region"() ({
      %run_scoped3A = tpu.sem_alloc : memref<!tpu.dma_semaphore, #tpu.memory_space<semaphore_mem>>
      %dma_start3A_71 = arith.constant 0 : i32
      %dma_start3A_72 = arith.constant 0 : i32
      %dma_start3A_73 = tpu.memref_slice %arg15[%dma_start3A_71, %dma_start3A_72] : memref<10240x64xf32, #tpu.memory_space<vmem_shared>> -> memref<10240x64xf32, #tpu.memory_space<vmem_shared>>
      tpu.enqueue_indirect_dma source(%arg12 : memref<128x64xf32, #tpu.memory_space<vmem>>) target(%dma_start3A_73 : memref<10240x64xf32, #tpu.memory_space<vmem_shared>>) offsets(%arg11 : memref<128xi32, #tpu.memory_space<vmem>>) semaphore(%run_scoped3A : memref<!tpu.dma_semaphore, #tpu.memory_space<semaphore_mem>>)
      %dma_wait3A_74 = arith.constant 0 : i32
      %dma_wait3A_75 = arith.constant 0 : i32
      %dma_wait3A_76 = tpu.memref_slice %arg15[%dma_wait3A_74, %dma_wait3A_75] : memref<10240x64xf32, #tpu.memory_space<vmem_shared>> -> memref<10240x64xf32, #tpu.memory_space<vmem_shared>>
      tpu.wait_indirect_dma semaphore(%run_scoped3A : memref<!tpu.dma_semaphore, #tpu.memory_space<semaphore_mem>>) src(%arg12 : memref<128x64xf32, #tpu.memory_space<vmem>>) dst(%dma_wait3A_76 : memref<10240x64xf32, #tpu.memory_space<vmem_shared>>)
      tpu.yield
    }) : () -> ()
    "tpu.region"() ({
      %run_scoped3A = tpu.sem_alloc : memref<!tpu.dma_semaphore, #tpu.memory_space<semaphore_mem>>
      %dma_start3A_71 = tpu.memref_slice %arg2[%add3A_10, %mul3A_2] : memref<10240x128xf32, #tpu.memory_space<hbm>> -> memref<128x64xf32, #tpu.memory_space<hbm>>
      %dma_start3A_72 = tpu.memref_slice %arg2[%add3A_10, %mul3A_2] : memref<10240x128xf32, #tpu.memory_space<hbm>> -> memref<128x64xf32, #tpu.memory_space<hbm>>
      tpu.enqueue_dma source(%dma_start3A_72 : memref<128x64xf32, #tpu.memory_space<hbm>>) target(%arg13 : memref<128x64xf32, #tpu.memory_space<vmem>>) target_semaphore(%run_scoped3A : memref<!tpu.dma_semaphore, #tpu.memory_space<semaphore_mem>>)
      %dma_wait3A_73 = tpu.memref_slice %arg2[%add3A_10, %mul3A_2] : memref<10240x128xf32, #tpu.memory_space<hbm>> -> memref<128x64xf32, #tpu.memory_space<hbm>>
      %dma_wait3A_74 = tpu.memref_slice %arg2[%add3A_10, %mul3A_2] : memref<10240x128xf32, #tpu.memory_space<hbm>> -> memref<128x64xf32, #tpu.memory_space<hbm>>
      tpu.wait_dma2 semaphore(%run_scoped3A : memref<!tpu.dma_semaphore, #tpu.memory_space<semaphore_mem>>) src(%dma_wait3A_74 : memref<128x64xf32, #tpu.memory_space<hbm>>) dst(%arg13 : memref<128x64xf32, #tpu.memory_space<vmem>>)
      tpu.yield
    }) : () -> ()
    "tpu.region"() ({
      %run_scoped3A = tpu.sem_alloc : memref<!tpu.dma_semaphore, #tpu.memory_space<semaphore_mem>>
      %dma_start3A_71 = arith.constant 0 : i32
      %dma_start3A_72 = arith.constant 0 : i32
      %dma_start3A_73 = tpu.memref_slice %arg14[%dma_start3A_71, %dma_start3A_72] : memref<10240x64xf32, #tpu.memory_space<vmem_shared>> -> memref<10240x64xf32, #tpu.memory_space<vmem_shared>>
      tpu.enqueue_indirect_dma source(%arg13 : memref<128x64xf32, #tpu.memory_space<vmem>>) target(%dma_start3A_73 : memref<10240x64xf32, #tpu.memory_space<vmem_shared>>) offsets(%arg11 : memref<128xi32, #tpu.memory_space<vmem>>) semaphore(%run_scoped3A : memref<!tpu.dma_semaphore, #tpu.memory_space<semaphore_mem>>)
      %dma_wait3A_74 = arith.constant 0 : i32
      %dma_wait3A_75 = arith.constant 0 : i32
      %dma_wait3A_76 = tpu.memref_slice %arg14[%dma_wait3A_74, %dma_wait3A_75] : memref<10240x64xf32, #tpu.memory_space<vmem_shared>> -> memref<10240x64xf32, #tpu.memory_space<vmem_shared>>
      tpu.wait_indirect_dma semaphore(%run_scoped3A : memref<!tpu.dma_semaphore, #tpu.memory_space<semaphore_mem>>) src(%arg13 : memref<128x64xf32, #tpu.memory_space<vmem>>) dst(%dma_wait3A_76 : memref<10240x64xf32, #tpu.memory_space<vmem_shared>>)
      tpu.yield
    }) : () -> ()
    %mul3A_11 = arith.constant 640 : i32
    %mul3A_12 = arith.muli %arg1, %mul3A_11 : i32
    %add3A_13 = arith.constant 256 : i32
    %add3A_14 = arith.addi %mul3A_12, %add3A_13 : i32
    "tpu.region"() ({
      %run_scoped3A = tpu.sem_alloc : memref<!tpu.dma_semaphore, #tpu.memory_space<semaphore_mem>>
      %dma_start3A_71 = tpu.memref_slice %arg6[%add3A_14] : memref<10240xi32, #tpu.memory_space<hbm>> -> memref<128xi32, #tpu.memory_space<hbm>>
      %dma_start3A_72 = tpu.memref_slice %arg6[%add3A_14] : memref<10240xi32, #tpu.memory_space<hbm>> -> memref<128xi32, #tpu.memory_space<hbm>>
      tpu.enqueue_dma source(%dma_start3A_72 : memref<128xi32, #tpu.memory_space<hbm>>) target(%arg11 : memref<128xi32, #tpu.memory_space<vmem>>) target_semaphore(%run_scoped3A : memref<!tpu.dma_semaphore, #tpu.memory_space<semaphore_mem>>)
      %dma_wait3A_73 = tpu.memref_slice %arg6[%add3A_14] : memref<10240xi32, #tpu.memory_space<hbm>> -> memref<128xi32, #tpu.memory_space<hbm>>
      %dma_wait3A_74 = tpu.memref_slice %arg6[%add3A_14] : memref<10240xi32, #tpu.memory_space<hbm>> -> memref<128xi32, #tpu.memory_space<hbm>>
      tpu.wait_dma2 semaphore(%run_scoped3A : memref<!tpu.dma_semaphore, #tpu.memory_space<semaphore_mem>>) src(%dma_wait3A_74 : memref<128xi32, #tpu.memory_space<hbm>>) dst(%arg11 : memref<128xi32, #tpu.memory_space<vmem>>)
      tpu.yield
    }) : () -> ()
    "tpu.region"() ({
      %run_scoped3A = tpu.sem_alloc : memref<!tpu.dma_semaphore, #tpu.memory_space<semaphore_mem>>
      %dma_start3A_71 = arith.constant 0 : i32
      %dma_start3A_72 = arith.constant 0 : i32
      %dma_start3A_73 = tpu.memref_slice %arg15[%dma_start3A_71, %dma_start3A_72] : memref<10240x64xf32, #tpu.memory_space<vmem_shared>> -> memref<10240x64xf32, #tpu.memory_space<vmem_shared>>
      tpu.enqueue_indirect_dma source(%arg12 : memref<128x64xf32, #tpu.memory_space<vmem>>) target(%dma_start3A_73 : memref<10240x64xf32, #tpu.memory_space<vmem_shared>>) offsets(%arg11 : memref<128xi32, #tpu.memory_space<vmem>>) semaphore(%run_scoped3A : memref<!tpu.dma_semaphore, #tpu.memory_space<semaphore_mem>>)
      %dma_wait3A_74 = arith.constant 0 : i32
      %dma_wait3A_75 = arith.constant 0 : i32
      %dma_wait3A_76 = tpu.memref_slice %arg15[%dma_wait3A_74, %dma_wait3A_75] : memref<10240x64xf32, #tpu.memory_space<vmem_shared>> -> memref<10240x64xf32, #tpu.memory_space<vmem_shared>>
      tpu.wait_indirect_dma semaphore(%run_scoped3A : memref<!tpu.dma_semaphore, #tpu.memory_space<semaphore_mem>>) src(%arg12 : memref<128x64xf32, #tpu.memory_space<vmem>>) dst(%dma_wait3A_76 : memref<10240x64xf32, #tpu.memory_space<vmem_shared>>)
      tpu.yield
    }) : () -> ()
    "tpu.region"() ({
      %run_scoped3A = tpu.sem_alloc : memref<!tpu.dma_semaphore, #tpu.memory_space<semaphore_mem>>
      %dma_start3A_71 = tpu.memref_slice %arg2[%add3A_14, %mul3A_2] : memref<10240x128xf32, #tpu.memory_space<hbm>> -> memref<128x64xf32, #tpu.memory_space<hbm>>
      %dma_start3A_72 = tpu.memref_slice %arg2[%add3A_14, %mul3A_2] : memref<10240x128xf32, #tpu.memory_space<hbm>> -> memref<128x64xf32, #tpu.memory_space<hbm>>
      tpu.enqueue_dma source(%dma_start3A_72 : memref<128x64xf32, #tpu.memory_space<hbm>>) target(%arg13 : memref<128x64xf32, #tpu.memory_space<vmem>>) target_semaphore(%run_scoped3A : memref<!tpu.dma_semaphore, #tpu.memory_space<semaphore_mem>>)
      %dma_wait3A_73 = tpu.memref_slice %arg2[%add3A_14, %mul3A_2] : memref<10240x128xf32, #tpu.memory_space<hbm>> -> memref<128x64xf32, #tpu.memory_space<hbm>>
      %dma_wait3A_74 = tpu.memref_slice %arg2[%add3A_14, %mul3A_2] : memref<10240x128xf32, #tpu.memory_space<hbm>> -> memref<128x64xf32, #tpu.memory_space<hbm>>
      tpu.wait_dma2 semaphore(%run_scoped3A : memref<!tpu.dma_semaphore, #tpu.memory_space<semaphore_mem>>) src(%dma_wait3A_74 : memref<128x64xf32, #tpu.memory_space<hbm>>) dst(%arg13 : memref<128x64xf32, #tpu.memory_space<vmem>>)
      tpu.yield
    }) : () -> ()
    "tpu.region"() ({
      %run_scoped3A = tpu.sem_alloc : memref<!tpu.dma_semaphore, #tpu.memory_space<semaphore_mem>>
      %dma_start3A_71 = arith.constant 0 : i32
      %dma_start3A_72 = arith.constant 0 : i32
      %dma_start3A_73 = tpu.memref_slice %arg14[%dma_start3A_71, %dma_start3A_72] : memref<10240x64xf32, #tpu.memory_space<vmem_shared>> -> memref<10240x64xf32, #tpu.memory_space<vmem_shared>>
      tpu.enqueue_indirect_dma source(%arg13 : memref<128x64xf32, #tpu.memory_space<vmem>>) target(%dma_start3A_73 : memref<10240x64xf32, #tpu.memory_space<vmem_shared>>) offsets(%arg11 : memref<128xi32, #tpu.memory_space<vmem>>) semaphore(%run_scoped3A : memref<!tpu.dma_semaphore, #tpu.memory_space<semaphore_mem>>)
      %dma_wait3A_74 = arith.constant 0 : i32
      %dma_wait3A_75 = arith.constant 0 : i32
      %dma_wait3A_76 = tpu.memref_slice %arg14[%dma_wait3A_74, %dma_wait3A_75] : memref<10240x64xf32, #tpu.memory_space<vmem_shared>> -> memref<10240x64xf32, #tpu.memory_space<vmem_shared>>
      tpu.wait_indirect_dma semaphore(%run_scoped3A : memref<!tpu.dma_semaphore, #tpu.memory_space<semaphore_mem>>) src(%arg13 : memref<128x64xf32, #tpu.memory_space<vmem>>) dst(%dma_wait3A_76 : memref<10240x64xf32, #tpu.memory_space<vmem_shared>>)
      tpu.yield
    }) : () -> ()
    %mul3A_15 = arith.constant 640 : i32
    %mul3A_16 = arith.muli %arg1, %mul3A_15 : i32
    %add3A_17 = arith.constant 384 : i32
    %add3A_18 = arith.addi %mul3A_16, %add3A_17 : i32
    "tpu.region"() ({
      %run_scoped3A = tpu.sem_alloc : memref<!tpu.dma_semaphore, #tpu.memory_space<semaphore_mem>>
      %dma_start3A_71 = tpu.memref_slice %arg6[%add3A_18] : memref<10240xi32, #tpu.memory_space<hbm>> -> memref<128xi32, #tpu.memory_space<hbm>>
      %dma_start3A_72 = tpu.memref_slice %arg6[%add3A_18] : memref<10240xi32, #tpu.memory_space<hbm>> -> memref<128xi32, #tpu.memory_space<hbm>>
      tpu.enqueue_dma source(%dma_start3A_72 : memref<128xi32, #tpu.memory_space<hbm>>) target(%arg11 : memref<128xi32, #tpu.memory_space<vmem>>) target_semaphore(%run_scoped3A : memref<!tpu.dma_semaphore, #tpu.memory_space<semaphore_mem>>)
      %dma_wait3A_73 = tpu.memref_slice %arg6[%add3A_18] : memref<10240xi32, #tpu.memory_space<hbm>> -> memref<128xi32, #tpu.memory_space<hbm>>
      %dma_wait3A_74 = tpu.memref_slice %arg6[%add3A_18] : memref<10240xi32, #tpu.memory_space<hbm>> -> memref<128xi32, #tpu.memory_space<hbm>>
      tpu.wait_dma2 semaphore(%run_scoped3A : memref<!tpu.dma_semaphore, #tpu.memory_space<semaphore_mem>>) src(%dma_wait3A_74 : memref<128xi32, #tpu.memory_space<hbm>>) dst(%arg11 : memref<128xi32, #tpu.memory_space<vmem>>)
      tpu.yield
    }) : () -> ()
    "tpu.region"() ({
      %run_scoped3A = tpu.sem_alloc : memref<!tpu.dma_semaphore, #tpu.memory_space<semaphore_mem>>
      %dma_start3A_71 = arith.constant 0 : i32
      %dma_start3A_72 = arith.constant 0 : i32
      %dma_start3A_73 = tpu.memref_slice %arg15[%dma_start3A_71, %dma_start3A_72] : memref<10240x64xf32, #tpu.memory_space<vmem_shared>> -> memref<10240x64xf32, #tpu.memory_space<vmem_shared>>
      tpu.enqueue_indirect_dma source(%arg12 : memref<128x64xf32, #tpu.memory_space<vmem>>) target(%dma_start3A_73 : memref<10240x64xf32, #tpu.memory_space<vmem_shared>>) offsets(%arg11 : memref<128xi32, #tpu.memory_space<vmem>>) semaphore(%run_scoped3A : memref<!tpu.dma_semaphore, #tpu.memory_space<semaphore_mem>>)
      %dma_wait3A_74 = arith.constant 0 : i32
      %dma_wait3A_75 = arith.constant 0 : i32
      %dma_wait3A_76 = tpu.memref_slice %arg15[%dma_wait3A_74, %dma_wait3A_75] : memref<10240x64xf32, #tpu.memory_space<vmem_shared>> -> memref<10240x64xf32, #tpu.memory_space<vmem_shared>>
      tpu.wait_indirect_dma semaphore(%run_scoped3A : memref<!tpu.dma_semaphore, #tpu.memory_space<semaphore_mem>>) src(%arg12 : memref<128x64xf32, #tpu.memory_space<vmem>>) dst(%dma_wait3A_76 : memref<10240x64xf32, #tpu.memory_space<vmem_shared>>)
      tpu.yield
    }) : () -> ()
    "tpu.region"() ({
      %run_scoped3A = tpu.sem_alloc : memref<!tpu.dma_semaphore, #tpu.memory_space<semaphore_mem>>
      %dma_start3A_71 = tpu.memref_slice %arg2[%add3A_18, %mul3A_2] : memref<10240x128xf32, #tpu.memory_space<hbm>> -> memref<128x64xf32, #tpu.memory_space<hbm>>
      %dma_start3A_72 = tpu.memref_slice %arg2[%add3A_18, %mul3A_2] : memref<10240x128xf32, #tpu.memory_space<hbm>> -> memref<128x64xf32, #tpu.memory_space<hbm>>
      tpu.enqueue_dma source(%dma_start3A_72 : memref<128x64xf32, #tpu.memory_space<hbm>>) target(%arg13 : memref<128x64xf32, #tpu.memory_space<vmem>>) target_semaphore(%run_scoped3A : memref<!tpu.dma_semaphore, #tpu.memory_space<semaphore_mem>>)
      %dma_wait3A_73 = tpu.memref_slice %arg2[%add3A_18, %mul3A_2] : memref<10240x128xf32, #tpu.memory_space<hbm>> -> memref<128x64xf32, #tpu.memory_space<hbm>>
      %dma_wait3A_74 = tpu.memref_slice %arg2[%add3A_18, %mul3A_2] : memref<10240x128xf32, #tpu.memory_space<hbm>> -> memref<128x64xf32, #tpu.memory_space<hbm>>
      tpu.wait_dma2 semaphore(%run_scoped3A : memref<!tpu.dma_semaphore, #tpu.memory_space<semaphore_mem>>) src(%dma_wait3A_74 : memref<128x64xf32, #tpu.memory_space<hbm>>) dst(%arg13 : memref<128x64xf32, #tpu.memory_space<vmem>>)
      tpu.yield
    }) : () -> ()
    "tpu.region"() ({
      %run_scoped3A = tpu.sem_alloc : memref<!tpu.dma_semaphore, #tpu.memory_space<semaphore_mem>>
      %dma_start3A_71 = arith.constant 0 : i32
      %dma_start3A_72 = arith.constant 0 : i32
      %dma_start3A_73 = tpu.memref_slice %arg14[%dma_start3A_71, %dma_start3A_72] : memref<10240x64xf32, #tpu.memory_space<vmem_shared>> -> memref<10240x64xf32, #tpu.memory_space<vmem_shared>>
      tpu.enqueue_indirect_dma source(%arg13 : memref<128x64xf32, #tpu.memory_space<vmem>>) target(%dma_start3A_73 : memref<10240x64xf32, #tpu.memory_space<vmem_shared>>) offsets(%arg11 : memref<128xi32, #tpu.memory_space<vmem>>) semaphore(%run_scoped3A : memref<!tpu.dma_semaphore, #tpu.memory_space<semaphore_mem>>)
      %dma_wait3A_74 = arith.constant 0 : i32
      %dma_wait3A_75 = arith.constant 0 : i32
      %dma_wait3A_76 = tpu.memref_slice %arg14[%dma_wait3A_74, %dma_wait3A_75] : memref<10240x64xf32, #tpu.memory_space<vmem_shared>> -> memref<10240x64xf32, #tpu.memory_space<vmem_shared>>
      tpu.wait_indirect_dma semaphore(%run_scoped3A : memref<!tpu.dma_semaphore, #tpu.memory_space<semaphore_mem>>) src(%arg13 : memref<128x64xf32, #tpu.memory_space<vmem>>) dst(%dma_wait3A_76 : memref<10240x64xf32, #tpu.memory_space<vmem_shared>>)
      tpu.yield
    }) : () -> ()
    %mul3A_19 = arith.constant 640 : i32
    %mul3A_20 = arith.muli %arg1, %mul3A_19 : i32
    %add3A_21 = arith.constant 512 : i32
    %add3A_22 = arith.addi %mul3A_20, %add3A_21 : i32
    "tpu.region"() ({
      %run_scoped3A = tpu.sem_alloc : memref<!tpu.dma_semaphore, #tpu.memory_space<semaphore_mem>>
      %dma_start3A_71 = tpu.memref_slice %arg6[%add3A_22] : memref<10240xi32, #tpu.memory_space<hbm>> -> memref<128xi32, #tpu.memory_space<hbm>>
      %dma_start3A_72 = tpu.memref_slice %arg6[%add3A_22] : memref<10240xi32, #tpu.memory_space<hbm>> -> memref<128xi32, #tpu.memory_space<hbm>>
      tpu.enqueue_dma source(%dma_start3A_72 : memref<128xi32, #tpu.memory_space<hbm>>) target(%arg11 : memref<128xi32, #tpu.memory_space<vmem>>) target_semaphore(%run_scoped3A : memref<!tpu.dma_semaphore, #tpu.memory_space<semaphore_mem>>)
      %dma_wait3A_73 = tpu.memref_slice %arg6[%add3A_22] : memref<10240xi32, #tpu.memory_space<hbm>> -> memref<128xi32, #tpu.memory_space<hbm>>
      %dma_wait3A_74 = tpu.memref_slice %arg6[%add3A_22] : memref<10240xi32, #tpu.memory_space<hbm>> -> memref<128xi32, #tpu.memory_space<hbm>>
      tpu.wait_dma2 semaphore(%run_scoped3A : memref<!tpu.dma_semaphore, #tpu.memory_space<semaphore_mem>>) src(%dma_wait3A_74 : memref<128xi32, #tpu.memory_space<hbm>>) dst(%arg11 : memref<128xi32, #tpu.memory_space<vmem>>)
      tpu.yield
    }) : () -> ()
    "tpu.region"() ({
      %run_scoped3A = tpu.sem_alloc : memref<!tpu.dma_semaphore, #tpu.memory_space<semaphore_mem>>
      %dma_start3A_71 = arith.constant 0 : i32
      %dma_start3A_72 = arith.constant 0 : i32
      %dma_start3A_73 = tpu.memref_slice %arg15[%dma_start3A_71, %dma_start3A_72] : memref<10240x64xf32, #tpu.memory_space<vmem_shared>> -> memref<10240x64xf32, #tpu.memory_space<vmem_shared>>
      tpu.enqueue_indirect_dma source(%arg12 : memref<128x64xf32, #tpu.memory_space<vmem>>) target(%dma_start3A_73 : memref<10240x64xf32, #tpu.memory_space<vmem_shared>>) offsets(%arg11 : memref<128xi32, #tpu.memory_space<vmem>>) semaphore(%run_scoped3A : memref<!tpu.dma_semaphore, #tpu.memory_space<semaphore_mem>>)
      %dma_wait3A_74 = arith.constant 0 : i32
      %dma_wait3A_75 = arith.constant 0 : i32
      %dma_wait3A_76 = tpu.memref_slice %arg15[%dma_wait3A_74, %dma_wait3A_75] : memref<10240x64xf32, #tpu.memory_space<vmem_shared>> -> memref<10240x64xf32, #tpu.memory_space<vmem_shared>>
      tpu.wait_indirect_dma semaphore(%run_scoped3A : memref<!tpu.dma_semaphore, #tpu.memory_space<semaphore_mem>>) src(%arg12 : memref<128x64xf32, #tpu.memory_space<vmem>>) dst(%dma_wait3A_76 : memref<10240x64xf32, #tpu.memory_space<vmem_shared>>)
      tpu.yield
    }) : () -> ()
    "tpu.region"() ({
      %run_scoped3A = tpu.sem_alloc : memref<!tpu.dma_semaphore, #tpu.memory_space<semaphore_mem>>
      %dma_start3A_71 = tpu.memref_slice %arg2[%add3A_22, %mul3A_2] : memref<10240x128xf32, #tpu.memory_space<hbm>> -> memref<128x64xf32, #tpu.memory_space<hbm>>
      %dma_start3A_72 = tpu.memref_slice %arg2[%add3A_22, %mul3A_2] : memref<10240x128xf32, #tpu.memory_space<hbm>> -> memref<128x64xf32, #tpu.memory_space<hbm>>
      tpu.enqueue_dma source(%dma_start3A_72 : memref<128x64xf32, #tpu.memory_space<hbm>>) target(%arg13 : memref<128x64xf32, #tpu.memory_space<vmem>>) target_semaphore(%run_scoped3A : memref<!tpu.dma_semaphore, #tpu.memory_space<semaphore_mem>>)
      %dma_wait3A_73 = tpu.memref_slice %arg2[%add3A_22, %mul3A_2] : memref<10240x128xf32, #tpu.memory_space<hbm>> -> memref<128x64xf32, #tpu.memory_space<hbm>>
      %dma_wait3A_74 = tpu.memref_slice %arg2[%add3A_22, %mul3A_2] : memref<10240x128xf32, #tpu.memory_space<hbm>> -> memref<128x64xf32, #tpu.memory_space<hbm>>
      tpu.wait_dma2 semaphore(%run_scoped3A : memref<!tpu.dma_semaphore, #tpu.memory_space<semaphore_mem>>) src(%dma_wait3A_74 : memref<128x64xf32, #tpu.memory_space<hbm>>) dst(%arg13 : memref<128x64xf32, #tpu.memory_space<vmem>>)
      tpu.yield
    }) : () -> ()
    "tpu.region"() ({
      %run_scoped3A = tpu.sem_alloc : memref<!tpu.dma_semaphore, #tpu.memory_space<semaphore_mem>>
      %dma_start3A_71 = arith.constant 0 : i32
      %dma_start3A_72 = arith.constant 0 : i32
      %dma_start3A_73 = tpu.memref_slice %arg14[%dma_start3A_71, %dma_start3A_72] : memref<10240x64xf32, #tpu.memory_space<vmem_shared>> -> memref<10240x64xf32, #tpu.memory_space<vmem_shared>>
      tpu.enqueue_indirect_dma source(%arg13 : memref<128x64xf32, #tpu.memory_space<vmem>>) target(%dma_start3A_73 : memref<10240x64xf32, #tpu.memory_space<vmem_shared>>) offsets(%arg11 : memref<128xi32, #tpu.memory_space<vmem>>) semaphore(%run_scoped3A : memref<!tpu.dma_semaphore, #tpu.memory_space<semaphore_mem>>)
      %dma_wait3A_74 = arith.constant 0 : i32
      %dma_wait3A_75 = arith.constant 0 : i32
      %dma_wait3A_76 = tpu.memref_slice %arg14[%dma_wait3A_74, %dma_wait3A_75] : memref<10240x64xf32, #tpu.memory_space<vmem_shared>> -> memref<10240x64xf32, #tpu.memory_space<vmem_shared>>
      tpu.wait_indirect_dma semaphore(%run_scoped3A : memref<!tpu.dma_semaphore, #tpu.memory_space<semaphore_mem>>) src(%arg13 : memref<128x64xf32, #tpu.memory_space<vmem>>) dst(%dma_wait3A_76 : memref<10240x64xf32, #tpu.memory_space<vmem_shared>>)
      tpu.yield
    }) : () -> ()
    %barrier3A = arith.constant 0 : index
    tpu.barrier barrier_id(%barrier3A)
    %mul3A_23 = arith.constant 80 : i32
    %mul3A_24 = arith.muli %add3A, %mul3A_23 : i32
    %add3A_25 = arith.constant 0 : i32
    %add3A_26 = arith.addi %mul3A_24, %add3A_25 : i32
    %mul3A_27 = arith.constant 128 : i32
    %mul3A_28 = arith.muli %add3A_26, %mul3A_27 : i32
    "tpu.region"() ({
      %run_scoped3A = tpu.sem_alloc : memref<!tpu.dma_semaphore, #tpu.memory_space<semaphore_mem>>
      %dma_start3A_71 = tpu.memref_slice %arg3[%mul3A_28] : memref<327680xi32, #tpu.memory_space<hbm>> -> memref<128xi32, #tpu.memory_space<hbm>>
      %dma_start3A_72 = tpu.memref_slice %arg3[%mul3A_28] : memref<327680xi32, #tpu.memory_space<hbm>> -> memref<128xi32, #tpu.memory_space<hbm>>
      tpu.enqueue_dma source(%dma_start3A_72 : memref<128xi32, #tpu.memory_space<hbm>>) target(%arg8 : memref<128xi32, #tpu.memory_space<vmem>>) target_semaphore(%run_scoped3A : memref<!tpu.dma_semaphore, #tpu.memory_space<semaphore_mem>>)
      %dma_wait3A_73 = tpu.memref_slice %arg3[%mul3A_28] : memref<327680xi32, #tpu.memory_space<hbm>> -> memref<128xi32, #tpu.memory_space<hbm>>
      %dma_wait3A_74 = tpu.memref_slice %arg3[%mul3A_28] : memref<327680xi32, #tpu.memory_space<hbm>> -> memref<128xi32, #tpu.memory_space<hbm>>
      tpu.wait_dma2 semaphore(%run_scoped3A : memref<!tpu.dma_semaphore, #tpu.memory_space<semaphore_mem>>) src(%dma_wait3A_74 : memref<128xi32, #tpu.memory_space<hbm>>) dst(%arg8 : memref<128xi32, #tpu.memory_space<vmem>>)
      tpu.yield
    }) : () -> ()
    "tpu.region"() ({
      %run_scoped3A = tpu.sem_alloc : memref<!tpu.dma_semaphore, #tpu.memory_space<semaphore_mem>>
      %dma_start3A_71 = tpu.memref_slice %arg4[%mul3A_28] : memref<327680xi32, #tpu.memory_space<hbm>> -> memref<128xi32, #tpu.memory_space<hbm>>
      %dma_start3A_72 = tpu.memref_slice %arg4[%mul3A_28] : memref<327680xi32, #tpu.memory_space<hbm>> -> memref<128xi32, #tpu.memory_space<hbm>>
      tpu.enqueue_dma source(%dma_start3A_72 : memref<128xi32, #tpu.memory_space<hbm>>) target(%arg9 : memref<128xi32, #tpu.memory_space<vmem>>) target_semaphore(%run_scoped3A : memref<!tpu.dma_semaphore, #tpu.memory_space<semaphore_mem>>)
      %dma_wait3A_73 = tpu.memref_slice %arg4[%mul3A_28] : memref<327680xi32, #tpu.memory_space<hbm>> -> memref<128xi32, #tpu.memory_space<hbm>>
      %dma_wait3A_74 = tpu.memref_slice %arg4[%mul3A_28] : memref<327680xi32, #tpu.memory_space<hbm>> -> memref<128xi32, #tpu.memory_space<hbm>>
      tpu.wait_dma2 semaphore(%run_scoped3A : memref<!tpu.dma_semaphore, #tpu.memory_space<semaphore_mem>>) src(%dma_wait3A_74 : memref<128xi32, #tpu.memory_space<hbm>>) dst(%arg9 : memref<128xi32, #tpu.memory_space<vmem>>)
      tpu.yield
    }) : () -> ()
    "tpu.region"() ({
      %run_scoped3A = tpu.sem_alloc : memref<!tpu.dma_semaphore, #tpu.memory_space<semaphore_mem>>
      %dma_start3A_71 = arith.constant 0 : i32
      %dma_start3A_72 = arith.constant 0 : i32
      %dma_start3A_73 = tpu.memref_slice %arg14[%dma_start3A_71, %dma_start3A_72] : memref<10240x64xf32, #tpu.memory_space<vmem_shared>> -> memref<10240x64xf32, #tpu.memory_space<vmem_shared>>
      tpu.enqueue_indirect_dma source(%dma_start3A_73 : memref<10240x64xf32, #tpu.memory_space<vmem_shared>>) target(%arg12 : memref<128x64xf32, #tpu.memory_space<vmem>>) offsets(%arg8 : memref<128xi32, #tpu.memory_space<vmem>>) semaphore(%run_scoped3A : memref<!tpu.dma_semaphore, #tpu.memory_space<semaphore_mem>>)
      %dma_wait3A_74 = arith.constant 0 : i32
      %dma_wait3A_75 = arith.constant 0 : i32
      %dma_wait3A_76 = tpu.memref_slice %arg14[%dma_wait3A_74, %dma_wait3A_75] : memref<10240x64xf32, #tpu.memory_space<vmem_shared>> -> memref<10240x64xf32, #tpu.memory_space<vmem_shared>>
      tpu.wait_indirect_dma semaphore(%run_scoped3A : memref<!tpu.dma_semaphore, #tpu.memory_space<semaphore_mem>>) src(%dma_wait3A_76 : memref<10240x64xf32, #tpu.memory_space<vmem_shared>>) dst(%arg12 : memref<128x64xf32, #tpu.memory_space<vmem>>)
      tpu.yield
    }) : () -> ()
    %dma_start3A = arith.constant 0 : i32
    %dma_start3A_29 = arith.constant 0 : i32
    %dma_start3A_30 = tpu.memref_slice %arg15[%dma_start3A, %dma_start3A_29] : memref<10240x64xf32, #tpu.memory_space<vmem_shared>> -> memref<10240x64xf32, #tpu.memory_space<vmem_shared>>
    tpu.enqueue_indirect_dma source(%arg12 : memref<128x64xf32, #tpu.memory_space<vmem>>) target(%dma_start3A_30 : memref<10240x64xf32, #tpu.memory_space<vmem_shared>>) offsets(%arg9 : memref<128xi32, #tpu.memory_space<vmem>>) semaphore(%arg16 : memref<!tpu.dma_semaphore, #tpu.memory_space<semaphore_mem>>) {add = true}
    %mul3A_31 = arith.constant 80 : i32
    %mul3A_32 = arith.muli %add3A, %mul3A_31 : i32
    %add3A_33 = arith.constant 1 : i32
    %add3A_34 = arith.addi %mul3A_32, %add3A_33 : i32
    %mul3A_35 = arith.constant 128 : i32
    %mul3A_36 = arith.muli %add3A_34, %mul3A_35 : i32
    "tpu.region"() ({
      %run_scoped3A = tpu.sem_alloc : memref<!tpu.dma_semaphore, #tpu.memory_space<semaphore_mem>>
      %dma_start3A_71 = tpu.memref_slice %arg3[%mul3A_36] : memref<327680xi32, #tpu.memory_space<hbm>> -> memref<128xi32, #tpu.memory_space<hbm>>
      %dma_start3A_72 = tpu.memref_slice %arg3[%mul3A_36] : memref<327680xi32, #tpu.memory_space<hbm>> -> memref<128xi32, #tpu.memory_space<hbm>>
      tpu.enqueue_dma source(%dma_start3A_72 : memref<128xi32, #tpu.memory_space<hbm>>) target(%arg8 : memref<128xi32, #tpu.memory_space<vmem>>) target_semaphore(%run_scoped3A : memref<!tpu.dma_semaphore, #tpu.memory_space<semaphore_mem>>)
      %dma_wait3A_73 = tpu.memref_slice %arg3[%mul3A_36] : memref<327680xi32, #tpu.memory_space<hbm>> -> memref<128xi32, #tpu.memory_space<hbm>>
      %dma_wait3A_74 = tpu.memref_slice %arg3[%mul3A_36] : memref<327680xi32, #tpu.memory_space<hbm>> -> memref<128xi32, #tpu.memory_space<hbm>>
      tpu.wait_dma2 semaphore(%run_scoped3A : memref<!tpu.dma_semaphore, #tpu.memory_space<semaphore_mem>>) src(%dma_wait3A_74 : memref<128xi32, #tpu.memory_space<hbm>>) dst(%arg8 : memref<128xi32, #tpu.memory_space<vmem>>)
      tpu.yield
    }) : () -> ()
    "tpu.region"() ({
      %run_scoped3A = tpu.sem_alloc : memref<!tpu.dma_semaphore, #tpu.memory_space<semaphore_mem>>
      %dma_start3A_71 = tpu.memref_slice %arg4[%mul3A_36] : memref<327680xi32, #tpu.memory_space<hbm>> -> memref<128xi32, #tpu.memory_space<hbm>>
      %dma_start3A_72 = tpu.memref_slice %arg4[%mul3A_36] : memref<327680xi32, #tpu.memory_space<hbm>> -> memref<128xi32, #tpu.memory_space<hbm>>
      tpu.enqueue_dma source(%dma_start3A_72 : memref<128xi32, #tpu.memory_space<hbm>>) target(%arg10 : memref<128xi32, #tpu.memory_space<vmem>>) target_semaphore(%run_scoped3A : memref<!tpu.dma_semaphore, #tpu.memory_space<semaphore_mem>>)
      %dma_wait3A_73 = tpu.memref_slice %arg4[%mul3A_36] : memref<327680xi32, #tpu.memory_space<hbm>> -> memref<128xi32, #tpu.memory_space<hbm>>
      %dma_wait3A_74 = tpu.memref_slice %arg4[%mul3A_36] : memref<327680xi32, #tpu.memory_space<hbm>> -> memref<128xi32, #tpu.memory_space<hbm>>
      tpu.wait_dma2 semaphore(%run_scoped3A : memref<!tpu.dma_semaphore, #tpu.memory_space<semaphore_mem>>) src(%dma_wait3A_74 : memref<128xi32, #tpu.memory_space<hbm>>) dst(%arg10 : memref<128xi32, #tpu.memory_space<vmem>>)
      tpu.yield
    }) : () -> ()
    "tpu.region"() ({
      %run_scoped3A = tpu.sem_alloc : memref<!tpu.dma_semaphore, #tpu.memory_space<semaphore_mem>>
      %dma_start3A_71 = arith.constant 0 : i32
      %dma_start3A_72 = arith.constant 0 : i32
      %dma_start3A_73 = tpu.memref_slice %arg14[%dma_start3A_71, %dma_start3A_72] : memref<10240x64xf32, #tpu.memory_space<vmem_shared>> -> memref<10240x64xf32, #tpu.memory_space<vmem_shared>>
      tpu.enqueue_indirect_dma source(%dma_start3A_73 : memref<10240x64xf32, #tpu.memory_space<vmem_shared>>) target(%arg13 : memref<128x64xf32, #tpu.memory_space<vmem>>) offsets(%arg8 : memref<128xi32, #tpu.memory_space<vmem>>) semaphore(%run_scoped3A : memref<!tpu.dma_semaphore, #tpu.memory_space<semaphore_mem>>)
      %dma_wait3A_74 = arith.constant 0 : i32
      %dma_wait3A_75 = arith.constant 0 : i32
      %dma_wait3A_76 = tpu.memref_slice %arg14[%dma_wait3A_74, %dma_wait3A_75] : memref<10240x64xf32, #tpu.memory_space<vmem_shared>> -> memref<10240x64xf32, #tpu.memory_space<vmem_shared>>
      tpu.wait_indirect_dma semaphore(%run_scoped3A : memref<!tpu.dma_semaphore, #tpu.memory_space<semaphore_mem>>) src(%dma_wait3A_76 : memref<10240x64xf32, #tpu.memory_space<vmem_shared>>) dst(%arg13 : memref<128x64xf32, #tpu.memory_space<vmem>>)
      tpu.yield
    }) : () -> ()
    %dma_start3A_37 = arith.constant 0 : i32
    %dma_start3A_38 = arith.constant 0 : i32
    %dma_start3A_39 = tpu.memref_slice %arg15[%dma_start3A_37, %dma_start3A_38] : memref<10240x64xf32, #tpu.memory_space<vmem_shared>> -> memref<10240x64xf32, #tpu.memory_space<vmem_shared>>
    tpu.enqueue_indirect_dma source(%arg13 : memref<128x64xf32, #tpu.memory_space<vmem>>) target(%dma_start3A_39 : memref<10240x64xf32, #tpu.memory_space<vmem_shared>>) offsets(%arg10 : memref<128xi32, #tpu.memory_space<vmem>>) semaphore(%arg17 : memref<!tpu.dma_semaphore, #tpu.memory_space<semaphore_mem>>) {add = true}
    %scan3A = arith.constant 0 : i32
    %scan3A_40 = arith.constant 0 : i32
    %scan3A_41 = arith.constant 39 : i32
    %scan3A_42 = arith.addi %scan3A_40, %scan3A_41 : i32
    %scan3A_43 = arith.constant 1 : i32
    scf.for %scan3A_71 = %scan3A_40 to %scan3A_42 step %scan3A_43  : i32 {
      %mul3A_72 = arith.constant 2 : i32
      %mul3A_73 = arith.muli %mul3A_72, %scan3A_71 : i32
      %add3A_74 = arith.constant 2 : i32
      %add3A_75 = arith.addi %mul3A_73, %add3A_74 : i32
      %mul3A_76 = arith.constant 80 : i32
      %mul3A_77 = arith.muli %add3A, %mul3A_76 : i32
      %add3A_78 = arith.addi %mul3A_77, %add3A_75 : i32
      %mul3A_79 = arith.constant 128 : i32
      %mul3A_80 = arith.muli %add3A_78, %mul3A_79 : i32
      %dma_wait3A_81 = arith.constant 0 : i32
      %dma_wait3A_82 = arith.constant 0 : i32
      %dma_wait3A_83 = tpu.memref_slice %arg15[%dma_wait3A_81, %dma_wait3A_82] : memref<10240x64xf32, #tpu.memory_space<vmem_shared>> -> memref<10240x64xf32, #tpu.memory_space<vmem_shared>>
      tpu.wait_indirect_dma semaphore(%arg16 : memref<!tpu.dma_semaphore, #tpu.memory_space<semaphore_mem>>) src(%arg12 : memref<128x64xf32, #tpu.memory_space<vmem>>) dst(%dma_wait3A_83 : memref<10240x64xf32, #tpu.memory_space<vmem_shared>>)
      "tpu.region"() ({
        %run_scoped3A = tpu.sem_alloc : memref<!tpu.dma_semaphore, #tpu.memory_space<semaphore_mem>>
        %dma_start3A_102 = tpu.memref_slice %arg3[%mul3A_80] : memref<327680xi32, #tpu.memory_space<hbm>> -> memref<128xi32, #tpu.memory_space<hbm>>
        %dma_start3A_103 = tpu.memref_slice %arg3[%mul3A_80] : memref<327680xi32, #tpu.memory_space<hbm>> -> memref<128xi32, #tpu.memory_space<hbm>>
        tpu.enqueue_dma source(%dma_start3A_103 : memref<128xi32, #tpu.memory_space<hbm>>) target(%arg8 : memref<128xi32, #tpu.memory_space<vmem>>) target_semaphore(%run_scoped3A : memref<!tpu.dma_semaphore, #tpu.memory_space<semaphore_mem>>)
        %dma_wait3A_104 = tpu.memref_slice %arg3[%mul3A_80] : memref<327680xi32, #tpu.memory_space<hbm>> -> memref<128xi32, #tpu.memory_space<hbm>>
        %dma_wait3A_105 = tpu.memref_slice %arg3[%mul3A_80] : memref<327680xi32, #tpu.memory_space<hbm>> -> memref<128xi32, #tpu.memory_space<hbm>>
        tpu.wait_dma2 semaphore(%run_scoped3A : memref<!tpu.dma_semaphore, #tpu.memory_space<semaphore_mem>>) src(%dma_wait3A_105 : memref<128xi32, #tpu.memory_space<hbm>>) dst(%arg8 : memref<128xi32, #tpu.memory_space<vmem>>)
        tpu.yield
      }) : () -> ()
      "tpu.region"() ({
        %run_scoped3A = tpu.sem_alloc : memref<!tpu.dma_semaphore, #tpu.memory_space<semaphore_mem>>
        %dma_start3A_102 = tpu.memref_slice %arg4[%mul3A_80] : memref<327680xi32, #tpu.memory_space<hbm>> -> memref<128xi32, #tpu.memory_space<hbm>>
        %dma_start3A_103 = tpu.memref_slice %arg4[%mul3A_80] : memref<327680xi32, #tpu.memory_space<hbm>> -> memref<128xi32, #tpu.memory_space<hbm>>
        tpu.enqueue_dma source(%dma_start3A_103 : memref<128xi32, #tpu.memory_space<hbm>>) target(%arg9 : memref<128xi32, #tpu.memory_space<vmem>>) target_semaphore(%run_scoped3A : memref<!tpu.dma_semaphore, #tpu.memory_space<semaphore_mem>>)
        %dma_wait3A_104 = tpu.memref_slice %arg4[%mul3A_80] : memref<327680xi32, #tpu.memory_space<hbm>> -> memref<128xi32, #tpu.memory_space<hbm>>
        %dma_wait3A_105 = tpu.memref_slice %arg4[%mul3A_80] : memref<327680xi32, #tpu.memory_space<hbm>> -> memref<128xi32, #tpu.memory_space<hbm>>
        tpu.wait_dma2 semaphore(%run_scoped3A : memref<!tpu.dma_semaphore, #tpu.memory_space<semaphore_mem>>) src(%dma_wait3A_105 : memref<128xi32, #tpu.memory_space<hbm>>) dst(%arg9 : memref<128xi32, #tpu.memory_space<vmem>>)
        tpu.yield
      }) : () -> ()
      "tpu.region"() ({
        %run_scoped3A = tpu.sem_alloc : memref<!tpu.dma_semaphore, #tpu.memory_space<semaphore_mem>>
        %dma_start3A_102 = arith.constant 0 : i32
        %dma_start3A_103 = arith.constant 0 : i32
        %dma_start3A_104 = tpu.memref_slice %arg14[%dma_start3A_102, %dma_start3A_103] : memref<10240x64xf32, #tpu.memory_space<vmem_shared>> -> memref<10240x64xf32, #tpu.memory_space<vmem_shared>>
        tpu.enqueue_indirect_dma source(%dma_start3A_104 : memref<10240x64xf32, #tpu.memory_space<vmem_shared>>) target(%arg12 : memref<128x64xf32, #tpu.memory_space<vmem>>) offsets(%arg8 : memref<128xi32, #tpu.memory_space<vmem>>) semaphore(%run_scoped3A : memref<!tpu.dma_semaphore, #tpu.memory_space<semaphore_mem>>)
        %dma_wait3A_105 = arith.constant 0 : i32
        %dma_wait3A_106 = arith.constant 0 : i32
        %dma_wait3A_107 = tpu.memref_slice %arg14[%dma_wait3A_105, %dma_wait3A_106] : memref<10240x64xf32, #tpu.memory_space<vmem_shared>> -> memref<10240x64xf32, #tpu.memory_space<vmem_shared>>
        tpu.wait_indirect_dma semaphore(%run_scoped3A : memref<!tpu.dma_semaphore, #tpu.memory_space<semaphore_mem>>) src(%dma_wait3A_107 : memref<10240x64xf32, #tpu.memory_space<vmem_shared>>) dst(%arg12 : memref<128x64xf32, #tpu.memory_space<vmem>>)
        tpu.yield
      }) : () -> ()
      %dma_start3A_84 = arith.constant 0 : i32
      %dma_start3A_85 = arith.constant 0 : i32
      %dma_start3A_86 = tpu.memref_slice %arg15[%dma_start3A_84, %dma_start3A_85] : memref<10240x64xf32, #tpu.memory_space<vmem_shared>> -> memref<10240x64xf32, #tpu.memory_space<vmem_shared>>
      tpu.enqueue_indirect_dma source(%arg12 : memref<128x64xf32, #tpu.memory_space<vmem>>) target(%dma_start3A_86 : memref<10240x64xf32, #tpu.memory_space<vmem_shared>>) offsets(%arg9 : memref<128xi32, #tpu.memory_space<vmem>>) semaphore(%arg16 : memref<!tpu.dma_semaphore, #tpu.memory_space<semaphore_mem>>) {add = true}
      %mul3A_87 = arith.constant 2 : i32
      %mul3A_88 = arith.muli %mul3A_87, %scan3A_71 : i32
      %add3A_89 = arith.constant 3 : i32
      %add3A_90 = arith.addi %mul3A_88, %add3A_89 : i32
      %mul3A_91 = arith.constant 80 : i32
      %mul3A_92 = arith.muli %add3A, %mul3A_91 : i32
      %add3A_93 = arith.addi %mul3A_92, %add3A_90 : i32
      %mul3A_94 = arith.constant 128 : i32
      %mul3A_95 = arith.muli %add3A_93, %mul3A_94 : i32
      %dma_wait3A_96 = arith.constant 0 : i32
      %dma_wait3A_97 = arith.constant 0 : i32
      %dma_wait3A_98 = tpu.memref_slice %arg15[%dma_wait3A_96, %dma_wait3A_97] : memref<10240x64xf32, #tpu.memory_space<vmem_shared>> -> memref<10240x64xf32, #tpu.memory_space<vmem_shared>>
      tpu.wait_indirect_dma semaphore(%arg17 : memref<!tpu.dma_semaphore, #tpu.memory_space<semaphore_mem>>) src(%arg13 : memref<128x64xf32, #tpu.memory_space<vmem>>) dst(%dma_wait3A_98 : memref<10240x64xf32, #tpu.memory_space<vmem_shared>>)
      "tpu.region"() ({
        %run_scoped3A = tpu.sem_alloc : memref<!tpu.dma_semaphore, #tpu.memory_space<semaphore_mem>>
        %dma_start3A_102 = tpu.memref_slice %arg3[%mul3A_95] : memref<327680xi32, #tpu.memory_space<hbm>> -> memref<128xi32, #tpu.memory_space<hbm>>
        %dma_start3A_103 = tpu.memref_slice %arg3[%mul3A_95] : memref<327680xi32, #tpu.memory_space<hbm>> -> memref<128xi32, #tpu.memory_space<hbm>>
        tpu.enqueue_dma source(%dma_start3A_103 : memref<128xi32, #tpu.memory_space<hbm>>) target(%arg8 : memref<128xi32, #tpu.memory_space<vmem>>) target_semaphore(%run_scoped3A : memref<!tpu.dma_semaphore, #tpu.memory_space<semaphore_mem>>)
        %dma_wait3A_104 = tpu.memref_slice %arg3[%mul3A_95] : memref<327680xi32, #tpu.memory_space<hbm>> -> memref<128xi32, #tpu.memory_space<hbm>>
        %dma_wait3A_105 = tpu.memref_slice %arg3[%mul3A_95] : memref<327680xi32, #tpu.memory_space<hbm>> -> memref<128xi32, #tpu.memory_space<hbm>>
        tpu.wait_dma2 semaphore(%run_scoped3A : memref<!tpu.dma_semaphore, #tpu.memory_space<semaphore_mem>>) src(%dma_wait3A_105 : memref<128xi32, #tpu.memory_space<hbm>>) dst(%arg8 : memref<128xi32, #tpu.memory_space<vmem>>)
        tpu.yield
      }) : () -> ()
      "tpu.region"() ({
        %run_scoped3A = tpu.sem_alloc : memref<!tpu.dma_semaphore, #tpu.memory_space<semaphore_mem>>
        %dma_start3A_102 = tpu.memref_slice %arg4[%mul3A_95] : memref<327680xi32, #tpu.memory_space<hbm>> -> memref<128xi32, #tpu.memory_space<hbm>>
        %dma_start3A_103 = tpu.memref_slice %arg4[%mul3A_95] : memref<327680xi32, #tpu.memory_space<hbm>> -> memref<128xi32, #tpu.memory_space<hbm>>
        tpu.enqueue_dma source(%dma_start3A_103 : memref<128xi32, #tpu.memory_space<hbm>>) target(%arg10 : memref<128xi32, #tpu.memory_space<vmem>>) target_semaphore(%run_scoped3A : memref<!tpu.dma_semaphore, #tpu.memory_space<semaphore_mem>>)
        %dma_wait3A_104 = tpu.memref_slice %arg4[%mul3A_95] : memref<327680xi32, #tpu.memory_space<hbm>> -> memref<128xi32, #tpu.memory_space<hbm>>
        %dma_wait3A_105 = tpu.memref_slice %arg4[%mul3A_95] : memref<327680xi32, #tpu.memory_space<hbm>> -> memref<128xi32, #tpu.memory_space<hbm>>
        tpu.wait_dma2 semaphore(%run_scoped3A : memref<!tpu.dma_semaphore, #tpu.memory_space<semaphore_mem>>) src(%dma_wait3A_105 : memref<128xi32, #tpu.memory_space<hbm>>) dst(%arg10 : memref<128xi32, #tpu.memory_space<vmem>>)
        tpu.yield
      }) : () -> ()
      "tpu.region"() ({
        %run_scoped3A = tpu.sem_alloc : memref<!tpu.dma_semaphore, #tpu.memory_space<semaphore_mem>>
        %dma_start3A_102 = arith.constant 0 : i32
        %dma_start3A_103 = arith.constant 0 : i32
        %dma_start3A_104 = tpu.memref_slice %arg14[%dma_start3A_102, %dma_start3A_103] : memref<10240x64xf32, #tpu.memory_space<vmem_shared>> -> memref<10240x64xf32, #tpu.memory_space<vmem_shared>>
        tpu.enqueue_indirect_dma source(%dma_start3A_104 : memref<10240x64xf32, #tpu.memory_space<vmem_shared>>) target(%arg13 : memref<128x64xf32, #tpu.memory_space<vmem>>) offsets(%arg8 : memref<128xi32, #tpu.memory_space<vmem>>) semaphore(%run_scoped3A : memref<!tpu.dma_semaphore, #tpu.memory_space<semaphore_mem>>)
        %dma_wait3A_105 = arith.constant 0 : i32
        %dma_wait3A_106 = arith.constant 0 : i32
        %dma_wait3A_107 = tpu.memref_slice %arg14[%dma_wait3A_105, %dma_wait3A_106] : memref<10240x64xf32, #tpu.memory_space<vmem_shared>> -> memref<10240x64xf32, #tpu.memory_space<vmem_shared>>
        tpu.wait_indirect_dma semaphore(%run_scoped3A : memref<!tpu.dma_semaphore, #tpu.memory_space<semaphore_mem>>) src(%dma_wait3A_107 : memref<10240x64xf32, #tpu.memory_space<vmem_shared>>) dst(%arg13 : memref<128x64xf32, #tpu.memory_space<vmem>>)
        tpu.yield
      }) : () -> ()
      %dma_start3A_99 = arith.constant 0 : i32
      %dma_start3A_100 = arith.constant 0 : i32
      %dma_start3A_101 = tpu.memref_slice %arg15[%dma_start3A_99, %dma_start3A_100] : memref<10240x64xf32, #tpu.memory_space<vmem_shared>> -> memref<10240x64xf32, #tpu.memory_space<vmem_shared>>
      tpu.enqueue_indirect_dma source(%arg13 : memref<128x64xf32, #tpu.memory_space<vmem>>) target(%dma_start3A_101 : memref<10240x64xf32, #tpu.memory_space<vmem_shared>>) offsets(%arg10 : memref<128xi32, #tpu.memory_space<vmem>>) semaphore(%arg17 : memref<!tpu.dma_semaphore, #tpu.memory_space<semaphore_mem>>) {add = true}
    }
    %scan3A_44 = arith.constant 39 : i32
    %dma_wait3A = arith.constant 0 : i32
    %dma_wait3A_45 = arith.constant 0 : i32
    %dma_wait3A_46 = tpu.memref_slice %arg15[%dma_wait3A, %dma_wait3A_45] : memref<10240x64xf32, #tpu.memory_space<vmem_shared>> -> memref<10240x64xf32, #tpu.memory_space<vmem_shared>>
    tpu.wait_indirect_dma semaphore(%arg16 : memref<!tpu.dma_semaphore, #tpu.memory_space<semaphore_mem>>) src(%arg12 : memref<128x64xf32, #tpu.memory_space<vmem>>) dst(%dma_wait3A_46 : memref<10240x64xf32, #tpu.memory_space<vmem_shared>>)
    %dma_wait3A_47 = arith.constant 0 : i32
    %dma_wait3A_48 = arith.constant 0 : i32
    %dma_wait3A_49 = tpu.memref_slice %arg15[%dma_wait3A_47, %dma_wait3A_48] : memref<10240x64xf32, #tpu.memory_space<vmem_shared>> -> memref<10240x64xf32, #tpu.memory_space<vmem_shared>>
    tpu.wait_indirect_dma semaphore(%arg17 : memref<!tpu.dma_semaphore, #tpu.memory_space<semaphore_mem>>) src(%arg13 : memref<128x64xf32, #tpu.memory_space<vmem>>) dst(%dma_wait3A_49 : memref<10240x64xf32, #tpu.memory_space<vmem_shared>>)
    %barrier3A_50 = arith.constant 0 : index
    tpu.barrier barrier_id(%barrier3A_50)
    %mul3A_51 = arith.constant 640 : i32
    %mul3A_52 = arith.muli %arg1, %mul3A_51 : i32
    %add3A_53 = arith.constant 0 : i32
    %add3A_54 = arith.addi %mul3A_52, %add3A_53 : i32
    "tpu.region"() ({
      %run_scoped3A = tpu.sem_alloc : memref<!tpu.dma_semaphore, #tpu.memory_space<semaphore_mem>>
      %dma_start3A_71 = tpu.memref_slice %arg6[%add3A_54] : memref<10240xi32, #tpu.memory_space<hbm>> -> memref<128xi32, #tpu.memory_space<hbm>>
      %dma_start3A_72 = tpu.memref_slice %arg6[%add3A_54] : memref<10240xi32, #tpu.memory_space<hbm>> -> memref<128xi32, #tpu.memory_space<hbm>>
      tpu.enqueue_dma source(%dma_start3A_72 : memref<128xi32, #tpu.memory_space<hbm>>) target(%arg11 : memref<128xi32, #tpu.memory_space<vmem>>) target_semaphore(%run_scoped3A : memref<!tpu.dma_semaphore, #tpu.memory_space<semaphore_mem>>)
      %dma_wait3A_73 = tpu.memref_slice %arg6[%add3A_54] : memref<10240xi32, #tpu.memory_space<hbm>> -> memref<128xi32, #tpu.memory_space<hbm>>
      %dma_wait3A_74 = tpu.memref_slice %arg6[%add3A_54] : memref<10240xi32, #tpu.memory_space<hbm>> -> memref<128xi32, #tpu.memory_space<hbm>>
      tpu.wait_dma2 semaphore(%run_scoped3A : memref<!tpu.dma_semaphore, #tpu.memory_space<semaphore_mem>>) src(%dma_wait3A_74 : memref<128xi32, #tpu.memory_space<hbm>>) dst(%arg11 : memref<128xi32, #tpu.memory_space<vmem>>)
      tpu.yield
    }) : () -> ()
    "tpu.region"() ({
      %run_scoped3A = tpu.sem_alloc : memref<!tpu.dma_semaphore, #tpu.memory_space<semaphore_mem>>
      %dma_start3A_71 = arith.constant 0 : i32
      %dma_start3A_72 = arith.constant 0 : i32
      %dma_start3A_73 = tpu.memref_slice %arg15[%dma_start3A_71, %dma_start3A_72] : memref<10240x64xf32, #tpu.memory_space<vmem_shared>> -> memref<10240x64xf32, #tpu.memory_space<vmem_shared>>
      tpu.enqueue_indirect_dma source(%dma_start3A_73 : memref<10240x64xf32, #tpu.memory_space<vmem_shared>>) target(%arg12 : memref<128x64xf32, #tpu.memory_space<vmem>>) offsets(%arg11 : memref<128xi32, #tpu.memory_space<vmem>>) semaphore(%run_scoped3A : memref<!tpu.dma_semaphore, #tpu.memory_space<semaphore_mem>>)
      %dma_wait3A_74 = arith.constant 0 : i32
      %dma_wait3A_75 = arith.constant 0 : i32
      %dma_wait3A_76 = tpu.memref_slice %arg15[%dma_wait3A_74, %dma_wait3A_75] : memref<10240x64xf32, #tpu.memory_space<vmem_shared>> -> memref<10240x64xf32, #tpu.memory_space<vmem_shared>>
      tpu.wait_indirect_dma semaphore(%run_scoped3A : memref<!tpu.dma_semaphore, #tpu.memory_space<semaphore_mem>>) src(%dma_wait3A_76 : memref<10240x64xf32, #tpu.memory_space<vmem_shared>>) dst(%arg12 : memref<128x64xf32, #tpu.memory_space<vmem>>)
      tpu.yield
    }) : () -> ()
    "tpu.region"() ({
      %run_scoped3A = tpu.sem_alloc : memref<!tpu.dma_semaphore, #tpu.memory_space<semaphore_mem>>
      %dma_start3A_71 = tpu.memref_slice %arg7[%add3A_54, %mul3A_2] : memref<10240x128xf32, #tpu.memory_space<hbm>> -> memref<128x64xf32, #tpu.memory_space<hbm>>
      %dma_start3A_72 = tpu.memref_slice %arg7[%add3A_54, %mul3A_2] : memref<10240x128xf32, #tpu.memory_space<hbm>> -> memref<128x64xf32, #tpu.memory_space<hbm>>
      tpu.enqueue_dma source(%arg12 : memref<128x64xf32, #tpu.memory_space<vmem>>) target(%dma_start3A_72 : memref<128x64xf32, #tpu.memory_space<hbm>>) target_semaphore(%run_scoped3A : memref<!tpu.dma_semaphore, #tpu.memory_space<semaphore_mem>>)
      %dma_wait3A_73 = tpu.memref_slice %arg7[%add3A_54, %mul3A_2] : memref<10240x128xf32, #tpu.memory_space<hbm>> -> memref<128x64xf32, #tpu.memory_space<hbm>>
      %dma_wait3A_74 = tpu.memref_slice %arg7[%add3A_54, %mul3A_2] : memref<10240x128xf32, #tpu.memory_space<hbm>> -> memref<128x64xf32, #tpu.memory_space<hbm>>
      tpu.wait_dma2 semaphore(%run_scoped3A : memref<!tpu.dma_semaphore, #tpu.memory_space<semaphore_mem>>) src(%arg12 : memref<128x64xf32, #tpu.memory_space<vmem>>) dst(%dma_wait3A_74 : memref<128x64xf32, #tpu.memory_space<hbm>>)
      tpu.yield
    }) : () -> ()
    %mul3A_55 = arith.constant 640 : i32
    %mul3A_56 = arith.muli %arg1, %mul3A_55 : i32
    %add3A_57 = arith.constant 128 : i32
    %add3A_58 = arith.addi %mul3A_56, %add3A_57 : i32
    "tpu.region"() ({
      %run_scoped3A = tpu.sem_alloc : memref<!tpu.dma_semaphore, #tpu.memory_space<semaphore_mem>>
      %dma_start3A_71 = tpu.memref_slice %arg6[%add3A_58] : memref<10240xi32, #tpu.memory_space<hbm>> -> memref<128xi32, #tpu.memory_space<hbm>>
      %dma_start3A_72 = tpu.memref_slice %arg6[%add3A_58] : memref<10240xi32, #tpu.memory_space<hbm>> -> memref<128xi32, #tpu.memory_space<hbm>>
      tpu.enqueue_dma source(%dma_start3A_72 : memref<128xi32, #tpu.memory_space<hbm>>) target(%arg11 : memref<128xi32, #tpu.memory_space<vmem>>) target_semaphore(%run_scoped3A : memref<!tpu.dma_semaphore, #tpu.memory_space<semaphore_mem>>)
      %dma_wait3A_73 = tpu.memref_slice %arg6[%add3A_58] : memref<10240xi32, #tpu.memory_space<hbm>> -> memref<128xi32, #tpu.memory_space<hbm>>
      %dma_wait3A_74 = tpu.memref_slice %arg6[%add3A_58] : memref<10240xi32, #tpu.memory_space<hbm>> -> memref<128xi32, #tpu.memory_space<hbm>>
      tpu.wait_dma2 semaphore(%run_scoped3A : memref<!tpu.dma_semaphore, #tpu.memory_space<semaphore_mem>>) src(%dma_wait3A_74 : memref<128xi32, #tpu.memory_space<hbm>>) dst(%arg11 : memref<128xi32, #tpu.memory_space<vmem>>)
      tpu.yield
    }) : () -> ()
    "tpu.region"() ({
      %run_scoped3A = tpu.sem_alloc : memref<!tpu.dma_semaphore, #tpu.memory_space<semaphore_mem>>
      %dma_start3A_71 = arith.constant 0 : i32
      %dma_start3A_72 = arith.constant 0 : i32
      %dma_start3A_73 = tpu.memref_slice %arg15[%dma_start3A_71, %dma_start3A_72] : memref<10240x64xf32, #tpu.memory_space<vmem_shared>> -> memref<10240x64xf32, #tpu.memory_space<vmem_shared>>
      tpu.enqueue_indirect_dma source(%dma_start3A_73 : memref<10240x64xf32, #tpu.memory_space<vmem_shared>>) target(%arg12 : memref<128x64xf32, #tpu.memory_space<vmem>>) offsets(%arg11 : memref<128xi32, #tpu.memory_space<vmem>>) semaphore(%run_scoped3A : memref<!tpu.dma_semaphore, #tpu.memory_space<semaphore_mem>>)
      %dma_wait3A_74 = arith.constant 0 : i32
      %dma_wait3A_75 = arith.constant 0 : i32
      %dma_wait3A_76 = tpu.memref_slice %arg15[%dma_wait3A_74, %dma_wait3A_75] : memref<10240x64xf32, #tpu.memory_space<vmem_shared>> -> memref<10240x64xf32, #tpu.memory_space<vmem_shared>>
      tpu.wait_indirect_dma semaphore(%run_scoped3A : memref<!tpu.dma_semaphore, #tpu.memory_space<semaphore_mem>>) src(%dma_wait3A_76 : memref<10240x64xf32, #tpu.memory_space<vmem_shared>>) dst(%arg12 : memref<128x64xf32, #tpu.memory_space<vmem>>)
      tpu.yield
    }) : () -> ()
    "tpu.region"() ({
      %run_scoped3A = tpu.sem_alloc : memref<!tpu.dma_semaphore, #tpu.memory_space<semaphore_mem>>
      %dma_start3A_71 = tpu.memref_slice %arg7[%add3A_58, %mul3A_2] : memref<10240x128xf32, #tpu.memory_space<hbm>> -> memref<128x64xf32, #tpu.memory_space<hbm>>
      %dma_start3A_72 = tpu.memref_slice %arg7[%add3A_58, %mul3A_2] : memref<10240x128xf32, #tpu.memory_space<hbm>> -> memref<128x64xf32, #tpu.memory_space<hbm>>
      tpu.enqueue_dma source(%arg12 : memref<128x64xf32, #tpu.memory_space<vmem>>) target(%dma_start3A_72 : memref<128x64xf32, #tpu.memory_space<hbm>>) target_semaphore(%run_scoped3A : memref<!tpu.dma_semaphore, #tpu.memory_space<semaphore_mem>>)
      %dma_wait3A_73 = tpu.memref_slice %arg7[%add3A_58, %mul3A_2] : memref<10240x128xf32, #tpu.memory_space<hbm>> -> memref<128x64xf32, #tpu.memory_space<hbm>>
      %dma_wait3A_74 = tpu.memref_slice %arg7[%add3A_58, %mul3A_2] : memref<10240x128xf32, #tpu.memory_space<hbm>> -> memref<128x64xf32, #tpu.memory_space<hbm>>
      tpu.wait_dma2 semaphore(%run_scoped3A : memref<!tpu.dma_semaphore, #tpu.memory_space<semaphore_mem>>) src(%arg12 : memref<128x64xf32, #tpu.memory_space<vmem>>) dst(%dma_wait3A_74 : memref<128x64xf32, #tpu.memory_space<hbm>>)
      tpu.yield
    }) : () -> ()
    %mul3A_59 = arith.constant 640 : i32
    %mul3A_60 = arith.muli %arg1, %mul3A_59 : i32
    %add3A_61 = arith.constant 256 : i32
    %add3A_62 = arith.addi %mul3A_60, %add3A_61 : i32
    "tpu.region"() ({
      %run_scoped3A = tpu.sem_alloc : memref<!tpu.dma_semaphore, #tpu.memory_space<semaphore_mem>>
      %dma_start3A_71 = tpu.memref_slice %arg6[%add3A_62] : memref<10240xi32, #tpu.memory_space<hbm>> -> memref<128xi32, #tpu.memory_space<hbm>>
      %dma_start3A_72 = tpu.memref_slice %arg6[%add3A_62] : memref<10240xi32, #tpu.memory_space<hbm>> -> memref<128xi32, #tpu.memory_space<hbm>>
      tpu.enqueue_dma source(%dma_start3A_72 : memref<128xi32, #tpu.memory_space<hbm>>) target(%arg11 : memref<128xi32, #tpu.memory_space<vmem>>) target_semaphore(%run_scoped3A : memref<!tpu.dma_semaphore, #tpu.memory_space<semaphore_mem>>)
      %dma_wait3A_73 = tpu.memref_slice %arg6[%add3A_62] : memref<10240xi32, #tpu.memory_space<hbm>> -> memref<128xi32, #tpu.memory_space<hbm>>
      %dma_wait3A_74 = tpu.memref_slice %arg6[%add3A_62] : memref<10240xi32, #tpu.memory_space<hbm>> -> memref<128xi32, #tpu.memory_space<hbm>>
      tpu.wait_dma2 semaphore(%run_scoped3A : memref<!tpu.dma_semaphore, #tpu.memory_space<semaphore_mem>>) src(%dma_wait3A_74 : memref<128xi32, #tpu.memory_space<hbm>>) dst(%arg11 : memref<128xi32, #tpu.memory_space<vmem>>)
      tpu.yield
    }) : () -> ()
    "tpu.region"() ({
      %run_scoped3A = tpu.sem_alloc : memref<!tpu.dma_semaphore, #tpu.memory_space<semaphore_mem>>
      %dma_start3A_71 = arith.constant 0 : i32
      %dma_start3A_72 = arith.constant 0 : i32
      %dma_start3A_73 = tpu.memref_slice %arg15[%dma_start3A_71, %dma_start3A_72] : memref<10240x64xf32, #tpu.memory_space<vmem_shared>> -> memref<10240x64xf32, #tpu.memory_space<vmem_shared>>
      tpu.enqueue_indirect_dma source(%dma_start3A_73 : memref<10240x64xf32, #tpu.memory_space<vmem_shared>>) target(%arg12 : memref<128x64xf32, #tpu.memory_space<vmem>>) offsets(%arg11 : memref<128xi32, #tpu.memory_space<vmem>>) semaphore(%run_scoped3A : memref<!tpu.dma_semaphore, #tpu.memory_space<semaphore_mem>>)
      %dma_wait3A_74 = arith.constant 0 : i32
      %dma_wait3A_75 = arith.constant 0 : i32
      %dma_wait3A_76 = tpu.memref_slice %arg15[%dma_wait3A_74, %dma_wait3A_75] : memref<10240x64xf32, #tpu.memory_space<vmem_shared>> -> memref<10240x64xf32, #tpu.memory_space<vmem_shared>>
      tpu.wait_indirect_dma semaphore(%run_scoped3A : memref<!tpu.dma_semaphore, #tpu.memory_space<semaphore_mem>>) src(%dma_wait3A_76 : memref<10240x64xf32, #tpu.memory_space<vmem_shared>>) dst(%arg12 : memref<128x64xf32, #tpu.memory_space<vmem>>)
      tpu.yield
    }) : () -> ()
    "tpu.region"() ({
      %run_scoped3A = tpu.sem_alloc : memref<!tpu.dma_semaphore, #tpu.memory_space<semaphore_mem>>
      %dma_start3A_71 = tpu.memref_slice %arg7[%add3A_62, %mul3A_2] : memref<10240x128xf32, #tpu.memory_space<hbm>> -> memref<128x64xf32, #tpu.memory_space<hbm>>
      %dma_start3A_72 = tpu.memref_slice %arg7[%add3A_62, %mul3A_2] : memref<10240x128xf32, #tpu.memory_space<hbm>> -> memref<128x64xf32, #tpu.memory_space<hbm>>
      tpu.enqueue_dma source(%arg12 : memref<128x64xf32, #tpu.memory_space<vmem>>) target(%dma_start3A_72 : memref<128x64xf32, #tpu.memory_space<hbm>>) target_semaphore(%run_scoped3A : memref<!tpu.dma_semaphore, #tpu.memory_space<semaphore_mem>>)
      %dma_wait3A_73 = tpu.memref_slice %arg7[%add3A_62, %mul3A_2] : memref<10240x128xf32, #tpu.memory_space<hbm>> -> memref<128x64xf32, #tpu.memory_space<hbm>>
      %dma_wait3A_74 = tpu.memref_slice %arg7[%add3A_62, %mul3A_2] : memref<10240x128xf32, #tpu.memory_space<hbm>> -> memref<128x64xf32, #tpu.memory_space<hbm>>
      tpu.wait_dma2 semaphore(%run_scoped3A : memref<!tpu.dma_semaphore, #tpu.memory_space<semaphore_mem>>) src(%arg12 : memref<128x64xf32, #tpu.memory_space<vmem>>) dst(%dma_wait3A_74 : memref<128x64xf32, #tpu.memory_space<hbm>>)
      tpu.yield
    }) : () -> ()
    %mul3A_63 = arith.constant 640 : i32
    %mul3A_64 = arith.muli %arg1, %mul3A_63 : i32
    %add3A_65 = arith.constant 384 : i32
    %add3A_66 = arith.addi %mul3A_64, %add3A_65 : i32
    "tpu.region"() ({
      %run_scoped3A = tpu.sem_alloc : memref<!tpu.dma_semaphore, #tpu.memory_space<semaphore_mem>>
      %dma_start3A_71 = tpu.memref_slice %arg6[%add3A_66] : memref<10240xi32, #tpu.memory_space<hbm>> -> memref<128xi32, #tpu.memory_space<hbm>>
      %dma_start3A_72 = tpu.memref_slice %arg6[%add3A_66] : memref<10240xi32, #tpu.memory_space<hbm>> -> memref<128xi32, #tpu.memory_space<hbm>>
      tpu.enqueue_dma source(%dma_start3A_72 : memref<128xi32, #tpu.memory_space<hbm>>) target(%arg11 : memref<128xi32, #tpu.memory_space<vmem>>) target_semaphore(%run_scoped3A : memref<!tpu.dma_semaphore, #tpu.memory_space<semaphore_mem>>)
      %dma_wait3A_73 = tpu.memref_slice %arg6[%add3A_66] : memref<10240xi32, #tpu.memory_space<hbm>> -> memref<128xi32, #tpu.memory_space<hbm>>
      %dma_wait3A_74 = tpu.memref_slice %arg6[%add3A_66] : memref<10240xi32, #tpu.memory_space<hbm>> -> memref<128xi32, #tpu.memory_space<hbm>>
      tpu.wait_dma2 semaphore(%run_scoped3A : memref<!tpu.dma_semaphore, #tpu.memory_space<semaphore_mem>>) src(%dma_wait3A_74 : memref<128xi32, #tpu.memory_space<hbm>>) dst(%arg11 : memref<128xi32, #tpu.memory_space<vmem>>)
      tpu.yield
    }) : () -> ()
    "tpu.region"() ({
      %run_scoped3A = tpu.sem_alloc : memref<!tpu.dma_semaphore, #tpu.memory_space<semaphore_mem>>
      %dma_start3A_71 = arith.constant 0 : i32
      %dma_start3A_72 = arith.constant 0 : i32
      %dma_start3A_73 = tpu.memref_slice %arg15[%dma_start3A_71, %dma_start3A_72] : memref<10240x64xf32, #tpu.memory_space<vmem_shared>> -> memref<10240x64xf32, #tpu.memory_space<vmem_shared>>
      tpu.enqueue_indirect_dma source(%dma_start3A_73 : memref<10240x64xf32, #tpu.memory_space<vmem_shared>>) target(%arg12 : memref<128x64xf32, #tpu.memory_space<vmem>>) offsets(%arg11 : memref<128xi32, #tpu.memory_space<vmem>>) semaphore(%run_scoped3A : memref<!tpu.dma_semaphore, #tpu.memory_space<semaphore_mem>>)
      %dma_wait3A_74 = arith.constant 0 : i32
      %dma_wait3A_75 = arith.constant 0 : i32
      %dma_wait3A_76 = tpu.memref_slice %arg15[%dma_wait3A_74, %dma_wait3A_75] : memref<10240x64xf32, #tpu.memory_space<vmem_shared>> -> memref<10240x64xf32, #tpu.memory_space<vmem_shared>>
      tpu.wait_indirect_dma semaphore(%run_scoped3A : memref<!tpu.dma_semaphore, #tpu.memory_space<semaphore_mem>>) src(%dma_wait3A_76 : memref<10240x64xf32, #tpu.memory_space<vmem_shared>>) dst(%arg12 : memref<128x64xf32, #tpu.memory_space<vmem>>)
      tpu.yield
    }) : () -> ()
    "tpu.region"() ({
      %run_scoped3A = tpu.sem_alloc : memref<!tpu.dma_semaphore, #tpu.memory_space<semaphore_mem>>
      %dma_start3A_71 = tpu.memref_slice %arg7[%add3A_66, %mul3A_2] : memref<10240x128xf32, #tpu.memory_space<hbm>> -> memref<128x64xf32, #tpu.memory_space<hbm>>
      %dma_start3A_72 = tpu.memref_slice %arg7[%add3A_66, %mul3A_2] : memref<10240x128xf32, #tpu.memory_space<hbm>> -> memref<128x64xf32, #tpu.memory_space<hbm>>
      tpu.enqueue_dma source(%arg12 : memref<128x64xf32, #tpu.memory_space<vmem>>) target(%dma_start3A_72 : memref<128x64xf32, #tpu.memory_space<hbm>>) target_semaphore(%run_scoped3A : memref<!tpu.dma_semaphore, #tpu.memory_space<semaphore_mem>>)
      %dma_wait3A_73 = tpu.memref_slice %arg7[%add3A_66, %mul3A_2] : memref<10240x128xf32, #tpu.memory_space<hbm>> -> memref<128x64xf32, #tpu.memory_space<hbm>>
      %dma_wait3A_74 = tpu.memref_slice %arg7[%add3A_66, %mul3A_2] : memref<10240x128xf32, #tpu.memory_space<hbm>> -> memref<128x64xf32, #tpu.memory_space<hbm>>
      tpu.wait_dma2 semaphore(%run_scoped3A : memref<!tpu.dma_semaphore, #tpu.memory_space<semaphore_mem>>) src(%arg12 : memref<128x64xf32, #tpu.memory_space<vmem>>) dst(%dma_wait3A_74 : memref<128x64xf32, #tpu.memory_space<hbm>>)
      tpu.yield
    }) : () -> ()
    %mul3A_67 = arith.constant 640 : i32
    %mul3A_68 = arith.muli %arg1, %mul3A_67 : i32
    %add3A_69 = arith.constant 512 : i32
    %add3A_70 = arith.addi %mul3A_68, %add3A_69 : i32
    "tpu.region"() ({
      %run_scoped3A = tpu.sem_alloc : memref<!tpu.dma_semaphore, #tpu.memory_space<semaphore_mem>>
      %dma_start3A_71 = tpu.memref_slice %arg6[%add3A_70] : memref<10240xi32, #tpu.memory_space<hbm>> -> memref<128xi32, #tpu.memory_space<hbm>>
      %dma_start3A_72 = tpu.memref_slice %arg6[%add3A_70] : memref<10240xi32, #tpu.memory_space<hbm>> -> memref<128xi32, #tpu.memory_space<hbm>>
      tpu.enqueue_dma source(%dma_start3A_72 : memref<128xi32, #tpu.memory_space<hbm>>) target(%arg11 : memref<128xi32, #tpu.memory_space<vmem>>) target_semaphore(%run_scoped3A : memref<!tpu.dma_semaphore, #tpu.memory_space<semaphore_mem>>)
      %dma_wait3A_73 = tpu.memref_slice %arg6[%add3A_70] : memref<10240xi32, #tpu.memory_space<hbm>> -> memref<128xi32, #tpu.memory_space<hbm>>
      %dma_wait3A_74 = tpu.memref_slice %arg6[%add3A_70] : memref<10240xi32, #tpu.memory_space<hbm>> -> memref<128xi32, #tpu.memory_space<hbm>>
      tpu.wait_dma2 semaphore(%run_scoped3A : memref<!tpu.dma_semaphore, #tpu.memory_space<semaphore_mem>>) src(%dma_wait3A_74 : memref<128xi32, #tpu.memory_space<hbm>>) dst(%arg11 : memref<128xi32, #tpu.memory_space<vmem>>)
      tpu.yield
    }) : () -> ()
    "tpu.region"() ({
      %run_scoped3A = tpu.sem_alloc : memref<!tpu.dma_semaphore, #tpu.memory_space<semaphore_mem>>
      %dma_start3A_71 = arith.constant 0 : i32
      %dma_start3A_72 = arith.constant 0 : i32
      %dma_start3A_73 = tpu.memref_slice %arg15[%dma_start3A_71, %dma_start3A_72] : memref<10240x64xf32, #tpu.memory_space<vmem_shared>> -> memref<10240x64xf32, #tpu.memory_space<vmem_shared>>
      tpu.enqueue_indirect_dma source(%dma_start3A_73 : memref<10240x64xf32, #tpu.memory_space<vmem_shared>>) target(%arg12 : memref<128x64xf32, #tpu.memory_space<vmem>>) offsets(%arg11 : memref<128xi32, #tpu.memory_space<vmem>>) semaphore(%run_scoped3A : memref<!tpu.dma_semaphore, #tpu.memory_space<semaphore_mem>>)
      %dma_wait3A_74 = arith.constant 0 : i32
      %dma_wait3A_75 = arith.constant 0 : i32
      %dma_wait3A_76 = tpu.memref_slice %arg15[%dma_wait3A_74, %dma_wait3A_75] : memref<10240x64xf32, #tpu.memory_space<vmem_shared>> -> memref<10240x64xf32, #tpu.memory_space<vmem_shared>>
      tpu.wait_indirect_dma semaphore(%run_scoped3A : memref<!tpu.dma_semaphore, #tpu.memory_space<semaphore_mem>>) src(%dma_wait3A_76 : memref<10240x64xf32, #tpu.memory_space<vmem_shared>>) dst(%arg12 : memref<128x64xf32, #tpu.memory_space<vmem>>)
      tpu.yield
    }) : () -> ()
    "tpu.region"() ({
      %run_scoped3A = tpu.sem_alloc : memref<!tpu.dma_semaphore, #tpu.memory_space<semaphore_mem>>
      %dma_start3A_71 = tpu.memref_slice %arg7[%add3A_70, %mul3A_2] : memref<10240x128xf32, #tpu.memory_space<hbm>> -> memref<128x64xf32, #tpu.memory_space<hbm>>
      %dma_start3A_72 = tpu.memref_slice %arg7[%add3A_70, %mul3A_2] : memref<10240x128xf32, #tpu.memory_space<hbm>> -> memref<128x64xf32, #tpu.memory_space<hbm>>
      tpu.enqueue_dma source(%arg12 : memref<128x64xf32, #tpu.memory_space<vmem>>) target(%dma_start3A_72 : memref<128x64xf32, #tpu.memory_space<hbm>>) target_semaphore(%run_scoped3A : memref<!tpu.dma_semaphore, #tpu.memory_space<semaphore_mem>>)
      %dma_wait3A_73 = tpu.memref_slice %arg7[%add3A_70, %mul3A_2] : memref<10240x128xf32, #tpu.memory_space<hbm>> -> memref<128x64xf32, #tpu.memory_space<hbm>>
      %dma_wait3A_74 = tpu.memref_slice %arg7[%add3A_70, %mul3A_2] : memref<10240x128xf32, #tpu.memory_space<hbm>> -> memref<128x64xf32, #tpu.memory_space<hbm>>
      tpu.wait_dma2 semaphore(%run_scoped3A : memref<!tpu.dma_semaphore, #tpu.memory_space<semaphore_mem>>) src(%arg12 : memref<128x64xf32, #tpu.memory_space<vmem>>) dst(%dma_wait3A_74 : memref<128x64xf32, #tpu.memory_space<hbm>>)
      tpu.yield
    }) : () -> ()
    return
  }
}

#map = affine_map<(d0, d1) -> (0, 0)>
#map1 = affine_map<(d0, d1) -> (0)>
module attributes {stable_mosaic.version = 14 : i64} {
  func.func @_prop_body(%arg0: i32, %arg1: i32, %arg2: memref<10240x128xf32, #tpu.memory_space<hbm>>, %arg3: memref<327680xi32, #tpu.memory_space<hbm>>, %arg4: memref<327680xi32, #tpu.memory_space<hbm>>, %arg5: memref<128x128xf32, #tpu.memory_space<hbm>>, %arg6: memref<10240xi32, #tpu.memory_space<hbm>>, %arg7: memref<10240x128xf32, #tpu.memory_space<hbm>>, %arg8: memref<128xi32, #tpu.memory_space<vmem>>, %arg9: memref<128xi32, #tpu.memory_space<vmem>>, %arg10: memref<128xi32, #tpu.memory_space<vmem>>, %arg11: memref<128xi32, #tpu.memory_space<vmem>>, %arg12: memref<128x64xf32, #tpu.memory_space<vmem>>, %arg13: memref<128x64xf32, #tpu.memory_space<vmem>>, %arg14: memref<10240x64xf32, #tpu.memory_space<vmem_shared>>, %arg15: memref<10240x64xf32, #tpu.memory_space<vmem_shared>>, %arg16: memref<!tpu.dma_semaphore, #tpu.memory_space<semaphore_mem>>, %arg17: memref<!tpu.dma_semaphore, #tpu.memory_space<semaphore_mem>>) attributes {dimension_semantics = [#tpu.dimension_semantics<core_parallel>, #tpu.dimension_semantics<subcore_parallel>], iteration_bounds = array<i64: 2, 16>, scalar_prefetch = 0 : i64, scratch_operands = 10 : i64, tpu.core_type = #tpu.core_type<sc_vector_subcore>, window_params = [{transform_indices = #map}, {transform_indices = #map1}, {transform_indices = #map1}, {transform_indices = #map}, {transform_indices = #map1}, {transform_indices = #map}]} {
    %mul3A = arith.constant 16 : i32
    %mul3A_0 = arith.muli %arg0, %mul3A : i32
    %add3A = arith.addi %mul3A_0, %arg1 : i32
    %mul3A_1 = arith.constant 64 : i32
    %mul3A_2 = arith.muli %arg0, %mul3A_1 : i32
    "tpu.region"() ({
      %run_scoped3A = tpu.sem_alloc : memref<!tpu.dma_semaphore, #tpu.memory_space<semaphore_mem>>
      %dma_start3A_71 = arith.constant 0 : i32
      %dma_start3A_72 = arith.constant 0 : i32
      %dma_start3A_73 = tpu.memref_slice %arg5[%dma_start3A_71, %dma_start3A_72] : memref<128x128xf32, #tpu.memory_space<hbm>> -> memref<128x64xf32, #tpu.memory_space<hbm>>
      %dma_start3A_74 = arith.constant 0 : i32
      %dma_start3A_75 = arith.constant 0 : i32
      %dma_start3A_76 = tpu.memref_slice %arg5[%dma_start3A_74, %dma_start3A_75] : memref<128x128xf32, #tpu.memory_space<hbm>> -> memref<128x64xf32, #tpu.memory_space<hbm>>
      tpu.enqueue_dma source(%dma_start3A_76 : memref<128x64xf32, #tpu.memory_space<hbm>>) target(%arg12 : memref<128x64xf32, #tpu.memory_space<vmem>>) target_semaphore(%run_scoped3A : memref<!tpu.dma_semaphore, #tpu.memory_space<semaphore_mem>>)
      %dma_wait3A_77 = arith.constant 0 : i32
      %dma_wait3A_78 = arith.constant 0 : i32
      %dma_wait3A_79 = tpu.memref_slice %arg5[%dma_wait3A_77, %dma_wait3A_78] : memref<128x128xf32, #tpu.memory_space<hbm>> -> memref<128x64xf32, #tpu.memory_space<hbm>>
      %dma_wait3A_80 = arith.constant 0 : i32
      %dma_wait3A_81 = arith.constant 0 : i32
      %dma_wait3A_82 = tpu.memref_slice %arg5[%dma_wait3A_80, %dma_wait3A_81] : memref<128x128xf32, #tpu.memory_space<hbm>> -> memref<128x64xf32, #tpu.memory_space<hbm>>
      tpu.wait_dma2 semaphore(%run_scoped3A : memref<!tpu.dma_semaphore, #tpu.memory_space<semaphore_mem>>) src(%dma_wait3A_82 : memref<128x64xf32, #tpu.memory_space<hbm>>) dst(%arg12 : memref<128x64xf32, #tpu.memory_space<vmem>>)
      tpu.yield
    }) : () -> ()
    %mul3A_3 = arith.constant 640 : i32
    %mul3A_4 = arith.muli %arg1, %mul3A_3 : i32
    %add3A_5 = arith.constant 0 : i32
    %add3A_6 = arith.addi %mul3A_4, %add3A_5 : i32
    "tpu.region"() ({
      %run_scoped3A = tpu.sem_alloc : memref<!tpu.dma_semaphore, #tpu.memory_space<semaphore_mem>>
      %dma_start3A_71 = tpu.memref_slice %arg6[%add3A_6] : memref<10240xi32, #tpu.memory_space<hbm>> -> memref<128xi32, #tpu.memory_space<hbm>>
      %dma_start3A_72 = tpu.memref_slice %arg6[%add3A_6] : memref<10240xi32, #tpu.memory_space<hbm>> -> memref<128xi32, #tpu.memory_space<hbm>>
      tpu.enqueue_dma source(%dma_start3A_72 : memref<128xi32, #tpu.memory_space<hbm>>) target(%arg11 : memref<128xi32, #tpu.memory_space<vmem>>) target_semaphore(%run_scoped3A : memref<!tpu.dma_semaphore, #tpu.memory_space<semaphore_mem>>)
      %dma_wait3A_73 = tpu.memref_slice %arg6[%add3A_6] : memref<10240xi32, #tpu.memory_space<hbm>> -> memref<128xi32, #tpu.memory_space<hbm>>
      %dma_wait3A_74 = tpu.memref_slice %arg6[%add3A_6] : memref<10240xi32, #tpu.memory_space<hbm>> -> memref<128xi32, #tpu.memory_space<hbm>>
      tpu.wait_dma2 semaphore(%run_scoped3A : memref<!tpu.dma_semaphore, #tpu.memory_space<semaphore_mem>>) src(%dma_wait3A_74 : memref<128xi32, #tpu.memory_space<hbm>>) dst(%arg11 : memref<128xi32, #tpu.memory_space<vmem>>)
      tpu.yield
    }) : () -> ()
    "tpu.region"() ({
      %run_scoped3A = tpu.sem_alloc : memref<!tpu.dma_semaphore, #tpu.memory_space<semaphore_mem>>
      %dma_start3A_71 = arith.constant 0 : i32
      %dma_start3A_72 = arith.constant 0 : i32
      %dma_start3A_73 = tpu.memref_slice %arg15[%dma_start3A_71, %dma_start3A_72] : memref<10240x64xf32, #tpu.memory_space<vmem_shared>> -> memref<10240x64xf32, #tpu.memory_space<vmem_shared>>
      tpu.enqueue_indirect_dma source(%arg12 : memref<128x64xf32, #tpu.memory_space<vmem>>) target(%dma_start3A_73 : memref<10240x64xf32, #tpu.memory_space<vmem_shared>>) offsets(%arg11 : memref<128xi32, #tpu.memory_space<vmem>>) semaphore(%run_scoped3A : memref<!tpu.dma_semaphore, #tpu.memory_space<semaphore_mem>>)
      %dma_wait3A_74 = arith.constant 0 : i32
      %dma_wait3A_75 = arith.constant 0 : i32
      %dma_wait3A_76 = tpu.memref_slice %arg15[%dma_wait3A_74, %dma_wait3A_75] : memref<10240x64xf32, #tpu.memory_space<vmem_shared>> -> memref<10240x64xf32, #tpu.memory_space<vmem_shared>>
      tpu.wait_indirect_dma semaphore(%run_scoped3A : memref<!tpu.dma_semaphore, #tpu.memory_space<semaphore_mem>>) src(%arg12 : memref<128x64xf32, #tpu.memory_space<vmem>>) dst(%dma_wait3A_76 : memref<10240x64xf32, #tpu.memory_space<vmem_shared>>)
      tpu.yield
    }) : () -> ()
    "tpu.region"() ({
      %run_scoped3A = tpu.sem_alloc : memref<!tpu.dma_semaphore, #tpu.memory_space<semaphore_mem>>
      %dma_start3A_71 = tpu.memref_slice %arg2[%add3A_6, %mul3A_2] : memref<10240x128xf32, #tpu.memory_space<hbm>> -> memref<128x64xf32, #tpu.memory_space<hbm>>
      %dma_start3A_72 = tpu.memref_slice %arg2[%add3A_6, %mul3A_2] : memref<10240x128xf32, #tpu.memory_space<hbm>> -> memref<128x64xf32, #tpu.memory_space<hbm>>
      tpu.enqueue_dma source(%dma_start3A_72 : memref<128x64xf32, #tpu.memory_space<hbm>>) target(%arg13 : memref<128x64xf32, #tpu.memory_space<vmem>>) target_semaphore(%run_scoped3A : memref<!tpu.dma_semaphore, #tpu.memory_space<semaphore_mem>>)
      %dma_wait3A_73 = tpu.memref_slice %arg2[%add3A_6, %mul3A_2] : memref<10240x128xf32, #tpu.memory_space<hbm>> -> memref<128x64xf32, #tpu.memory_space<hbm>>
      %dma_wait3A_74 = tpu.memref_slice %arg2[%add3A_6, %mul3A_2] : memref<10240x128xf32, #tpu.memory_space<hbm>> -> memref<128x64xf32, #tpu.memory_space<hbm>>
      tpu.wait_dma2 semaphore(%run_scoped3A : memref<!tpu.dma_semaphore, #tpu.memory_space<semaphore_mem>>) src(%dma_wait3A_74 : memref<128x64xf32, #tpu.memory_space<hbm>>) dst(%arg13 : memref<128x64xf32, #tpu.memory_space<vmem>>)
      tpu.yield
    }) : () -> ()
    "tpu.region"() ({
      %run_scoped3A = tpu.sem_alloc : memref<!tpu.dma_semaphore, #tpu.memory_space<semaphore_mem>>
      %dma_start3A_71 = arith.constant 0 : i32
      %dma_start3A_72 = arith.constant 0 : i32
      %dma_start3A_73 = tpu.memref_slice %arg14[%dma_start3A_71, %dma_start3A_72] : memref<10240x64xf32, #tpu.memory_space<vmem_shared>> -> memref<10240x64xf32, #tpu.memory_space<vmem_shared>>
      tpu.enqueue_indirect_dma source(%arg13 : memref<128x64xf32, #tpu.memory_space<vmem>>) target(%dma_start3A_73 : memref<10240x64xf32, #tpu.memory_space<vmem_shared>>) offsets(%arg11 : memref<128xi32, #tpu.memory_space<vmem>>) semaphore(%run_scoped3A : memref<!tpu.dma_semaphore, #tpu.memory_space<semaphore_mem>>)
      %dma_wait3A_74 = arith.constant 0 : i32
      %dma_wait3A_75 = arith.constant 0 : i32
      %dma_wait3A_76 = tpu.memref_slice %arg14[%dma_wait3A_74, %dma_wait3A_75] : memref<10240x64xf32, #tpu.memory_space<vmem_shared>> -> memref<10240x64xf32, #tpu.memory_space<vmem_shared>>
      tpu.wait_indirect_dma semaphore(%run_scoped3A : memref<!tpu.dma_semaphore, #tpu.memory_space<semaphore_mem>>) src(%arg13 : memref<128x64xf32, #tpu.memory_space<vmem>>) dst(%dma_wait3A_76 : memref<10240x64xf32, #tpu.memory_space<vmem_shared>>)
      tpu.yield
    }) : () -> ()
    %mul3A_7 = arith.constant 640 : i32
    %mul3A_8 = arith.muli %arg1, %mul3A_7 : i32
    %add3A_9 = arith.constant 128 : i32
    %add3A_10 = arith.addi %mul3A_8, %add3A_9 : i32
    "tpu.region"() ({
      %run_scoped3A = tpu.sem_alloc : memref<!tpu.dma_semaphore, #tpu.memory_space<semaphore_mem>>
      %dma_start3A_71 = tpu.memref_slice %arg6[%add3A_10] : memref<10240xi32, #tpu.memory_space<hbm>> -> memref<128xi32, #tpu.memory_space<hbm>>
      %dma_start3A_72 = tpu.memref_slice %arg6[%add3A_10] : memref<10240xi32, #tpu.memory_space<hbm>> -> memref<128xi32, #tpu.memory_space<hbm>>
      tpu.enqueue_dma source(%dma_start3A_72 : memref<128xi32, #tpu.memory_space<hbm>>) target(%arg11 : memref<128xi32, #tpu.memory_space<vmem>>) target_semaphore(%run_scoped3A : memref<!tpu.dma_semaphore, #tpu.memory_space<semaphore_mem>>)
      %dma_wait3A_73 = tpu.memref_slice %arg6[%add3A_10] : memref<10240xi32, #tpu.memory_space<hbm>> -> memref<128xi32, #tpu.memory_space<hbm>>
      %dma_wait3A_74 = tpu.memref_slice %arg6[%add3A_10] : memref<10240xi32, #tpu.memory_space<hbm>> -> memref<128xi32, #tpu.memory_space<hbm>>
      tpu.wait_dma2 semaphore(%run_scoped3A : memref<!tpu.dma_semaphore, #tpu.memory_space<semaphore_mem>>) src(%dma_wait3A_74 : memref<128xi32, #tpu.memory_space<hbm>>) dst(%arg11 : memref<128xi32, #tpu.memory_space<vmem>>)
      tpu.yield
    }) : () -> ()
    "tpu.region"() ({
      %run_scoped3A = tpu.sem_alloc : memref<!tpu.dma_semaphore, #tpu.memory_space<semaphore_mem>>
      %dma_start3A_71 = arith.constant 0 : i32
      %dma_start3A_72 = arith.constant 0 : i32
      %dma_start3A_73 = tpu.memref_slice %arg15[%dma_start3A_71, %dma_start3A_72] : memref<10240x64xf32, #tpu.memory_space<vmem_shared>> -> memref<10240x64xf32, #tpu.memory_space<vmem_shared>>
      tpu.enqueue_indirect_dma source(%arg12 : memref<128x64xf32, #tpu.memory_space<vmem>>) target(%dma_start3A_73 : memref<10240x64xf32, #tpu.memory_space<vmem_shared>>) offsets(%arg11 : memref<128xi32, #tpu.memory_space<vmem>>) semaphore(%run_scoped3A : memref<!tpu.dma_semaphore, #tpu.memory_space<semaphore_mem>>)
      %dma_wait3A_74 = arith.constant 0 : i32
      %dma_wait3A_75 = arith.constant 0 : i32
      %dma_wait3A_76 = tpu.memref_slice %arg15[%dma_wait3A_74, %dma_wait3A_75] : memref<10240x64xf32, #tpu.memory_space<vmem_shared>> -> memref<10240x64xf32, #tpu.memory_space<vmem_shared>>
      tpu.wait_indirect_dma semaphore(%run_scoped3A : memref<!tpu.dma_semaphore, #tpu.memory_space<semaphore_mem>>) src(%arg12 : memref<128x64xf32, #tpu.memory_space<vmem>>) dst(%dma_wait3A_76 : memref<10240x64xf32, #tpu.memory_space<vmem_shared>>)
      tpu.yield
    }) : () -> ()
    "tpu.region"() ({
      %run_scoped3A = tpu.sem_alloc : memref<!tpu.dma_semaphore, #tpu.memory_space<semaphore_mem>>
      %dma_start3A_71 = tpu.memref_slice %arg2[%add3A_10, %mul3A_2] : memref<10240x128xf32, #tpu.memory_space<hbm>> -> memref<128x64xf32, #tpu.memory_space<hbm>>
      %dma_start3A_72 = tpu.memref_slice %arg2[%add3A_10, %mul3A_2] : memref<10240x128xf32, #tpu.memory_space<hbm>> -> memref<128x64xf32, #tpu.memory_space<hbm>>
      tpu.enqueue_dma source(%dma_start3A_72 : memref<128x64xf32, #tpu.memory_space<hbm>>) target(%arg13 : memref<128x64xf32, #tpu.memory_space<vmem>>) target_semaphore(%run_scoped3A : memref<!tpu.dma_semaphore, #tpu.memory_space<semaphore_mem>>)
      %dma_wait3A_73 = tpu.memref_slice %arg2[%add3A_10, %mul3A_2] : memref<10240x128xf32, #tpu.memory_space<hbm>> -> memref<128x64xf32, #tpu.memory_space<hbm>>
      %dma_wait3A_74 = tpu.memref_slice %arg2[%add3A_10, %mul3A_2] : memref<10240x128xf32, #tpu.memory_space<hbm>> -> memref<128x64xf32, #tpu.memory_space<hbm>>
      tpu.wait_dma2 semaphore(%run_scoped3A : memref<!tpu.dma_semaphore, #tpu.memory_space<semaphore_mem>>) src(%dma_wait3A_74 : memref<128x64xf32, #tpu.memory_space<hbm>>) dst(%arg13 : memref<128x64xf32, #tpu.memory_space<vmem>>)
      tpu.yield
    }) : () -> ()
    "tpu.region"() ({
      %run_scoped3A = tpu.sem_alloc : memref<!tpu.dma_semaphore, #tpu.memory_space<semaphore_mem>>
      %dma_start3A_71 = arith.constant 0 : i32
      %dma_start3A_72 = arith.constant 0 : i32
      %dma_start3A_73 = tpu.memref_slice %arg14[%dma_start3A_71, %dma_start3A_72] : memref<10240x64xf32, #tpu.memory_space<vmem_shared>> -> memref<10240x64xf32, #tpu.memory_space<vmem_shared>>
      tpu.enqueue_indirect_dma source(%arg13 : memref<128x64xf32, #tpu.memory_space<vmem>>) target(%dma_start3A_73 : memref<10240x64xf32, #tpu.memory_space<vmem_shared>>) offsets(%arg11 : memref<128xi32, #tpu.memory_space<vmem>>) semaphore(%run_scoped3A : memref<!tpu.dma_semaphore, #tpu.memory_space<semaphore_mem>>)
      %dma_wait3A_74 = arith.constant 0 : i32
      %dma_wait3A_75 = arith.constant 0 : i32
      %dma_wait3A_76 = tpu.memref_slice %arg14[%dma_wait3A_74, %dma_wait3A_75] : memref<10240x64xf32, #tpu.memory_space<vmem_shared>> -> memref<10240x64xf32, #tpu.memory_space<vmem_shared>>
      tpu.wait_indirect_dma semaphore(%run_scoped3A : memref<!tpu.dma_semaphore, #tpu.memory_space<semaphore_mem>>) src(%arg13 : memref<128x64xf32, #tpu.memory_space<vmem>>) dst(%dma_wait3A_76 : memref<10240x64xf32, #tpu.memory_space<vmem_shared>>)
      tpu.yield
    }) : () -> ()
    %mul3A_11 = arith.constant 640 : i32
    %mul3A_12 = arith.muli %arg1, %mul3A_11 : i32
    %add3A_13 = arith.constant 256 : i32
    %add3A_14 = arith.addi %mul3A_12, %add3A_13 : i32
    "tpu.region"() ({
      %run_scoped3A = tpu.sem_alloc : memref<!tpu.dma_semaphore, #tpu.memory_space<semaphore_mem>>
      %dma_start3A_71 = tpu.memref_slice %arg6[%add3A_14] : memref<10240xi32, #tpu.memory_space<hbm>> -> memref<128xi32, #tpu.memory_space<hbm>>
      %dma_start3A_72 = tpu.memref_slice %arg6[%add3A_14] : memref<10240xi32, #tpu.memory_space<hbm>> -> memref<128xi32, #tpu.memory_space<hbm>>
      tpu.enqueue_dma source(%dma_start3A_72 : memref<128xi32, #tpu.memory_space<hbm>>) target(%arg11 : memref<128xi32, #tpu.memory_space<vmem>>) target_semaphore(%run_scoped3A : memref<!tpu.dma_semaphore, #tpu.memory_space<semaphore_mem>>)
      %dma_wait3A_73 = tpu.memref_slice %arg6[%add3A_14] : memref<10240xi32, #tpu.memory_space<hbm>> -> memref<128xi32, #tpu.memory_space<hbm>>
      %dma_wait3A_74 = tpu.memref_slice %arg6[%add3A_14] : memref<10240xi32, #tpu.memory_space<hbm>> -> memref<128xi32, #tpu.memory_space<hbm>>
      tpu.wait_dma2 semaphore(%run_scoped3A : memref<!tpu.dma_semaphore, #tpu.memory_space<semaphore_mem>>) src(%dma_wait3A_74 : memref<128xi32, #tpu.memory_space<hbm>>) dst(%arg11 : memref<128xi32, #tpu.memory_space<vmem>>)
      tpu.yield
    }) : () -> ()
    "tpu.region"() ({
      %run_scoped3A = tpu.sem_alloc : memref<!tpu.dma_semaphore, #tpu.memory_space<semaphore_mem>>
      %dma_start3A_71 = arith.constant 0 : i32
      %dma_start3A_72 = arith.constant 0 : i32
      %dma_start3A_73 = tpu.memref_slice %arg15[%dma_start3A_71, %dma_start3A_72] : memref<10240x64xf32, #tpu.memory_space<vmem_shared>> -> memref<10240x64xf32, #tpu.memory_space<vmem_shared>>
      tpu.enqueue_indirect_dma source(%arg12 : memref<128x64xf32, #tpu.memory_space<vmem>>) target(%dma_start3A_73 : memref<10240x64xf32, #tpu.memory_space<vmem_shared>>) offsets(%arg11 : memref<128xi32, #tpu.memory_space<vmem>>) semaphore(%run_scoped3A : memref<!tpu.dma_semaphore, #tpu.memory_space<semaphore_mem>>)
      %dma_wait3A_74 = arith.constant 0 : i32
      %dma_wait3A_75 = arith.constant 0 : i32
      %dma_wait3A_76 = tpu.memref_slice %arg15[%dma_wait3A_74, %dma_wait3A_75] : memref<10240x64xf32, #tpu.memory_space<vmem_shared>> -> memref<10240x64xf32, #tpu.memory_space<vmem_shared>>
      tpu.wait_indirect_dma semaphore(%run_scoped3A : memref<!tpu.dma_semaphore, #tpu.memory_space<semaphore_mem>>) src(%arg12 : memref<128x64xf32, #tpu.memory_space<vmem>>) dst(%dma_wait3A_76 : memref<10240x64xf32, #tpu.memory_space<vmem_shared>>)
      tpu.yield
    }) : () -> ()
    "tpu.region"() ({
      %run_scoped3A = tpu.sem_alloc : memref<!tpu.dma_semaphore, #tpu.memory_space<semaphore_mem>>
      %dma_start3A_71 = tpu.memref_slice %arg2[%add3A_14, %mul3A_2] : memref<10240x128xf32, #tpu.memory_space<hbm>> -> memref<128x64xf32, #tpu.memory_space<hbm>>
      %dma_start3A_72 = tpu.memref_slice %arg2[%add3A_14, %mul3A_2] : memref<10240x128xf32, #tpu.memory_space<hbm>> -> memref<128x64xf32, #tpu.memory_space<hbm>>
      tpu.enqueue_dma source(%dma_start3A_72 : memref<128x64xf32, #tpu.memory_space<hbm>>) target(%arg13 : memref<128x64xf32, #tpu.memory_space<vmem>>) target_semaphore(%run_scoped3A : memref<!tpu.dma_semaphore, #tpu.memory_space<semaphore_mem>>)
      %dma_wait3A_73 = tpu.memref_slice %arg2[%add3A_14, %mul3A_2] : memref<10240x128xf32, #tpu.memory_space<hbm>> -> memref<128x64xf32, #tpu.memory_space<hbm>>
      %dma_wait3A_74 = tpu.memref_slice %arg2[%add3A_14, %mul3A_2] : memref<10240x128xf32, #tpu.memory_space<hbm>> -> memref<128x64xf32, #tpu.memory_space<hbm>>
      tpu.wait_dma2 semaphore(%run_scoped3A : memref<!tpu.dma_semaphore, #tpu.memory_space<semaphore_mem>>) src(%dma_wait3A_74 : memref<128x64xf32, #tpu.memory_space<hbm>>) dst(%arg13 : memref<128x64xf32, #tpu.memory_space<vmem>>)
      tpu.yield
    }) : () -> ()
    "tpu.region"() ({
      %run_scoped3A = tpu.sem_alloc : memref<!tpu.dma_semaphore, #tpu.memory_space<semaphore_mem>>
      %dma_start3A_71 = arith.constant 0 : i32
      %dma_start3A_72 = arith.constant 0 : i32
      %dma_start3A_73 = tpu.memref_slice %arg14[%dma_start3A_71, %dma_start3A_72] : memref<10240x64xf32, #tpu.memory_space<vmem_shared>> -> memref<10240x64xf32, #tpu.memory_space<vmem_shared>>
      tpu.enqueue_indirect_dma source(%arg13 : memref<128x64xf32, #tpu.memory_space<vmem>>) target(%dma_start3A_73 : memref<10240x64xf32, #tpu.memory_space<vmem_shared>>) offsets(%arg11 : memref<128xi32, #tpu.memory_space<vmem>>) semaphore(%run_scoped3A : memref<!tpu.dma_semaphore, #tpu.memory_space<semaphore_mem>>)
      %dma_wait3A_74 = arith.constant 0 : i32
      %dma_wait3A_75 = arith.constant 0 : i32
      %dma_wait3A_76 = tpu.memref_slice %arg14[%dma_wait3A_74, %dma_wait3A_75] : memref<10240x64xf32, #tpu.memory_space<vmem_shared>> -> memref<10240x64xf32, #tpu.memory_space<vmem_shared>>
      tpu.wait_indirect_dma semaphore(%run_scoped3A : memref<!tpu.dma_semaphore, #tpu.memory_space<semaphore_mem>>) src(%arg13 : memref<128x64xf32, #tpu.memory_space<vmem>>) dst(%dma_wait3A_76 : memref<10240x64xf32, #tpu.memory_space<vmem_shared>>)
      tpu.yield
    }) : () -> ()
    %mul3A_15 = arith.constant 640 : i32
    %mul3A_16 = arith.muli %arg1, %mul3A_15 : i32
    %add3A_17 = arith.constant 384 : i32
    %add3A_18 = arith.addi %mul3A_16, %add3A_17 : i32
    "tpu.region"() ({
      %run_scoped3A = tpu.sem_alloc : memref<!tpu.dma_semaphore, #tpu.memory_space<semaphore_mem>>
      %dma_start3A_71 = tpu.memref_slice %arg6[%add3A_18] : memref<10240xi32, #tpu.memory_space<hbm>> -> memref<128xi32, #tpu.memory_space<hbm>>
      %dma_start3A_72 = tpu.memref_slice %arg6[%add3A_18] : memref<10240xi32, #tpu.memory_space<hbm>> -> memref<128xi32, #tpu.memory_space<hbm>>
      tpu.enqueue_dma source(%dma_start3A_72 : memref<128xi32, #tpu.memory_space<hbm>>) target(%arg11 : memref<128xi32, #tpu.memory_space<vmem>>) target_semaphore(%run_scoped3A : memref<!tpu.dma_semaphore, #tpu.memory_space<semaphore_mem>>)
      %dma_wait3A_73 = tpu.memref_slice %arg6[%add3A_18] : memref<10240xi32, #tpu.memory_space<hbm>> -> memref<128xi32, #tpu.memory_space<hbm>>
      %dma_wait3A_74 = tpu.memref_slice %arg6[%add3A_18] : memref<10240xi32, #tpu.memory_space<hbm>> -> memref<128xi32, #tpu.memory_space<hbm>>
      tpu.wait_dma2 semaphore(%run_scoped3A : memref<!tpu.dma_semaphore, #tpu.memory_space<semaphore_mem>>) src(%dma_wait3A_74 : memref<128xi32, #tpu.memory_space<hbm>>) dst(%arg11 : memref<128xi32, #tpu.memory_space<vmem>>)
      tpu.yield
    }) : () -> ()
    "tpu.region"() ({
      %run_scoped3A = tpu.sem_alloc : memref<!tpu.dma_semaphore, #tpu.memory_space<semaphore_mem>>
      %dma_start3A_71 = arith.constant 0 : i32
      %dma_start3A_72 = arith.constant 0 : i32
      %dma_start3A_73 = tpu.memref_slice %arg15[%dma_start3A_71, %dma_start3A_72] : memref<10240x64xf32, #tpu.memory_space<vmem_shared>> -> memref<10240x64xf32, #tpu.memory_space<vmem_shared>>
      tpu.enqueue_indirect_dma source(%arg12 : memref<128x64xf32, #tpu.memory_space<vmem>>) target(%dma_start3A_73 : memref<10240x64xf32, #tpu.memory_space<vmem_shared>>) offsets(%arg11 : memref<128xi32, #tpu.memory_space<vmem>>) semaphore(%run_scoped3A : memref<!tpu.dma_semaphore, #tpu.memory_space<semaphore_mem>>)
      %dma_wait3A_74 = arith.constant 0 : i32
      %dma_wait3A_75 = arith.constant 0 : i32
      %dma_wait3A_76 = tpu.memref_slice %arg15[%dma_wait3A_74, %dma_wait3A_75] : memref<10240x64xf32, #tpu.memory_space<vmem_shared>> -> memref<10240x64xf32, #tpu.memory_space<vmem_shared>>
      tpu.wait_indirect_dma semaphore(%run_scoped3A : memref<!tpu.dma_semaphore, #tpu.memory_space<semaphore_mem>>) src(%arg12 : memref<128x64xf32, #tpu.memory_space<vmem>>) dst(%dma_wait3A_76 : memref<10240x64xf32, #tpu.memory_space<vmem_shared>>)
      tpu.yield
    }) : () -> ()
    "tpu.region"() ({
      %run_scoped3A = tpu.sem_alloc : memref<!tpu.dma_semaphore, #tpu.memory_space<semaphore_mem>>
      %dma_start3A_71 = tpu.memref_slice %arg2[%add3A_18, %mul3A_2] : memref<10240x128xf32, #tpu.memory_space<hbm>> -> memref<128x64xf32, #tpu.memory_space<hbm>>
      %dma_start3A_72 = tpu.memref_slice %arg2[%add3A_18, %mul3A_2] : memref<10240x128xf32, #tpu.memory_space<hbm>> -> memref<128x64xf32, #tpu.memory_space<hbm>>
      tpu.enqueue_dma source(%dma_start3A_72 : memref<128x64xf32, #tpu.memory_space<hbm>>) target(%arg13 : memref<128x64xf32, #tpu.memory_space<vmem>>) target_semaphore(%run_scoped3A : memref<!tpu.dma_semaphore, #tpu.memory_space<semaphore_mem>>)
      %dma_wait3A_73 = tpu.memref_slice %arg2[%add3A_18, %mul3A_2] : memref<10240x128xf32, #tpu.memory_space<hbm>> -> memref<128x64xf32, #tpu.memory_space<hbm>>
      %dma_wait3A_74 = tpu.memref_slice %arg2[%add3A_18, %mul3A_2] : memref<10240x128xf32, #tpu.memory_space<hbm>> -> memref<128x64xf32, #tpu.memory_space<hbm>>
      tpu.wait_dma2 semaphore(%run_scoped3A : memref<!tpu.dma_semaphore, #tpu.memory_space<semaphore_mem>>) src(%dma_wait3A_74 : memref<128x64xf32, #tpu.memory_space<hbm>>) dst(%arg13 : memref<128x64xf32, #tpu.memory_space<vmem>>)
      tpu.yield
    }) : () -> ()
    "tpu.region"() ({
      %run_scoped3A = tpu.sem_alloc : memref<!tpu.dma_semaphore, #tpu.memory_space<semaphore_mem>>
      %dma_start3A_71 = arith.constant 0 : i32
      %dma_start3A_72 = arith.constant 0 : i32
      %dma_start3A_73 = tpu.memref_slice %arg14[%dma_start3A_71, %dma_start3A_72] : memref<10240x64xf32, #tpu.memory_space<vmem_shared>> -> memref<10240x64xf32, #tpu.memory_space<vmem_shared>>
      tpu.enqueue_indirect_dma source(%arg13 : memref<128x64xf32, #tpu.memory_space<vmem>>) target(%dma_start3A_73 : memref<10240x64xf32, #tpu.memory_space<vmem_shared>>) offsets(%arg11 : memref<128xi32, #tpu.memory_space<vmem>>) semaphore(%run_scoped3A : memref<!tpu.dma_semaphore, #tpu.memory_space<semaphore_mem>>)
      %dma_wait3A_74 = arith.constant 0 : i32
      %dma_wait3A_75 = arith.constant 0 : i32
      %dma_wait3A_76 = tpu.memref_slice %arg14[%dma_wait3A_74, %dma_wait3A_75] : memref<10240x64xf32, #tpu.memory_space<vmem_shared>> -> memref<10240x64xf32, #tpu.memory_space<vmem_shared>>
      tpu.wait_indirect_dma semaphore(%run_scoped3A : memref<!tpu.dma_semaphore, #tpu.memory_space<semaphore_mem>>) src(%arg13 : memref<128x64xf32, #tpu.memory_space<vmem>>) dst(%dma_wait3A_76 : memref<10240x64xf32, #tpu.memory_space<vmem_shared>>)
      tpu.yield
    }) : () -> ()
    %mul3A_19 = arith.constant 640 : i32
    %mul3A_20 = arith.muli %arg1, %mul3A_19 : i32
    %add3A_21 = arith.constant 512 : i32
    %add3A_22 = arith.addi %mul3A_20, %add3A_21 : i32
    "tpu.region"() ({
      %run_scoped3A = tpu.sem_alloc : memref<!tpu.dma_semaphore, #tpu.memory_space<semaphore_mem>>
      %dma_start3A_71 = tpu.memref_slice %arg6[%add3A_22] : memref<10240xi32, #tpu.memory_space<hbm>> -> memref<128xi32, #tpu.memory_space<hbm>>
      %dma_start3A_72 = tpu.memref_slice %arg6[%add3A_22] : memref<10240xi32, #tpu.memory_space<hbm>> -> memref<128xi32, #tpu.memory_space<hbm>>
      tpu.enqueue_dma source(%dma_start3A_72 : memref<128xi32, #tpu.memory_space<hbm>>) target(%arg11 : memref<128xi32, #tpu.memory_space<vmem>>) target_semaphore(%run_scoped3A : memref<!tpu.dma_semaphore, #tpu.memory_space<semaphore_mem>>)
      %dma_wait3A_73 = tpu.memref_slice %arg6[%add3A_22] : memref<10240xi32, #tpu.memory_space<hbm>> -> memref<128xi32, #tpu.memory_space<hbm>>
      %dma_wait3A_74 = tpu.memref_slice %arg6[%add3A_22] : memref<10240xi32, #tpu.memory_space<hbm>> -> memref<128xi32, #tpu.memory_space<hbm>>
      tpu.wait_dma2 semaphore(%run_scoped3A : memref<!tpu.dma_semaphore, #tpu.memory_space<semaphore_mem>>) src(%dma_wait3A_74 : memref<128xi32, #tpu.memory_space<hbm>>) dst(%arg11 : memref<128xi32, #tpu.memory_space<vmem>>)
      tpu.yield
    }) : () -> ()
    "tpu.region"() ({
      %run_scoped3A = tpu.sem_alloc : memref<!tpu.dma_semaphore, #tpu.memory_space<semaphore_mem>>
      %dma_start3A_71 = arith.constant 0 : i32
      %dma_start3A_72 = arith.constant 0 : i32
      %dma_start3A_73 = tpu.memref_slice %arg15[%dma_start3A_71, %dma_start3A_72] : memref<10240x64xf32, #tpu.memory_space<vmem_shared>> -> memref<10240x64xf32, #tpu.memory_space<vmem_shared>>
      tpu.enqueue_indirect_dma source(%arg12 : memref<128x64xf32, #tpu.memory_space<vmem>>) target(%dma_start3A_73 : memref<10240x64xf32, #tpu.memory_space<vmem_shared>>) offsets(%arg11 : memref<128xi32, #tpu.memory_space<vmem>>) semaphore(%run_scoped3A : memref<!tpu.dma_semaphore, #tpu.memory_space<semaphore_mem>>)
      %dma_wait3A_74 = arith.constant 0 : i32
      %dma_wait3A_75 = arith.constant 0 : i32
      %dma_wait3A_76 = tpu.memref_slice %arg15[%dma_wait3A_74, %dma_wait3A_75] : memref<10240x64xf32, #tpu.memory_space<vmem_shared>> -> memref<10240x64xf32, #tpu.memory_space<vmem_shared>>
      tpu.wait_indirect_dma semaphore(%run_scoped3A : memref<!tpu.dma_semaphore, #tpu.memory_space<semaphore_mem>>) src(%arg12 : memref<128x64xf32, #tpu.memory_space<vmem>>) dst(%dma_wait3A_76 : memref<10240x64xf32, #tpu.memory_space<vmem_shared>>)
      tpu.yield
    }) : () -> ()
    "tpu.region"() ({
      %run_scoped3A = tpu.sem_alloc : memref<!tpu.dma_semaphore, #tpu.memory_space<semaphore_mem>>
      %dma_start3A_71 = tpu.memref_slice %arg2[%add3A_22, %mul3A_2] : memref<10240x128xf32, #tpu.memory_space<hbm>> -> memref<128x64xf32, #tpu.memory_space<hbm>>
      %dma_start3A_72 = tpu.memref_slice %arg2[%add3A_22, %mul3A_2] : memref<10240x128xf32, #tpu.memory_space<hbm>> -> memref<128x64xf32, #tpu.memory_space<hbm>>
      tpu.enqueue_dma source(%dma_start3A_72 : memref<128x64xf32, #tpu.memory_space<hbm>>) target(%arg13 : memref<128x64xf32, #tpu.memory_space<vmem>>) target_semaphore(%run_scoped3A : memref<!tpu.dma_semaphore, #tpu.memory_space<semaphore_mem>>)
      %dma_wait3A_73 = tpu.memref_slice %arg2[%add3A_22, %mul3A_2] : memref<10240x128xf32, #tpu.memory_space<hbm>> -> memref<128x64xf32, #tpu.memory_space<hbm>>
      %dma_wait3A_74 = tpu.memref_slice %arg2[%add3A_22, %mul3A_2] : memref<10240x128xf32, #tpu.memory_space<hbm>> -> memref<128x64xf32, #tpu.memory_space<hbm>>
      tpu.wait_dma2 semaphore(%run_scoped3A : memref<!tpu.dma_semaphore, #tpu.memory_space<semaphore_mem>>) src(%dma_wait3A_74 : memref<128x64xf32, #tpu.memory_space<hbm>>) dst(%arg13 : memref<128x64xf32, #tpu.memory_space<vmem>>)
      tpu.yield
    }) : () -> ()
    "tpu.region"() ({
      %run_scoped3A = tpu.sem_alloc : memref<!tpu.dma_semaphore, #tpu.memory_space<semaphore_mem>>
      %dma_start3A_71 = arith.constant 0 : i32
      %dma_start3A_72 = arith.constant 0 : i32
      %dma_start3A_73 = tpu.memref_slice %arg14[%dma_start3A_71, %dma_start3A_72] : memref<10240x64xf32, #tpu.memory_space<vmem_shared>> -> memref<10240x64xf32, #tpu.memory_space<vmem_shared>>
      tpu.enqueue_indirect_dma source(%arg13 : memref<128x64xf32, #tpu.memory_space<vmem>>) target(%dma_start3A_73 : memref<10240x64xf32, #tpu.memory_space<vmem_shared>>) offsets(%arg11 : memref<128xi32, #tpu.memory_space<vmem>>) semaphore(%run_scoped3A : memref<!tpu.dma_semaphore, #tpu.memory_space<semaphore_mem>>)
      %dma_wait3A_74 = arith.constant 0 : i32
      %dma_wait3A_75 = arith.constant 0 : i32
      %dma_wait3A_76 = tpu.memref_slice %arg14[%dma_wait3A_74, %dma_wait3A_75] : memref<10240x64xf32, #tpu.memory_space<vmem_shared>> -> memref<10240x64xf32, #tpu.memory_space<vmem_shared>>
      tpu.wait_indirect_dma semaphore(%run_scoped3A : memref<!tpu.dma_semaphore, #tpu.memory_space<semaphore_mem>>) src(%arg13 : memref<128x64xf32, #tpu.memory_space<vmem>>) dst(%dma_wait3A_76 : memref<10240x64xf32, #tpu.memory_space<vmem_shared>>)
      tpu.yield
    }) : () -> ()
    %barrier3A = arith.constant 0 : index
    tpu.barrier barrier_id(%barrier3A)
    %mul3A_23 = arith.constant 80 : i32
    %mul3A_24 = arith.muli %add3A, %mul3A_23 : i32
    %add3A_25 = arith.constant 0 : i32
    %add3A_26 = arith.addi %mul3A_24, %add3A_25 : i32
    %mul3A_27 = arith.constant 128 : i32
    %mul3A_28 = arith.muli %add3A_26, %mul3A_27 : i32
    "tpu.region"() ({
      %run_scoped3A = tpu.sem_alloc : memref<!tpu.dma_semaphore, #tpu.memory_space<semaphore_mem>>
      %dma_start3A_71 = tpu.memref_slice %arg3[%mul3A_28] : memref<327680xi32, #tpu.memory_space<hbm>> -> memref<128xi32, #tpu.memory_space<hbm>>
      %dma_start3A_72 = tpu.memref_slice %arg3[%mul3A_28] : memref<327680xi32, #tpu.memory_space<hbm>> -> memref<128xi32, #tpu.memory_space<hbm>>
      tpu.enqueue_dma source(%dma_start3A_72 : memref<128xi32, #tpu.memory_space<hbm>>) target(%arg8 : memref<128xi32, #tpu.memory_space<vmem>>) target_semaphore(%run_scoped3A : memref<!tpu.dma_semaphore, #tpu.memory_space<semaphore_mem>>)
      %dma_wait3A_73 = tpu.memref_slice %arg3[%mul3A_28] : memref<327680xi32, #tpu.memory_space<hbm>> -> memref<128xi32, #tpu.memory_space<hbm>>
      %dma_wait3A_74 = tpu.memref_slice %arg3[%mul3A_28] : memref<327680xi32, #tpu.memory_space<hbm>> -> memref<128xi32, #tpu.memory_space<hbm>>
      tpu.wait_dma2 semaphore(%run_scoped3A : memref<!tpu.dma_semaphore, #tpu.memory_space<semaphore_mem>>) src(%dma_wait3A_74 : memref<128xi32, #tpu.memory_space<hbm>>) dst(%arg8 : memref<128xi32, #tpu.memory_space<vmem>>)
      tpu.yield
    }) : () -> ()
    "tpu.region"() ({
      %run_scoped3A = tpu.sem_alloc : memref<!tpu.dma_semaphore, #tpu.memory_space<semaphore_mem>>
      %dma_start3A_71 = tpu.memref_slice %arg4[%mul3A_28] : memref<327680xi32, #tpu.memory_space<hbm>> -> memref<128xi32, #tpu.memory_space<hbm>>
      %dma_start3A_72 = tpu.memref_slice %arg4[%mul3A_28] : memref<327680xi32, #tpu.memory_space<hbm>> -> memref<128xi32, #tpu.memory_space<hbm>>
      tpu.enqueue_dma source(%dma_start3A_72 : memref<128xi32, #tpu.memory_space<hbm>>) target(%arg9 : memref<128xi32, #tpu.memory_space<vmem>>) target_semaphore(%run_scoped3A : memref<!tpu.dma_semaphore, #tpu.memory_space<semaphore_mem>>)
      %dma_wait3A_73 = tpu.memref_slice %arg4[%mul3A_28] : memref<327680xi32, #tpu.memory_space<hbm>> -> memref<128xi32, #tpu.memory_space<hbm>>
      %dma_wait3A_74 = tpu.memref_slice %arg4[%mul3A_28] : memref<327680xi32, #tpu.memory_space<hbm>> -> memref<128xi32, #tpu.memory_space<hbm>>
      tpu.wait_dma2 semaphore(%run_scoped3A : memref<!tpu.dma_semaphore, #tpu.memory_space<semaphore_mem>>) src(%dma_wait3A_74 : memref<128xi32, #tpu.memory_space<hbm>>) dst(%arg9 : memref<128xi32, #tpu.memory_space<vmem>>)
      tpu.yield
    }) : () -> ()
    "tpu.region"() ({
      %run_scoped3A = tpu.sem_alloc : memref<!tpu.dma_semaphore, #tpu.memory_space<semaphore_mem>>
      %dma_start3A_71 = arith.constant 0 : i32
      %dma_start3A_72 = arith.constant 0 : i32
      %dma_start3A_73 = tpu.memref_slice %arg14[%dma_start3A_71, %dma_start3A_72] : memref<10240x64xf32, #tpu.memory_space<vmem_shared>> -> memref<10240x64xf32, #tpu.memory_space<vmem_shared>>
      tpu.enqueue_indirect_dma source(%dma_start3A_73 : memref<10240x64xf32, #tpu.memory_space<vmem_shared>>) target(%arg12 : memref<128x64xf32, #tpu.memory_space<vmem>>) offsets(%arg8 : memref<128xi32, #tpu.memory_space<vmem>>) semaphore(%run_scoped3A : memref<!tpu.dma_semaphore, #tpu.memory_space<semaphore_mem>>)
      %dma_wait3A_74 = arith.constant 0 : i32
      %dma_wait3A_75 = arith.constant 0 : i32
      %dma_wait3A_76 = tpu.memref_slice %arg14[%dma_wait3A_74, %dma_wait3A_75] : memref<10240x64xf32, #tpu.memory_space<vmem_shared>> -> memref<10240x64xf32, #tpu.memory_space<vmem_shared>>
      tpu.wait_indirect_dma semaphore(%run_scoped3A : memref<!tpu.dma_semaphore, #tpu.memory_space<semaphore_mem>>) src(%dma_wait3A_76 : memref<10240x64xf32, #tpu.memory_space<vmem_shared>>) dst(%arg12 : memref<128x64xf32, #tpu.memory_space<vmem>>)
      tpu.yield
    }) : () -> ()
    %dma_start3A = arith.constant 0 : i32
    %dma_start3A_29 = arith.constant 0 : i32
    %dma_start3A_30 = tpu.memref_slice %arg15[%dma_start3A, %dma_start3A_29] : memref<10240x64xf32, #tpu.memory_space<vmem_shared>> -> memref<10240x64xf32, #tpu.memory_space<vmem_shared>>
    tpu.enqueue_indirect_dma source(%arg12 : memref<128x64xf32, #tpu.memory_space<vmem>>) target(%dma_start3A_30 : memref<10240x64xf32, #tpu.memory_space<vmem_shared>>) offsets(%arg9 : memref<128xi32, #tpu.memory_space<vmem>>) semaphore(%arg16 : memref<!tpu.dma_semaphore, #tpu.memory_space<semaphore_mem>>) {add = true}
    %mul3A_31 = arith.constant 80 : i32
    %mul3A_32 = arith.muli %add3A, %mul3A_31 : i32
    %add3A_33 = arith.constant 1 : i32
    %add3A_34 = arith.addi %mul3A_32, %add3A_33 : i32
    %mul3A_35 = arith.constant 128 : i32
    %mul3A_36 = arith.muli %add3A_34, %mul3A_35 : i32
    "tpu.region"() ({
      %run_scoped3A = tpu.sem_alloc : memref<!tpu.dma_semaphore, #tpu.memory_space<semaphore_mem>>
      %dma_start3A_71 = tpu.memref_slice %arg3[%mul3A_36] : memref<327680xi32, #tpu.memory_space<hbm>> -> memref<128xi32, #tpu.memory_space<hbm>>
      %dma_start3A_72 = tpu.memref_slice %arg3[%mul3A_36] : memref<327680xi32, #tpu.memory_space<hbm>> -> memref<128xi32, #tpu.memory_space<hbm>>
      tpu.enqueue_dma source(%dma_start3A_72 : memref<128xi32, #tpu.memory_space<hbm>>) target(%arg8 : memref<128xi32, #tpu.memory_space<vmem>>) target_semaphore(%run_scoped3A : memref<!tpu.dma_semaphore, #tpu.memory_space<semaphore_mem>>)
      %dma_wait3A_73 = tpu.memref_slice %arg3[%mul3A_36] : memref<327680xi32, #tpu.memory_space<hbm>> -> memref<128xi32, #tpu.memory_space<hbm>>
      %dma_wait3A_74 = tpu.memref_slice %arg3[%mul3A_36] : memref<327680xi32, #tpu.memory_space<hbm>> -> memref<128xi32, #tpu.memory_space<hbm>>
      tpu.wait_dma2 semaphore(%run_scoped3A : memref<!tpu.dma_semaphore, #tpu.memory_space<semaphore_mem>>) src(%dma_wait3A_74 : memref<128xi32, #tpu.memory_space<hbm>>) dst(%arg8 : memref<128xi32, #tpu.memory_space<vmem>>)
      tpu.yield
    }) : () -> ()
    "tpu.region"() ({
      %run_scoped3A = tpu.sem_alloc : memref<!tpu.dma_semaphore, #tpu.memory_space<semaphore_mem>>
      %dma_start3A_71 = tpu.memref_slice %arg4[%mul3A_36] : memref<327680xi32, #tpu.memory_space<hbm>> -> memref<128xi32, #tpu.memory_space<hbm>>
      %dma_start3A_72 = tpu.memref_slice %arg4[%mul3A_36] : memref<327680xi32, #tpu.memory_space<hbm>> -> memref<128xi32, #tpu.memory_space<hbm>>
      tpu.enqueue_dma source(%dma_start3A_72 : memref<128xi32, #tpu.memory_space<hbm>>) target(%arg10 : memref<128xi32, #tpu.memory_space<vmem>>) target_semaphore(%run_scoped3A : memref<!tpu.dma_semaphore, #tpu.memory_space<semaphore_mem>>)
      %dma_wait3A_73 = tpu.memref_slice %arg4[%mul3A_36] : memref<327680xi32, #tpu.memory_space<hbm>> -> memref<128xi32, #tpu.memory_space<hbm>>
      %dma_wait3A_74 = tpu.memref_slice %arg4[%mul3A_36] : memref<327680xi32, #tpu.memory_space<hbm>> -> memref<128xi32, #tpu.memory_space<hbm>>
      tpu.wait_dma2 semaphore(%run_scoped3A : memref<!tpu.dma_semaphore, #tpu.memory_space<semaphore_mem>>) src(%dma_wait3A_74 : memref<128xi32, #tpu.memory_space<hbm>>) dst(%arg10 : memref<128xi32, #tpu.memory_space<vmem>>)
      tpu.yield
    }) : () -> ()
    "tpu.region"() ({
      %run_scoped3A = tpu.sem_alloc : memref<!tpu.dma_semaphore, #tpu.memory_space<semaphore_mem>>
      %dma_start3A_71 = arith.constant 0 : i32
      %dma_start3A_72 = arith.constant 0 : i32
      %dma_start3A_73 = tpu.memref_slice %arg14[%dma_start3A_71, %dma_start3A_72] : memref<10240x64xf32, #tpu.memory_space<vmem_shared>> -> memref<10240x64xf32, #tpu.memory_space<vmem_shared>>
      tpu.enqueue_indirect_dma source(%dma_start3A_73 : memref<10240x64xf32, #tpu.memory_space<vmem_shared>>) target(%arg13 : memref<128x64xf32, #tpu.memory_space<vmem>>) offsets(%arg8 : memref<128xi32, #tpu.memory_space<vmem>>) semaphore(%run_scoped3A : memref<!tpu.dma_semaphore, #tpu.memory_space<semaphore_mem>>)
      %dma_wait3A_74 = arith.constant 0 : i32
      %dma_wait3A_75 = arith.constant 0 : i32
      %dma_wait3A_76 = tpu.memref_slice %arg14[%dma_wait3A_74, %dma_wait3A_75] : memref<10240x64xf32, #tpu.memory_space<vmem_shared>> -> memref<10240x64xf32, #tpu.memory_space<vmem_shared>>
      tpu.wait_indirect_dma semaphore(%run_scoped3A : memref<!tpu.dma_semaphore, #tpu.memory_space<semaphore_mem>>) src(%dma_wait3A_76 : memref<10240x64xf32, #tpu.memory_space<vmem_shared>>) dst(%arg13 : memref<128x64xf32, #tpu.memory_space<vmem>>)
      tpu.yield
    }) : () -> ()
    %dma_start3A_37 = arith.constant 0 : i32
    %dma_start3A_38 = arith.constant 0 : i32
    %dma_start3A_39 = tpu.memref_slice %arg15[%dma_start3A_37, %dma_start3A_38] : memref<10240x64xf32, #tpu.memory_space<vmem_shared>> -> memref<10240x64xf32, #tpu.memory_space<vmem_shared>>
    tpu.enqueue_indirect_dma source(%arg13 : memref<128x64xf32, #tpu.memory_space<vmem>>) target(%dma_start3A_39 : memref<10240x64xf32, #tpu.memory_space<vmem_shared>>) offsets(%arg10 : memref<128xi32, #tpu.memory_space<vmem>>) semaphore(%arg17 : memref<!tpu.dma_semaphore, #tpu.memory_space<semaphore_mem>>) {add = true}
    %scan3A = arith.constant 0 : i32
    %scan3A_40 = arith.constant 0 : i32
    %scan3A_41 = arith.constant 39 : i32
    %scan3A_42 = arith.addi %scan3A_40, %scan3A_41 : i32
    %scan3A_43 = arith.constant 1 : i32
    scf.for %scan3A_71 = %scan3A_40 to %scan3A_42 step %scan3A_43  : i32 {
      %mul3A_72 = arith.constant 2 : i32
      %mul3A_73 = arith.muli %mul3A_72, %scan3A_71 : i32
      %add3A_74 = arith.constant 2 : i32
      %add3A_75 = arith.addi %mul3A_73, %add3A_74 : i32
      %mul3A_76 = arith.constant 80 : i32
      %mul3A_77 = arith.muli %add3A, %mul3A_76 : i32
      %add3A_78 = arith.addi %mul3A_77, %add3A_75 : i32
      %mul3A_79 = arith.constant 128 : i32
      %mul3A_80 = arith.muli %add3A_78, %mul3A_79 : i32
      %dma_wait3A_81 = arith.constant 0 : i32
      %dma_wait3A_82 = arith.constant 0 : i32
      %dma_wait3A_83 = tpu.memref_slice %arg15[%dma_wait3A_81, %dma_wait3A_82] : memref<10240x64xf32, #tpu.memory_space<vmem_shared>> -> memref<10240x64xf32, #tpu.memory_space<vmem_shared>>
      tpu.wait_indirect_dma semaphore(%arg16 : memref<!tpu.dma_semaphore, #tpu.memory_space<semaphore_mem>>) src(%arg12 : memref<128x64xf32, #tpu.memory_space<vmem>>) dst(%dma_wait3A_83 : memref<10240x64xf32, #tpu.memory_space<vmem_shared>>)
      "tpu.region"() ({
        %run_scoped3A = tpu.sem_alloc : memref<!tpu.dma_semaphore, #tpu.memory_space<semaphore_mem>>
        %dma_start3A_102 = tpu.memref_slice %arg3[%mul3A_80] : memref<327680xi32, #tpu.memory_space<hbm>> -> memref<128xi32, #tpu.memory_space<hbm>>
        %dma_start3A_103 = tpu.memref_slice %arg3[%mul3A_80] : memref<327680xi32, #tpu.memory_space<hbm>> -> memref<128xi32, #tpu.memory_space<hbm>>
        tpu.enqueue_dma source(%dma_start3A_103 : memref<128xi32, #tpu.memory_space<hbm>>) target(%arg8 : memref<128xi32, #tpu.memory_space<vmem>>) target_semaphore(%run_scoped3A : memref<!tpu.dma_semaphore, #tpu.memory_space<semaphore_mem>>)
        %dma_wait3A_104 = tpu.memref_slice %arg3[%mul3A_80] : memref<327680xi32, #tpu.memory_space<hbm>> -> memref<128xi32, #tpu.memory_space<hbm>>
        %dma_wait3A_105 = tpu.memref_slice %arg3[%mul3A_80] : memref<327680xi32, #tpu.memory_space<hbm>> -> memref<128xi32, #tpu.memory_space<hbm>>
        tpu.wait_dma2 semaphore(%run_scoped3A : memref<!tpu.dma_semaphore, #tpu.memory_space<semaphore_mem>>) src(%dma_wait3A_105 : memref<128xi32, #tpu.memory_space<hbm>>) dst(%arg8 : memref<128xi32, #tpu.memory_space<vmem>>)
        tpu.yield
      }) : () -> ()
      "tpu.region"() ({
        %run_scoped3A = tpu.sem_alloc : memref<!tpu.dma_semaphore, #tpu.memory_space<semaphore_mem>>
        %dma_start3A_102 = tpu.memref_slice %arg4[%mul3A_80] : memref<327680xi32, #tpu.memory_space<hbm>> -> memref<128xi32, #tpu.memory_space<hbm>>
        %dma_start3A_103 = tpu.memref_slice %arg4[%mul3A_80] : memref<327680xi32, #tpu.memory_space<hbm>> -> memref<128xi32, #tpu.memory_space<hbm>>
        tpu.enqueue_dma source(%dma_start3A_103 : memref<128xi32, #tpu.memory_space<hbm>>) target(%arg9 : memref<128xi32, #tpu.memory_space<vmem>>) target_semaphore(%run_scoped3A : memref<!tpu.dma_semaphore, #tpu.memory_space<semaphore_mem>>)
        %dma_wait3A_104 = tpu.memref_slice %arg4[%mul3A_80] : memref<327680xi32, #tpu.memory_space<hbm>> -> memref<128xi32, #tpu.memory_space<hbm>>
        %dma_wait3A_105 = tpu.memref_slice %arg4[%mul3A_80] : memref<327680xi32, #tpu.memory_space<hbm>> -> memref<128xi32, #tpu.memory_space<hbm>>
        tpu.wait_dma2 semaphore(%run_scoped3A : memref<!tpu.dma_semaphore, #tpu.memory_space<semaphore_mem>>) src(%dma_wait3A_105 : memref<128xi32, #tpu.memory_space<hbm>>) dst(%arg9 : memref<128xi32, #tpu.memory_space<vmem>>)
        tpu.yield
      }) : () -> ()
      "tpu.region"() ({
        %run_scoped3A = tpu.sem_alloc : memref<!tpu.dma_semaphore, #tpu.memory_space<semaphore_mem>>
        %dma_start3A_102 = arith.constant 0 : i32
        %dma_start3A_103 = arith.constant 0 : i32
        %dma_start3A_104 = tpu.memref_slice %arg14[%dma_start3A_102, %dma_start3A_103] : memref<10240x64xf32, #tpu.memory_space<vmem_shared>> -> memref<10240x64xf32, #tpu.memory_space<vmem_shared>>
        tpu.enqueue_indirect_dma source(%dma_start3A_104 : memref<10240x64xf32, #tpu.memory_space<vmem_shared>>) target(%arg12 : memref<128x64xf32, #tpu.memory_space<vmem>>) offsets(%arg8 : memref<128xi32, #tpu.memory_space<vmem>>) semaphore(%run_scoped3A : memref<!tpu.dma_semaphore, #tpu.memory_space<semaphore_mem>>)
        %dma_wait3A_105 = arith.constant 0 : i32
        %dma_wait3A_106 = arith.constant 0 : i32
        %dma_wait3A_107 = tpu.memref_slice %arg14[%dma_wait3A_105, %dma_wait3A_106] : memref<10240x64xf32, #tpu.memory_space<vmem_shared>> -> memref<10240x64xf32, #tpu.memory_space<vmem_shared>>
        tpu.wait_indirect_dma semaphore(%run_scoped3A : memref<!tpu.dma_semaphore, #tpu.memory_space<semaphore_mem>>) src(%dma_wait3A_107 : memref<10240x64xf32, #tpu.memory_space<vmem_shared>>) dst(%arg12 : memref<128x64xf32, #tpu.memory_space<vmem>>)
        tpu.yield
      }) : () -> ()
      %dma_start3A_84 = arith.constant 0 : i32
      %dma_start3A_85 = arith.constant 0 : i32
      %dma_start3A_86 = tpu.memref_slice %arg15[%dma_start3A_84, %dma_start3A_85] : memref<10240x64xf32, #tpu.memory_space<vmem_shared>> -> memref<10240x64xf32, #tpu.memory_space<vmem_shared>>
      tpu.enqueue_indirect_dma source(%arg12 : memref<128x64xf32, #tpu.memory_space<vmem>>) target(%dma_start3A_86 : memref<10240x64xf32, #tpu.memory_space<vmem_shared>>) offsets(%arg9 : memref<128xi32, #tpu.memory_space<vmem>>) semaphore(%arg16 : memref<!tpu.dma_semaphore, #tpu.memory_space<semaphore_mem>>) {add = true}
      %mul3A_87 = arith.constant 2 : i32
      %mul3A_88 = arith.muli %mul3A_87, %scan3A_71 : i32
      %add3A_89 = arith.constant 3 : i32
      %add3A_90 = arith.addi %mul3A_88, %add3A_89 : i32
      %mul3A_91 = arith.constant 80 : i32
      %mul3A_92 = arith.muli %add3A, %mul3A_91 : i32
      %add3A_93 = arith.addi %mul3A_92, %add3A_90 : i32
      %mul3A_94 = arith.constant 128 : i32
      %mul3A_95 = arith.muli %add3A_93, %mul3A_94 : i32
      %dma_wait3A_96 = arith.constant 0 : i32
      %dma_wait3A_97 = arith.constant 0 : i32
      %dma_wait3A_98 = tpu.memref_slice %arg15[%dma_wait3A_96, %dma_wait3A_97] : memref<10240x64xf32, #tpu.memory_space<vmem_shared>> -> memref<10240x64xf32, #tpu.memory_space<vmem_shared>>
      tpu.wait_indirect_dma semaphore(%arg17 : memref<!tpu.dma_semaphore, #tpu.memory_space<semaphore_mem>>) src(%arg13 : memref<128x64xf32, #tpu.memory_space<vmem>>) dst(%dma_wait3A_98 : memref<10240x64xf32, #tpu.memory_space<vmem_shared>>)
      "tpu.region"() ({
        %run_scoped3A = tpu.sem_alloc : memref<!tpu.dma_semaphore, #tpu.memory_space<semaphore_mem>>
        %dma_start3A_102 = tpu.memref_slice %arg3[%mul3A_95] : memref<327680xi32, #tpu.memory_space<hbm>> -> memref<128xi32, #tpu.memory_space<hbm>>
        %dma_start3A_103 = tpu.memref_slice %arg3[%mul3A_95] : memref<327680xi32, #tpu.memory_space<hbm>> -> memref<128xi32, #tpu.memory_space<hbm>>
        tpu.enqueue_dma source(%dma_start3A_103 : memref<128xi32, #tpu.memory_space<hbm>>) target(%arg8 : memref<128xi32, #tpu.memory_space<vmem>>) target_semaphore(%run_scoped3A : memref<!tpu.dma_semaphore, #tpu.memory_space<semaphore_mem>>)
        %dma_wait3A_104 = tpu.memref_slice %arg3[%mul3A_95] : memref<327680xi32, #tpu.memory_space<hbm>> -> memref<128xi32, #tpu.memory_space<hbm>>
        %dma_wait3A_105 = tpu.memref_slice %arg3[%mul3A_95] : memref<327680xi32, #tpu.memory_space<hbm>> -> memref<128xi32, #tpu.memory_space<hbm>>
        tpu.wait_dma2 semaphore(%run_scoped3A : memref<!tpu.dma_semaphore, #tpu.memory_space<semaphore_mem>>) src(%dma_wait3A_105 : memref<128xi32, #tpu.memory_space<hbm>>) dst(%arg8 : memref<128xi32, #tpu.memory_space<vmem>>)
        tpu.yield
      }) : () -> ()
      "tpu.region"() ({
        %run_scoped3A = tpu.sem_alloc : memref<!tpu.dma_semaphore, #tpu.memory_space<semaphore_mem>>
        %dma_start3A_102 = tpu.memref_slice %arg4[%mul3A_95] : memref<327680xi32, #tpu.memory_space<hbm>> -> memref<128xi32, #tpu.memory_space<hbm>>
        %dma_start3A_103 = tpu.memref_slice %arg4[%mul3A_95] : memref<327680xi32, #tpu.memory_space<hbm>> -> memref<128xi32, #tpu.memory_space<hbm>>
        tpu.enqueue_dma source(%dma_start3A_103 : memref<128xi32, #tpu.memory_space<hbm>>) target(%arg10 : memref<128xi32, #tpu.memory_space<vmem>>) target_semaphore(%run_scoped3A : memref<!tpu.dma_semaphore, #tpu.memory_space<semaphore_mem>>)
        %dma_wait3A_104 = tpu.memref_slice %arg4[%mul3A_95] : memref<327680xi32, #tpu.memory_space<hbm>> -> memref<128xi32, #tpu.memory_space<hbm>>
        %dma_wait3A_105 = tpu.memref_slice %arg4[%mul3A_95] : memref<327680xi32, #tpu.memory_space<hbm>> -> memref<128xi32, #tpu.memory_space<hbm>>
        tpu.wait_dma2 semaphore(%run_scoped3A : memref<!tpu.dma_semaphore, #tpu.memory_space<semaphore_mem>>) src(%dma_wait3A_105 : memref<128xi32, #tpu.memory_space<hbm>>) dst(%arg10 : memref<128xi32, #tpu.memory_space<vmem>>)
        tpu.yield
      }) : () -> ()
      "tpu.region"() ({
        %run_scoped3A = tpu.sem_alloc : memref<!tpu.dma_semaphore, #tpu.memory_space<semaphore_mem>>
        %dma_start3A_102 = arith.constant 0 : i32
        %dma_start3A_103 = arith.constant 0 : i32
        %dma_start3A_104 = tpu.memref_slice %arg14[%dma_start3A_102, %dma_start3A_103] : memref<10240x64xf32, #tpu.memory_space<vmem_shared>> -> memref<10240x64xf32, #tpu.memory_space<vmem_shared>>
        tpu.enqueue_indirect_dma source(%dma_start3A_104 : memref<10240x64xf32, #tpu.memory_space<vmem_shared>>) target(%arg13 : memref<128x64xf32, #tpu.memory_space<vmem>>) offsets(%arg8 : memref<128xi32, #tpu.memory_space<vmem>>) semaphore(%run_scoped3A : memref<!tpu.dma_semaphore, #tpu.memory_space<semaphore_mem>>)
        %dma_wait3A_105 = arith.constant 0 : i32
        %dma_wait3A_106 = arith.constant 0 : i32
        %dma_wait3A_107 = tpu.memref_slice %arg14[%dma_wait3A_105, %dma_wait3A_106] : memref<10240x64xf32, #tpu.memory_space<vmem_shared>> -> memref<10240x64xf32, #tpu.memory_space<vmem_shared>>
        tpu.wait_indirect_dma semaphore(%run_scoped3A : memref<!tpu.dma_semaphore, #tpu.memory_space<semaphore_mem>>) src(%dma_wait3A_107 : memref<10240x64xf32, #tpu.memory_space<vmem_shared>>) dst(%arg13 : memref<128x64xf32, #tpu.memory_space<vmem>>)
        tpu.yield
      }) : () -> ()
      %dma_start3A_99 = arith.constant 0 : i32
      %dma_start3A_100 = arith.constant 0 : i32
      %dma_start3A_101 = tpu.memref_slice %arg15[%dma_start3A_99, %dma_start3A_100] : memref<10240x64xf32, #tpu.memory_space<vmem_shared>> -> memref<10240x64xf32, #tpu.memory_space<vmem_shared>>
      tpu.enqueue_indirect_dma source(%arg13 : memref<128x64xf32, #tpu.memory_space<vmem>>) target(%dma_start3A_101 : memref<10240x64xf32, #tpu.memory_space<vmem_shared>>) offsets(%arg10 : memref<128xi32, #tpu.memory_space<vmem>>) semaphore(%arg17 : memref<!tpu.dma_semaphore, #tpu.memory_space<semaphore_mem>>) {add = true}
    }
    %scan3A_44 = arith.constant 39 : i32
    %dma_wait3A = arith.constant 0 : i32
    %dma_wait3A_45 = arith.constant 0 : i32
    %dma_wait3A_46 = tpu.memref_slice %arg15[%dma_wait3A, %dma_wait3A_45] : memref<10240x64xf32, #tpu.memory_space<vmem_shared>> -> memref<10240x64xf32, #tpu.memory_space<vmem_shared>>
    tpu.wait_indirect_dma semaphore(%arg16 : memref<!tpu.dma_semaphore, #tpu.memory_space<semaphore_mem>>) src(%arg12 : memref<128x64xf32, #tpu.memory_space<vmem>>) dst(%dma_wait3A_46 : memref<10240x64xf32, #tpu.memory_space<vmem_shared>>)
    %dma_wait3A_47 = arith.constant 0 : i32
    %dma_wait3A_48 = arith.constant 0 : i32
    %dma_wait3A_49 = tpu.memref_slice %arg15[%dma_wait3A_47, %dma_wait3A_48] : memref<10240x64xf32, #tpu.memory_space<vmem_shared>> -> memref<10240x64xf32, #tpu.memory_space<vmem_shared>>
    tpu.wait_indirect_dma semaphore(%arg17 : memref<!tpu.dma_semaphore, #tpu.memory_space<semaphore_mem>>) src(%arg13 : memref<128x64xf32, #tpu.memory_space<vmem>>) dst(%dma_wait3A_49 : memref<10240x64xf32, #tpu.memory_space<vmem_shared>>)
    %barrier3A_50 = arith.constant 0 : index
    tpu.barrier barrier_id(%barrier3A_50)
    %mul3A_51 = arith.constant 640 : i32
    %mul3A_52 = arith.muli %arg1, %mul3A_51 : i32
    %add3A_53 = arith.constant 0 : i32
    %add3A_54 = arith.addi %mul3A_52, %add3A_53 : i32
    "tpu.region"() ({
      %run_scoped3A = tpu.sem_alloc : memref<!tpu.dma_semaphore, #tpu.memory_space<semaphore_mem>>
      %dma_start3A_71 = tpu.memref_slice %arg6[%add3A_54] : memref<10240xi32, #tpu.memory_space<hbm>> -> memref<128xi32, #tpu.memory_space<hbm>>
      %dma_start3A_72 = tpu.memref_slice %arg6[%add3A_54] : memref<10240xi32, #tpu.memory_space<hbm>> -> memref<128xi32, #tpu.memory_space<hbm>>
      tpu.enqueue_dma source(%dma_start3A_72 : memref<128xi32, #tpu.memory_space<hbm>>) target(%arg11 : memref<128xi32, #tpu.memory_space<vmem>>) target_semaphore(%run_scoped3A : memref<!tpu.dma_semaphore, #tpu.memory_space<semaphore_mem>>)
      %dma_wait3A_73 = tpu.memref_slice %arg6[%add3A_54] : memref<10240xi32, #tpu.memory_space<hbm>> -> memref<128xi32, #tpu.memory_space<hbm>>
      %dma_wait3A_74 = tpu.memref_slice %arg6[%add3A_54] : memref<10240xi32, #tpu.memory_space<hbm>> -> memref<128xi32, #tpu.memory_space<hbm>>
      tpu.wait_dma2 semaphore(%run_scoped3A : memref<!tpu.dma_semaphore, #tpu.memory_space<semaphore_mem>>) src(%dma_wait3A_74 : memref<128xi32, #tpu.memory_space<hbm>>) dst(%arg11 : memref<128xi32, #tpu.memory_space<vmem>>)
      tpu.yield
    }) : () -> ()
    "tpu.region"() ({
      %run_scoped3A = tpu.sem_alloc : memref<!tpu.dma_semaphore, #tpu.memory_space<semaphore_mem>>
      %dma_start3A_71 = arith.constant 0 : i32
      %dma_start3A_72 = arith.constant 0 : i32
      %dma_start3A_73 = tpu.memref_slice %arg15[%dma_start3A_71, %dma_start3A_72] : memref<10240x64xf32, #tpu.memory_space<vmem_shared>> -> memref<10240x64xf32, #tpu.memory_space<vmem_shared>>
      tpu.enqueue_indirect_dma source(%dma_start3A_73 : memref<10240x64xf32, #tpu.memory_space<vmem_shared>>) target(%arg12 : memref<128x64xf32, #tpu.memory_space<vmem>>) offsets(%arg11 : memref<128xi32, #tpu.memory_space<vmem>>) semaphore(%run_scoped3A : memref<!tpu.dma_semaphore, #tpu.memory_space<semaphore_mem>>)
      %dma_wait3A_74 = arith.constant 0 : i32
      %dma_wait3A_75 = arith.constant 0 : i32
      %dma_wait3A_76 = tpu.memref_slice %arg15[%dma_wait3A_74, %dma_wait3A_75] : memref<10240x64xf32, #tpu.memory_space<vmem_shared>> -> memref<10240x64xf32, #tpu.memory_space<vmem_shared>>
      tpu.wait_indirect_dma semaphore(%run_scoped3A : memref<!tpu.dma_semaphore, #tpu.memory_space<semaphore_mem>>) src(%dma_wait3A_76 : memref<10240x64xf32, #tpu.memory_space<vmem_shared>>) dst(%arg12 : memref<128x64xf32, #tpu.memory_space<vmem>>)
      tpu.yield
    }) : () -> ()
    "tpu.region"() ({
      %run_scoped3A = tpu.sem_alloc : memref<!tpu.dma_semaphore, #tpu.memory_space<semaphore_mem>>
      %dma_start3A_71 = tpu.memref_slice %arg7[%add3A_54, %mul3A_2] : memref<10240x128xf32, #tpu.memory_space<hbm>> -> memref<128x64xf32, #tpu.memory_space<hbm>>
      %dma_start3A_72 = tpu.memref_slice %arg7[%add3A_54, %mul3A_2] : memref<10240x128xf32, #tpu.memory_space<hbm>> -> memref<128x64xf32, #tpu.memory_space<hbm>>
      tpu.enqueue_dma source(%arg12 : memref<128x64xf32, #tpu.memory_space<vmem>>) target(%dma_start3A_72 : memref<128x64xf32, #tpu.memory_space<hbm>>) target_semaphore(%run_scoped3A : memref<!tpu.dma_semaphore, #tpu.memory_space<semaphore_mem>>)
      %dma_wait3A_73 = tpu.memref_slice %arg7[%add3A_54, %mul3A_2] : memref<10240x128xf32, #tpu.memory_space<hbm>> -> memref<128x64xf32, #tpu.memory_space<hbm>>
      %dma_wait3A_74 = tpu.memref_slice %arg7[%add3A_54, %mul3A_2] : memref<10240x128xf32, #tpu.memory_space<hbm>> -> memref<128x64xf32, #tpu.memory_space<hbm>>
      tpu.wait_dma2 semaphore(%run_scoped3A : memref<!tpu.dma_semaphore, #tpu.memory_space<semaphore_mem>>) src(%arg12 : memref<128x64xf32, #tpu.memory_space<vmem>>) dst(%dma_wait3A_74 : memref<128x64xf32, #tpu.memory_space<hbm>>)
      tpu.yield
    }) : () -> ()
    %mul3A_55 = arith.constant 640 : i32
    %mul3A_56 = arith.muli %arg1, %mul3A_55 : i32
    %add3A_57 = arith.constant 128 : i32
    %add3A_58 = arith.addi %mul3A_56, %add3A_57 : i32
    "tpu.region"() ({
      %run_scoped3A = tpu.sem_alloc : memref<!tpu.dma_semaphore, #tpu.memory_space<semaphore_mem>>
      %dma_start3A_71 = tpu.memref_slice %arg6[%add3A_58] : memref<10240xi32, #tpu.memory_space<hbm>> -> memref<128xi32, #tpu.memory_space<hbm>>
      %dma_start3A_72 = tpu.memref_slice %arg6[%add3A_58] : memref<10240xi32, #tpu.memory_space<hbm>> -> memref<128xi32, #tpu.memory_space<hbm>>
      tpu.enqueue_dma source(%dma_start3A_72 : memref<128xi32, #tpu.memory_space<hbm>>) target(%arg11 : memref<128xi32, #tpu.memory_space<vmem>>) target_semaphore(%run_scoped3A : memref<!tpu.dma_semaphore, #tpu.memory_space<semaphore_mem>>)
      %dma_wait3A_73 = tpu.memref_slice %arg6[%add3A_58] : memref<10240xi32, #tpu.memory_space<hbm>> -> memref<128xi32, #tpu.memory_space<hbm>>
      %dma_wait3A_74 = tpu.memref_slice %arg6[%add3A_58] : memref<10240xi32, #tpu.memory_space<hbm>> -> memref<128xi32, #tpu.memory_space<hbm>>
      tpu.wait_dma2 semaphore(%run_scoped3A : memref<!tpu.dma_semaphore, #tpu.memory_space<semaphore_mem>>) src(%dma_wait3A_74 : memref<128xi32, #tpu.memory_space<hbm>>) dst(%arg11 : memref<128xi32, #tpu.memory_space<vmem>>)
      tpu.yield
    }) : () -> ()
    "tpu.region"() ({
      %run_scoped3A = tpu.sem_alloc : memref<!tpu.dma_semaphore, #tpu.memory_space<semaphore_mem>>
      %dma_start3A_71 = arith.constant 0 : i32
      %dma_start3A_72 = arith.constant 0 : i32
      %dma_start3A_73 = tpu.memref_slice %arg15[%dma_start3A_71, %dma_start3A_72] : memref<10240x64xf32, #tpu.memory_space<vmem_shared>> -> memref<10240x64xf32, #tpu.memory_space<vmem_shared>>
      tpu.enqueue_indirect_dma source(%dma_start3A_73 : memref<10240x64xf32, #tpu.memory_space<vmem_shared>>) target(%arg12 : memref<128x64xf32, #tpu.memory_space<vmem>>) offsets(%arg11 : memref<128xi32, #tpu.memory_space<vmem>>) semaphore(%run_scoped3A : memref<!tpu.dma_semaphore, #tpu.memory_space<semaphore_mem>>)
      %dma_wait3A_74 = arith.constant 0 : i32
      %dma_wait3A_75 = arith.constant 0 : i32
      %dma_wait3A_76 = tpu.memref_slice %arg15[%dma_wait3A_74, %dma_wait3A_75] : memref<10240x64xf32, #tpu.memory_space<vmem_shared>> -> memref<10240x64xf32, #tpu.memory_space<vmem_shared>>
      tpu.wait_indirect_dma semaphore(%run_scoped3A : memref<!tpu.dma_semaphore, #tpu.memory_space<semaphore_mem>>) src(%dma_wait3A_76 : memref<10240x64xf32, #tpu.memory_space<vmem_shared>>) dst(%arg12 : memref<128x64xf32, #tpu.memory_space<vmem>>)
      tpu.yield
    }) : () -> ()
    "tpu.region"() ({
      %run_scoped3A = tpu.sem_alloc : memref<!tpu.dma_semaphore, #tpu.memory_space<semaphore_mem>>
      %dma_start3A_71 = tpu.memref_slice %arg7[%add3A_58, %mul3A_2] : memref<10240x128xf32, #tpu.memory_space<hbm>> -> memref<128x64xf32, #tpu.memory_space<hbm>>
      %dma_start3A_72 = tpu.memref_slice %arg7[%add3A_58, %mul3A_2] : memref<10240x128xf32, #tpu.memory_space<hbm>> -> memref<128x64xf32, #tpu.memory_space<hbm>>
      tpu.enqueue_dma source(%arg12 : memref<128x64xf32, #tpu.memory_space<vmem>>) target(%dma_start3A_72 : memref<128x64xf32, #tpu.memory_space<hbm>>) target_semaphore(%run_scoped3A : memref<!tpu.dma_semaphore, #tpu.memory_space<semaphore_mem>>)
      %dma_wait3A_73 = tpu.memref_slice %arg7[%add3A_58, %mul3A_2] : memref<10240x128xf32, #tpu.memory_space<hbm>> -> memref<128x64xf32, #tpu.memory_space<hbm>>
      %dma_wait3A_74 = tpu.memref_slice %arg7[%add3A_58, %mul3A_2] : memref<10240x128xf32, #tpu.memory_space<hbm>> -> memref<128x64xf32, #tpu.memory_space<hbm>>
      tpu.wait_dma2 semaphore(%run_scoped3A : memref<!tpu.dma_semaphore, #tpu.memory_space<semaphore_mem>>) src(%arg12 : memref<128x64xf32, #tpu.memory_space<vmem>>) dst(%dma_wait3A_74 : memref<128x64xf32, #tpu.memory_space<hbm>>)
      tpu.yield
    }) : () -> ()
    %mul3A_59 = arith.constant 640 : i32
    %mul3A_60 = arith.muli %arg1, %mul3A_59 : i32
    %add3A_61 = arith.constant 256 : i32
    %add3A_62 = arith.addi %mul3A_60, %add3A_61 : i32
    "tpu.region"() ({
      %run_scoped3A = tpu.sem_alloc : memref<!tpu.dma_semaphore, #tpu.memory_space<semaphore_mem>>
      %dma_start3A_71 = tpu.memref_slice %arg6[%add3A_62] : memref<10240xi32, #tpu.memory_space<hbm>> -> memref<128xi32, #tpu.memory_space<hbm>>
      %dma_start3A_72 = tpu.memref_slice %arg6[%add3A_62] : memref<10240xi32, #tpu.memory_space<hbm>> -> memref<128xi32, #tpu.memory_space<hbm>>
      tpu.enqueue_dma source(%dma_start3A_72 : memref<128xi32, #tpu.memory_space<hbm>>) target(%arg11 : memref<128xi32, #tpu.memory_space<vmem>>) target_semaphore(%run_scoped3A : memref<!tpu.dma_semaphore, #tpu.memory_space<semaphore_mem>>)
      %dma_wait3A_73 = tpu.memref_slice %arg6[%add3A_62] : memref<10240xi32, #tpu.memory_space<hbm>> -> memref<128xi32, #tpu.memory_space<hbm>>
      %dma_wait3A_74 = tpu.memref_slice %arg6[%add3A_62] : memref<10240xi32, #tpu.memory_space<hbm>> -> memref<128xi32, #tpu.memory_space<hbm>>
      tpu.wait_dma2 semaphore(%run_scoped3A : memref<!tpu.dma_semaphore, #tpu.memory_space<semaphore_mem>>) src(%dma_wait3A_74 : memref<128xi32, #tpu.memory_space<hbm>>) dst(%arg11 : memref<128xi32, #tpu.memory_space<vmem>>)
      tpu.yield
    }) : () -> ()
    "tpu.region"() ({
      %run_scoped3A = tpu.sem_alloc : memref<!tpu.dma_semaphore, #tpu.memory_space<semaphore_mem>>
      %dma_start3A_71 = arith.constant 0 : i32
      %dma_start3A_72 = arith.constant 0 : i32
      %dma_start3A_73 = tpu.memref_slice %arg15[%dma_start3A_71, %dma_start3A_72] : memref<10240x64xf32, #tpu.memory_space<vmem_shared>> -> memref<10240x64xf32, #tpu.memory_space<vmem_shared>>
      tpu.enqueue_indirect_dma source(%dma_start3A_73 : memref<10240x64xf32, #tpu.memory_space<vmem_shared>>) target(%arg12 : memref<128x64xf32, #tpu.memory_space<vmem>>) offsets(%arg11 : memref<128xi32, #tpu.memory_space<vmem>>) semaphore(%run_scoped3A : memref<!tpu.dma_semaphore, #tpu.memory_space<semaphore_mem>>)
      %dma_wait3A_74 = arith.constant 0 : i32
      %dma_wait3A_75 = arith.constant 0 : i32
      %dma_wait3A_76 = tpu.memref_slice %arg15[%dma_wait3A_74, %dma_wait3A_75] : memref<10240x64xf32, #tpu.memory_space<vmem_shared>> -> memref<10240x64xf32, #tpu.memory_space<vmem_shared>>
      tpu.wait_indirect_dma semaphore(%run_scoped3A : memref<!tpu.dma_semaphore, #tpu.memory_space<semaphore_mem>>) src(%dma_wait3A_76 : memref<10240x64xf32, #tpu.memory_space<vmem_shared>>) dst(%arg12 : memref<128x64xf32, #tpu.memory_space<vmem>>)
      tpu.yield
    }) : () -> ()
    "tpu.region"() ({
      %run_scoped3A = tpu.sem_alloc : memref<!tpu.dma_semaphore, #tpu.memory_space<semaphore_mem>>
      %dma_start3A_71 = tpu.memref_slice %arg7[%add3A_62, %mul3A_2] : memref<10240x128xf32, #tpu.memory_space<hbm>> -> memref<128x64xf32, #tpu.memory_space<hbm>>
      %dma_start3A_72 = tpu.memref_slice %arg7[%add3A_62, %mul3A_2] : memref<10240x128xf32, #tpu.memory_space<hbm>> -> memref<128x64xf32, #tpu.memory_space<hbm>>
      tpu.enqueue_dma source(%arg12 : memref<128x64xf32, #tpu.memory_space<vmem>>) target(%dma_start3A_72 : memref<128x64xf32, #tpu.memory_space<hbm>>) target_semaphore(%run_scoped3A : memref<!tpu.dma_semaphore, #tpu.memory_space<semaphore_mem>>)
      %dma_wait3A_73 = tpu.memref_slice %arg7[%add3A_62, %mul3A_2] : memref<10240x128xf32, #tpu.memory_space<hbm>> -> memref<128x64xf32, #tpu.memory_space<hbm>>
      %dma_wait3A_74 = tpu.memref_slice %arg7[%add3A_62, %mul3A_2] : memref<10240x128xf32, #tpu.memory_space<hbm>> -> memref<128x64xf32, #tpu.memory_space<hbm>>
      tpu.wait_dma2 semaphore(%run_scoped3A : memref<!tpu.dma_semaphore, #tpu.memory_space<semaphore_mem>>) src(%arg12 : memref<128x64xf32, #tpu.memory_space<vmem>>) dst(%dma_wait3A_74 : memref<128x64xf32, #tpu.memory_space<hbm>>)
      tpu.yield
    }) : () -> ()
    %mul3A_63 = arith.constant 640 : i32
    %mul3A_64 = arith.muli %arg1, %mul3A_63 : i32
    %add3A_65 = arith.constant 384 : i32
    %add3A_66 = arith.addi %mul3A_64, %add3A_65 : i32
    "tpu.region"() ({
      %run_scoped3A = tpu.sem_alloc : memref<!tpu.dma_semaphore, #tpu.memory_space<semaphore_mem>>
      %dma_start3A_71 = tpu.memref_slice %arg6[%add3A_66] : memref<10240xi32, #tpu.memory_space<hbm>> -> memref<128xi32, #tpu.memory_space<hbm>>
      %dma_start3A_72 = tpu.memref_slice %arg6[%add3A_66] : memref<10240xi32, #tpu.memory_space<hbm>> -> memref<128xi32, #tpu.memory_space<hbm>>
      tpu.enqueue_dma source(%dma_start3A_72 : memref<128xi32, #tpu.memory_space<hbm>>) target(%arg11 : memref<128xi32, #tpu.memory_space<vmem>>) target_semaphore(%run_scoped3A : memref<!tpu.dma_semaphore, #tpu.memory_space<semaphore_mem>>)
      %dma_wait3A_73 = tpu.memref_slice %arg6[%add3A_66] : memref<10240xi32, #tpu.memory_space<hbm>> -> memref<128xi32, #tpu.memory_space<hbm>>
      %dma_wait3A_74 = tpu.memref_slice %arg6[%add3A_66] : memref<10240xi32, #tpu.memory_space<hbm>> -> memref<128xi32, #tpu.memory_space<hbm>>
      tpu.wait_dma2 semaphore(%run_scoped3A : memref<!tpu.dma_semaphore, #tpu.memory_space<semaphore_mem>>) src(%dma_wait3A_74 : memref<128xi32, #tpu.memory_space<hbm>>) dst(%arg11 : memref<128xi32, #tpu.memory_space<vmem>>)
      tpu.yield
    }) : () -> ()
    "tpu.region"() ({
      %run_scoped3A = tpu.sem_alloc : memref<!tpu.dma_semaphore, #tpu.memory_space<semaphore_mem>>
      %dma_start3A_71 = arith.constant 0 : i32
      %dma_start3A_72 = arith.constant 0 : i32
      %dma_start3A_73 = tpu.memref_slice %arg15[%dma_start3A_71, %dma_start3A_72] : memref<10240x64xf32, #tpu.memory_space<vmem_shared>> -> memref<10240x64xf32, #tpu.memory_space<vmem_shared>>
      tpu.enqueue_indirect_dma source(%dma_start3A_73 : memref<10240x64xf32, #tpu.memory_space<vmem_shared>>) target(%arg12 : memref<128x64xf32, #tpu.memory_space<vmem>>) offsets(%arg11 : memref<128xi32, #tpu.memory_space<vmem>>) semaphore(%run_scoped3A : memref<!tpu.dma_semaphore, #tpu.memory_space<semaphore_mem>>)
      %dma_wait3A_74 = arith.constant 0 : i32
      %dma_wait3A_75 = arith.constant 0 : i32
      %dma_wait3A_76 = tpu.memref_slice %arg15[%dma_wait3A_74, %dma_wait3A_75] : memref<10240x64xf32, #tpu.memory_space<vmem_shared>> -> memref<10240x64xf32, #tpu.memory_space<vmem_shared>>
      tpu.wait_indirect_dma semaphore(%run_scoped3A : memref<!tpu.dma_semaphore, #tpu.memory_space<semaphore_mem>>) src(%dma_wait3A_76 : memref<10240x64xf32, #tpu.memory_space<vmem_shared>>) dst(%arg12 : memref<128x64xf32, #tpu.memory_space<vmem>>)
      tpu.yield
    }) : () -> ()
    "tpu.region"() ({
      %run_scoped3A = tpu.sem_alloc : memref<!tpu.dma_semaphore, #tpu.memory_space<semaphore_mem>>
      %dma_start3A_71 = tpu.memref_slice %arg7[%add3A_66, %mul3A_2] : memref<10240x128xf32, #tpu.memory_space<hbm>> -> memref<128x64xf32, #tpu.memory_space<hbm>>
      %dma_start3A_72 = tpu.memref_slice %arg7[%add3A_66, %mul3A_2] : memref<10240x128xf32, #tpu.memory_space<hbm>> -> memref<128x64xf32, #tpu.memory_space<hbm>>
      tpu.enqueue_dma source(%arg12 : memref<128x64xf32, #tpu.memory_space<vmem>>) target(%dma_start3A_72 : memref<128x64xf32, #tpu.memory_space<hbm>>) target_semaphore(%run_scoped3A : memref<!tpu.dma_semaphore, #tpu.memory_space<semaphore_mem>>)
      %dma_wait3A_73 = tpu.memref_slice %arg7[%add3A_66, %mul3A_2] : memref<10240x128xf32, #tpu.memory_space<hbm>> -> memref<128x64xf32, #tpu.memory_space<hbm>>
      %dma_wait3A_74 = tpu.memref_slice %arg7[%add3A_66, %mul3A_2] : memref<10240x128xf32, #tpu.memory_space<hbm>> -> memref<128x64xf32, #tpu.memory_space<hbm>>
      tpu.wait_dma2 semaphore(%run_scoped3A : memref<!tpu.dma_semaphore, #tpu.memory_space<semaphore_mem>>) src(%arg12 : memref<128x64xf32, #tpu.memory_space<vmem>>) dst(%dma_wait3A_74 : memref<128x64xf32, #tpu.memory_space<hbm>>)
      tpu.yield
    }) : () -> ()
    %mul3A_67 = arith.constant 640 : i32
    %mul3A_68 = arith.muli %arg1, %mul3A_67 : i32
    %add3A_69 = arith.constant 512 : i32
    %add3A_70 = arith.addi %mul3A_68, %add3A_69 : i32
    "tpu.region"() ({
      %run_scoped3A = tpu.sem_alloc : memref<!tpu.dma_semaphore, #tpu.memory_space<semaphore_mem>>
      %dma_start3A_71 = tpu.memref_slice %arg6[%add3A_70] : memref<10240xi32, #tpu.memory_space<hbm>> -> memref<128xi32, #tpu.memory_space<hbm>>
      %dma_start3A_72 = tpu.memref_slice %arg6[%add3A_70] : memref<10240xi32, #tpu.memory_space<hbm>> -> memref<128xi32, #tpu.memory_space<hbm>>
      tpu.enqueue_dma source(%dma_start3A_72 : memref<128xi32, #tpu.memory_space<hbm>>) target(%arg11 : memref<128xi32, #tpu.memory_space<vmem>>) target_semaphore(%run_scoped3A : memref<!tpu.dma_semaphore, #tpu.memory_space<semaphore_mem>>)
      %dma_wait3A_73 = tpu.memref_slice %arg6[%add3A_70] : memref<10240xi32, #tpu.memory_space<hbm>> -> memref<128xi32, #tpu.memory_space<hbm>>
      %dma_wait3A_74 = tpu.memref_slice %arg6[%add3A_70] : memref<10240xi32, #tpu.memory_space<hbm>> -> memref<128xi32, #tpu.memory_space<hbm>>
      tpu.wait_dma2 semaphore(%run_scoped3A : memref<!tpu.dma_semaphore, #tpu.memory_space<semaphore_mem>>) src(%dma_wait3A_74 : memref<128xi32, #tpu.memory_space<hbm>>) dst(%arg11 : memref<128xi32, #tpu.memory_space<vmem>>)
      tpu.yield
    }) : () -> ()
    "tpu.region"() ({
      %run_scoped3A = tpu.sem_alloc : memref<!tpu.dma_semaphore, #tpu.memory_space<semaphore_mem>>
      %dma_start3A_71 = arith.constant 0 : i32
      %dma_start3A_72 = arith.constant 0 : i32
      %dma_start3A_73 = tpu.memref_slice %arg15[%dma_start3A_71, %dma_start3A_72] : memref<10240x64xf32, #tpu.memory_space<vmem_shared>> -> memref<10240x64xf32, #tpu.memory_space<vmem_shared>>
      tpu.enqueue_indirect_dma source(%dma_start3A_73 : memref<10240x64xf32, #tpu.memory_space<vmem_shared>>) target(%arg12 : memref<128x64xf32, #tpu.memory_space<vmem>>) offsets(%arg11 : memref<128xi32, #tpu.memory_space<vmem>>) semaphore(%run_scoped3A : memref<!tpu.dma_semaphore, #tpu.memory_space<semaphore_mem>>)
      %dma_wait3A_74 = arith.constant 0 : i32
      %dma_wait3A_75 = arith.constant 0 : i32
      %dma_wait3A_76 = tpu.memref_slice %arg15[%dma_wait3A_74, %dma_wait3A_75] : memref<10240x64xf32, #tpu.memory_space<vmem_shared>> -> memref<10240x64xf32, #tpu.memory_space<vmem_shared>>
      tpu.wait_indirect_dma semaphore(%run_scoped3A : memref<!tpu.dma_semaphore, #tpu.memory_space<semaphore_mem>>) src(%dma_wait3A_76 : memref<10240x64xf32, #tpu.memory_space<vmem_shared>>) dst(%arg12 : memref<128x64xf32, #tpu.memory_space<vmem>>)
      tpu.yield
    }) : () -> ()
    "tpu.region"() ({
      %run_scoped3A = tpu.sem_alloc : memref<!tpu.dma_semaphore, #tpu.memory_space<semaphore_mem>>
      %dma_start3A_71 = tpu.memref_slice %arg7[%add3A_70, %mul3A_2] : memref<10240x128xf32, #tpu.memory_space<hbm>> -> memref<128x64xf32, #tpu.memory_space<hbm>>
      %dma_start3A_72 = tpu.memref_slice %arg7[%add3A_70, %mul3A_2] : memref<10240x128xf32, #tpu.memory_space<hbm>> -> memref<128x64xf32, #tpu.memory_space<hbm>>
      tpu.enqueue_dma source(%arg12 : memref<128x64xf32, #tpu.memory_space<vmem>>) target(%dma_start3A_72 : memref<128x64xf32, #tpu.memory_space<hbm>>) target_semaphore(%run_scoped3A : memref<!tpu.dma_semaphore, #tpu.memory_space<semaphore_mem>>)
      %dma_wait3A_73 = tpu.memref_slice %arg7[%add3A_70, %mul3A_2] : memref<10240x128xf32, #tpu.memory_space<hbm>> -> memref<128x64xf32, #tpu.memory_space<hbm>>
      %dma_wait3A_74 = tpu.memref_slice %arg7[%add3A_70, %mul3A_2] : memref<10240x128xf32, #tpu.memory_space<hbm>> -> memref<128x64xf32, #tpu.memory_space<hbm>>
      tpu.wait_dma2 semaphore(%run_scoped3A : memref<!tpu.dma_semaphore, #tpu.memory_space<semaphore_mem>>) src(%arg12 : memref<128x64xf32, #tpu.memory_space<vmem>>) dst(%dma_wait3A_74 : memref<128x64xf32, #tpu.memory_space<hbm>>)
      tpu.yield
    }) : () -> ()
    return
  }
}

#map = affine_map<(d0, d1) -> (0, 0)>
#map1 = affine_map<(d0, d1) -> (0)>
module attributes {stable_mosaic.version = 14 : i64} {
  func.func @_prop_body(%arg0: i32, %arg1: i32, %arg2: memref<10240x128xf32, #tpu.memory_space<hbm>>, %arg3: memref<327680xi32, #tpu.memory_space<hbm>>, %arg4: memref<327680xi32, #tpu.memory_space<hbm>>, %arg5: memref<128x128xf32, #tpu.memory_space<hbm>>, %arg6: memref<10240xi32, #tpu.memory_space<hbm>>, %arg7: memref<10240x128xf32, #tpu.memory_space<hbm>>, %arg8: memref<128xi32, #tpu.memory_space<vmem>>, %arg9: memref<128xi32, #tpu.memory_space<vmem>>, %arg10: memref<128xi32, #tpu.memory_space<vmem>>, %arg11: memref<128xi32, #tpu.memory_space<vmem>>, %arg12: memref<128x64xf32, #tpu.memory_space<vmem>>, %arg13: memref<128x64xf32, #tpu.memory_space<vmem>>, %arg14: memref<10240x64xf32, #tpu.memory_space<vmem_shared>>, %arg15: memref<10240x64xf32, #tpu.memory_space<vmem_shared>>, %arg16: memref<!tpu.dma_semaphore, #tpu.memory_space<semaphore_mem>>, %arg17: memref<!tpu.dma_semaphore, #tpu.memory_space<semaphore_mem>>) attributes {dimension_semantics = [#tpu.dimension_semantics<core_parallel>, #tpu.dimension_semantics<subcore_parallel>], iteration_bounds = array<i64: 2, 16>, scalar_prefetch = 0 : i64, scratch_operands = 10 : i64, tpu.core_type = #tpu.core_type<sc_vector_subcore>, window_params = [{transform_indices = #map}, {transform_indices = #map1}, {transform_indices = #map1}, {transform_indices = #map}, {transform_indices = #map1}, {transform_indices = #map}]} {
    %mul3A = arith.constant 16 : i32
    %mul3A_0 = arith.muli %arg0, %mul3A : i32
    %add3A = arith.addi %mul3A_0, %arg1 : i32
    %mul3A_1 = arith.constant 64 : i32
    %mul3A_2 = arith.muli %arg0, %mul3A_1 : i32
    "tpu.region"() ({
      %run_scoped3A = tpu.sem_alloc : memref<!tpu.dma_semaphore, #tpu.memory_space<semaphore_mem>>
      %dma_start3A_71 = arith.constant 0 : i32
      %dma_start3A_72 = arith.constant 0 : i32
      %dma_start3A_73 = tpu.memref_slice %arg5[%dma_start3A_71, %dma_start3A_72] : memref<128x128xf32, #tpu.memory_space<hbm>> -> memref<128x64xf32, #tpu.memory_space<hbm>>
      %dma_start3A_74 = arith.constant 0 : i32
      %dma_start3A_75 = arith.constant 0 : i32
      %dma_start3A_76 = tpu.memref_slice %arg5[%dma_start3A_74, %dma_start3A_75] : memref<128x128xf32, #tpu.memory_space<hbm>> -> memref<128x64xf32, #tpu.memory_space<hbm>>
      tpu.enqueue_dma source(%dma_start3A_76 : memref<128x64xf32, #tpu.memory_space<hbm>>) target(%arg12 : memref<128x64xf32, #tpu.memory_space<vmem>>) target_semaphore(%run_scoped3A : memref<!tpu.dma_semaphore, #tpu.memory_space<semaphore_mem>>)
      %dma_wait3A_77 = arith.constant 0 : i32
      %dma_wait3A_78 = arith.constant 0 : i32
      %dma_wait3A_79 = tpu.memref_slice %arg5[%dma_wait3A_77, %dma_wait3A_78] : memref<128x128xf32, #tpu.memory_space<hbm>> -> memref<128x64xf32, #tpu.memory_space<hbm>>
      %dma_wait3A_80 = arith.constant 0 : i32
      %dma_wait3A_81 = arith.constant 0 : i32
      %dma_wait3A_82 = tpu.memref_slice %arg5[%dma_wait3A_80, %dma_wait3A_81] : memref<128x128xf32, #tpu.memory_space<hbm>> -> memref<128x64xf32, #tpu.memory_space<hbm>>
      tpu.wait_dma2 semaphore(%run_scoped3A : memref<!tpu.dma_semaphore, #tpu.memory_space<semaphore_mem>>) src(%dma_wait3A_82 : memref<128x64xf32, #tpu.memory_space<hbm>>) dst(%arg12 : memref<128x64xf32, #tpu.memory_space<vmem>>)
      tpu.yield
    }) : () -> ()
    %mul3A_3 = arith.constant 640 : i32
    %mul3A_4 = arith.muli %arg1, %mul3A_3 : i32
    %add3A_5 = arith.constant 0 : i32
    %add3A_6 = arith.addi %mul3A_4, %add3A_5 : i32
    "tpu.region"() ({
      %run_scoped3A = tpu.sem_alloc : memref<!tpu.dma_semaphore, #tpu.memory_space<semaphore_mem>>
      %dma_start3A_71 = tpu.memref_slice %arg6[%add3A_6] : memref<10240xi32, #tpu.memory_space<hbm>> -> memref<128xi32, #tpu.memory_space<hbm>>
      %dma_start3A_72 = tpu.memref_slice %arg6[%add3A_6] : memref<10240xi32, #tpu.memory_space<hbm>> -> memref<128xi32, #tpu.memory_space<hbm>>
      tpu.enqueue_dma source(%dma_start3A_72 : memref<128xi32, #tpu.memory_space<hbm>>) target(%arg11 : memref<128xi32, #tpu.memory_space<vmem>>) target_semaphore(%run_scoped3A : memref<!tpu.dma_semaphore, #tpu.memory_space<semaphore_mem>>)
      %dma_wait3A_73 = tpu.memref_slice %arg6[%add3A_6] : memref<10240xi32, #tpu.memory_space<hbm>> -> memref<128xi32, #tpu.memory_space<hbm>>
      %dma_wait3A_74 = tpu.memref_slice %arg6[%add3A_6] : memref<10240xi32, #tpu.memory_space<hbm>> -> memref<128xi32, #tpu.memory_space<hbm>>
      tpu.wait_dma2 semaphore(%run_scoped3A : memref<!tpu.dma_semaphore, #tpu.memory_space<semaphore_mem>>) src(%dma_wait3A_74 : memref<128xi32, #tpu.memory_space<hbm>>) dst(%arg11 : memref<128xi32, #tpu.memory_space<vmem>>)
      tpu.yield
    }) : () -> ()
    "tpu.region"() ({
      %run_scoped3A = tpu.sem_alloc : memref<!tpu.dma_semaphore, #tpu.memory_space<semaphore_mem>>
      %dma_start3A_71 = arith.constant 0 : i32
      %dma_start3A_72 = arith.constant 0 : i32
      %dma_start3A_73 = tpu.memref_slice %arg15[%dma_start3A_71, %dma_start3A_72] : memref<10240x64xf32, #tpu.memory_space<vmem_shared>> -> memref<10240x64xf32, #tpu.memory_space<vmem_shared>>
      tpu.enqueue_indirect_dma source(%arg12 : memref<128x64xf32, #tpu.memory_space<vmem>>) target(%dma_start3A_73 : memref<10240x64xf32, #tpu.memory_space<vmem_shared>>) offsets(%arg11 : memref<128xi32, #tpu.memory_space<vmem>>) semaphore(%run_scoped3A : memref<!tpu.dma_semaphore, #tpu.memory_space<semaphore_mem>>)
      %dma_wait3A_74 = arith.constant 0 : i32
      %dma_wait3A_75 = arith.constant 0 : i32
      %dma_wait3A_76 = tpu.memref_slice %arg15[%dma_wait3A_74, %dma_wait3A_75] : memref<10240x64xf32, #tpu.memory_space<vmem_shared>> -> memref<10240x64xf32, #tpu.memory_space<vmem_shared>>
      tpu.wait_indirect_dma semaphore(%run_scoped3A : memref<!tpu.dma_semaphore, #tpu.memory_space<semaphore_mem>>) src(%arg12 : memref<128x64xf32, #tpu.memory_space<vmem>>) dst(%dma_wait3A_76 : memref<10240x64xf32, #tpu.memory_space<vmem_shared>>)
      tpu.yield
    }) : () -> ()
    "tpu.region"() ({
      %run_scoped3A = tpu.sem_alloc : memref<!tpu.dma_semaphore, #tpu.memory_space<semaphore_mem>>
      %dma_start3A_71 = tpu.memref_slice %arg2[%add3A_6, %mul3A_2] : memref<10240x128xf32, #tpu.memory_space<hbm>> -> memref<128x64xf32, #tpu.memory_space<hbm>>
      %dma_start3A_72 = tpu.memref_slice %arg2[%add3A_6, %mul3A_2] : memref<10240x128xf32, #tpu.memory_space<hbm>> -> memref<128x64xf32, #tpu.memory_space<hbm>>
      tpu.enqueue_dma source(%dma_start3A_72 : memref<128x64xf32, #tpu.memory_space<hbm>>) target(%arg13 : memref<128x64xf32, #tpu.memory_space<vmem>>) target_semaphore(%run_scoped3A : memref<!tpu.dma_semaphore, #tpu.memory_space<semaphore_mem>>)
      %dma_wait3A_73 = tpu.memref_slice %arg2[%add3A_6, %mul3A_2] : memref<10240x128xf32, #tpu.memory_space<hbm>> -> memref<128x64xf32, #tpu.memory_space<hbm>>
      %dma_wait3A_74 = tpu.memref_slice %arg2[%add3A_6, %mul3A_2] : memref<10240x128xf32, #tpu.memory_space<hbm>> -> memref<128x64xf32, #tpu.memory_space<hbm>>
      tpu.wait_dma2 semaphore(%run_scoped3A : memref<!tpu.dma_semaphore, #tpu.memory_space<semaphore_mem>>) src(%dma_wait3A_74 : memref<128x64xf32, #tpu.memory_space<hbm>>) dst(%arg13 : memref<128x64xf32, #tpu.memory_space<vmem>>)
      tpu.yield
    }) : () -> ()
    "tpu.region"() ({
      %run_scoped3A = tpu.sem_alloc : memref<!tpu.dma_semaphore, #tpu.memory_space<semaphore_mem>>
      %dma_start3A_71 = arith.constant 0 : i32
      %dma_start3A_72 = arith.constant 0 : i32
      %dma_start3A_73 = tpu.memref_slice %arg14[%dma_start3A_71, %dma_start3A_72] : memref<10240x64xf32, #tpu.memory_space<vmem_shared>> -> memref<10240x64xf32, #tpu.memory_space<vmem_shared>>
      tpu.enqueue_indirect_dma source(%arg13 : memref<128x64xf32, #tpu.memory_space<vmem>>) target(%dma_start3A_73 : memref<10240x64xf32, #tpu.memory_space<vmem_shared>>) offsets(%arg11 : memref<128xi32, #tpu.memory_space<vmem>>) semaphore(%run_scoped3A : memref<!tpu.dma_semaphore, #tpu.memory_space<semaphore_mem>>)
      %dma_wait3A_74 = arith.constant 0 : i32
      %dma_wait3A_75 = arith.constant 0 : i32
      %dma_wait3A_76 = tpu.memref_slice %arg14[%dma_wait3A_74, %dma_wait3A_75] : memref<10240x64xf32, #tpu.memory_space<vmem_shared>> -> memref<10240x64xf32, #tpu.memory_space<vmem_shared>>
      tpu.wait_indirect_dma semaphore(%run_scoped3A : memref<!tpu.dma_semaphore, #tpu.memory_space<semaphore_mem>>) src(%arg13 : memref<128x64xf32, #tpu.memory_space<vmem>>) dst(%dma_wait3A_76 : memref<10240x64xf32, #tpu.memory_space<vmem_shared>>)
      tpu.yield
    }) : () -> ()
    %mul3A_7 = arith.constant 640 : i32
    %mul3A_8 = arith.muli %arg1, %mul3A_7 : i32
    %add3A_9 = arith.constant 128 : i32
    %add3A_10 = arith.addi %mul3A_8, %add3A_9 : i32
    "tpu.region"() ({
      %run_scoped3A = tpu.sem_alloc : memref<!tpu.dma_semaphore, #tpu.memory_space<semaphore_mem>>
      %dma_start3A_71 = tpu.memref_slice %arg6[%add3A_10] : memref<10240xi32, #tpu.memory_space<hbm>> -> memref<128xi32, #tpu.memory_space<hbm>>
      %dma_start3A_72 = tpu.memref_slice %arg6[%add3A_10] : memref<10240xi32, #tpu.memory_space<hbm>> -> memref<128xi32, #tpu.memory_space<hbm>>
      tpu.enqueue_dma source(%dma_start3A_72 : memref<128xi32, #tpu.memory_space<hbm>>) target(%arg11 : memref<128xi32, #tpu.memory_space<vmem>>) target_semaphore(%run_scoped3A : memref<!tpu.dma_semaphore, #tpu.memory_space<semaphore_mem>>)
      %dma_wait3A_73 = tpu.memref_slice %arg6[%add3A_10] : memref<10240xi32, #tpu.memory_space<hbm>> -> memref<128xi32, #tpu.memory_space<hbm>>
      %dma_wait3A_74 = tpu.memref_slice %arg6[%add3A_10] : memref<10240xi32, #tpu.memory_space<hbm>> -> memref<128xi32, #tpu.memory_space<hbm>>
      tpu.wait_dma2 semaphore(%run_scoped3A : memref<!tpu.dma_semaphore, #tpu.memory_space<semaphore_mem>>) src(%dma_wait3A_74 : memref<128xi32, #tpu.memory_space<hbm>>) dst(%arg11 : memref<128xi32, #tpu.memory_space<vmem>>)
      tpu.yield
    }) : () -> ()
    "tpu.region"() ({
      %run_scoped3A = tpu.sem_alloc : memref<!tpu.dma_semaphore, #tpu.memory_space<semaphore_mem>>
      %dma_start3A_71 = arith.constant 0 : i32
      %dma_start3A_72 = arith.constant 0 : i32
      %dma_start3A_73 = tpu.memref_slice %arg15[%dma_start3A_71, %dma_start3A_72] : memref<10240x64xf32, #tpu.memory_space<vmem_shared>> -> memref<10240x64xf32, #tpu.memory_space<vmem_shared>>
      tpu.enqueue_indirect_dma source(%arg12 : memref<128x64xf32, #tpu.memory_space<vmem>>) target(%dma_start3A_73 : memref<10240x64xf32, #tpu.memory_space<vmem_shared>>) offsets(%arg11 : memref<128xi32, #tpu.memory_space<vmem>>) semaphore(%run_scoped3A : memref<!tpu.dma_semaphore, #tpu.memory_space<semaphore_mem>>)
      %dma_wait3A_74 = arith.constant 0 : i32
      %dma_wait3A_75 = arith.constant 0 : i32
      %dma_wait3A_76 = tpu.memref_slice %arg15[%dma_wait3A_74, %dma_wait3A_75] : memref<10240x64xf32, #tpu.memory_space<vmem_shared>> -> memref<10240x64xf32, #tpu.memory_space<vmem_shared>>
      tpu.wait_indirect_dma semaphore(%run_scoped3A : memref<!tpu.dma_semaphore, #tpu.memory_space<semaphore_mem>>) src(%arg12 : memref<128x64xf32, #tpu.memory_space<vmem>>) dst(%dma_wait3A_76 : memref<10240x64xf32, #tpu.memory_space<vmem_shared>>)
      tpu.yield
    }) : () -> ()
    "tpu.region"() ({
      %run_scoped3A = tpu.sem_alloc : memref<!tpu.dma_semaphore, #tpu.memory_space<semaphore_mem>>
      %dma_start3A_71 = tpu.memref_slice %arg2[%add3A_10, %mul3A_2] : memref<10240x128xf32, #tpu.memory_space<hbm>> -> memref<128x64xf32, #tpu.memory_space<hbm>>
      %dma_start3A_72 = tpu.memref_slice %arg2[%add3A_10, %mul3A_2] : memref<10240x128xf32, #tpu.memory_space<hbm>> -> memref<128x64xf32, #tpu.memory_space<hbm>>
      tpu.enqueue_dma source(%dma_start3A_72 : memref<128x64xf32, #tpu.memory_space<hbm>>) target(%arg13 : memref<128x64xf32, #tpu.memory_space<vmem>>) target_semaphore(%run_scoped3A : memref<!tpu.dma_semaphore, #tpu.memory_space<semaphore_mem>>)
      %dma_wait3A_73 = tpu.memref_slice %arg2[%add3A_10, %mul3A_2] : memref<10240x128xf32, #tpu.memory_space<hbm>> -> memref<128x64xf32, #tpu.memory_space<hbm>>
      %dma_wait3A_74 = tpu.memref_slice %arg2[%add3A_10, %mul3A_2] : memref<10240x128xf32, #tpu.memory_space<hbm>> -> memref<128x64xf32, #tpu.memory_space<hbm>>
      tpu.wait_dma2 semaphore(%run_scoped3A : memref<!tpu.dma_semaphore, #tpu.memory_space<semaphore_mem>>) src(%dma_wait3A_74 : memref<128x64xf32, #tpu.memory_space<hbm>>) dst(%arg13 : memref<128x64xf32, #tpu.memory_space<vmem>>)
      tpu.yield
    }) : () -> ()
    "tpu.region"() ({
      %run_scoped3A = tpu.sem_alloc : memref<!tpu.dma_semaphore, #tpu.memory_space<semaphore_mem>>
      %dma_start3A_71 = arith.constant 0 : i32
      %dma_start3A_72 = arith.constant 0 : i32
      %dma_start3A_73 = tpu.memref_slice %arg14[%dma_start3A_71, %dma_start3A_72] : memref<10240x64xf32, #tpu.memory_space<vmem_shared>> -> memref<10240x64xf32, #tpu.memory_space<vmem_shared>>
      tpu.enqueue_indirect_dma source(%arg13 : memref<128x64xf32, #tpu.memory_space<vmem>>) target(%dma_start3A_73 : memref<10240x64xf32, #tpu.memory_space<vmem_shared>>) offsets(%arg11 : memref<128xi32, #tpu.memory_space<vmem>>) semaphore(%run_scoped3A : memref<!tpu.dma_semaphore, #tpu.memory_space<semaphore_mem>>)
      %dma_wait3A_74 = arith.constant 0 : i32
      %dma_wait3A_75 = arith.constant 0 : i32
      %dma_wait3A_76 = tpu.memref_slice %arg14[%dma_wait3A_74, %dma_wait3A_75] : memref<10240x64xf32, #tpu.memory_space<vmem_shared>> -> memref<10240x64xf32, #tpu.memory_space<vmem_shared>>
      tpu.wait_indirect_dma semaphore(%run_scoped3A : memref<!tpu.dma_semaphore, #tpu.memory_space<semaphore_mem>>) src(%arg13 : memref<128x64xf32, #tpu.memory_space<vmem>>) dst(%dma_wait3A_76 : memref<10240x64xf32, #tpu.memory_space<vmem_shared>>)
      tpu.yield
    }) : () -> ()
    %mul3A_11 = arith.constant 640 : i32
    %mul3A_12 = arith.muli %arg1, %mul3A_11 : i32
    %add3A_13 = arith.constant 256 : i32
    %add3A_14 = arith.addi %mul3A_12, %add3A_13 : i32
    "tpu.region"() ({
      %run_scoped3A = tpu.sem_alloc : memref<!tpu.dma_semaphore, #tpu.memory_space<semaphore_mem>>
      %dma_start3A_71 = tpu.memref_slice %arg6[%add3A_14] : memref<10240xi32, #tpu.memory_space<hbm>> -> memref<128xi32, #tpu.memory_space<hbm>>
      %dma_start3A_72 = tpu.memref_slice %arg6[%add3A_14] : memref<10240xi32, #tpu.memory_space<hbm>> -> memref<128xi32, #tpu.memory_space<hbm>>
      tpu.enqueue_dma source(%dma_start3A_72 : memref<128xi32, #tpu.memory_space<hbm>>) target(%arg11 : memref<128xi32, #tpu.memory_space<vmem>>) target_semaphore(%run_scoped3A : memref<!tpu.dma_semaphore, #tpu.memory_space<semaphore_mem>>)
      %dma_wait3A_73 = tpu.memref_slice %arg6[%add3A_14] : memref<10240xi32, #tpu.memory_space<hbm>> -> memref<128xi32, #tpu.memory_space<hbm>>
      %dma_wait3A_74 = tpu.memref_slice %arg6[%add3A_14] : memref<10240xi32, #tpu.memory_space<hbm>> -> memref<128xi32, #tpu.memory_space<hbm>>
      tpu.wait_dma2 semaphore(%run_scoped3A : memref<!tpu.dma_semaphore, #tpu.memory_space<semaphore_mem>>) src(%dma_wait3A_74 : memref<128xi32, #tpu.memory_space<hbm>>) dst(%arg11 : memref<128xi32, #tpu.memory_space<vmem>>)
      tpu.yield
    }) : () -> ()
    "tpu.region"() ({
      %run_scoped3A = tpu.sem_alloc : memref<!tpu.dma_semaphore, #tpu.memory_space<semaphore_mem>>
      %dma_start3A_71 = arith.constant 0 : i32
      %dma_start3A_72 = arith.constant 0 : i32
      %dma_start3A_73 = tpu.memref_slice %arg15[%dma_start3A_71, %dma_start3A_72] : memref<10240x64xf32, #tpu.memory_space<vmem_shared>> -> memref<10240x64xf32, #tpu.memory_space<vmem_shared>>
      tpu.enqueue_indirect_dma source(%arg12 : memref<128x64xf32, #tpu.memory_space<vmem>>) target(%dma_start3A_73 : memref<10240x64xf32, #tpu.memory_space<vmem_shared>>) offsets(%arg11 : memref<128xi32, #tpu.memory_space<vmem>>) semaphore(%run_scoped3A : memref<!tpu.dma_semaphore, #tpu.memory_space<semaphore_mem>>)
      %dma_wait3A_74 = arith.constant 0 : i32
      %dma_wait3A_75 = arith.constant 0 : i32
      %dma_wait3A_76 = tpu.memref_slice %arg15[%dma_wait3A_74, %dma_wait3A_75] : memref<10240x64xf32, #tpu.memory_space<vmem_shared>> -> memref<10240x64xf32, #tpu.memory_space<vmem_shared>>
      tpu.wait_indirect_dma semaphore(%run_scoped3A : memref<!tpu.dma_semaphore, #tpu.memory_space<semaphore_mem>>) src(%arg12 : memref<128x64xf32, #tpu.memory_space<vmem>>) dst(%dma_wait3A_76 : memref<10240x64xf32, #tpu.memory_space<vmem_shared>>)
      tpu.yield
    }) : () -> ()
    "tpu.region"() ({
      %run_scoped3A = tpu.sem_alloc : memref<!tpu.dma_semaphore, #tpu.memory_space<semaphore_mem>>
      %dma_start3A_71 = tpu.memref_slice %arg2[%add3A_14, %mul3A_2] : memref<10240x128xf32, #tpu.memory_space<hbm>> -> memref<128x64xf32, #tpu.memory_space<hbm>>
      %dma_start3A_72 = tpu.memref_slice %arg2[%add3A_14, %mul3A_2] : memref<10240x128xf32, #tpu.memory_space<hbm>> -> memref<128x64xf32, #tpu.memory_space<hbm>>
      tpu.enqueue_dma source(%dma_start3A_72 : memref<128x64xf32, #tpu.memory_space<hbm>>) target(%arg13 : memref<128x64xf32, #tpu.memory_space<vmem>>) target_semaphore(%run_scoped3A : memref<!tpu.dma_semaphore, #tpu.memory_space<semaphore_mem>>)
      %dma_wait3A_73 = tpu.memref_slice %arg2[%add3A_14, %mul3A_2] : memref<10240x128xf32, #tpu.memory_space<hbm>> -> memref<128x64xf32, #tpu.memory_space<hbm>>
      %dma_wait3A_74 = tpu.memref_slice %arg2[%add3A_14, %mul3A_2] : memref<10240x128xf32, #tpu.memory_space<hbm>> -> memref<128x64xf32, #tpu.memory_space<hbm>>
      tpu.wait_dma2 semaphore(%run_scoped3A : memref<!tpu.dma_semaphore, #tpu.memory_space<semaphore_mem>>) src(%dma_wait3A_74 : memref<128x64xf32, #tpu.memory_space<hbm>>) dst(%arg13 : memref<128x64xf32, #tpu.memory_space<vmem>>)
      tpu.yield
    }) : () -> ()
    "tpu.region"() ({
      %run_scoped3A = tpu.sem_alloc : memref<!tpu.dma_semaphore, #tpu.memory_space<semaphore_mem>>
      %dma_start3A_71 = arith.constant 0 : i32
      %dma_start3A_72 = arith.constant 0 : i32
      %dma_start3A_73 = tpu.memref_slice %arg14[%dma_start3A_71, %dma_start3A_72] : memref<10240x64xf32, #tpu.memory_space<vmem_shared>> -> memref<10240x64xf32, #tpu.memory_space<vmem_shared>>
      tpu.enqueue_indirect_dma source(%arg13 : memref<128x64xf32, #tpu.memory_space<vmem>>) target(%dma_start3A_73 : memref<10240x64xf32, #tpu.memory_space<vmem_shared>>) offsets(%arg11 : memref<128xi32, #tpu.memory_space<vmem>>) semaphore(%run_scoped3A : memref<!tpu.dma_semaphore, #tpu.memory_space<semaphore_mem>>)
      %dma_wait3A_74 = arith.constant 0 : i32
      %dma_wait3A_75 = arith.constant 0 : i32
      %dma_wait3A_76 = tpu.memref_slice %arg14[%dma_wait3A_74, %dma_wait3A_75] : memref<10240x64xf32, #tpu.memory_space<vmem_shared>> -> memref<10240x64xf32, #tpu.memory_space<vmem_shared>>
      tpu.wait_indirect_dma semaphore(%run_scoped3A : memref<!tpu.dma_semaphore, #tpu.memory_space<semaphore_mem>>) src(%arg13 : memref<128x64xf32, #tpu.memory_space<vmem>>) dst(%dma_wait3A_76 : memref<10240x64xf32, #tpu.memory_space<vmem_shared>>)
      tpu.yield
    }) : () -> ()
    %mul3A_15 = arith.constant 640 : i32
    %mul3A_16 = arith.muli %arg1, %mul3A_15 : i32
    %add3A_17 = arith.constant 384 : i32
    %add3A_18 = arith.addi %mul3A_16, %add3A_17 : i32
    "tpu.region"() ({
      %run_scoped3A = tpu.sem_alloc : memref<!tpu.dma_semaphore, #tpu.memory_space<semaphore_mem>>
      %dma_start3A_71 = tpu.memref_slice %arg6[%add3A_18] : memref<10240xi32, #tpu.memory_space<hbm>> -> memref<128xi32, #tpu.memory_space<hbm>>
      %dma_start3A_72 = tpu.memref_slice %arg6[%add3A_18] : memref<10240xi32, #tpu.memory_space<hbm>> -> memref<128xi32, #tpu.memory_space<hbm>>
      tpu.enqueue_dma source(%dma_start3A_72 : memref<128xi32, #tpu.memory_space<hbm>>) target(%arg11 : memref<128xi32, #tpu.memory_space<vmem>>) target_semaphore(%run_scoped3A : memref<!tpu.dma_semaphore, #tpu.memory_space<semaphore_mem>>)
      %dma_wait3A_73 = tpu.memref_slice %arg6[%add3A_18] : memref<10240xi32, #tpu.memory_space<hbm>> -> memref<128xi32, #tpu.memory_space<hbm>>
      %dma_wait3A_74 = tpu.memref_slice %arg6[%add3A_18] : memref<10240xi32, #tpu.memory_space<hbm>> -> memref<128xi32, #tpu.memory_space<hbm>>
      tpu.wait_dma2 semaphore(%run_scoped3A : memref<!tpu.dma_semaphore, #tpu.memory_space<semaphore_mem>>) src(%dma_wait3A_74 : memref<128xi32, #tpu.memory_space<hbm>>) dst(%arg11 : memref<128xi32, #tpu.memory_space<vmem>>)
      tpu.yield
    }) : () -> ()
    "tpu.region"() ({
      %run_scoped3A = tpu.sem_alloc : memref<!tpu.dma_semaphore, #tpu.memory_space<semaphore_mem>>
      %dma_start3A_71 = arith.constant 0 : i32
      %dma_start3A_72 = arith.constant 0 : i32
      %dma_start3A_73 = tpu.memref_slice %arg15[%dma_start3A_71, %dma_start3A_72] : memref<10240x64xf32, #tpu.memory_space<vmem_shared>> -> memref<10240x64xf32, #tpu.memory_space<vmem_shared>>
      tpu.enqueue_indirect_dma source(%arg12 : memref<128x64xf32, #tpu.memory_space<vmem>>) target(%dma_start3A_73 : memref<10240x64xf32, #tpu.memory_space<vmem_shared>>) offsets(%arg11 : memref<128xi32, #tpu.memory_space<vmem>>) semaphore(%run_scoped3A : memref<!tpu.dma_semaphore, #tpu.memory_space<semaphore_mem>>)
      %dma_wait3A_74 = arith.constant 0 : i32
      %dma_wait3A_75 = arith.constant 0 : i32
      %dma_wait3A_76 = tpu.memref_slice %arg15[%dma_wait3A_74, %dma_wait3A_75] : memref<10240x64xf32, #tpu.memory_space<vmem_shared>> -> memref<10240x64xf32, #tpu.memory_space<vmem_shared>>
      tpu.wait_indirect_dma semaphore(%run_scoped3A : memref<!tpu.dma_semaphore, #tpu.memory_space<semaphore_mem>>) src(%arg12 : memref<128x64xf32, #tpu.memory_space<vmem>>) dst(%dma_wait3A_76 : memref<10240x64xf32, #tpu.memory_space<vmem_shared>>)
      tpu.yield
    }) : () -> ()
    "tpu.region"() ({
      %run_scoped3A = tpu.sem_alloc : memref<!tpu.dma_semaphore, #tpu.memory_space<semaphore_mem>>
      %dma_start3A_71 = tpu.memref_slice %arg2[%add3A_18, %mul3A_2] : memref<10240x128xf32, #tpu.memory_space<hbm>> -> memref<128x64xf32, #tpu.memory_space<hbm>>
      %dma_start3A_72 = tpu.memref_slice %arg2[%add3A_18, %mul3A_2] : memref<10240x128xf32, #tpu.memory_space<hbm>> -> memref<128x64xf32, #tpu.memory_space<hbm>>
      tpu.enqueue_dma source(%dma_start3A_72 : memref<128x64xf32, #tpu.memory_space<hbm>>) target(%arg13 : memref<128x64xf32, #tpu.memory_space<vmem>>) target_semaphore(%run_scoped3A : memref<!tpu.dma_semaphore, #tpu.memory_space<semaphore_mem>>)
      %dma_wait3A_73 = tpu.memref_slice %arg2[%add3A_18, %mul3A_2] : memref<10240x128xf32, #tpu.memory_space<hbm>> -> memref<128x64xf32, #tpu.memory_space<hbm>>
      %dma_wait3A_74 = tpu.memref_slice %arg2[%add3A_18, %mul3A_2] : memref<10240x128xf32, #tpu.memory_space<hbm>> -> memref<128x64xf32, #tpu.memory_space<hbm>>
      tpu.wait_dma2 semaphore(%run_scoped3A : memref<!tpu.dma_semaphore, #tpu.memory_space<semaphore_mem>>) src(%dma_wait3A_74 : memref<128x64xf32, #tpu.memory_space<hbm>>) dst(%arg13 : memref<128x64xf32, #tpu.memory_space<vmem>>)
      tpu.yield
    }) : () -> ()
    "tpu.region"() ({
      %run_scoped3A = tpu.sem_alloc : memref<!tpu.dma_semaphore, #tpu.memory_space<semaphore_mem>>
      %dma_start3A_71 = arith.constant 0 : i32
      %dma_start3A_72 = arith.constant 0 : i32
      %dma_start3A_73 = tpu.memref_slice %arg14[%dma_start3A_71, %dma_start3A_72] : memref<10240x64xf32, #tpu.memory_space<vmem_shared>> -> memref<10240x64xf32, #tpu.memory_space<vmem_shared>>
      tpu.enqueue_indirect_dma source(%arg13 : memref<128x64xf32, #tpu.memory_space<vmem>>) target(%dma_start3A_73 : memref<10240x64xf32, #tpu.memory_space<vmem_shared>>) offsets(%arg11 : memref<128xi32, #tpu.memory_space<vmem>>) semaphore(%run_scoped3A : memref<!tpu.dma_semaphore, #tpu.memory_space<semaphore_mem>>)
      %dma_wait3A_74 = arith.constant 0 : i32
      %dma_wait3A_75 = arith.constant 0 : i32
      %dma_wait3A_76 = tpu.memref_slice %arg14[%dma_wait3A_74, %dma_wait3A_75] : memref<10240x64xf32, #tpu.memory_space<vmem_shared>> -> memref<10240x64xf32, #tpu.memory_space<vmem_shared>>
      tpu.wait_indirect_dma semaphore(%run_scoped3A : memref<!tpu.dma_semaphore, #tpu.memory_space<semaphore_mem>>) src(%arg13 : memref<128x64xf32, #tpu.memory_space<vmem>>) dst(%dma_wait3A_76 : memref<10240x64xf32, #tpu.memory_space<vmem_shared>>)
      tpu.yield
    }) : () -> ()
    %mul3A_19 = arith.constant 640 : i32
    %mul3A_20 = arith.muli %arg1, %mul3A_19 : i32
    %add3A_21 = arith.constant 512 : i32
    %add3A_22 = arith.addi %mul3A_20, %add3A_21 : i32
    "tpu.region"() ({
      %run_scoped3A = tpu.sem_alloc : memref<!tpu.dma_semaphore, #tpu.memory_space<semaphore_mem>>
      %dma_start3A_71 = tpu.memref_slice %arg6[%add3A_22] : memref<10240xi32, #tpu.memory_space<hbm>> -> memref<128xi32, #tpu.memory_space<hbm>>
      %dma_start3A_72 = tpu.memref_slice %arg6[%add3A_22] : memref<10240xi32, #tpu.memory_space<hbm>> -> memref<128xi32, #tpu.memory_space<hbm>>
      tpu.enqueue_dma source(%dma_start3A_72 : memref<128xi32, #tpu.memory_space<hbm>>) target(%arg11 : memref<128xi32, #tpu.memory_space<vmem>>) target_semaphore(%run_scoped3A : memref<!tpu.dma_semaphore, #tpu.memory_space<semaphore_mem>>)
      %dma_wait3A_73 = tpu.memref_slice %arg6[%add3A_22] : memref<10240xi32, #tpu.memory_space<hbm>> -> memref<128xi32, #tpu.memory_space<hbm>>
      %dma_wait3A_74 = tpu.memref_slice %arg6[%add3A_22] : memref<10240xi32, #tpu.memory_space<hbm>> -> memref<128xi32, #tpu.memory_space<hbm>>
      tpu.wait_dma2 semaphore(%run_scoped3A : memref<!tpu.dma_semaphore, #tpu.memory_space<semaphore_mem>>) src(%dma_wait3A_74 : memref<128xi32, #tpu.memory_space<hbm>>) dst(%arg11 : memref<128xi32, #tpu.memory_space<vmem>>)
      tpu.yield
    }) : () -> ()
    "tpu.region"() ({
      %run_scoped3A = tpu.sem_alloc : memref<!tpu.dma_semaphore, #tpu.memory_space<semaphore_mem>>
      %dma_start3A_71 = arith.constant 0 : i32
      %dma_start3A_72 = arith.constant 0 : i32
      %dma_start3A_73 = tpu.memref_slice %arg15[%dma_start3A_71, %dma_start3A_72] : memref<10240x64xf32, #tpu.memory_space<vmem_shared>> -> memref<10240x64xf32, #tpu.memory_space<vmem_shared>>
      tpu.enqueue_indirect_dma source(%arg12 : memref<128x64xf32, #tpu.memory_space<vmem>>) target(%dma_start3A_73 : memref<10240x64xf32, #tpu.memory_space<vmem_shared>>) offsets(%arg11 : memref<128xi32, #tpu.memory_space<vmem>>) semaphore(%run_scoped3A : memref<!tpu.dma_semaphore, #tpu.memory_space<semaphore_mem>>)
      %dma_wait3A_74 = arith.constant 0 : i32
      %dma_wait3A_75 = arith.constant 0 : i32
      %dma_wait3A_76 = tpu.memref_slice %arg15[%dma_wait3A_74, %dma_wait3A_75] : memref<10240x64xf32, #tpu.memory_space<vmem_shared>> -> memref<10240x64xf32, #tpu.memory_space<vmem_shared>>
      tpu.wait_indirect_dma semaphore(%run_scoped3A : memref<!tpu.dma_semaphore, #tpu.memory_space<semaphore_mem>>) src(%arg12 : memref<128x64xf32, #tpu.memory_space<vmem>>) dst(%dma_wait3A_76 : memref<10240x64xf32, #tpu.memory_space<vmem_shared>>)
      tpu.yield
    }) : () -> ()
    "tpu.region"() ({
      %run_scoped3A = tpu.sem_alloc : memref<!tpu.dma_semaphore, #tpu.memory_space<semaphore_mem>>
      %dma_start3A_71 = tpu.memref_slice %arg2[%add3A_22, %mul3A_2] : memref<10240x128xf32, #tpu.memory_space<hbm>> -> memref<128x64xf32, #tpu.memory_space<hbm>>
      %dma_start3A_72 = tpu.memref_slice %arg2[%add3A_22, %mul3A_2] : memref<10240x128xf32, #tpu.memory_space<hbm>> -> memref<128x64xf32, #tpu.memory_space<hbm>>
      tpu.enqueue_dma source(%dma_start3A_72 : memref<128x64xf32, #tpu.memory_space<hbm>>) target(%arg13 : memref<128x64xf32, #tpu.memory_space<vmem>>) target_semaphore(%run_scoped3A : memref<!tpu.dma_semaphore, #tpu.memory_space<semaphore_mem>>)
      %dma_wait3A_73 = tpu.memref_slice %arg2[%add3A_22, %mul3A_2] : memref<10240x128xf32, #tpu.memory_space<hbm>> -> memref<128x64xf32, #tpu.memory_space<hbm>>
      %dma_wait3A_74 = tpu.memref_slice %arg2[%add3A_22, %mul3A_2] : memref<10240x128xf32, #tpu.memory_space<hbm>> -> memref<128x64xf32, #tpu.memory_space<hbm>>
      tpu.wait_dma2 semaphore(%run_scoped3A : memref<!tpu.dma_semaphore, #tpu.memory_space<semaphore_mem>>) src(%dma_wait3A_74 : memref<128x64xf32, #tpu.memory_space<hbm>>) dst(%arg13 : memref<128x64xf32, #tpu.memory_space<vmem>>)
      tpu.yield
    }) : () -> ()
    "tpu.region"() ({
      %run_scoped3A = tpu.sem_alloc : memref<!tpu.dma_semaphore, #tpu.memory_space<semaphore_mem>>
      %dma_start3A_71 = arith.constant 0 : i32
      %dma_start3A_72 = arith.constant 0 : i32
      %dma_start3A_73 = tpu.memref_slice %arg14[%dma_start3A_71, %dma_start3A_72] : memref<10240x64xf32, #tpu.memory_space<vmem_shared>> -> memref<10240x64xf32, #tpu.memory_space<vmem_shared>>
      tpu.enqueue_indirect_dma source(%arg13 : memref<128x64xf32, #tpu.memory_space<vmem>>) target(%dma_start3A_73 : memref<10240x64xf32, #tpu.memory_space<vmem_shared>>) offsets(%arg11 : memref<128xi32, #tpu.memory_space<vmem>>) semaphore(%run_scoped3A : memref<!tpu.dma_semaphore, #tpu.memory_space<semaphore_mem>>)
      %dma_wait3A_74 = arith.constant 0 : i32
      %dma_wait3A_75 = arith.constant 0 : i32
      %dma_wait3A_76 = tpu.memref_slice %arg14[%dma_wait3A_74, %dma_wait3A_75] : memref<10240x64xf32, #tpu.memory_space<vmem_shared>> -> memref<10240x64xf32, #tpu.memory_space<vmem_shared>>
      tpu.wait_indirect_dma semaphore(%run_scoped3A : memref<!tpu.dma_semaphore, #tpu.memory_space<semaphore_mem>>) src(%arg13 : memref<128x64xf32, #tpu.memory_space<vmem>>) dst(%dma_wait3A_76 : memref<10240x64xf32, #tpu.memory_space<vmem_shared>>)
      tpu.yield
    }) : () -> ()
    %barrier3A = arith.constant 0 : index
    tpu.barrier barrier_id(%barrier3A)
    %mul3A_23 = arith.constant 80 : i32
    %mul3A_24 = arith.muli %add3A, %mul3A_23 : i32
    %add3A_25 = arith.constant 0 : i32
    %add3A_26 = arith.addi %mul3A_24, %add3A_25 : i32
    %mul3A_27 = arith.constant 128 : i32
    %mul3A_28 = arith.muli %add3A_26, %mul3A_27 : i32
    "tpu.region"() ({
      %run_scoped3A = tpu.sem_alloc : memref<!tpu.dma_semaphore, #tpu.memory_space<semaphore_mem>>
      %dma_start3A_71 = tpu.memref_slice %arg3[%mul3A_28] : memref<327680xi32, #tpu.memory_space<hbm>> -> memref<128xi32, #tpu.memory_space<hbm>>
      %dma_start3A_72 = tpu.memref_slice %arg3[%mul3A_28] : memref<327680xi32, #tpu.memory_space<hbm>> -> memref<128xi32, #tpu.memory_space<hbm>>
      tpu.enqueue_dma source(%dma_start3A_72 : memref<128xi32, #tpu.memory_space<hbm>>) target(%arg8 : memref<128xi32, #tpu.memory_space<vmem>>) target_semaphore(%run_scoped3A : memref<!tpu.dma_semaphore, #tpu.memory_space<semaphore_mem>>)
      %dma_wait3A_73 = tpu.memref_slice %arg3[%mul3A_28] : memref<327680xi32, #tpu.memory_space<hbm>> -> memref<128xi32, #tpu.memory_space<hbm>>
      %dma_wait3A_74 = tpu.memref_slice %arg3[%mul3A_28] : memref<327680xi32, #tpu.memory_space<hbm>> -> memref<128xi32, #tpu.memory_space<hbm>>
      tpu.wait_dma2 semaphore(%run_scoped3A : memref<!tpu.dma_semaphore, #tpu.memory_space<semaphore_mem>>) src(%dma_wait3A_74 : memref<128xi32, #tpu.memory_space<hbm>>) dst(%arg8 : memref<128xi32, #tpu.memory_space<vmem>>)
      tpu.yield
    }) : () -> ()
    "tpu.region"() ({
      %run_scoped3A = tpu.sem_alloc : memref<!tpu.dma_semaphore, #tpu.memory_space<semaphore_mem>>
      %dma_start3A_71 = tpu.memref_slice %arg4[%mul3A_28] : memref<327680xi32, #tpu.memory_space<hbm>> -> memref<128xi32, #tpu.memory_space<hbm>>
      %dma_start3A_72 = tpu.memref_slice %arg4[%mul3A_28] : memref<327680xi32, #tpu.memory_space<hbm>> -> memref<128xi32, #tpu.memory_space<hbm>>
      tpu.enqueue_dma source(%dma_start3A_72 : memref<128xi32, #tpu.memory_space<hbm>>) target(%arg9 : memref<128xi32, #tpu.memory_space<vmem>>) target_semaphore(%run_scoped3A : memref<!tpu.dma_semaphore, #tpu.memory_space<semaphore_mem>>)
      %dma_wait3A_73 = tpu.memref_slice %arg4[%mul3A_28] : memref<327680xi32, #tpu.memory_space<hbm>> -> memref<128xi32, #tpu.memory_space<hbm>>
      %dma_wait3A_74 = tpu.memref_slice %arg4[%mul3A_28] : memref<327680xi32, #tpu.memory_space<hbm>> -> memref<128xi32, #tpu.memory_space<hbm>>
      tpu.wait_dma2 semaphore(%run_scoped3A : memref<!tpu.dma_semaphore, #tpu.memory_space<semaphore_mem>>) src(%dma_wait3A_74 : memref<128xi32, #tpu.memory_space<hbm>>) dst(%arg9 : memref<128xi32, #tpu.memory_space<vmem>>)
      tpu.yield
    }) : () -> ()
    "tpu.region"() ({
      %run_scoped3A = tpu.sem_alloc : memref<!tpu.dma_semaphore, #tpu.memory_space<semaphore_mem>>
      %dma_start3A_71 = arith.constant 0 : i32
      %dma_start3A_72 = arith.constant 0 : i32
      %dma_start3A_73 = tpu.memref_slice %arg14[%dma_start3A_71, %dma_start3A_72] : memref<10240x64xf32, #tpu.memory_space<vmem_shared>> -> memref<10240x64xf32, #tpu.memory_space<vmem_shared>>
      tpu.enqueue_indirect_dma source(%dma_start3A_73 : memref<10240x64xf32, #tpu.memory_space<vmem_shared>>) target(%arg12 : memref<128x64xf32, #tpu.memory_space<vmem>>) offsets(%arg8 : memref<128xi32, #tpu.memory_space<vmem>>) semaphore(%run_scoped3A : memref<!tpu.dma_semaphore, #tpu.memory_space<semaphore_mem>>)
      %dma_wait3A_74 = arith.constant 0 : i32
      %dma_wait3A_75 = arith.constant 0 : i32
      %dma_wait3A_76 = tpu.memref_slice %arg14[%dma_wait3A_74, %dma_wait3A_75] : memref<10240x64xf32, #tpu.memory_space<vmem_shared>> -> memref<10240x64xf32, #tpu.memory_space<vmem_shared>>
      tpu.wait_indirect_dma semaphore(%run_scoped3A : memref<!tpu.dma_semaphore, #tpu.memory_space<semaphore_mem>>) src(%dma_wait3A_76 : memref<10240x64xf32, #tpu.memory_space<vmem_shared>>) dst(%arg12 : memref<128x64xf32, #tpu.memory_space<vmem>>)
      tpu.yield
    }) : () -> ()
    %dma_start3A = arith.constant 0 : i32
    %dma_start3A_29 = arith.constant 0 : i32
    %dma_start3A_30 = tpu.memref_slice %arg15[%dma_start3A, %dma_start3A_29] : memref<10240x64xf32, #tpu.memory_space<vmem_shared>> -> memref<10240x64xf32, #tpu.memory_space<vmem_shared>>
    tpu.enqueue_indirect_dma source(%arg12 : memref<128x64xf32, #tpu.memory_space<vmem>>) target(%dma_start3A_30 : memref<10240x64xf32, #tpu.memory_space<vmem_shared>>) offsets(%arg9 : memref<128xi32, #tpu.memory_space<vmem>>) semaphore(%arg16 : memref<!tpu.dma_semaphore, #tpu.memory_space<semaphore_mem>>) {add = true}
    %mul3A_31 = arith.constant 80 : i32
    %mul3A_32 = arith.muli %add3A, %mul3A_31 : i32
    %add3A_33 = arith.constant 1 : i32
    %add3A_34 = arith.addi %mul3A_32, %add3A_33 : i32
    %mul3A_35 = arith.constant 128 : i32
    %mul3A_36 = arith.muli %add3A_34, %mul3A_35 : i32
    "tpu.region"() ({
      %run_scoped3A = tpu.sem_alloc : memref<!tpu.dma_semaphore, #tpu.memory_space<semaphore_mem>>
      %dma_start3A_71 = tpu.memref_slice %arg3[%mul3A_36] : memref<327680xi32, #tpu.memory_space<hbm>> -> memref<128xi32, #tpu.memory_space<hbm>>
      %dma_start3A_72 = tpu.memref_slice %arg3[%mul3A_36] : memref<327680xi32, #tpu.memory_space<hbm>> -> memref<128xi32, #tpu.memory_space<hbm>>
      tpu.enqueue_dma source(%dma_start3A_72 : memref<128xi32, #tpu.memory_space<hbm>>) target(%arg8 : memref<128xi32, #tpu.memory_space<vmem>>) target_semaphore(%run_scoped3A : memref<!tpu.dma_semaphore, #tpu.memory_space<semaphore_mem>>)
      %dma_wait3A_73 = tpu.memref_slice %arg3[%mul3A_36] : memref<327680xi32, #tpu.memory_space<hbm>> -> memref<128xi32, #tpu.memory_space<hbm>>
      %dma_wait3A_74 = tpu.memref_slice %arg3[%mul3A_36] : memref<327680xi32, #tpu.memory_space<hbm>> -> memref<128xi32, #tpu.memory_space<hbm>>
      tpu.wait_dma2 semaphore(%run_scoped3A : memref<!tpu.dma_semaphore, #tpu.memory_space<semaphore_mem>>) src(%dma_wait3A_74 : memref<128xi32, #tpu.memory_space<hbm>>) dst(%arg8 : memref<128xi32, #tpu.memory_space<vmem>>)
      tpu.yield
    }) : () -> ()
    "tpu.region"() ({
      %run_scoped3A = tpu.sem_alloc : memref<!tpu.dma_semaphore, #tpu.memory_space<semaphore_mem>>
      %dma_start3A_71 = tpu.memref_slice %arg4[%mul3A_36] : memref<327680xi32, #tpu.memory_space<hbm>> -> memref<128xi32, #tpu.memory_space<hbm>>
      %dma_start3A_72 = tpu.memref_slice %arg4[%mul3A_36] : memref<327680xi32, #tpu.memory_space<hbm>> -> memref<128xi32, #tpu.memory_space<hbm>>
      tpu.enqueue_dma source(%dma_start3A_72 : memref<128xi32, #tpu.memory_space<hbm>>) target(%arg10 : memref<128xi32, #tpu.memory_space<vmem>>) target_semaphore(%run_scoped3A : memref<!tpu.dma_semaphore, #tpu.memory_space<semaphore_mem>>)
      %dma_wait3A_73 = tpu.memref_slice %arg4[%mul3A_36] : memref<327680xi32, #tpu.memory_space<hbm>> -> memref<128xi32, #tpu.memory_space<hbm>>
      %dma_wait3A_74 = tpu.memref_slice %arg4[%mul3A_36] : memref<327680xi32, #tpu.memory_space<hbm>> -> memref<128xi32, #tpu.memory_space<hbm>>
      tpu.wait_dma2 semaphore(%run_scoped3A : memref<!tpu.dma_semaphore, #tpu.memory_space<semaphore_mem>>) src(%dma_wait3A_74 : memref<128xi32, #tpu.memory_space<hbm>>) dst(%arg10 : memref<128xi32, #tpu.memory_space<vmem>>)
      tpu.yield
    }) : () -> ()
    "tpu.region"() ({
      %run_scoped3A = tpu.sem_alloc : memref<!tpu.dma_semaphore, #tpu.memory_space<semaphore_mem>>
      %dma_start3A_71 = arith.constant 0 : i32
      %dma_start3A_72 = arith.constant 0 : i32
      %dma_start3A_73 = tpu.memref_slice %arg14[%dma_start3A_71, %dma_start3A_72] : memref<10240x64xf32, #tpu.memory_space<vmem_shared>> -> memref<10240x64xf32, #tpu.memory_space<vmem_shared>>
      tpu.enqueue_indirect_dma source(%dma_start3A_73 : memref<10240x64xf32, #tpu.memory_space<vmem_shared>>) target(%arg13 : memref<128x64xf32, #tpu.memory_space<vmem>>) offsets(%arg8 : memref<128xi32, #tpu.memory_space<vmem>>) semaphore(%run_scoped3A : memref<!tpu.dma_semaphore, #tpu.memory_space<semaphore_mem>>)
      %dma_wait3A_74 = arith.constant 0 : i32
      %dma_wait3A_75 = arith.constant 0 : i32
      %dma_wait3A_76 = tpu.memref_slice %arg14[%dma_wait3A_74, %dma_wait3A_75] : memref<10240x64xf32, #tpu.memory_space<vmem_shared>> -> memref<10240x64xf32, #tpu.memory_space<vmem_shared>>
      tpu.wait_indirect_dma semaphore(%run_scoped3A : memref<!tpu.dma_semaphore, #tpu.memory_space<semaphore_mem>>) src(%dma_wait3A_76 : memref<10240x64xf32, #tpu.memory_space<vmem_shared>>) dst(%arg13 : memref<128x64xf32, #tpu.memory_space<vmem>>)
      tpu.yield
    }) : () -> ()
    %dma_start3A_37 = arith.constant 0 : i32
    %dma_start3A_38 = arith.constant 0 : i32
    %dma_start3A_39 = tpu.memref_slice %arg15[%dma_start3A_37, %dma_start3A_38] : memref<10240x64xf32, #tpu.memory_space<vmem_shared>> -> memref<10240x64xf32, #tpu.memory_space<vmem_shared>>
    tpu.enqueue_indirect_dma source(%arg13 : memref<128x64xf32, #tpu.memory_space<vmem>>) target(%dma_start3A_39 : memref<10240x64xf32, #tpu.memory_space<vmem_shared>>) offsets(%arg10 : memref<128xi32, #tpu.memory_space<vmem>>) semaphore(%arg17 : memref<!tpu.dma_semaphore, #tpu.memory_space<semaphore_mem>>) {add = true}
    %scan3A = arith.constant 0 : i32
    %scan3A_40 = arith.constant 0 : i32
    %scan3A_41 = arith.constant 39 : i32
    %scan3A_42 = arith.addi %scan3A_40, %scan3A_41 : i32
    %scan3A_43 = arith.constant 1 : i32
    scf.for %scan3A_71 = %scan3A_40 to %scan3A_42 step %scan3A_43  : i32 {
      %mul3A_72 = arith.constant 2 : i32
      %mul3A_73 = arith.muli %mul3A_72, %scan3A_71 : i32
      %add3A_74 = arith.constant 2 : i32
      %add3A_75 = arith.addi %mul3A_73, %add3A_74 : i32
      %mul3A_76 = arith.constant 80 : i32
      %mul3A_77 = arith.muli %add3A, %mul3A_76 : i32
      %add3A_78 = arith.addi %mul3A_77, %add3A_75 : i32
      %mul3A_79 = arith.constant 128 : i32
      %mul3A_80 = arith.muli %add3A_78, %mul3A_79 : i32
      %dma_wait3A_81 = arith.constant 0 : i32
      %dma_wait3A_82 = arith.constant 0 : i32
      %dma_wait3A_83 = tpu.memref_slice %arg15[%dma_wait3A_81, %dma_wait3A_82] : memref<10240x64xf32, #tpu.memory_space<vmem_shared>> -> memref<10240x64xf32, #tpu.memory_space<vmem_shared>>
      tpu.wait_indirect_dma semaphore(%arg16 : memref<!tpu.dma_semaphore, #tpu.memory_space<semaphore_mem>>) src(%arg12 : memref<128x64xf32, #tpu.memory_space<vmem>>) dst(%dma_wait3A_83 : memref<10240x64xf32, #tpu.memory_space<vmem_shared>>)
      "tpu.region"() ({
        %run_scoped3A = tpu.sem_alloc : memref<!tpu.dma_semaphore, #tpu.memory_space<semaphore_mem>>
        %dma_start3A_102 = tpu.memref_slice %arg3[%mul3A_80] : memref<327680xi32, #tpu.memory_space<hbm>> -> memref<128xi32, #tpu.memory_space<hbm>>
        %dma_start3A_103 = tpu.memref_slice %arg3[%mul3A_80] : memref<327680xi32, #tpu.memory_space<hbm>> -> memref<128xi32, #tpu.memory_space<hbm>>
        tpu.enqueue_dma source(%dma_start3A_103 : memref<128xi32, #tpu.memory_space<hbm>>) target(%arg8 : memref<128xi32, #tpu.memory_space<vmem>>) target_semaphore(%run_scoped3A : memref<!tpu.dma_semaphore, #tpu.memory_space<semaphore_mem>>)
        %dma_wait3A_104 = tpu.memref_slice %arg3[%mul3A_80] : memref<327680xi32, #tpu.memory_space<hbm>> -> memref<128xi32, #tpu.memory_space<hbm>>
        %dma_wait3A_105 = tpu.memref_slice %arg3[%mul3A_80] : memref<327680xi32, #tpu.memory_space<hbm>> -> memref<128xi32, #tpu.memory_space<hbm>>
        tpu.wait_dma2 semaphore(%run_scoped3A : memref<!tpu.dma_semaphore, #tpu.memory_space<semaphore_mem>>) src(%dma_wait3A_105 : memref<128xi32, #tpu.memory_space<hbm>>) dst(%arg8 : memref<128xi32, #tpu.memory_space<vmem>>)
        tpu.yield
      }) : () -> ()
      "tpu.region"() ({
        %run_scoped3A = tpu.sem_alloc : memref<!tpu.dma_semaphore, #tpu.memory_space<semaphore_mem>>
        %dma_start3A_102 = tpu.memref_slice %arg4[%mul3A_80] : memref<327680xi32, #tpu.memory_space<hbm>> -> memref<128xi32, #tpu.memory_space<hbm>>
        %dma_start3A_103 = tpu.memref_slice %arg4[%mul3A_80] : memref<327680xi32, #tpu.memory_space<hbm>> -> memref<128xi32, #tpu.memory_space<hbm>>
        tpu.enqueue_dma source(%dma_start3A_103 : memref<128xi32, #tpu.memory_space<hbm>>) target(%arg9 : memref<128xi32, #tpu.memory_space<vmem>>) target_semaphore(%run_scoped3A : memref<!tpu.dma_semaphore, #tpu.memory_space<semaphore_mem>>)
        %dma_wait3A_104 = tpu.memref_slice %arg4[%mul3A_80] : memref<327680xi32, #tpu.memory_space<hbm>> -> memref<128xi32, #tpu.memory_space<hbm>>
        %dma_wait3A_105 = tpu.memref_slice %arg4[%mul3A_80] : memref<327680xi32, #tpu.memory_space<hbm>> -> memref<128xi32, #tpu.memory_space<hbm>>
        tpu.wait_dma2 semaphore(%run_scoped3A : memref<!tpu.dma_semaphore, #tpu.memory_space<semaphore_mem>>) src(%dma_wait3A_105 : memref<128xi32, #tpu.memory_space<hbm>>) dst(%arg9 : memref<128xi32, #tpu.memory_space<vmem>>)
        tpu.yield
      }) : () -> ()
      "tpu.region"() ({
        %run_scoped3A = tpu.sem_alloc : memref<!tpu.dma_semaphore, #tpu.memory_space<semaphore_mem>>
        %dma_start3A_102 = arith.constant 0 : i32
        %dma_start3A_103 = arith.constant 0 : i32
        %dma_start3A_104 = tpu.memref_slice %arg14[%dma_start3A_102, %dma_start3A_103] : memref<10240x64xf32, #tpu.memory_space<vmem_shared>> -> memref<10240x64xf32, #tpu.memory_space<vmem_shared>>
        tpu.enqueue_indirect_dma source(%dma_start3A_104 : memref<10240x64xf32, #tpu.memory_space<vmem_shared>>) target(%arg12 : memref<128x64xf32, #tpu.memory_space<vmem>>) offsets(%arg8 : memref<128xi32, #tpu.memory_space<vmem>>) semaphore(%run_scoped3A : memref<!tpu.dma_semaphore, #tpu.memory_space<semaphore_mem>>)
        %dma_wait3A_105 = arith.constant 0 : i32
        %dma_wait3A_106 = arith.constant 0 : i32
        %dma_wait3A_107 = tpu.memref_slice %arg14[%dma_wait3A_105, %dma_wait3A_106] : memref<10240x64xf32, #tpu.memory_space<vmem_shared>> -> memref<10240x64xf32, #tpu.memory_space<vmem_shared>>
        tpu.wait_indirect_dma semaphore(%run_scoped3A : memref<!tpu.dma_semaphore, #tpu.memory_space<semaphore_mem>>) src(%dma_wait3A_107 : memref<10240x64xf32, #tpu.memory_space<vmem_shared>>) dst(%arg12 : memref<128x64xf32, #tpu.memory_space<vmem>>)
        tpu.yield
      }) : () -> ()
      %dma_start3A_84 = arith.constant 0 : i32
      %dma_start3A_85 = arith.constant 0 : i32
      %dma_start3A_86 = tpu.memref_slice %arg15[%dma_start3A_84, %dma_start3A_85] : memref<10240x64xf32, #tpu.memory_space<vmem_shared>> -> memref<10240x64xf32, #tpu.memory_space<vmem_shared>>
      tpu.enqueue_indirect_dma source(%arg12 : memref<128x64xf32, #tpu.memory_space<vmem>>) target(%dma_start3A_86 : memref<10240x64xf32, #tpu.memory_space<vmem_shared>>) offsets(%arg9 : memref<128xi32, #tpu.memory_space<vmem>>) semaphore(%arg16 : memref<!tpu.dma_semaphore, #tpu.memory_space<semaphore_mem>>) {add = true}
      %mul3A_87 = arith.constant 2 : i32
      %mul3A_88 = arith.muli %mul3A_87, %scan3A_71 : i32
      %add3A_89 = arith.constant 3 : i32
      %add3A_90 = arith.addi %mul3A_88, %add3A_89 : i32
      %mul3A_91 = arith.constant 80 : i32
      %mul3A_92 = arith.muli %add3A, %mul3A_91 : i32
      %add3A_93 = arith.addi %mul3A_92, %add3A_90 : i32
      %mul3A_94 = arith.constant 128 : i32
      %mul3A_95 = arith.muli %add3A_93, %mul3A_94 : i32
      %dma_wait3A_96 = arith.constant 0 : i32
      %dma_wait3A_97 = arith.constant 0 : i32
      %dma_wait3A_98 = tpu.memref_slice %arg15[%dma_wait3A_96, %dma_wait3A_97] : memref<10240x64xf32, #tpu.memory_space<vmem_shared>> -> memref<10240x64xf32, #tpu.memory_space<vmem_shared>>
      tpu.wait_indirect_dma semaphore(%arg17 : memref<!tpu.dma_semaphore, #tpu.memory_space<semaphore_mem>>) src(%arg13 : memref<128x64xf32, #tpu.memory_space<vmem>>) dst(%dma_wait3A_98 : memref<10240x64xf32, #tpu.memory_space<vmem_shared>>)
      "tpu.region"() ({
        %run_scoped3A = tpu.sem_alloc : memref<!tpu.dma_semaphore, #tpu.memory_space<semaphore_mem>>
        %dma_start3A_102 = tpu.memref_slice %arg3[%mul3A_95] : memref<327680xi32, #tpu.memory_space<hbm>> -> memref<128xi32, #tpu.memory_space<hbm>>
        %dma_start3A_103 = tpu.memref_slice %arg3[%mul3A_95] : memref<327680xi32, #tpu.memory_space<hbm>> -> memref<128xi32, #tpu.memory_space<hbm>>
        tpu.enqueue_dma source(%dma_start3A_103 : memref<128xi32, #tpu.memory_space<hbm>>) target(%arg8 : memref<128xi32, #tpu.memory_space<vmem>>) target_semaphore(%run_scoped3A : memref<!tpu.dma_semaphore, #tpu.memory_space<semaphore_mem>>)
        %dma_wait3A_104 = tpu.memref_slice %arg3[%mul3A_95] : memref<327680xi32, #tpu.memory_space<hbm>> -> memref<128xi32, #tpu.memory_space<hbm>>
        %dma_wait3A_105 = tpu.memref_slice %arg3[%mul3A_95] : memref<327680xi32, #tpu.memory_space<hbm>> -> memref<128xi32, #tpu.memory_space<hbm>>
        tpu.wait_dma2 semaphore(%run_scoped3A : memref<!tpu.dma_semaphore, #tpu.memory_space<semaphore_mem>>) src(%dma_wait3A_105 : memref<128xi32, #tpu.memory_space<hbm>>) dst(%arg8 : memref<128xi32, #tpu.memory_space<vmem>>)
        tpu.yield
      }) : () -> ()
      "tpu.region"() ({
        %run_scoped3A = tpu.sem_alloc : memref<!tpu.dma_semaphore, #tpu.memory_space<semaphore_mem>>
        %dma_start3A_102 = tpu.memref_slice %arg4[%mul3A_95] : memref<327680xi32, #tpu.memory_space<hbm>> -> memref<128xi32, #tpu.memory_space<hbm>>
        %dma_start3A_103 = tpu.memref_slice %arg4[%mul3A_95] : memref<327680xi32, #tpu.memory_space<hbm>> -> memref<128xi32, #tpu.memory_space<hbm>>
        tpu.enqueue_dma source(%dma_start3A_103 : memref<128xi32, #tpu.memory_space<hbm>>) target(%arg10 : memref<128xi32, #tpu.memory_space<vmem>>) target_semaphore(%run_scoped3A : memref<!tpu.dma_semaphore, #tpu.memory_space<semaphore_mem>>)
        %dma_wait3A_104 = tpu.memref_slice %arg4[%mul3A_95] : memref<327680xi32, #tpu.memory_space<hbm>> -> memref<128xi32, #tpu.memory_space<hbm>>
        %dma_wait3A_105 = tpu.memref_slice %arg4[%mul3A_95] : memref<327680xi32, #tpu.memory_space<hbm>> -> memref<128xi32, #tpu.memory_space<hbm>>
        tpu.wait_dma2 semaphore(%run_scoped3A : memref<!tpu.dma_semaphore, #tpu.memory_space<semaphore_mem>>) src(%dma_wait3A_105 : memref<128xi32, #tpu.memory_space<hbm>>) dst(%arg10 : memref<128xi32, #tpu.memory_space<vmem>>)
        tpu.yield
      }) : () -> ()
      "tpu.region"() ({
        %run_scoped3A = tpu.sem_alloc : memref<!tpu.dma_semaphore, #tpu.memory_space<semaphore_mem>>
        %dma_start3A_102 = arith.constant 0 : i32
        %dma_start3A_103 = arith.constant 0 : i32
        %dma_start3A_104 = tpu.memref_slice %arg14[%dma_start3A_102, %dma_start3A_103] : memref<10240x64xf32, #tpu.memory_space<vmem_shared>> -> memref<10240x64xf32, #tpu.memory_space<vmem_shared>>
        tpu.enqueue_indirect_dma source(%dma_start3A_104 : memref<10240x64xf32, #tpu.memory_space<vmem_shared>>) target(%arg13 : memref<128x64xf32, #tpu.memory_space<vmem>>) offsets(%arg8 : memref<128xi32, #tpu.memory_space<vmem>>) semaphore(%run_scoped3A : memref<!tpu.dma_semaphore, #tpu.memory_space<semaphore_mem>>)
        %dma_wait3A_105 = arith.constant 0 : i32
        %dma_wait3A_106 = arith.constant 0 : i32
        %dma_wait3A_107 = tpu.memref_slice %arg14[%dma_wait3A_105, %dma_wait3A_106] : memref<10240x64xf32, #tpu.memory_space<vmem_shared>> -> memref<10240x64xf32, #tpu.memory_space<vmem_shared>>
        tpu.wait_indirect_dma semaphore(%run_scoped3A : memref<!tpu.dma_semaphore, #tpu.memory_space<semaphore_mem>>) src(%dma_wait3A_107 : memref<10240x64xf32, #tpu.memory_space<vmem_shared>>) dst(%arg13 : memref<128x64xf32, #tpu.memory_space<vmem>>)
        tpu.yield
      }) : () -> ()
      %dma_start3A_99 = arith.constant 0 : i32
      %dma_start3A_100 = arith.constant 0 : i32
      %dma_start3A_101 = tpu.memref_slice %arg15[%dma_start3A_99, %dma_start3A_100] : memref<10240x64xf32, #tpu.memory_space<vmem_shared>> -> memref<10240x64xf32, #tpu.memory_space<vmem_shared>>
      tpu.enqueue_indirect_dma source(%arg13 : memref<128x64xf32, #tpu.memory_space<vmem>>) target(%dma_start3A_101 : memref<10240x64xf32, #tpu.memory_space<vmem_shared>>) offsets(%arg10 : memref<128xi32, #tpu.memory_space<vmem>>) semaphore(%arg17 : memref<!tpu.dma_semaphore, #tpu.memory_space<semaphore_mem>>) {add = true}
    }
    %scan3A_44 = arith.constant 39 : i32
    %dma_wait3A = arith.constant 0 : i32
    %dma_wait3A_45 = arith.constant 0 : i32
    %dma_wait3A_46 = tpu.memref_slice %arg15[%dma_wait3A, %dma_wait3A_45] : memref<10240x64xf32, #tpu.memory_space<vmem_shared>> -> memref<10240x64xf32, #tpu.memory_space<vmem_shared>>
    tpu.wait_indirect_dma semaphore(%arg16 : memref<!tpu.dma_semaphore, #tpu.memory_space<semaphore_mem>>) src(%arg12 : memref<128x64xf32, #tpu.memory_space<vmem>>) dst(%dma_wait3A_46 : memref<10240x64xf32, #tpu.memory_space<vmem_shared>>)
    %dma_wait3A_47 = arith.constant 0 : i32
    %dma_wait3A_48 = arith.constant 0 : i32
    %dma_wait3A_49 = tpu.memref_slice %arg15[%dma_wait3A_47, %dma_wait3A_48] : memref<10240x64xf32, #tpu.memory_space<vmem_shared>> -> memref<10240x64xf32, #tpu.memory_space<vmem_shared>>
    tpu.wait_indirect_dma semaphore(%arg17 : memref<!tpu.dma_semaphore, #tpu.memory_space<semaphore_mem>>) src(%arg13 : memref<128x64xf32, #tpu.memory_space<vmem>>) dst(%dma_wait3A_49 : memref<10240x64xf32, #tpu.memory_space<vmem_shared>>)
    %barrier3A_50 = arith.constant 0 : index
    tpu.barrier barrier_id(%barrier3A_50)
    %mul3A_51 = arith.constant 640 : i32
    %mul3A_52 = arith.muli %arg1, %mul3A_51 : i32
    %add3A_53 = arith.constant 0 : i32
    %add3A_54 = arith.addi %mul3A_52, %add3A_53 : i32
    "tpu.region"() ({
      %run_scoped3A = tpu.sem_alloc : memref<!tpu.dma_semaphore, #tpu.memory_space<semaphore_mem>>
      %dma_start3A_71 = tpu.memref_slice %arg6[%add3A_54] : memref<10240xi32, #tpu.memory_space<hbm>> -> memref<128xi32, #tpu.memory_space<hbm>>
      %dma_start3A_72 = tpu.memref_slice %arg6[%add3A_54] : memref<10240xi32, #tpu.memory_space<hbm>> -> memref<128xi32, #tpu.memory_space<hbm>>
      tpu.enqueue_dma source(%dma_start3A_72 : memref<128xi32, #tpu.memory_space<hbm>>) target(%arg11 : memref<128xi32, #tpu.memory_space<vmem>>) target_semaphore(%run_scoped3A : memref<!tpu.dma_semaphore, #tpu.memory_space<semaphore_mem>>)
      %dma_wait3A_73 = tpu.memref_slice %arg6[%add3A_54] : memref<10240xi32, #tpu.memory_space<hbm>> -> memref<128xi32, #tpu.memory_space<hbm>>
      %dma_wait3A_74 = tpu.memref_slice %arg6[%add3A_54] : memref<10240xi32, #tpu.memory_space<hbm>> -> memref<128xi32, #tpu.memory_space<hbm>>
      tpu.wait_dma2 semaphore(%run_scoped3A : memref<!tpu.dma_semaphore, #tpu.memory_space<semaphore_mem>>) src(%dma_wait3A_74 : memref<128xi32, #tpu.memory_space<hbm>>) dst(%arg11 : memref<128xi32, #tpu.memory_space<vmem>>)
      tpu.yield
    }) : () -> ()
    "tpu.region"() ({
      %run_scoped3A = tpu.sem_alloc : memref<!tpu.dma_semaphore, #tpu.memory_space<semaphore_mem>>
      %dma_start3A_71 = arith.constant 0 : i32
      %dma_start3A_72 = arith.constant 0 : i32
      %dma_start3A_73 = tpu.memref_slice %arg15[%dma_start3A_71, %dma_start3A_72] : memref<10240x64xf32, #tpu.memory_space<vmem_shared>> -> memref<10240x64xf32, #tpu.memory_space<vmem_shared>>
      tpu.enqueue_indirect_dma source(%dma_start3A_73 : memref<10240x64xf32, #tpu.memory_space<vmem_shared>>) target(%arg12 : memref<128x64xf32, #tpu.memory_space<vmem>>) offsets(%arg11 : memref<128xi32, #tpu.memory_space<vmem>>) semaphore(%run_scoped3A : memref<!tpu.dma_semaphore, #tpu.memory_space<semaphore_mem>>)
      %dma_wait3A_74 = arith.constant 0 : i32
      %dma_wait3A_75 = arith.constant 0 : i32
      %dma_wait3A_76 = tpu.memref_slice %arg15[%dma_wait3A_74, %dma_wait3A_75] : memref<10240x64xf32, #tpu.memory_space<vmem_shared>> -> memref<10240x64xf32, #tpu.memory_space<vmem_shared>>
      tpu.wait_indirect_dma semaphore(%run_scoped3A : memref<!tpu.dma_semaphore, #tpu.memory_space<semaphore_mem>>) src(%dma_wait3A_76 : memref<10240x64xf32, #tpu.memory_space<vmem_shared>>) dst(%arg12 : memref<128x64xf32, #tpu.memory_space<vmem>>)
      tpu.yield
    }) : () -> ()
    "tpu.region"() ({
      %run_scoped3A = tpu.sem_alloc : memref<!tpu.dma_semaphore, #tpu.memory_space<semaphore_mem>>
      %dma_start3A_71 = tpu.memref_slice %arg7[%add3A_54, %mul3A_2] : memref<10240x128xf32, #tpu.memory_space<hbm>> -> memref<128x64xf32, #tpu.memory_space<hbm>>
      %dma_start3A_72 = tpu.memref_slice %arg7[%add3A_54, %mul3A_2] : memref<10240x128xf32, #tpu.memory_space<hbm>> -> memref<128x64xf32, #tpu.memory_space<hbm>>
      tpu.enqueue_dma source(%arg12 : memref<128x64xf32, #tpu.memory_space<vmem>>) target(%dma_start3A_72 : memref<128x64xf32, #tpu.memory_space<hbm>>) target_semaphore(%run_scoped3A : memref<!tpu.dma_semaphore, #tpu.memory_space<semaphore_mem>>)
      %dma_wait3A_73 = tpu.memref_slice %arg7[%add3A_54, %mul3A_2] : memref<10240x128xf32, #tpu.memory_space<hbm>> -> memref<128x64xf32, #tpu.memory_space<hbm>>
      %dma_wait3A_74 = tpu.memref_slice %arg7[%add3A_54, %mul3A_2] : memref<10240x128xf32, #tpu.memory_space<hbm>> -> memref<128x64xf32, #tpu.memory_space<hbm>>
      tpu.wait_dma2 semaphore(%run_scoped3A : memref<!tpu.dma_semaphore, #tpu.memory_space<semaphore_mem>>) src(%arg12 : memref<128x64xf32, #tpu.memory_space<vmem>>) dst(%dma_wait3A_74 : memref<128x64xf32, #tpu.memory_space<hbm>>)
      tpu.yield
    }) : () -> ()
    %mul3A_55 = arith.constant 640 : i32
    %mul3A_56 = arith.muli %arg1, %mul3A_55 : i32
    %add3A_57 = arith.constant 128 : i32
    %add3A_58 = arith.addi %mul3A_56, %add3A_57 : i32
    "tpu.region"() ({
      %run_scoped3A = tpu.sem_alloc : memref<!tpu.dma_semaphore, #tpu.memory_space<semaphore_mem>>
      %dma_start3A_71 = tpu.memref_slice %arg6[%add3A_58] : memref<10240xi32, #tpu.memory_space<hbm>> -> memref<128xi32, #tpu.memory_space<hbm>>
      %dma_start3A_72 = tpu.memref_slice %arg6[%add3A_58] : memref<10240xi32, #tpu.memory_space<hbm>> -> memref<128xi32, #tpu.memory_space<hbm>>
      tpu.enqueue_dma source(%dma_start3A_72 : memref<128xi32, #tpu.memory_space<hbm>>) target(%arg11 : memref<128xi32, #tpu.memory_space<vmem>>) target_semaphore(%run_scoped3A : memref<!tpu.dma_semaphore, #tpu.memory_space<semaphore_mem>>)
      %dma_wait3A_73 = tpu.memref_slice %arg6[%add3A_58] : memref<10240xi32, #tpu.memory_space<hbm>> -> memref<128xi32, #tpu.memory_space<hbm>>
      %dma_wait3A_74 = tpu.memref_slice %arg6[%add3A_58] : memref<10240xi32, #tpu.memory_space<hbm>> -> memref<128xi32, #tpu.memory_space<hbm>>
      tpu.wait_dma2 semaphore(%run_scoped3A : memref<!tpu.dma_semaphore, #tpu.memory_space<semaphore_mem>>) src(%dma_wait3A_74 : memref<128xi32, #tpu.memory_space<hbm>>) dst(%arg11 : memref<128xi32, #tpu.memory_space<vmem>>)
      tpu.yield
    }) : () -> ()
    "tpu.region"() ({
      %run_scoped3A = tpu.sem_alloc : memref<!tpu.dma_semaphore, #tpu.memory_space<semaphore_mem>>
      %dma_start3A_71 = arith.constant 0 : i32
      %dma_start3A_72 = arith.constant 0 : i32
      %dma_start3A_73 = tpu.memref_slice %arg15[%dma_start3A_71, %dma_start3A_72] : memref<10240x64xf32, #tpu.memory_space<vmem_shared>> -> memref<10240x64xf32, #tpu.memory_space<vmem_shared>>
      tpu.enqueue_indirect_dma source(%dma_start3A_73 : memref<10240x64xf32, #tpu.memory_space<vmem_shared>>) target(%arg12 : memref<128x64xf32, #tpu.memory_space<vmem>>) offsets(%arg11 : memref<128xi32, #tpu.memory_space<vmem>>) semaphore(%run_scoped3A : memref<!tpu.dma_semaphore, #tpu.memory_space<semaphore_mem>>)
      %dma_wait3A_74 = arith.constant 0 : i32
      %dma_wait3A_75 = arith.constant 0 : i32
      %dma_wait3A_76 = tpu.memref_slice %arg15[%dma_wait3A_74, %dma_wait3A_75] : memref<10240x64xf32, #tpu.memory_space<vmem_shared>> -> memref<10240x64xf32, #tpu.memory_space<vmem_shared>>
      tpu.wait_indirect_dma semaphore(%run_scoped3A : memref<!tpu.dma_semaphore, #tpu.memory_space<semaphore_mem>>) src(%dma_wait3A_76 : memref<10240x64xf32, #tpu.memory_space<vmem_shared>>) dst(%arg12 : memref<128x64xf32, #tpu.memory_space<vmem>>)
      tpu.yield
    }) : () -> ()
    "tpu.region"() ({
      %run_scoped3A = tpu.sem_alloc : memref<!tpu.dma_semaphore, #tpu.memory_space<semaphore_mem>>
      %dma_start3A_71 = tpu.memref_slice %arg7[%add3A_58, %mul3A_2] : memref<10240x128xf32, #tpu.memory_space<hbm>> -> memref<128x64xf32, #tpu.memory_space<hbm>>
      %dma_start3A_72 = tpu.memref_slice %arg7[%add3A_58, %mul3A_2] : memref<10240x128xf32, #tpu.memory_space<hbm>> -> memref<128x64xf32, #tpu.memory_space<hbm>>
      tpu.enqueue_dma source(%arg12 : memref<128x64xf32, #tpu.memory_space<vmem>>) target(%dma_start3A_72 : memref<128x64xf32, #tpu.memory_space<hbm>>) target_semaphore(%run_scoped3A : memref<!tpu.dma_semaphore, #tpu.memory_space<semaphore_mem>>)
      %dma_wait3A_73 = tpu.memref_slice %arg7[%add3A_58, %mul3A_2] : memref<10240x128xf32, #tpu.memory_space<hbm>> -> memref<128x64xf32, #tpu.memory_space<hbm>>
      %dma_wait3A_74 = tpu.memref_slice %arg7[%add3A_58, %mul3A_2] : memref<10240x128xf32, #tpu.memory_space<hbm>> -> memref<128x64xf32, #tpu.memory_space<hbm>>
      tpu.wait_dma2 semaphore(%run_scoped3A : memref<!tpu.dma_semaphore, #tpu.memory_space<semaphore_mem>>) src(%arg12 : memref<128x64xf32, #tpu.memory_space<vmem>>) dst(%dma_wait3A_74 : memref<128x64xf32, #tpu.memory_space<hbm>>)
      tpu.yield
    }) : () -> ()
    %mul3A_59 = arith.constant 640 : i32
    %mul3A_60 = arith.muli %arg1, %mul3A_59 : i32
    %add3A_61 = arith.constant 256 : i32
    %add3A_62 = arith.addi %mul3A_60, %add3A_61 : i32
    "tpu.region"() ({
      %run_scoped3A = tpu.sem_alloc : memref<!tpu.dma_semaphore, #tpu.memory_space<semaphore_mem>>
      %dma_start3A_71 = tpu.memref_slice %arg6[%add3A_62] : memref<10240xi32, #tpu.memory_space<hbm>> -> memref<128xi32, #tpu.memory_space<hbm>>
      %dma_start3A_72 = tpu.memref_slice %arg6[%add3A_62] : memref<10240xi32, #tpu.memory_space<hbm>> -> memref<128xi32, #tpu.memory_space<hbm>>
      tpu.enqueue_dma source(%dma_start3A_72 : memref<128xi32, #tpu.memory_space<hbm>>) target(%arg11 : memref<128xi32, #tpu.memory_space<vmem>>) target_semaphore(%run_scoped3A : memref<!tpu.dma_semaphore, #tpu.memory_space<semaphore_mem>>)
      %dma_wait3A_73 = tpu.memref_slice %arg6[%add3A_62] : memref<10240xi32, #tpu.memory_space<hbm>> -> memref<128xi32, #tpu.memory_space<hbm>>
      %dma_wait3A_74 = tpu.memref_slice %arg6[%add3A_62] : memref<10240xi32, #tpu.memory_space<hbm>> -> memref<128xi32, #tpu.memory_space<hbm>>
      tpu.wait_dma2 semaphore(%run_scoped3A : memref<!tpu.dma_semaphore, #tpu.memory_space<semaphore_mem>>) src(%dma_wait3A_74 : memref<128xi32, #tpu.memory_space<hbm>>) dst(%arg11 : memref<128xi32, #tpu.memory_space<vmem>>)
      tpu.yield
    }) : () -> ()
    "tpu.region"() ({
      %run_scoped3A = tpu.sem_alloc : memref<!tpu.dma_semaphore, #tpu.memory_space<semaphore_mem>>
      %dma_start3A_71 = arith.constant 0 : i32
      %dma_start3A_72 = arith.constant 0 : i32
      %dma_start3A_73 = tpu.memref_slice %arg15[%dma_start3A_71, %dma_start3A_72] : memref<10240x64xf32, #tpu.memory_space<vmem_shared>> -> memref<10240x64xf32, #tpu.memory_space<vmem_shared>>
      tpu.enqueue_indirect_dma source(%dma_start3A_73 : memref<10240x64xf32, #tpu.memory_space<vmem_shared>>) target(%arg12 : memref<128x64xf32, #tpu.memory_space<vmem>>) offsets(%arg11 : memref<128xi32, #tpu.memory_space<vmem>>) semaphore(%run_scoped3A : memref<!tpu.dma_semaphore, #tpu.memory_space<semaphore_mem>>)
      %dma_wait3A_74 = arith.constant 0 : i32
      %dma_wait3A_75 = arith.constant 0 : i32
      %dma_wait3A_76 = tpu.memref_slice %arg15[%dma_wait3A_74, %dma_wait3A_75] : memref<10240x64xf32, #tpu.memory_space<vmem_shared>> -> memref<10240x64xf32, #tpu.memory_space<vmem_shared>>
      tpu.wait_indirect_dma semaphore(%run_scoped3A : memref<!tpu.dma_semaphore, #tpu.memory_space<semaphore_mem>>) src(%dma_wait3A_76 : memref<10240x64xf32, #tpu.memory_space<vmem_shared>>) dst(%arg12 : memref<128x64xf32, #tpu.memory_space<vmem>>)
      tpu.yield
    }) : () -> ()
    "tpu.region"() ({
      %run_scoped3A = tpu.sem_alloc : memref<!tpu.dma_semaphore, #tpu.memory_space<semaphore_mem>>
      %dma_start3A_71 = tpu.memref_slice %arg7[%add3A_62, %mul3A_2] : memref<10240x128xf32, #tpu.memory_space<hbm>> -> memref<128x64xf32, #tpu.memory_space<hbm>>
      %dma_start3A_72 = tpu.memref_slice %arg7[%add3A_62, %mul3A_2] : memref<10240x128xf32, #tpu.memory_space<hbm>> -> memref<128x64xf32, #tpu.memory_space<hbm>>
      tpu.enqueue_dma source(%arg12 : memref<128x64xf32, #tpu.memory_space<vmem>>) target(%dma_start3A_72 : memref<128x64xf32, #tpu.memory_space<hbm>>) target_semaphore(%run_scoped3A : memref<!tpu.dma_semaphore, #tpu.memory_space<semaphore_mem>>)
      %dma_wait3A_73 = tpu.memref_slice %arg7[%add3A_62, %mul3A_2] : memref<10240x128xf32, #tpu.memory_space<hbm>> -> memref<128x64xf32, #tpu.memory_space<hbm>>
      %dma_wait3A_74 = tpu.memref_slice %arg7[%add3A_62, %mul3A_2] : memref<10240x128xf32, #tpu.memory_space<hbm>> -> memref<128x64xf32, #tpu.memory_space<hbm>>
      tpu.wait_dma2 semaphore(%run_scoped3A : memref<!tpu.dma_semaphore, #tpu.memory_space<semaphore_mem>>) src(%arg12 : memref<128x64xf32, #tpu.memory_space<vmem>>) dst(%dma_wait3A_74 : memref<128x64xf32, #tpu.memory_space<hbm>>)
      tpu.yield
    }) : () -> ()
    %mul3A_63 = arith.constant 640 : i32
    %mul3A_64 = arith.muli %arg1, %mul3A_63 : i32
    %add3A_65 = arith.constant 384 : i32
    %add3A_66 = arith.addi %mul3A_64, %add3A_65 : i32
    "tpu.region"() ({
      %run_scoped3A = tpu.sem_alloc : memref<!tpu.dma_semaphore, #tpu.memory_space<semaphore_mem>>
      %dma_start3A_71 = tpu.memref_slice %arg6[%add3A_66] : memref<10240xi32, #tpu.memory_space<hbm>> -> memref<128xi32, #tpu.memory_space<hbm>>
      %dma_start3A_72 = tpu.memref_slice %arg6[%add3A_66] : memref<10240xi32, #tpu.memory_space<hbm>> -> memref<128xi32, #tpu.memory_space<hbm>>
      tpu.enqueue_dma source(%dma_start3A_72 : memref<128xi32, #tpu.memory_space<hbm>>) target(%arg11 : memref<128xi32, #tpu.memory_space<vmem>>) target_semaphore(%run_scoped3A : memref<!tpu.dma_semaphore, #tpu.memory_space<semaphore_mem>>)
      %dma_wait3A_73 = tpu.memref_slice %arg6[%add3A_66] : memref<10240xi32, #tpu.memory_space<hbm>> -> memref<128xi32, #tpu.memory_space<hbm>>
      %dma_wait3A_74 = tpu.memref_slice %arg6[%add3A_66] : memref<10240xi32, #tpu.memory_space<hbm>> -> memref<128xi32, #tpu.memory_space<hbm>>
      tpu.wait_dma2 semaphore(%run_scoped3A : memref<!tpu.dma_semaphore, #tpu.memory_space<semaphore_mem>>) src(%dma_wait3A_74 : memref<128xi32, #tpu.memory_space<hbm>>) dst(%arg11 : memref<128xi32, #tpu.memory_space<vmem>>)
      tpu.yield
    }) : () -> ()
    "tpu.region"() ({
      %run_scoped3A = tpu.sem_alloc : memref<!tpu.dma_semaphore, #tpu.memory_space<semaphore_mem>>
      %dma_start3A_71 = arith.constant 0 : i32
      %dma_start3A_72 = arith.constant 0 : i32
      %dma_start3A_73 = tpu.memref_slice %arg15[%dma_start3A_71, %dma_start3A_72] : memref<10240x64xf32, #tpu.memory_space<vmem_shared>> -> memref<10240x64xf32, #tpu.memory_space<vmem_shared>>
      tpu.enqueue_indirect_dma source(%dma_start3A_73 : memref<10240x64xf32, #tpu.memory_space<vmem_shared>>) target(%arg12 : memref<128x64xf32, #tpu.memory_space<vmem>>) offsets(%arg11 : memref<128xi32, #tpu.memory_space<vmem>>) semaphore(%run_scoped3A : memref<!tpu.dma_semaphore, #tpu.memory_space<semaphore_mem>>)
      %dma_wait3A_74 = arith.constant 0 : i32
      %dma_wait3A_75 = arith.constant 0 : i32
      %dma_wait3A_76 = tpu.memref_slice %arg15[%dma_wait3A_74, %dma_wait3A_75] : memref<10240x64xf32, #tpu.memory_space<vmem_shared>> -> memref<10240x64xf32, #tpu.memory_space<vmem_shared>>
      tpu.wait_indirect_dma semaphore(%run_scoped3A : memref<!tpu.dma_semaphore, #tpu.memory_space<semaphore_mem>>) src(%dma_wait3A_76 : memref<10240x64xf32, #tpu.memory_space<vmem_shared>>) dst(%arg12 : memref<128x64xf32, #tpu.memory_space<vmem>>)
      tpu.yield
    }) : () -> ()
    "tpu.region"() ({
      %run_scoped3A = tpu.sem_alloc : memref<!tpu.dma_semaphore, #tpu.memory_space<semaphore_mem>>
      %dma_start3A_71 = tpu.memref_slice %arg7[%add3A_66, %mul3A_2] : memref<10240x128xf32, #tpu.memory_space<hbm>> -> memref<128x64xf32, #tpu.memory_space<hbm>>
      %dma_start3A_72 = tpu.memref_slice %arg7[%add3A_66, %mul3A_2] : memref<10240x128xf32, #tpu.memory_space<hbm>> -> memref<128x64xf32, #tpu.memory_space<hbm>>
      tpu.enqueue_dma source(%arg12 : memref<128x64xf32, #tpu.memory_space<vmem>>) target(%dma_start3A_72 : memref<128x64xf32, #tpu.memory_space<hbm>>) target_semaphore(%run_scoped3A : memref<!tpu.dma_semaphore, #tpu.memory_space<semaphore_mem>>)
      %dma_wait3A_73 = tpu.memref_slice %arg7[%add3A_66, %mul3A_2] : memref<10240x128xf32, #tpu.memory_space<hbm>> -> memref<128x64xf32, #tpu.memory_space<hbm>>
      %dma_wait3A_74 = tpu.memref_slice %arg7[%add3A_66, %mul3A_2] : memref<10240x128xf32, #tpu.memory_space<hbm>> -> memref<128x64xf32, #tpu.memory_space<hbm>>
      tpu.wait_dma2 semaphore(%run_scoped3A : memref<!tpu.dma_semaphore, #tpu.memory_space<semaphore_mem>>) src(%arg12 : memref<128x64xf32, #tpu.memory_space<vmem>>) dst(%dma_wait3A_74 : memref<128x64xf32, #tpu.memory_space<hbm>>)
      tpu.yield
    }) : () -> ()
    %mul3A_67 = arith.constant 640 : i32
    %mul3A_68 = arith.muli %arg1, %mul3A_67 : i32
    %add3A_69 = arith.constant 512 : i32
    %add3A_70 = arith.addi %mul3A_68, %add3A_69 : i32
    "tpu.region"() ({
      %run_scoped3A = tpu.sem_alloc : memref<!tpu.dma_semaphore, #tpu.memory_space<semaphore_mem>>
      %dma_start3A_71 = tpu.memref_slice %arg6[%add3A_70] : memref<10240xi32, #tpu.memory_space<hbm>> -> memref<128xi32, #tpu.memory_space<hbm>>
      %dma_start3A_72 = tpu.memref_slice %arg6[%add3A_70] : memref<10240xi32, #tpu.memory_space<hbm>> -> memref<128xi32, #tpu.memory_space<hbm>>
      tpu.enqueue_dma source(%dma_start3A_72 : memref<128xi32, #tpu.memory_space<hbm>>) target(%arg11 : memref<128xi32, #tpu.memory_space<vmem>>) target_semaphore(%run_scoped3A : memref<!tpu.dma_semaphore, #tpu.memory_space<semaphore_mem>>)
      %dma_wait3A_73 = tpu.memref_slice %arg6[%add3A_70] : memref<10240xi32, #tpu.memory_space<hbm>> -> memref<128xi32, #tpu.memory_space<hbm>>
      %dma_wait3A_74 = tpu.memref_slice %arg6[%add3A_70] : memref<10240xi32, #tpu.memory_space<hbm>> -> memref<128xi32, #tpu.memory_space<hbm>>
      tpu.wait_dma2 semaphore(%run_scoped3A : memref<!tpu.dma_semaphore, #tpu.memory_space<semaphore_mem>>) src(%dma_wait3A_74 : memref<128xi32, #tpu.memory_space<hbm>>) dst(%arg11 : memref<128xi32, #tpu.memory_space<vmem>>)
      tpu.yield
    }) : () -> ()
    "tpu.region"() ({
      %run_scoped3A = tpu.sem_alloc : memref<!tpu.dma_semaphore, #tpu.memory_space<semaphore_mem>>
      %dma_start3A_71 = arith.constant 0 : i32
      %dma_start3A_72 = arith.constant 0 : i32
      %dma_start3A_73 = tpu.memref_slice %arg15[%dma_start3A_71, %dma_start3A_72] : memref<10240x64xf32, #tpu.memory_space<vmem_shared>> -> memref<10240x64xf32, #tpu.memory_space<vmem_shared>>
      tpu.enqueue_indirect_dma source(%dma_start3A_73 : memref<10240x64xf32, #tpu.memory_space<vmem_shared>>) target(%arg12 : memref<128x64xf32, #tpu.memory_space<vmem>>) offsets(%arg11 : memref<128xi32, #tpu.memory_space<vmem>>) semaphore(%run_scoped3A : memref<!tpu.dma_semaphore, #tpu.memory_space<semaphore_mem>>)
      %dma_wait3A_74 = arith.constant 0 : i32
      %dma_wait3A_75 = arith.constant 0 : i32
      %dma_wait3A_76 = tpu.memref_slice %arg15[%dma_wait3A_74, %dma_wait3A_75] : memref<10240x64xf32, #tpu.memory_space<vmem_shared>> -> memref<10240x64xf32, #tpu.memory_space<vmem_shared>>
      tpu.wait_indirect_dma semaphore(%run_scoped3A : memref<!tpu.dma_semaphore, #tpu.memory_space<semaphore_mem>>) src(%dma_wait3A_76 : memref<10240x64xf32, #tpu.memory_space<vmem_shared>>) dst(%arg12 : memref<128x64xf32, #tpu.memory_space<vmem>>)
      tpu.yield
    }) : () -> ()
    "tpu.region"() ({
      %run_scoped3A = tpu.sem_alloc : memref<!tpu.dma_semaphore, #tpu.memory_space<semaphore_mem>>
      %dma_start3A_71 = tpu.memref_slice %arg7[%add3A_70, %mul3A_2] : memref<10240x128xf32, #tpu.memory_space<hbm>> -> memref<128x64xf32, #tpu.memory_space<hbm>>
      %dma_start3A_72 = tpu.memref_slice %arg7[%add3A_70, %mul3A_2] : memref<10240x128xf32, #tpu.memory_space<hbm>> -> memref<128x64xf32, #tpu.memory_space<hbm>>
      tpu.enqueue_dma source(%arg12 : memref<128x64xf32, #tpu.memory_space<vmem>>) target(%dma_start3A_72 : memref<128x64xf32, #tpu.memory_space<hbm>>) target_semaphore(%run_scoped3A : memref<!tpu.dma_semaphore, #tpu.memory_space<semaphore_mem>>)
      %dma_wait3A_73 = tpu.memref_slice %arg7[%add3A_70, %mul3A_2] : memref<10240x128xf32, #tpu.memory_space<hbm>> -> memref<128x64xf32, #tpu.memory_space<hbm>>
      %dma_wait3A_74 = tpu.memref_slice %arg7[%add3A_70, %mul3A_2] : memref<10240x128xf32, #tpu.memory_space<hbm>> -> memref<128x64xf32, #tpu.memory_space<hbm>>
      tpu.wait_dma2 semaphore(%run_scoped3A : memref<!tpu.dma_semaphore, #tpu.memory_space<semaphore_mem>>) src(%arg12 : memref<128x64xf32, #tpu.memory_space<vmem>>) dst(%dma_wait3A_74 : memref<128x64xf32, #tpu.memory_space<hbm>>)
      tpu.yield
    }) : () -> ()
    return
  }
}

#map = affine_map<(d0, d1) -> (0, 0)>
#map1 = affine_map<(d0, d1) -> (0)>
module attributes {stable_mosaic.version = 14 : i64} {
  func.func @_prop_body(%arg0: i32, %arg1: i32, %arg2: memref<10240x128xf32, #tpu.memory_space<hbm>>, %arg3: memref<327680xi32, #tpu.memory_space<hbm>>, %arg4: memref<327680xi32, #tpu.memory_space<hbm>>, %arg5: memref<128x128xf32, #tpu.memory_space<hbm>>, %arg6: memref<10240xi32, #tpu.memory_space<hbm>>, %arg7: memref<10240x128xf32, #tpu.memory_space<hbm>>, %arg8: memref<128xi32, #tpu.memory_space<vmem>>, %arg9: memref<128xi32, #tpu.memory_space<vmem>>, %arg10: memref<128xi32, #tpu.memory_space<vmem>>, %arg11: memref<128xi32, #tpu.memory_space<vmem>>, %arg12: memref<128x64xf32, #tpu.memory_space<vmem>>, %arg13: memref<128x64xf32, #tpu.memory_space<vmem>>, %arg14: memref<10240x64xf32, #tpu.memory_space<vmem_shared>>, %arg15: memref<10240x64xf32, #tpu.memory_space<vmem_shared>>, %arg16: memref<!tpu.dma_semaphore, #tpu.memory_space<semaphore_mem>>, %arg17: memref<!tpu.dma_semaphore, #tpu.memory_space<semaphore_mem>>) attributes {dimension_semantics = [#tpu.dimension_semantics<core_parallel>, #tpu.dimension_semantics<subcore_parallel>], iteration_bounds = array<i64: 2, 16>, scalar_prefetch = 0 : i64, scratch_operands = 10 : i64, tpu.core_type = #tpu.core_type<sc_vector_subcore>, window_params = [{transform_indices = #map}, {transform_indices = #map1}, {transform_indices = #map1}, {transform_indices = #map}, {transform_indices = #map1}, {transform_indices = #map}]} {
    %mul3A = arith.constant 16 : i32
    %mul3A_0 = arith.muli %arg0, %mul3A : i32
    %add3A = arith.addi %mul3A_0, %arg1 : i32
    %mul3A_1 = arith.constant 64 : i32
    %mul3A_2 = arith.muli %arg0, %mul3A_1 : i32
    "tpu.region"() ({
      %run_scoped3A = tpu.sem_alloc : memref<!tpu.dma_semaphore, #tpu.memory_space<semaphore_mem>>
      %dma_start3A_71 = arith.constant 0 : i32
      %dma_start3A_72 = arith.constant 0 : i32
      %dma_start3A_73 = tpu.memref_slice %arg5[%dma_start3A_71, %dma_start3A_72] : memref<128x128xf32, #tpu.memory_space<hbm>> -> memref<128x64xf32, #tpu.memory_space<hbm>>
      %dma_start3A_74 = arith.constant 0 : i32
      %dma_start3A_75 = arith.constant 0 : i32
      %dma_start3A_76 = tpu.memref_slice %arg5[%dma_start3A_74, %dma_start3A_75] : memref<128x128xf32, #tpu.memory_space<hbm>> -> memref<128x64xf32, #tpu.memory_space<hbm>>
      tpu.enqueue_dma source(%dma_start3A_76 : memref<128x64xf32, #tpu.memory_space<hbm>>) target(%arg12 : memref<128x64xf32, #tpu.memory_space<vmem>>) target_semaphore(%run_scoped3A : memref<!tpu.dma_semaphore, #tpu.memory_space<semaphore_mem>>)
      %dma_wait3A_77 = arith.constant 0 : i32
      %dma_wait3A_78 = arith.constant 0 : i32
      %dma_wait3A_79 = tpu.memref_slice %arg5[%dma_wait3A_77, %dma_wait3A_78] : memref<128x128xf32, #tpu.memory_space<hbm>> -> memref<128x64xf32, #tpu.memory_space<hbm>>
      %dma_wait3A_80 = arith.constant 0 : i32
      %dma_wait3A_81 = arith.constant 0 : i32
      %dma_wait3A_82 = tpu.memref_slice %arg5[%dma_wait3A_80, %dma_wait3A_81] : memref<128x128xf32, #tpu.memory_space<hbm>> -> memref<128x64xf32, #tpu.memory_space<hbm>>
      tpu.wait_dma2 semaphore(%run_scoped3A : memref<!tpu.dma_semaphore, #tpu.memory_space<semaphore_mem>>) src(%dma_wait3A_82 : memref<128x64xf32, #tpu.memory_space<hbm>>) dst(%arg12 : memref<128x64xf32, #tpu.memory_space<vmem>>)
      tpu.yield
    }) : () -> ()
    %mul3A_3 = arith.constant 640 : i32
    %mul3A_4 = arith.muli %arg1, %mul3A_3 : i32
    %add3A_5 = arith.constant 0 : i32
    %add3A_6 = arith.addi %mul3A_4, %add3A_5 : i32
    "tpu.region"() ({
      %run_scoped3A = tpu.sem_alloc : memref<!tpu.dma_semaphore, #tpu.memory_space<semaphore_mem>>
      %dma_start3A_71 = tpu.memref_slice %arg6[%add3A_6] : memref<10240xi32, #tpu.memory_space<hbm>> -> memref<128xi32, #tpu.memory_space<hbm>>
      %dma_start3A_72 = tpu.memref_slice %arg6[%add3A_6] : memref<10240xi32, #tpu.memory_space<hbm>> -> memref<128xi32, #tpu.memory_space<hbm>>
      tpu.enqueue_dma source(%dma_start3A_72 : memref<128xi32, #tpu.memory_space<hbm>>) target(%arg11 : memref<128xi32, #tpu.memory_space<vmem>>) target_semaphore(%run_scoped3A : memref<!tpu.dma_semaphore, #tpu.memory_space<semaphore_mem>>)
      %dma_wait3A_73 = tpu.memref_slice %arg6[%add3A_6] : memref<10240xi32, #tpu.memory_space<hbm>> -> memref<128xi32, #tpu.memory_space<hbm>>
      %dma_wait3A_74 = tpu.memref_slice %arg6[%add3A_6] : memref<10240xi32, #tpu.memory_space<hbm>> -> memref<128xi32, #tpu.memory_space<hbm>>
      tpu.wait_dma2 semaphore(%run_scoped3A : memref<!tpu.dma_semaphore, #tpu.memory_space<semaphore_mem>>) src(%dma_wait3A_74 : memref<128xi32, #tpu.memory_space<hbm>>) dst(%arg11 : memref<128xi32, #tpu.memory_space<vmem>>)
      tpu.yield
    }) : () -> ()
    "tpu.region"() ({
      %run_scoped3A = tpu.sem_alloc : memref<!tpu.dma_semaphore, #tpu.memory_space<semaphore_mem>>
      %dma_start3A_71 = arith.constant 0 : i32
      %dma_start3A_72 = arith.constant 0 : i32
      %dma_start3A_73 = tpu.memref_slice %arg15[%dma_start3A_71, %dma_start3A_72] : memref<10240x64xf32, #tpu.memory_space<vmem_shared>> -> memref<10240x64xf32, #tpu.memory_space<vmem_shared>>
      tpu.enqueue_indirect_dma source(%arg12 : memref<128x64xf32, #tpu.memory_space<vmem>>) target(%dma_start3A_73 : memref<10240x64xf32, #tpu.memory_space<vmem_shared>>) offsets(%arg11 : memref<128xi32, #tpu.memory_space<vmem>>) semaphore(%run_scoped3A : memref<!tpu.dma_semaphore, #tpu.memory_space<semaphore_mem>>)
      %dma_wait3A_74 = arith.constant 0 : i32
      %dma_wait3A_75 = arith.constant 0 : i32
      %dma_wait3A_76 = tpu.memref_slice %arg15[%dma_wait3A_74, %dma_wait3A_75] : memref<10240x64xf32, #tpu.memory_space<vmem_shared>> -> memref<10240x64xf32, #tpu.memory_space<vmem_shared>>
      tpu.wait_indirect_dma semaphore(%run_scoped3A : memref<!tpu.dma_semaphore, #tpu.memory_space<semaphore_mem>>) src(%arg12 : memref<128x64xf32, #tpu.memory_space<vmem>>) dst(%dma_wait3A_76 : memref<10240x64xf32, #tpu.memory_space<vmem_shared>>)
      tpu.yield
    }) : () -> ()
    "tpu.region"() ({
      %run_scoped3A = tpu.sem_alloc : memref<!tpu.dma_semaphore, #tpu.memory_space<semaphore_mem>>
      %dma_start3A_71 = tpu.memref_slice %arg2[%add3A_6, %mul3A_2] : memref<10240x128xf32, #tpu.memory_space<hbm>> -> memref<128x64xf32, #tpu.memory_space<hbm>>
      %dma_start3A_72 = tpu.memref_slice %arg2[%add3A_6, %mul3A_2] : memref<10240x128xf32, #tpu.memory_space<hbm>> -> memref<128x64xf32, #tpu.memory_space<hbm>>
      tpu.enqueue_dma source(%dma_start3A_72 : memref<128x64xf32, #tpu.memory_space<hbm>>) target(%arg13 : memref<128x64xf32, #tpu.memory_space<vmem>>) target_semaphore(%run_scoped3A : memref<!tpu.dma_semaphore, #tpu.memory_space<semaphore_mem>>)
      %dma_wait3A_73 = tpu.memref_slice %arg2[%add3A_6, %mul3A_2] : memref<10240x128xf32, #tpu.memory_space<hbm>> -> memref<128x64xf32, #tpu.memory_space<hbm>>
      %dma_wait3A_74 = tpu.memref_slice %arg2[%add3A_6, %mul3A_2] : memref<10240x128xf32, #tpu.memory_space<hbm>> -> memref<128x64xf32, #tpu.memory_space<hbm>>
      tpu.wait_dma2 semaphore(%run_scoped3A : memref<!tpu.dma_semaphore, #tpu.memory_space<semaphore_mem>>) src(%dma_wait3A_74 : memref<128x64xf32, #tpu.memory_space<hbm>>) dst(%arg13 : memref<128x64xf32, #tpu.memory_space<vmem>>)
      tpu.yield
    }) : () -> ()
    "tpu.region"() ({
      %run_scoped3A = tpu.sem_alloc : memref<!tpu.dma_semaphore, #tpu.memory_space<semaphore_mem>>
      %dma_start3A_71 = arith.constant 0 : i32
      %dma_start3A_72 = arith.constant 0 : i32
      %dma_start3A_73 = tpu.memref_slice %arg14[%dma_start3A_71, %dma_start3A_72] : memref<10240x64xf32, #tpu.memory_space<vmem_shared>> -> memref<10240x64xf32, #tpu.memory_space<vmem_shared>>
      tpu.enqueue_indirect_dma source(%arg13 : memref<128x64xf32, #tpu.memory_space<vmem>>) target(%dma_start3A_73 : memref<10240x64xf32, #tpu.memory_space<vmem_shared>>) offsets(%arg11 : memref<128xi32, #tpu.memory_space<vmem>>) semaphore(%run_scoped3A : memref<!tpu.dma_semaphore, #tpu.memory_space<semaphore_mem>>)
      %dma_wait3A_74 = arith.constant 0 : i32
      %dma_wait3A_75 = arith.constant 0 : i32
      %dma_wait3A_76 = tpu.memref_slice %arg14[%dma_wait3A_74, %dma_wait3A_75] : memref<10240x64xf32, #tpu.memory_space<vmem_shared>> -> memref<10240x64xf32, #tpu.memory_space<vmem_shared>>
      tpu.wait_indirect_dma semaphore(%run_scoped3A : memref<!tpu.dma_semaphore, #tpu.memory_space<semaphore_mem>>) src(%arg13 : memref<128x64xf32, #tpu.memory_space<vmem>>) dst(%dma_wait3A_76 : memref<10240x64xf32, #tpu.memory_space<vmem_shared>>)
      tpu.yield
    }) : () -> ()
    %mul3A_7 = arith.constant 640 : i32
    %mul3A_8 = arith.muli %arg1, %mul3A_7 : i32
    %add3A_9 = arith.constant 128 : i32
    %add3A_10 = arith.addi %mul3A_8, %add3A_9 : i32
    "tpu.region"() ({
      %run_scoped3A = tpu.sem_alloc : memref<!tpu.dma_semaphore, #tpu.memory_space<semaphore_mem>>
      %dma_start3A_71 = tpu.memref_slice %arg6[%add3A_10] : memref<10240xi32, #tpu.memory_space<hbm>> -> memref<128xi32, #tpu.memory_space<hbm>>
      %dma_start3A_72 = tpu.memref_slice %arg6[%add3A_10] : memref<10240xi32, #tpu.memory_space<hbm>> -> memref<128xi32, #tpu.memory_space<hbm>>
      tpu.enqueue_dma source(%dma_start3A_72 : memref<128xi32, #tpu.memory_space<hbm>>) target(%arg11 : memref<128xi32, #tpu.memory_space<vmem>>) target_semaphore(%run_scoped3A : memref<!tpu.dma_semaphore, #tpu.memory_space<semaphore_mem>>)
      %dma_wait3A_73 = tpu.memref_slice %arg6[%add3A_10] : memref<10240xi32, #tpu.memory_space<hbm>> -> memref<128xi32, #tpu.memory_space<hbm>>
      %dma_wait3A_74 = tpu.memref_slice %arg6[%add3A_10] : memref<10240xi32, #tpu.memory_space<hbm>> -> memref<128xi32, #tpu.memory_space<hbm>>
      tpu.wait_dma2 semaphore(%run_scoped3A : memref<!tpu.dma_semaphore, #tpu.memory_space<semaphore_mem>>) src(%dma_wait3A_74 : memref<128xi32, #tpu.memory_space<hbm>>) dst(%arg11 : memref<128xi32, #tpu.memory_space<vmem>>)
      tpu.yield
    }) : () -> ()
    "tpu.region"() ({
      %run_scoped3A = tpu.sem_alloc : memref<!tpu.dma_semaphore, #tpu.memory_space<semaphore_mem>>
      %dma_start3A_71 = arith.constant 0 : i32
      %dma_start3A_72 = arith.constant 0 : i32
      %dma_start3A_73 = tpu.memref_slice %arg15[%dma_start3A_71, %dma_start3A_72] : memref<10240x64xf32, #tpu.memory_space<vmem_shared>> -> memref<10240x64xf32, #tpu.memory_space<vmem_shared>>
      tpu.enqueue_indirect_dma source(%arg12 : memref<128x64xf32, #tpu.memory_space<vmem>>) target(%dma_start3A_73 : memref<10240x64xf32, #tpu.memory_space<vmem_shared>>) offsets(%arg11 : memref<128xi32, #tpu.memory_space<vmem>>) semaphore(%run_scoped3A : memref<!tpu.dma_semaphore, #tpu.memory_space<semaphore_mem>>)
      %dma_wait3A_74 = arith.constant 0 : i32
      %dma_wait3A_75 = arith.constant 0 : i32
      %dma_wait3A_76 = tpu.memref_slice %arg15[%dma_wait3A_74, %dma_wait3A_75] : memref<10240x64xf32, #tpu.memory_space<vmem_shared>> -> memref<10240x64xf32, #tpu.memory_space<vmem_shared>>
      tpu.wait_indirect_dma semaphore(%run_scoped3A : memref<!tpu.dma_semaphore, #tpu.memory_space<semaphore_mem>>) src(%arg12 : memref<128x64xf32, #tpu.memory_space<vmem>>) dst(%dma_wait3A_76 : memref<10240x64xf32, #tpu.memory_space<vmem_shared>>)
      tpu.yield
    }) : () -> ()
    "tpu.region"() ({
      %run_scoped3A = tpu.sem_alloc : memref<!tpu.dma_semaphore, #tpu.memory_space<semaphore_mem>>
      %dma_start3A_71 = tpu.memref_slice %arg2[%add3A_10, %mul3A_2] : memref<10240x128xf32, #tpu.memory_space<hbm>> -> memref<128x64xf32, #tpu.memory_space<hbm>>
      %dma_start3A_72 = tpu.memref_slice %arg2[%add3A_10, %mul3A_2] : memref<10240x128xf32, #tpu.memory_space<hbm>> -> memref<128x64xf32, #tpu.memory_space<hbm>>
      tpu.enqueue_dma source(%dma_start3A_72 : memref<128x64xf32, #tpu.memory_space<hbm>>) target(%arg13 : memref<128x64xf32, #tpu.memory_space<vmem>>) target_semaphore(%run_scoped3A : memref<!tpu.dma_semaphore, #tpu.memory_space<semaphore_mem>>)
      %dma_wait3A_73 = tpu.memref_slice %arg2[%add3A_10, %mul3A_2] : memref<10240x128xf32, #tpu.memory_space<hbm>> -> memref<128x64xf32, #tpu.memory_space<hbm>>
      %dma_wait3A_74 = tpu.memref_slice %arg2[%add3A_10, %mul3A_2] : memref<10240x128xf32, #tpu.memory_space<hbm>> -> memref<128x64xf32, #tpu.memory_space<hbm>>
      tpu.wait_dma2 semaphore(%run_scoped3A : memref<!tpu.dma_semaphore, #tpu.memory_space<semaphore_mem>>) src(%dma_wait3A_74 : memref<128x64xf32, #tpu.memory_space<hbm>>) dst(%arg13 : memref<128x64xf32, #tpu.memory_space<vmem>>)
      tpu.yield
    }) : () -> ()
    "tpu.region"() ({
      %run_scoped3A = tpu.sem_alloc : memref<!tpu.dma_semaphore, #tpu.memory_space<semaphore_mem>>
      %dma_start3A_71 = arith.constant 0 : i32
      %dma_start3A_72 = arith.constant 0 : i32
      %dma_start3A_73 = tpu.memref_slice %arg14[%dma_start3A_71, %dma_start3A_72] : memref<10240x64xf32, #tpu.memory_space<vmem_shared>> -> memref<10240x64xf32, #tpu.memory_space<vmem_shared>>
      tpu.enqueue_indirect_dma source(%arg13 : memref<128x64xf32, #tpu.memory_space<vmem>>) target(%dma_start3A_73 : memref<10240x64xf32, #tpu.memory_space<vmem_shared>>) offsets(%arg11 : memref<128xi32, #tpu.memory_space<vmem>>) semaphore(%run_scoped3A : memref<!tpu.dma_semaphore, #tpu.memory_space<semaphore_mem>>)
      %dma_wait3A_74 = arith.constant 0 : i32
      %dma_wait3A_75 = arith.constant 0 : i32
      %dma_wait3A_76 = tpu.memref_slice %arg14[%dma_wait3A_74, %dma_wait3A_75] : memref<10240x64xf32, #tpu.memory_space<vmem_shared>> -> memref<10240x64xf32, #tpu.memory_space<vmem_shared>>
      tpu.wait_indirect_dma semaphore(%run_scoped3A : memref<!tpu.dma_semaphore, #tpu.memory_space<semaphore_mem>>) src(%arg13 : memref<128x64xf32, #tpu.memory_space<vmem>>) dst(%dma_wait3A_76 : memref<10240x64xf32, #tpu.memory_space<vmem_shared>>)
      tpu.yield
    }) : () -> ()
    %mul3A_11 = arith.constant 640 : i32
    %mul3A_12 = arith.muli %arg1, %mul3A_11 : i32
    %add3A_13 = arith.constant 256 : i32
    %add3A_14 = arith.addi %mul3A_12, %add3A_13 : i32
    "tpu.region"() ({
      %run_scoped3A = tpu.sem_alloc : memref<!tpu.dma_semaphore, #tpu.memory_space<semaphore_mem>>
      %dma_start3A_71 = tpu.memref_slice %arg6[%add3A_14] : memref<10240xi32, #tpu.memory_space<hbm>> -> memref<128xi32, #tpu.memory_space<hbm>>
      %dma_start3A_72 = tpu.memref_slice %arg6[%add3A_14] : memref<10240xi32, #tpu.memory_space<hbm>> -> memref<128xi32, #tpu.memory_space<hbm>>
      tpu.enqueue_dma source(%dma_start3A_72 : memref<128xi32, #tpu.memory_space<hbm>>) target(%arg11 : memref<128xi32, #tpu.memory_space<vmem>>) target_semaphore(%run_scoped3A : memref<!tpu.dma_semaphore, #tpu.memory_space<semaphore_mem>>)
      %dma_wait3A_73 = tpu.memref_slice %arg6[%add3A_14] : memref<10240xi32, #tpu.memory_space<hbm>> -> memref<128xi32, #tpu.memory_space<hbm>>
      %dma_wait3A_74 = tpu.memref_slice %arg6[%add3A_14] : memref<10240xi32, #tpu.memory_space<hbm>> -> memref<128xi32, #tpu.memory_space<hbm>>
      tpu.wait_dma2 semaphore(%run_scoped3A : memref<!tpu.dma_semaphore, #tpu.memory_space<semaphore_mem>>) src(%dma_wait3A_74 : memref<128xi32, #tpu.memory_space<hbm>>) dst(%arg11 : memref<128xi32, #tpu.memory_space<vmem>>)
      tpu.yield
    }) : () -> ()
    "tpu.region"() ({
      %run_scoped3A = tpu.sem_alloc : memref<!tpu.dma_semaphore, #tpu.memory_space<semaphore_mem>>
      %dma_start3A_71 = arith.constant 0 : i32
      %dma_start3A_72 = arith.constant 0 : i32
      %dma_start3A_73 = tpu.memref_slice %arg15[%dma_start3A_71, %dma_start3A_72] : memref<10240x64xf32, #tpu.memory_space<vmem_shared>> -> memref<10240x64xf32, #tpu.memory_space<vmem_shared>>
      tpu.enqueue_indirect_dma source(%arg12 : memref<128x64xf32, #tpu.memory_space<vmem>>) target(%dma_start3A_73 : memref<10240x64xf32, #tpu.memory_space<vmem_shared>>) offsets(%arg11 : memref<128xi32, #tpu.memory_space<vmem>>) semaphore(%run_scoped3A : memref<!tpu.dma_semaphore, #tpu.memory_space<semaphore_mem>>)
      %dma_wait3A_74 = arith.constant 0 : i32
      %dma_wait3A_75 = arith.constant 0 : i32
      %dma_wait3A_76 = tpu.memref_slice %arg15[%dma_wait3A_74, %dma_wait3A_75] : memref<10240x64xf32, #tpu.memory_space<vmem_shared>> -> memref<10240x64xf32, #tpu.memory_space<vmem_shared>>
      tpu.wait_indirect_dma semaphore(%run_scoped3A : memref<!tpu.dma_semaphore, #tpu.memory_space<semaphore_mem>>) src(%arg12 : memref<128x64xf32, #tpu.memory_space<vmem>>) dst(%dma_wait3A_76 : memref<10240x64xf32, #tpu.memory_space<vmem_shared>>)
      tpu.yield
    }) : () -> ()
    "tpu.region"() ({
      %run_scoped3A = tpu.sem_alloc : memref<!tpu.dma_semaphore, #tpu.memory_space<semaphore_mem>>
      %dma_start3A_71 = tpu.memref_slice %arg2[%add3A_14, %mul3A_2] : memref<10240x128xf32, #tpu.memory_space<hbm>> -> memref<128x64xf32, #tpu.memory_space<hbm>>
      %dma_start3A_72 = tpu.memref_slice %arg2[%add3A_14, %mul3A_2] : memref<10240x128xf32, #tpu.memory_space<hbm>> -> memref<128x64xf32, #tpu.memory_space<hbm>>
      tpu.enqueue_dma source(%dma_start3A_72 : memref<128x64xf32, #tpu.memory_space<hbm>>) target(%arg13 : memref<128x64xf32, #tpu.memory_space<vmem>>) target_semaphore(%run_scoped3A : memref<!tpu.dma_semaphore, #tpu.memory_space<semaphore_mem>>)
      %dma_wait3A_73 = tpu.memref_slice %arg2[%add3A_14, %mul3A_2] : memref<10240x128xf32, #tpu.memory_space<hbm>> -> memref<128x64xf32, #tpu.memory_space<hbm>>
      %dma_wait3A_74 = tpu.memref_slice %arg2[%add3A_14, %mul3A_2] : memref<10240x128xf32, #tpu.memory_space<hbm>> -> memref<128x64xf32, #tpu.memory_space<hbm>>
      tpu.wait_dma2 semaphore(%run_scoped3A : memref<!tpu.dma_semaphore, #tpu.memory_space<semaphore_mem>>) src(%dma_wait3A_74 : memref<128x64xf32, #tpu.memory_space<hbm>>) dst(%arg13 : memref<128x64xf32, #tpu.memory_space<vmem>>)
      tpu.yield
    }) : () -> ()
    "tpu.region"() ({
      %run_scoped3A = tpu.sem_alloc : memref<!tpu.dma_semaphore, #tpu.memory_space<semaphore_mem>>
      %dma_start3A_71 = arith.constant 0 : i32
      %dma_start3A_72 = arith.constant 0 : i32
      %dma_start3A_73 = tpu.memref_slice %arg14[%dma_start3A_71, %dma_start3A_72] : memref<10240x64xf32, #tpu.memory_space<vmem_shared>> -> memref<10240x64xf32, #tpu.memory_space<vmem_shared>>
      tpu.enqueue_indirect_dma source(%arg13 : memref<128x64xf32, #tpu.memory_space<vmem>>) target(%dma_start3A_73 : memref<10240x64xf32, #tpu.memory_space<vmem_shared>>) offsets(%arg11 : memref<128xi32, #tpu.memory_space<vmem>>) semaphore(%run_scoped3A : memref<!tpu.dma_semaphore, #tpu.memory_space<semaphore_mem>>)
      %dma_wait3A_74 = arith.constant 0 : i32
      %dma_wait3A_75 = arith.constant 0 : i32
      %dma_wait3A_76 = tpu.memref_slice %arg14[%dma_wait3A_74, %dma_wait3A_75] : memref<10240x64xf32, #tpu.memory_space<vmem_shared>> -> memref<10240x64xf32, #tpu.memory_space<vmem_shared>>
      tpu.wait_indirect_dma semaphore(%run_scoped3A : memref<!tpu.dma_semaphore, #tpu.memory_space<semaphore_mem>>) src(%arg13 : memref<128x64xf32, #tpu.memory_space<vmem>>) dst(%dma_wait3A_76 : memref<10240x64xf32, #tpu.memory_space<vmem_shared>>)
      tpu.yield
    }) : () -> ()
    %mul3A_15 = arith.constant 640 : i32
    %mul3A_16 = arith.muli %arg1, %mul3A_15 : i32
    %add3A_17 = arith.constant 384 : i32
    %add3A_18 = arith.addi %mul3A_16, %add3A_17 : i32
    "tpu.region"() ({
      %run_scoped3A = tpu.sem_alloc : memref<!tpu.dma_semaphore, #tpu.memory_space<semaphore_mem>>
      %dma_start3A_71 = tpu.memref_slice %arg6[%add3A_18] : memref<10240xi32, #tpu.memory_space<hbm>> -> memref<128xi32, #tpu.memory_space<hbm>>
      %dma_start3A_72 = tpu.memref_slice %arg6[%add3A_18] : memref<10240xi32, #tpu.memory_space<hbm>> -> memref<128xi32, #tpu.memory_space<hbm>>
      tpu.enqueue_dma source(%dma_start3A_72 : memref<128xi32, #tpu.memory_space<hbm>>) target(%arg11 : memref<128xi32, #tpu.memory_space<vmem>>) target_semaphore(%run_scoped3A : memref<!tpu.dma_semaphore, #tpu.memory_space<semaphore_mem>>)
      %dma_wait3A_73 = tpu.memref_slice %arg6[%add3A_18] : memref<10240xi32, #tpu.memory_space<hbm>> -> memref<128xi32, #tpu.memory_space<hbm>>
      %dma_wait3A_74 = tpu.memref_slice %arg6[%add3A_18] : memref<10240xi32, #tpu.memory_space<hbm>> -> memref<128xi32, #tpu.memory_space<hbm>>
      tpu.wait_dma2 semaphore(%run_scoped3A : memref<!tpu.dma_semaphore, #tpu.memory_space<semaphore_mem>>) src(%dma_wait3A_74 : memref<128xi32, #tpu.memory_space<hbm>>) dst(%arg11 : memref<128xi32, #tpu.memory_space<vmem>>)
      tpu.yield
    }) : () -> ()
    "tpu.region"() ({
      %run_scoped3A = tpu.sem_alloc : memref<!tpu.dma_semaphore, #tpu.memory_space<semaphore_mem>>
      %dma_start3A_71 = arith.constant 0 : i32
      %dma_start3A_72 = arith.constant 0 : i32
      %dma_start3A_73 = tpu.memref_slice %arg15[%dma_start3A_71, %dma_start3A_72] : memref<10240x64xf32, #tpu.memory_space<vmem_shared>> -> memref<10240x64xf32, #tpu.memory_space<vmem_shared>>
      tpu.enqueue_indirect_dma source(%arg12 : memref<128x64xf32, #tpu.memory_space<vmem>>) target(%dma_start3A_73 : memref<10240x64xf32, #tpu.memory_space<vmem_shared>>) offsets(%arg11 : memref<128xi32, #tpu.memory_space<vmem>>) semaphore(%run_scoped3A : memref<!tpu.dma_semaphore, #tpu.memory_space<semaphore_mem>>)
      %dma_wait3A_74 = arith.constant 0 : i32
      %dma_wait3A_75 = arith.constant 0 : i32
      %dma_wait3A_76 = tpu.memref_slice %arg15[%dma_wait3A_74, %dma_wait3A_75] : memref<10240x64xf32, #tpu.memory_space<vmem_shared>> -> memref<10240x64xf32, #tpu.memory_space<vmem_shared>>
      tpu.wait_indirect_dma semaphore(%run_scoped3A : memref<!tpu.dma_semaphore, #tpu.memory_space<semaphore_mem>>) src(%arg12 : memref<128x64xf32, #tpu.memory_space<vmem>>) dst(%dma_wait3A_76 : memref<10240x64xf32, #tpu.memory_space<vmem_shared>>)
      tpu.yield
    }) : () -> ()
    "tpu.region"() ({
      %run_scoped3A = tpu.sem_alloc : memref<!tpu.dma_semaphore, #tpu.memory_space<semaphore_mem>>
      %dma_start3A_71 = tpu.memref_slice %arg2[%add3A_18, %mul3A_2] : memref<10240x128xf32, #tpu.memory_space<hbm>> -> memref<128x64xf32, #tpu.memory_space<hbm>>
      %dma_start3A_72 = tpu.memref_slice %arg2[%add3A_18, %mul3A_2] : memref<10240x128xf32, #tpu.memory_space<hbm>> -> memref<128x64xf32, #tpu.memory_space<hbm>>
      tpu.enqueue_dma source(%dma_start3A_72 : memref<128x64xf32, #tpu.memory_space<hbm>>) target(%arg13 : memref<128x64xf32, #tpu.memory_space<vmem>>) target_semaphore(%run_scoped3A : memref<!tpu.dma_semaphore, #tpu.memory_space<semaphore_mem>>)
      %dma_wait3A_73 = tpu.memref_slice %arg2[%add3A_18, %mul3A_2] : memref<10240x128xf32, #tpu.memory_space<hbm>> -> memref<128x64xf32, #tpu.memory_space<hbm>>
      %dma_wait3A_74 = tpu.memref_slice %arg2[%add3A_18, %mul3A_2] : memref<10240x128xf32, #tpu.memory_space<hbm>> -> memref<128x64xf32, #tpu.memory_space<hbm>>
      tpu.wait_dma2 semaphore(%run_scoped3A : memref<!tpu.dma_semaphore, #tpu.memory_space<semaphore_mem>>) src(%dma_wait3A_74 : memref<128x64xf32, #tpu.memory_space<hbm>>) dst(%arg13 : memref<128x64xf32, #tpu.memory_space<vmem>>)
      tpu.yield
    }) : () -> ()
    "tpu.region"() ({
      %run_scoped3A = tpu.sem_alloc : memref<!tpu.dma_semaphore, #tpu.memory_space<semaphore_mem>>
      %dma_start3A_71 = arith.constant 0 : i32
      %dma_start3A_72 = arith.constant 0 : i32
      %dma_start3A_73 = tpu.memref_slice %arg14[%dma_start3A_71, %dma_start3A_72] : memref<10240x64xf32, #tpu.memory_space<vmem_shared>> -> memref<10240x64xf32, #tpu.memory_space<vmem_shared>>
      tpu.enqueue_indirect_dma source(%arg13 : memref<128x64xf32, #tpu.memory_space<vmem>>) target(%dma_start3A_73 : memref<10240x64xf32, #tpu.memory_space<vmem_shared>>) offsets(%arg11 : memref<128xi32, #tpu.memory_space<vmem>>) semaphore(%run_scoped3A : memref<!tpu.dma_semaphore, #tpu.memory_space<semaphore_mem>>)
      %dma_wait3A_74 = arith.constant 0 : i32
      %dma_wait3A_75 = arith.constant 0 : i32
      %dma_wait3A_76 = tpu.memref_slice %arg14[%dma_wait3A_74, %dma_wait3A_75] : memref<10240x64xf32, #tpu.memory_space<vmem_shared>> -> memref<10240x64xf32, #tpu.memory_space<vmem_shared>>
      tpu.wait_indirect_dma semaphore(%run_scoped3A : memref<!tpu.dma_semaphore, #tpu.memory_space<semaphore_mem>>) src(%arg13 : memref<128x64xf32, #tpu.memory_space<vmem>>) dst(%dma_wait3A_76 : memref<10240x64xf32, #tpu.memory_space<vmem_shared>>)
      tpu.yield
    }) : () -> ()
    %mul3A_19 = arith.constant 640 : i32
    %mul3A_20 = arith.muli %arg1, %mul3A_19 : i32
    %add3A_21 = arith.constant 512 : i32
    %add3A_22 = arith.addi %mul3A_20, %add3A_21 : i32
    "tpu.region"() ({
      %run_scoped3A = tpu.sem_alloc : memref<!tpu.dma_semaphore, #tpu.memory_space<semaphore_mem>>
      %dma_start3A_71 = tpu.memref_slice %arg6[%add3A_22] : memref<10240xi32, #tpu.memory_space<hbm>> -> memref<128xi32, #tpu.memory_space<hbm>>
      %dma_start3A_72 = tpu.memref_slice %arg6[%add3A_22] : memref<10240xi32, #tpu.memory_space<hbm>> -> memref<128xi32, #tpu.memory_space<hbm>>
      tpu.enqueue_dma source(%dma_start3A_72 : memref<128xi32, #tpu.memory_space<hbm>>) target(%arg11 : memref<128xi32, #tpu.memory_space<vmem>>) target_semaphore(%run_scoped3A : memref<!tpu.dma_semaphore, #tpu.memory_space<semaphore_mem>>)
      %dma_wait3A_73 = tpu.memref_slice %arg6[%add3A_22] : memref<10240xi32, #tpu.memory_space<hbm>> -> memref<128xi32, #tpu.memory_space<hbm>>
      %dma_wait3A_74 = tpu.memref_slice %arg6[%add3A_22] : memref<10240xi32, #tpu.memory_space<hbm>> -> memref<128xi32, #tpu.memory_space<hbm>>
      tpu.wait_dma2 semaphore(%run_scoped3A : memref<!tpu.dma_semaphore, #tpu.memory_space<semaphore_mem>>) src(%dma_wait3A_74 : memref<128xi32, #tpu.memory_space<hbm>>) dst(%arg11 : memref<128xi32, #tpu.memory_space<vmem>>)
      tpu.yield
    }) : () -> ()
    "tpu.region"() ({
      %run_scoped3A = tpu.sem_alloc : memref<!tpu.dma_semaphore, #tpu.memory_space<semaphore_mem>>
      %dma_start3A_71 = arith.constant 0 : i32
      %dma_start3A_72 = arith.constant 0 : i32
      %dma_start3A_73 = tpu.memref_slice %arg15[%dma_start3A_71, %dma_start3A_72] : memref<10240x64xf32, #tpu.memory_space<vmem_shared>> -> memref<10240x64xf32, #tpu.memory_space<vmem_shared>>
      tpu.enqueue_indirect_dma source(%arg12 : memref<128x64xf32, #tpu.memory_space<vmem>>) target(%dma_start3A_73 : memref<10240x64xf32, #tpu.memory_space<vmem_shared>>) offsets(%arg11 : memref<128xi32, #tpu.memory_space<vmem>>) semaphore(%run_scoped3A : memref<!tpu.dma_semaphore, #tpu.memory_space<semaphore_mem>>)
      %dma_wait3A_74 = arith.constant 0 : i32
      %dma_wait3A_75 = arith.constant 0 : i32
      %dma_wait3A_76 = tpu.memref_slice %arg15[%dma_wait3A_74, %dma_wait3A_75] : memref<10240x64xf32, #tpu.memory_space<vmem_shared>> -> memref<10240x64xf32, #tpu.memory_space<vmem_shared>>
      tpu.wait_indirect_dma semaphore(%run_scoped3A : memref<!tpu.dma_semaphore, #tpu.memory_space<semaphore_mem>>) src(%arg12 : memref<128x64xf32, #tpu.memory_space<vmem>>) dst(%dma_wait3A_76 : memref<10240x64xf32, #tpu.memory_space<vmem_shared>>)
      tpu.yield
    }) : () -> ()
    "tpu.region"() ({
      %run_scoped3A = tpu.sem_alloc : memref<!tpu.dma_semaphore, #tpu.memory_space<semaphore_mem>>
      %dma_start3A_71 = tpu.memref_slice %arg2[%add3A_22, %mul3A_2] : memref<10240x128xf32, #tpu.memory_space<hbm>> -> memref<128x64xf32, #tpu.memory_space<hbm>>
      %dma_start3A_72 = tpu.memref_slice %arg2[%add3A_22, %mul3A_2] : memref<10240x128xf32, #tpu.memory_space<hbm>> -> memref<128x64xf32, #tpu.memory_space<hbm>>
      tpu.enqueue_dma source(%dma_start3A_72 : memref<128x64xf32, #tpu.memory_space<hbm>>) target(%arg13 : memref<128x64xf32, #tpu.memory_space<vmem>>) target_semaphore(%run_scoped3A : memref<!tpu.dma_semaphore, #tpu.memory_space<semaphore_mem>>)
      %dma_wait3A_73 = tpu.memref_slice %arg2[%add3A_22, %mul3A_2] : memref<10240x128xf32, #tpu.memory_space<hbm>> -> memref<128x64xf32, #tpu.memory_space<hbm>>
      %dma_wait3A_74 = tpu.memref_slice %arg2[%add3A_22, %mul3A_2] : memref<10240x128xf32, #tpu.memory_space<hbm>> -> memref<128x64xf32, #tpu.memory_space<hbm>>
      tpu.wait_dma2 semaphore(%run_scoped3A : memref<!tpu.dma_semaphore, #tpu.memory_space<semaphore_mem>>) src(%dma_wait3A_74 : memref<128x64xf32, #tpu.memory_space<hbm>>) dst(%arg13 : memref<128x64xf32, #tpu.memory_space<vmem>>)
      tpu.yield
    }) : () -> ()
    "tpu.region"() ({
      %run_scoped3A = tpu.sem_alloc : memref<!tpu.dma_semaphore, #tpu.memory_space<semaphore_mem>>
      %dma_start3A_71 = arith.constant 0 : i32
      %dma_start3A_72 = arith.constant 0 : i32
      %dma_start3A_73 = tpu.memref_slice %arg14[%dma_start3A_71, %dma_start3A_72] : memref<10240x64xf32, #tpu.memory_space<vmem_shared>> -> memref<10240x64xf32, #tpu.memory_space<vmem_shared>>
      tpu.enqueue_indirect_dma source(%arg13 : memref<128x64xf32, #tpu.memory_space<vmem>>) target(%dma_start3A_73 : memref<10240x64xf32, #tpu.memory_space<vmem_shared>>) offsets(%arg11 : memref<128xi32, #tpu.memory_space<vmem>>) semaphore(%run_scoped3A : memref<!tpu.dma_semaphore, #tpu.memory_space<semaphore_mem>>)
      %dma_wait3A_74 = arith.constant 0 : i32
      %dma_wait3A_75 = arith.constant 0 : i32
      %dma_wait3A_76 = tpu.memref_slice %arg14[%dma_wait3A_74, %dma_wait3A_75] : memref<10240x64xf32, #tpu.memory_space<vmem_shared>> -> memref<10240x64xf32, #tpu.memory_space<vmem_shared>>
      tpu.wait_indirect_dma semaphore(%run_scoped3A : memref<!tpu.dma_semaphore, #tpu.memory_space<semaphore_mem>>) src(%arg13 : memref<128x64xf32, #tpu.memory_space<vmem>>) dst(%dma_wait3A_76 : memref<10240x64xf32, #tpu.memory_space<vmem_shared>>)
      tpu.yield
    }) : () -> ()
    %barrier3A = arith.constant 0 : index
    tpu.barrier barrier_id(%barrier3A)
    %mul3A_23 = arith.constant 80 : i32
    %mul3A_24 = arith.muli %add3A, %mul3A_23 : i32
    %add3A_25 = arith.constant 0 : i32
    %add3A_26 = arith.addi %mul3A_24, %add3A_25 : i32
    %mul3A_27 = arith.constant 128 : i32
    %mul3A_28 = arith.muli %add3A_26, %mul3A_27 : i32
    "tpu.region"() ({
      %run_scoped3A = tpu.sem_alloc : memref<!tpu.dma_semaphore, #tpu.memory_space<semaphore_mem>>
      %dma_start3A_71 = tpu.memref_slice %arg3[%mul3A_28] : memref<327680xi32, #tpu.memory_space<hbm>> -> memref<128xi32, #tpu.memory_space<hbm>>
      %dma_start3A_72 = tpu.memref_slice %arg3[%mul3A_28] : memref<327680xi32, #tpu.memory_space<hbm>> -> memref<128xi32, #tpu.memory_space<hbm>>
      tpu.enqueue_dma source(%dma_start3A_72 : memref<128xi32, #tpu.memory_space<hbm>>) target(%arg8 : memref<128xi32, #tpu.memory_space<vmem>>) target_semaphore(%run_scoped3A : memref<!tpu.dma_semaphore, #tpu.memory_space<semaphore_mem>>)
      %dma_wait3A_73 = tpu.memref_slice %arg3[%mul3A_28] : memref<327680xi32, #tpu.memory_space<hbm>> -> memref<128xi32, #tpu.memory_space<hbm>>
      %dma_wait3A_74 = tpu.memref_slice %arg3[%mul3A_28] : memref<327680xi32, #tpu.memory_space<hbm>> -> memref<128xi32, #tpu.memory_space<hbm>>
      tpu.wait_dma2 semaphore(%run_scoped3A : memref<!tpu.dma_semaphore, #tpu.memory_space<semaphore_mem>>) src(%dma_wait3A_74 : memref<128xi32, #tpu.memory_space<hbm>>) dst(%arg8 : memref<128xi32, #tpu.memory_space<vmem>>)
      tpu.yield
    }) : () -> ()
    "tpu.region"() ({
      %run_scoped3A = tpu.sem_alloc : memref<!tpu.dma_semaphore, #tpu.memory_space<semaphore_mem>>
      %dma_start3A_71 = tpu.memref_slice %arg4[%mul3A_28] : memref<327680xi32, #tpu.memory_space<hbm>> -> memref<128xi32, #tpu.memory_space<hbm>>
      %dma_start3A_72 = tpu.memref_slice %arg4[%mul3A_28] : memref<327680xi32, #tpu.memory_space<hbm>> -> memref<128xi32, #tpu.memory_space<hbm>>
      tpu.enqueue_dma source(%dma_start3A_72 : memref<128xi32, #tpu.memory_space<hbm>>) target(%arg9 : memref<128xi32, #tpu.memory_space<vmem>>) target_semaphore(%run_scoped3A : memref<!tpu.dma_semaphore, #tpu.memory_space<semaphore_mem>>)
      %dma_wait3A_73 = tpu.memref_slice %arg4[%mul3A_28] : memref<327680xi32, #tpu.memory_space<hbm>> -> memref<128xi32, #tpu.memory_space<hbm>>
      %dma_wait3A_74 = tpu.memref_slice %arg4[%mul3A_28] : memref<327680xi32, #tpu.memory_space<hbm>> -> memref<128xi32, #tpu.memory_space<hbm>>
      tpu.wait_dma2 semaphore(%run_scoped3A : memref<!tpu.dma_semaphore, #tpu.memory_space<semaphore_mem>>) src(%dma_wait3A_74 : memref<128xi32, #tpu.memory_space<hbm>>) dst(%arg9 : memref<128xi32, #tpu.memory_space<vmem>>)
      tpu.yield
    }) : () -> ()
    "tpu.region"() ({
      %run_scoped3A = tpu.sem_alloc : memref<!tpu.dma_semaphore, #tpu.memory_space<semaphore_mem>>
      %dma_start3A_71 = arith.constant 0 : i32
      %dma_start3A_72 = arith.constant 0 : i32
      %dma_start3A_73 = tpu.memref_slice %arg14[%dma_start3A_71, %dma_start3A_72] : memref<10240x64xf32, #tpu.memory_space<vmem_shared>> -> memref<10240x64xf32, #tpu.memory_space<vmem_shared>>
      tpu.enqueue_indirect_dma source(%dma_start3A_73 : memref<10240x64xf32, #tpu.memory_space<vmem_shared>>) target(%arg12 : memref<128x64xf32, #tpu.memory_space<vmem>>) offsets(%arg8 : memref<128xi32, #tpu.memory_space<vmem>>) semaphore(%run_scoped3A : memref<!tpu.dma_semaphore, #tpu.memory_space<semaphore_mem>>)
      %dma_wait3A_74 = arith.constant 0 : i32
      %dma_wait3A_75 = arith.constant 0 : i32
      %dma_wait3A_76 = tpu.memref_slice %arg14[%dma_wait3A_74, %dma_wait3A_75] : memref<10240x64xf32, #tpu.memory_space<vmem_shared>> -> memref<10240x64xf32, #tpu.memory_space<vmem_shared>>
      tpu.wait_indirect_dma semaphore(%run_scoped3A : memref<!tpu.dma_semaphore, #tpu.memory_space<semaphore_mem>>) src(%dma_wait3A_76 : memref<10240x64xf32, #tpu.memory_space<vmem_shared>>) dst(%arg12 : memref<128x64xf32, #tpu.memory_space<vmem>>)
      tpu.yield
    }) : () -> ()
    %dma_start3A = arith.constant 0 : i32
    %dma_start3A_29 = arith.constant 0 : i32
    %dma_start3A_30 = tpu.memref_slice %arg15[%dma_start3A, %dma_start3A_29] : memref<10240x64xf32, #tpu.memory_space<vmem_shared>> -> memref<10240x64xf32, #tpu.memory_space<vmem_shared>>
    tpu.enqueue_indirect_dma source(%arg12 : memref<128x64xf32, #tpu.memory_space<vmem>>) target(%dma_start3A_30 : memref<10240x64xf32, #tpu.memory_space<vmem_shared>>) offsets(%arg9 : memref<128xi32, #tpu.memory_space<vmem>>) semaphore(%arg16 : memref<!tpu.dma_semaphore, #tpu.memory_space<semaphore_mem>>) {add = true}
    %mul3A_31 = arith.constant 80 : i32
    %mul3A_32 = arith.muli %add3A, %mul3A_31 : i32
    %add3A_33 = arith.constant 1 : i32
    %add3A_34 = arith.addi %mul3A_32, %add3A_33 : i32
    %mul3A_35 = arith.constant 128 : i32
    %mul3A_36 = arith.muli %add3A_34, %mul3A_35 : i32
    "tpu.region"() ({
      %run_scoped3A = tpu.sem_alloc : memref<!tpu.dma_semaphore, #tpu.memory_space<semaphore_mem>>
      %dma_start3A_71 = tpu.memref_slice %arg3[%mul3A_36] : memref<327680xi32, #tpu.memory_space<hbm>> -> memref<128xi32, #tpu.memory_space<hbm>>
      %dma_start3A_72 = tpu.memref_slice %arg3[%mul3A_36] : memref<327680xi32, #tpu.memory_space<hbm>> -> memref<128xi32, #tpu.memory_space<hbm>>
      tpu.enqueue_dma source(%dma_start3A_72 : memref<128xi32, #tpu.memory_space<hbm>>) target(%arg8 : memref<128xi32, #tpu.memory_space<vmem>>) target_semaphore(%run_scoped3A : memref<!tpu.dma_semaphore, #tpu.memory_space<semaphore_mem>>)
      %dma_wait3A_73 = tpu.memref_slice %arg3[%mul3A_36] : memref<327680xi32, #tpu.memory_space<hbm>> -> memref<128xi32, #tpu.memory_space<hbm>>
      %dma_wait3A_74 = tpu.memref_slice %arg3[%mul3A_36] : memref<327680xi32, #tpu.memory_space<hbm>> -> memref<128xi32, #tpu.memory_space<hbm>>
      tpu.wait_dma2 semaphore(%run_scoped3A : memref<!tpu.dma_semaphore, #tpu.memory_space<semaphore_mem>>) src(%dma_wait3A_74 : memref<128xi32, #tpu.memory_space<hbm>>) dst(%arg8 : memref<128xi32, #tpu.memory_space<vmem>>)
      tpu.yield
    }) : () -> ()
    "tpu.region"() ({
      %run_scoped3A = tpu.sem_alloc : memref<!tpu.dma_semaphore, #tpu.memory_space<semaphore_mem>>
      %dma_start3A_71 = tpu.memref_slice %arg4[%mul3A_36] : memref<327680xi32, #tpu.memory_space<hbm>> -> memref<128xi32, #tpu.memory_space<hbm>>
      %dma_start3A_72 = tpu.memref_slice %arg4[%mul3A_36] : memref<327680xi32, #tpu.memory_space<hbm>> -> memref<128xi32, #tpu.memory_space<hbm>>
      tpu.enqueue_dma source(%dma_start3A_72 : memref<128xi32, #tpu.memory_space<hbm>>) target(%arg10 : memref<128xi32, #tpu.memory_space<vmem>>) target_semaphore(%run_scoped3A : memref<!tpu.dma_semaphore, #tpu.memory_space<semaphore_mem>>)
      %dma_wait3A_73 = tpu.memref_slice %arg4[%mul3A_36] : memref<327680xi32, #tpu.memory_space<hbm>> -> memref<128xi32, #tpu.memory_space<hbm>>
      %dma_wait3A_74 = tpu.memref_slice %arg4[%mul3A_36] : memref<327680xi32, #tpu.memory_space<hbm>> -> memref<128xi32, #tpu.memory_space<hbm>>
      tpu.wait_dma2 semaphore(%run_scoped3A : memref<!tpu.dma_semaphore, #tpu.memory_space<semaphore_mem>>) src(%dma_wait3A_74 : memref<128xi32, #tpu.memory_space<hbm>>) dst(%arg10 : memref<128xi32, #tpu.memory_space<vmem>>)
      tpu.yield
    }) : () -> ()
    "tpu.region"() ({
      %run_scoped3A = tpu.sem_alloc : memref<!tpu.dma_semaphore, #tpu.memory_space<semaphore_mem>>
      %dma_start3A_71 = arith.constant 0 : i32
      %dma_start3A_72 = arith.constant 0 : i32
      %dma_start3A_73 = tpu.memref_slice %arg14[%dma_start3A_71, %dma_start3A_72] : memref<10240x64xf32, #tpu.memory_space<vmem_shared>> -> memref<10240x64xf32, #tpu.memory_space<vmem_shared>>
      tpu.enqueue_indirect_dma source(%dma_start3A_73 : memref<10240x64xf32, #tpu.memory_space<vmem_shared>>) target(%arg13 : memref<128x64xf32, #tpu.memory_space<vmem>>) offsets(%arg8 : memref<128xi32, #tpu.memory_space<vmem>>) semaphore(%run_scoped3A : memref<!tpu.dma_semaphore, #tpu.memory_space<semaphore_mem>>)
      %dma_wait3A_74 = arith.constant 0 : i32
      %dma_wait3A_75 = arith.constant 0 : i32
      %dma_wait3A_76 = tpu.memref_slice %arg14[%dma_wait3A_74, %dma_wait3A_75] : memref<10240x64xf32, #tpu.memory_space<vmem_shared>> -> memref<10240x64xf32, #tpu.memory_space<vmem_shared>>
      tpu.wait_indirect_dma semaphore(%run_scoped3A : memref<!tpu.dma_semaphore, #tpu.memory_space<semaphore_mem>>) src(%dma_wait3A_76 : memref<10240x64xf32, #tpu.memory_space<vmem_shared>>) dst(%arg13 : memref<128x64xf32, #tpu.memory_space<vmem>>)
      tpu.yield
    }) : () -> ()
    %dma_start3A_37 = arith.constant 0 : i32
    %dma_start3A_38 = arith.constant 0 : i32
    %dma_start3A_39 = tpu.memref_slice %arg15[%dma_start3A_37, %dma_start3A_38] : memref<10240x64xf32, #tpu.memory_space<vmem_shared>> -> memref<10240x64xf32, #tpu.memory_space<vmem_shared>>
    tpu.enqueue_indirect_dma source(%arg13 : memref<128x64xf32, #tpu.memory_space<vmem>>) target(%dma_start3A_39 : memref<10240x64xf32, #tpu.memory_space<vmem_shared>>) offsets(%arg10 : memref<128xi32, #tpu.memory_space<vmem>>) semaphore(%arg17 : memref<!tpu.dma_semaphore, #tpu.memory_space<semaphore_mem>>) {add = true}
    %scan3A = arith.constant 0 : i32
    %scan3A_40 = arith.constant 0 : i32
    %scan3A_41 = arith.constant 39 : i32
    %scan3A_42 = arith.addi %scan3A_40, %scan3A_41 : i32
    %scan3A_43 = arith.constant 1 : i32
    scf.for %scan3A_71 = %scan3A_40 to %scan3A_42 step %scan3A_43  : i32 {
      %mul3A_72 = arith.constant 2 : i32
      %mul3A_73 = arith.muli %mul3A_72, %scan3A_71 : i32
      %add3A_74 = arith.constant 2 : i32
      %add3A_75 = arith.addi %mul3A_73, %add3A_74 : i32
      %mul3A_76 = arith.constant 80 : i32
      %mul3A_77 = arith.muli %add3A, %mul3A_76 : i32
      %add3A_78 = arith.addi %mul3A_77, %add3A_75 : i32
      %mul3A_79 = arith.constant 128 : i32
      %mul3A_80 = arith.muli %add3A_78, %mul3A_79 : i32
      %dma_wait3A_81 = arith.constant 0 : i32
      %dma_wait3A_82 = arith.constant 0 : i32
      %dma_wait3A_83 = tpu.memref_slice %arg15[%dma_wait3A_81, %dma_wait3A_82] : memref<10240x64xf32, #tpu.memory_space<vmem_shared>> -> memref<10240x64xf32, #tpu.memory_space<vmem_shared>>
      tpu.wait_indirect_dma semaphore(%arg16 : memref<!tpu.dma_semaphore, #tpu.memory_space<semaphore_mem>>) src(%arg12 : memref<128x64xf32, #tpu.memory_space<vmem>>) dst(%dma_wait3A_83 : memref<10240x64xf32, #tpu.memory_space<vmem_shared>>)
      "tpu.region"() ({
        %run_scoped3A = tpu.sem_alloc : memref<!tpu.dma_semaphore, #tpu.memory_space<semaphore_mem>>
        %dma_start3A_102 = tpu.memref_slice %arg3[%mul3A_80] : memref<327680xi32, #tpu.memory_space<hbm>> -> memref<128xi32, #tpu.memory_space<hbm>>
        %dma_start3A_103 = tpu.memref_slice %arg3[%mul3A_80] : memref<327680xi32, #tpu.memory_space<hbm>> -> memref<128xi32, #tpu.memory_space<hbm>>
        tpu.enqueue_dma source(%dma_start3A_103 : memref<128xi32, #tpu.memory_space<hbm>>) target(%arg8 : memref<128xi32, #tpu.memory_space<vmem>>) target_semaphore(%run_scoped3A : memref<!tpu.dma_semaphore, #tpu.memory_space<semaphore_mem>>)
        %dma_wait3A_104 = tpu.memref_slice %arg3[%mul3A_80] : memref<327680xi32, #tpu.memory_space<hbm>> -> memref<128xi32, #tpu.memory_space<hbm>>
        %dma_wait3A_105 = tpu.memref_slice %arg3[%mul3A_80] : memref<327680xi32, #tpu.memory_space<hbm>> -> memref<128xi32, #tpu.memory_space<hbm>>
        tpu.wait_dma2 semaphore(%run_scoped3A : memref<!tpu.dma_semaphore, #tpu.memory_space<semaphore_mem>>) src(%dma_wait3A_105 : memref<128xi32, #tpu.memory_space<hbm>>) dst(%arg8 : memref<128xi32, #tpu.memory_space<vmem>>)
        tpu.yield
      }) : () -> ()
      "tpu.region"() ({
        %run_scoped3A = tpu.sem_alloc : memref<!tpu.dma_semaphore, #tpu.memory_space<semaphore_mem>>
        %dma_start3A_102 = tpu.memref_slice %arg4[%mul3A_80] : memref<327680xi32, #tpu.memory_space<hbm>> -> memref<128xi32, #tpu.memory_space<hbm>>
        %dma_start3A_103 = tpu.memref_slice %arg4[%mul3A_80] : memref<327680xi32, #tpu.memory_space<hbm>> -> memref<128xi32, #tpu.memory_space<hbm>>
        tpu.enqueue_dma source(%dma_start3A_103 : memref<128xi32, #tpu.memory_space<hbm>>) target(%arg9 : memref<128xi32, #tpu.memory_space<vmem>>) target_semaphore(%run_scoped3A : memref<!tpu.dma_semaphore, #tpu.memory_space<semaphore_mem>>)
        %dma_wait3A_104 = tpu.memref_slice %arg4[%mul3A_80] : memref<327680xi32, #tpu.memory_space<hbm>> -> memref<128xi32, #tpu.memory_space<hbm>>
        %dma_wait3A_105 = tpu.memref_slice %arg4[%mul3A_80] : memref<327680xi32, #tpu.memory_space<hbm>> -> memref<128xi32, #tpu.memory_space<hbm>>
        tpu.wait_dma2 semaphore(%run_scoped3A : memref<!tpu.dma_semaphore, #tpu.memory_space<semaphore_mem>>) src(%dma_wait3A_105 : memref<128xi32, #tpu.memory_space<hbm>>) dst(%arg9 : memref<128xi32, #tpu.memory_space<vmem>>)
        tpu.yield
      }) : () -> ()
      "tpu.region"() ({
        %run_scoped3A = tpu.sem_alloc : memref<!tpu.dma_semaphore, #tpu.memory_space<semaphore_mem>>
        %dma_start3A_102 = arith.constant 0 : i32
        %dma_start3A_103 = arith.constant 0 : i32
        %dma_start3A_104 = tpu.memref_slice %arg14[%dma_start3A_102, %dma_start3A_103] : memref<10240x64xf32, #tpu.memory_space<vmem_shared>> -> memref<10240x64xf32, #tpu.memory_space<vmem_shared>>
        tpu.enqueue_indirect_dma source(%dma_start3A_104 : memref<10240x64xf32, #tpu.memory_space<vmem_shared>>) target(%arg12 : memref<128x64xf32, #tpu.memory_space<vmem>>) offsets(%arg8 : memref<128xi32, #tpu.memory_space<vmem>>) semaphore(%run_scoped3A : memref<!tpu.dma_semaphore, #tpu.memory_space<semaphore_mem>>)
        %dma_wait3A_105 = arith.constant 0 : i32
        %dma_wait3A_106 = arith.constant 0 : i32
        %dma_wait3A_107 = tpu.memref_slice %arg14[%dma_wait3A_105, %dma_wait3A_106] : memref<10240x64xf32, #tpu.memory_space<vmem_shared>> -> memref<10240x64xf32, #tpu.memory_space<vmem_shared>>
        tpu.wait_indirect_dma semaphore(%run_scoped3A : memref<!tpu.dma_semaphore, #tpu.memory_space<semaphore_mem>>) src(%dma_wait3A_107 : memref<10240x64xf32, #tpu.memory_space<vmem_shared>>) dst(%arg12 : memref<128x64xf32, #tpu.memory_space<vmem>>)
        tpu.yield
      }) : () -> ()
      %dma_start3A_84 = arith.constant 0 : i32
      %dma_start3A_85 = arith.constant 0 : i32
      %dma_start3A_86 = tpu.memref_slice %arg15[%dma_start3A_84, %dma_start3A_85] : memref<10240x64xf32, #tpu.memory_space<vmem_shared>> -> memref<10240x64xf32, #tpu.memory_space<vmem_shared>>
      tpu.enqueue_indirect_dma source(%arg12 : memref<128x64xf32, #tpu.memory_space<vmem>>) target(%dma_start3A_86 : memref<10240x64xf32, #tpu.memory_space<vmem_shared>>) offsets(%arg9 : memref<128xi32, #tpu.memory_space<vmem>>) semaphore(%arg16 : memref<!tpu.dma_semaphore, #tpu.memory_space<semaphore_mem>>) {add = true}
      %mul3A_87 = arith.constant 2 : i32
      %mul3A_88 = arith.muli %mul3A_87, %scan3A_71 : i32
      %add3A_89 = arith.constant 3 : i32
      %add3A_90 = arith.addi %mul3A_88, %add3A_89 : i32
      %mul3A_91 = arith.constant 80 : i32
      %mul3A_92 = arith.muli %add3A, %mul3A_91 : i32
      %add3A_93 = arith.addi %mul3A_92, %add3A_90 : i32
      %mul3A_94 = arith.constant 128 : i32
      %mul3A_95 = arith.muli %add3A_93, %mul3A_94 : i32
      %dma_wait3A_96 = arith.constant 0 : i32
      %dma_wait3A_97 = arith.constant 0 : i32
      %dma_wait3A_98 = tpu.memref_slice %arg15[%dma_wait3A_96, %dma_wait3A_97] : memref<10240x64xf32, #tpu.memory_space<vmem_shared>> -> memref<10240x64xf32, #tpu.memory_space<vmem_shared>>
      tpu.wait_indirect_dma semaphore(%arg17 : memref<!tpu.dma_semaphore, #tpu.memory_space<semaphore_mem>>) src(%arg13 : memref<128x64xf32, #tpu.memory_space<vmem>>) dst(%dma_wait3A_98 : memref<10240x64xf32, #tpu.memory_space<vmem_shared>>)
      "tpu.region"() ({
        %run_scoped3A = tpu.sem_alloc : memref<!tpu.dma_semaphore, #tpu.memory_space<semaphore_mem>>
        %dma_start3A_102 = tpu.memref_slice %arg3[%mul3A_95] : memref<327680xi32, #tpu.memory_space<hbm>> -> memref<128xi32, #tpu.memory_space<hbm>>
        %dma_start3A_103 = tpu.memref_slice %arg3[%mul3A_95] : memref<327680xi32, #tpu.memory_space<hbm>> -> memref<128xi32, #tpu.memory_space<hbm>>
        tpu.enqueue_dma source(%dma_start3A_103 : memref<128xi32, #tpu.memory_space<hbm>>) target(%arg8 : memref<128xi32, #tpu.memory_space<vmem>>) target_semaphore(%run_scoped3A : memref<!tpu.dma_semaphore, #tpu.memory_space<semaphore_mem>>)
        %dma_wait3A_104 = tpu.memref_slice %arg3[%mul3A_95] : memref<327680xi32, #tpu.memory_space<hbm>> -> memref<128xi32, #tpu.memory_space<hbm>>
        %dma_wait3A_105 = tpu.memref_slice %arg3[%mul3A_95] : memref<327680xi32, #tpu.memory_space<hbm>> -> memref<128xi32, #tpu.memory_space<hbm>>
        tpu.wait_dma2 semaphore(%run_scoped3A : memref<!tpu.dma_semaphore, #tpu.memory_space<semaphore_mem>>) src(%dma_wait3A_105 : memref<128xi32, #tpu.memory_space<hbm>>) dst(%arg8 : memref<128xi32, #tpu.memory_space<vmem>>)
        tpu.yield
      }) : () -> ()
      "tpu.region"() ({
        %run_scoped3A = tpu.sem_alloc : memref<!tpu.dma_semaphore, #tpu.memory_space<semaphore_mem>>
        %dma_start3A_102 = tpu.memref_slice %arg4[%mul3A_95] : memref<327680xi32, #tpu.memory_space<hbm>> -> memref<128xi32, #tpu.memory_space<hbm>>
        %dma_start3A_103 = tpu.memref_slice %arg4[%mul3A_95] : memref<327680xi32, #tpu.memory_space<hbm>> -> memref<128xi32, #tpu.memory_space<hbm>>
        tpu.enqueue_dma source(%dma_start3A_103 : memref<128xi32, #tpu.memory_space<hbm>>) target(%arg10 : memref<128xi32, #tpu.memory_space<vmem>>) target_semaphore(%run_scoped3A : memref<!tpu.dma_semaphore, #tpu.memory_space<semaphore_mem>>)
        %dma_wait3A_104 = tpu.memref_slice %arg4[%mul3A_95] : memref<327680xi32, #tpu.memory_space<hbm>> -> memref<128xi32, #tpu.memory_space<hbm>>
        %dma_wait3A_105 = tpu.memref_slice %arg4[%mul3A_95] : memref<327680xi32, #tpu.memory_space<hbm>> -> memref<128xi32, #tpu.memory_space<hbm>>
        tpu.wait_dma2 semaphore(%run_scoped3A : memref<!tpu.dma_semaphore, #tpu.memory_space<semaphore_mem>>) src(%dma_wait3A_105 : memref<128xi32, #tpu.memory_space<hbm>>) dst(%arg10 : memref<128xi32, #tpu.memory_space<vmem>>)
        tpu.yield
      }) : () -> ()
      "tpu.region"() ({
        %run_scoped3A = tpu.sem_alloc : memref<!tpu.dma_semaphore, #tpu.memory_space<semaphore_mem>>
        %dma_start3A_102 = arith.constant 0 : i32
        %dma_start3A_103 = arith.constant 0 : i32
        %dma_start3A_104 = tpu.memref_slice %arg14[%dma_start3A_102, %dma_start3A_103] : memref<10240x64xf32, #tpu.memory_space<vmem_shared>> -> memref<10240x64xf32, #tpu.memory_space<vmem_shared>>
        tpu.enqueue_indirect_dma source(%dma_start3A_104 : memref<10240x64xf32, #tpu.memory_space<vmem_shared>>) target(%arg13 : memref<128x64xf32, #tpu.memory_space<vmem>>) offsets(%arg8 : memref<128xi32, #tpu.memory_space<vmem>>) semaphore(%run_scoped3A : memref<!tpu.dma_semaphore, #tpu.memory_space<semaphore_mem>>)
        %dma_wait3A_105 = arith.constant 0 : i32
        %dma_wait3A_106 = arith.constant 0 : i32
        %dma_wait3A_107 = tpu.memref_slice %arg14[%dma_wait3A_105, %dma_wait3A_106] : memref<10240x64xf32, #tpu.memory_space<vmem_shared>> -> memref<10240x64xf32, #tpu.memory_space<vmem_shared>>
        tpu.wait_indirect_dma semaphore(%run_scoped3A : memref<!tpu.dma_semaphore, #tpu.memory_space<semaphore_mem>>) src(%dma_wait3A_107 : memref<10240x64xf32, #tpu.memory_space<vmem_shared>>) dst(%arg13 : memref<128x64xf32, #tpu.memory_space<vmem>>)
        tpu.yield
      }) : () -> ()
      %dma_start3A_99 = arith.constant 0 : i32
      %dma_start3A_100 = arith.constant 0 : i32
      %dma_start3A_101 = tpu.memref_slice %arg15[%dma_start3A_99, %dma_start3A_100] : memref<10240x64xf32, #tpu.memory_space<vmem_shared>> -> memref<10240x64xf32, #tpu.memory_space<vmem_shared>>
      tpu.enqueue_indirect_dma source(%arg13 : memref<128x64xf32, #tpu.memory_space<vmem>>) target(%dma_start3A_101 : memref<10240x64xf32, #tpu.memory_space<vmem_shared>>) offsets(%arg10 : memref<128xi32, #tpu.memory_space<vmem>>) semaphore(%arg17 : memref<!tpu.dma_semaphore, #tpu.memory_space<semaphore_mem>>) {add = true}
    }
    %scan3A_44 = arith.constant 39 : i32
    %dma_wait3A = arith.constant 0 : i32
    %dma_wait3A_45 = arith.constant 0 : i32
    %dma_wait3A_46 = tpu.memref_slice %arg15[%dma_wait3A, %dma_wait3A_45] : memref<10240x64xf32, #tpu.memory_space<vmem_shared>> -> memref<10240x64xf32, #tpu.memory_space<vmem_shared>>
    tpu.wait_indirect_dma semaphore(%arg16 : memref<!tpu.dma_semaphore, #tpu.memory_space<semaphore_mem>>) src(%arg12 : memref<128x64xf32, #tpu.memory_space<vmem>>) dst(%dma_wait3A_46 : memref<10240x64xf32, #tpu.memory_space<vmem_shared>>)
    %dma_wait3A_47 = arith.constant 0 : i32
    %dma_wait3A_48 = arith.constant 0 : i32
    %dma_wait3A_49 = tpu.memref_slice %arg15[%dma_wait3A_47, %dma_wait3A_48] : memref<10240x64xf32, #tpu.memory_space<vmem_shared>> -> memref<10240x64xf32, #tpu.memory_space<vmem_shared>>
    tpu.wait_indirect_dma semaphore(%arg17 : memref<!tpu.dma_semaphore, #tpu.memory_space<semaphore_mem>>) src(%arg13 : memref<128x64xf32, #tpu.memory_space<vmem>>) dst(%dma_wait3A_49 : memref<10240x64xf32, #tpu.memory_space<vmem_shared>>)
    %barrier3A_50 = arith.constant 0 : index
    tpu.barrier barrier_id(%barrier3A_50)
    %mul3A_51 = arith.constant 640 : i32
    %mul3A_52 = arith.muli %arg1, %mul3A_51 : i32
    %add3A_53 = arith.constant 0 : i32
    %add3A_54 = arith.addi %mul3A_52, %add3A_53 : i32
    "tpu.region"() ({
      %run_scoped3A = tpu.sem_alloc : memref<!tpu.dma_semaphore, #tpu.memory_space<semaphore_mem>>
      %dma_start3A_71 = tpu.memref_slice %arg6[%add3A_54] : memref<10240xi32, #tpu.memory_space<hbm>> -> memref<128xi32, #tpu.memory_space<hbm>>
      %dma_start3A_72 = tpu.memref_slice %arg6[%add3A_54] : memref<10240xi32, #tpu.memory_space<hbm>> -> memref<128xi32, #tpu.memory_space<hbm>>
      tpu.enqueue_dma source(%dma_start3A_72 : memref<128xi32, #tpu.memory_space<hbm>>) target(%arg11 : memref<128xi32, #tpu.memory_space<vmem>>) target_semaphore(%run_scoped3A : memref<!tpu.dma_semaphore, #tpu.memory_space<semaphore_mem>>)
      %dma_wait3A_73 = tpu.memref_slice %arg6[%add3A_54] : memref<10240xi32, #tpu.memory_space<hbm>> -> memref<128xi32, #tpu.memory_space<hbm>>
      %dma_wait3A_74 = tpu.memref_slice %arg6[%add3A_54] : memref<10240xi32, #tpu.memory_space<hbm>> -> memref<128xi32, #tpu.memory_space<hbm>>
      tpu.wait_dma2 semaphore(%run_scoped3A : memref<!tpu.dma_semaphore, #tpu.memory_space<semaphore_mem>>) src(%dma_wait3A_74 : memref<128xi32, #tpu.memory_space<hbm>>) dst(%arg11 : memref<128xi32, #tpu.memory_space<vmem>>)
      tpu.yield
    }) : () -> ()
    "tpu.region"() ({
      %run_scoped3A = tpu.sem_alloc : memref<!tpu.dma_semaphore, #tpu.memory_space<semaphore_mem>>
      %dma_start3A_71 = arith.constant 0 : i32
      %dma_start3A_72 = arith.constant 0 : i32
      %dma_start3A_73 = tpu.memref_slice %arg15[%dma_start3A_71, %dma_start3A_72] : memref<10240x64xf32, #tpu.memory_space<vmem_shared>> -> memref<10240x64xf32, #tpu.memory_space<vmem_shared>>
      tpu.enqueue_indirect_dma source(%dma_start3A_73 : memref<10240x64xf32, #tpu.memory_space<vmem_shared>>) target(%arg12 : memref<128x64xf32, #tpu.memory_space<vmem>>) offsets(%arg11 : memref<128xi32, #tpu.memory_space<vmem>>) semaphore(%run_scoped3A : memref<!tpu.dma_semaphore, #tpu.memory_space<semaphore_mem>>)
      %dma_wait3A_74 = arith.constant 0 : i32
      %dma_wait3A_75 = arith.constant 0 : i32
      %dma_wait3A_76 = tpu.memref_slice %arg15[%dma_wait3A_74, %dma_wait3A_75] : memref<10240x64xf32, #tpu.memory_space<vmem_shared>> -> memref<10240x64xf32, #tpu.memory_space<vmem_shared>>
      tpu.wait_indirect_dma semaphore(%run_scoped3A : memref<!tpu.dma_semaphore, #tpu.memory_space<semaphore_mem>>) src(%dma_wait3A_76 : memref<10240x64xf32, #tpu.memory_space<vmem_shared>>) dst(%arg12 : memref<128x64xf32, #tpu.memory_space<vmem>>)
      tpu.yield
    }) : () -> ()
    "tpu.region"() ({
      %run_scoped3A = tpu.sem_alloc : memref<!tpu.dma_semaphore, #tpu.memory_space<semaphore_mem>>
      %dma_start3A_71 = tpu.memref_slice %arg7[%add3A_54, %mul3A_2] : memref<10240x128xf32, #tpu.memory_space<hbm>> -> memref<128x64xf32, #tpu.memory_space<hbm>>
      %dma_start3A_72 = tpu.memref_slice %arg7[%add3A_54, %mul3A_2] : memref<10240x128xf32, #tpu.memory_space<hbm>> -> memref<128x64xf32, #tpu.memory_space<hbm>>
      tpu.enqueue_dma source(%arg12 : memref<128x64xf32, #tpu.memory_space<vmem>>) target(%dma_start3A_72 : memref<128x64xf32, #tpu.memory_space<hbm>>) target_semaphore(%run_scoped3A : memref<!tpu.dma_semaphore, #tpu.memory_space<semaphore_mem>>)
      %dma_wait3A_73 = tpu.memref_slice %arg7[%add3A_54, %mul3A_2] : memref<10240x128xf32, #tpu.memory_space<hbm>> -> memref<128x64xf32, #tpu.memory_space<hbm>>
      %dma_wait3A_74 = tpu.memref_slice %arg7[%add3A_54, %mul3A_2] : memref<10240x128xf32, #tpu.memory_space<hbm>> -> memref<128x64xf32, #tpu.memory_space<hbm>>
      tpu.wait_dma2 semaphore(%run_scoped3A : memref<!tpu.dma_semaphore, #tpu.memory_space<semaphore_mem>>) src(%arg12 : memref<128x64xf32, #tpu.memory_space<vmem>>) dst(%dma_wait3A_74 : memref<128x64xf32, #tpu.memory_space<hbm>>)
      tpu.yield
    }) : () -> ()
    %mul3A_55 = arith.constant 640 : i32
    %mul3A_56 = arith.muli %arg1, %mul3A_55 : i32
    %add3A_57 = arith.constant 128 : i32
    %add3A_58 = arith.addi %mul3A_56, %add3A_57 : i32
    "tpu.region"() ({
      %run_scoped3A = tpu.sem_alloc : memref<!tpu.dma_semaphore, #tpu.memory_space<semaphore_mem>>
      %dma_start3A_71 = tpu.memref_slice %arg6[%add3A_58] : memref<10240xi32, #tpu.memory_space<hbm>> -> memref<128xi32, #tpu.memory_space<hbm>>
      %dma_start3A_72 = tpu.memref_slice %arg6[%add3A_58] : memref<10240xi32, #tpu.memory_space<hbm>> -> memref<128xi32, #tpu.memory_space<hbm>>
      tpu.enqueue_dma source(%dma_start3A_72 : memref<128xi32, #tpu.memory_space<hbm>>) target(%arg11 : memref<128xi32, #tpu.memory_space<vmem>>) target_semaphore(%run_scoped3A : memref<!tpu.dma_semaphore, #tpu.memory_space<semaphore_mem>>)
      %dma_wait3A_73 = tpu.memref_slice %arg6[%add3A_58] : memref<10240xi32, #tpu.memory_space<hbm>> -> memref<128xi32, #tpu.memory_space<hbm>>
      %dma_wait3A_74 = tpu.memref_slice %arg6[%add3A_58] : memref<10240xi32, #tpu.memory_space<hbm>> -> memref<128xi32, #tpu.memory_space<hbm>>
      tpu.wait_dma2 semaphore(%run_scoped3A : memref<!tpu.dma_semaphore, #tpu.memory_space<semaphore_mem>>) src(%dma_wait3A_74 : memref<128xi32, #tpu.memory_space<hbm>>) dst(%arg11 : memref<128xi32, #tpu.memory_space<vmem>>)
      tpu.yield
    }) : () -> ()
    "tpu.region"() ({
      %run_scoped3A = tpu.sem_alloc : memref<!tpu.dma_semaphore, #tpu.memory_space<semaphore_mem>>
      %dma_start3A_71 = arith.constant 0 : i32
      %dma_start3A_72 = arith.constant 0 : i32
      %dma_start3A_73 = tpu.memref_slice %arg15[%dma_start3A_71, %dma_start3A_72] : memref<10240x64xf32, #tpu.memory_space<vmem_shared>> -> memref<10240x64xf32, #tpu.memory_space<vmem_shared>>
      tpu.enqueue_indirect_dma source(%dma_start3A_73 : memref<10240x64xf32, #tpu.memory_space<vmem_shared>>) target(%arg12 : memref<128x64xf32, #tpu.memory_space<vmem>>) offsets(%arg11 : memref<128xi32, #tpu.memory_space<vmem>>) semaphore(%run_scoped3A : memref<!tpu.dma_semaphore, #tpu.memory_space<semaphore_mem>>)
      %dma_wait3A_74 = arith.constant 0 : i32
      %dma_wait3A_75 = arith.constant 0 : i32
      %dma_wait3A_76 = tpu.memref_slice %arg15[%dma_wait3A_74, %dma_wait3A_75] : memref<10240x64xf32, #tpu.memory_space<vmem_shared>> -> memref<10240x64xf32, #tpu.memory_space<vmem_shared>>
      tpu.wait_indirect_dma semaphore(%run_scoped3A : memref<!tpu.dma_semaphore, #tpu.memory_space<semaphore_mem>>) src(%dma_wait3A_76 : memref<10240x64xf32, #tpu.memory_space<vmem_shared>>) dst(%arg12 : memref<128x64xf32, #tpu.memory_space<vmem>>)
      tpu.yield
    }) : () -> ()
    "tpu.region"() ({
      %run_scoped3A = tpu.sem_alloc : memref<!tpu.dma_semaphore, #tpu.memory_space<semaphore_mem>>
      %dma_start3A_71 = tpu.memref_slice %arg7[%add3A_58, %mul3A_2] : memref<10240x128xf32, #tpu.memory_space<hbm>> -> memref<128x64xf32, #tpu.memory_space<hbm>>
      %dma_start3A_72 = tpu.memref_slice %arg7[%add3A_58, %mul3A_2] : memref<10240x128xf32, #tpu.memory_space<hbm>> -> memref<128x64xf32, #tpu.memory_space<hbm>>
      tpu.enqueue_dma source(%arg12 : memref<128x64xf32, #tpu.memory_space<vmem>>) target(%dma_start3A_72 : memref<128x64xf32, #tpu.memory_space<hbm>>) target_semaphore(%run_scoped3A : memref<!tpu.dma_semaphore, #tpu.memory_space<semaphore_mem>>)
      %dma_wait3A_73 = tpu.memref_slice %arg7[%add3A_58, %mul3A_2] : memref<10240x128xf32, #tpu.memory_space<hbm>> -> memref<128x64xf32, #tpu.memory_space<hbm>>
      %dma_wait3A_74 = tpu.memref_slice %arg7[%add3A_58, %mul3A_2] : memref<10240x128xf32, #tpu.memory_space<hbm>> -> memref<128x64xf32, #tpu.memory_space<hbm>>
      tpu.wait_dma2 semaphore(%run_scoped3A : memref<!tpu.dma_semaphore, #tpu.memory_space<semaphore_mem>>) src(%arg12 : memref<128x64xf32, #tpu.memory_space<vmem>>) dst(%dma_wait3A_74 : memref<128x64xf32, #tpu.memory_space<hbm>>)
      tpu.yield
    }) : () -> ()
    %mul3A_59 = arith.constant 640 : i32
    %mul3A_60 = arith.muli %arg1, %mul3A_59 : i32
    %add3A_61 = arith.constant 256 : i32
    %add3A_62 = arith.addi %mul3A_60, %add3A_61 : i32
    "tpu.region"() ({
      %run_scoped3A = tpu.sem_alloc : memref<!tpu.dma_semaphore, #tpu.memory_space<semaphore_mem>>
      %dma_start3A_71 = tpu.memref_slice %arg6[%add3A_62] : memref<10240xi32, #tpu.memory_space<hbm>> -> memref<128xi32, #tpu.memory_space<hbm>>
      %dma_start3A_72 = tpu.memref_slice %arg6[%add3A_62] : memref<10240xi32, #tpu.memory_space<hbm>> -> memref<128xi32, #tpu.memory_space<hbm>>
      tpu.enqueue_dma source(%dma_start3A_72 : memref<128xi32, #tpu.memory_space<hbm>>) target(%arg11 : memref<128xi32, #tpu.memory_space<vmem>>) target_semaphore(%run_scoped3A : memref<!tpu.dma_semaphore, #tpu.memory_space<semaphore_mem>>)
      %dma_wait3A_73 = tpu.memref_slice %arg6[%add3A_62] : memref<10240xi32, #tpu.memory_space<hbm>> -> memref<128xi32, #tpu.memory_space<hbm>>
      %dma_wait3A_74 = tpu.memref_slice %arg6[%add3A_62] : memref<10240xi32, #tpu.memory_space<hbm>> -> memref<128xi32, #tpu.memory_space<hbm>>
      tpu.wait_dma2 semaphore(%run_scoped3A : memref<!tpu.dma_semaphore, #tpu.memory_space<semaphore_mem>>) src(%dma_wait3A_74 : memref<128xi32, #tpu.memory_space<hbm>>) dst(%arg11 : memref<128xi32, #tpu.memory_space<vmem>>)
      tpu.yield
    }) : () -> ()
    "tpu.region"() ({
      %run_scoped3A = tpu.sem_alloc : memref<!tpu.dma_semaphore, #tpu.memory_space<semaphore_mem>>
      %dma_start3A_71 = arith.constant 0 : i32
      %dma_start3A_72 = arith.constant 0 : i32
      %dma_start3A_73 = tpu.memref_slice %arg15[%dma_start3A_71, %dma_start3A_72] : memref<10240x64xf32, #tpu.memory_space<vmem_shared>> -> memref<10240x64xf32, #tpu.memory_space<vmem_shared>>
      tpu.enqueue_indirect_dma source(%dma_start3A_73 : memref<10240x64xf32, #tpu.memory_space<vmem_shared>>) target(%arg12 : memref<128x64xf32, #tpu.memory_space<vmem>>) offsets(%arg11 : memref<128xi32, #tpu.memory_space<vmem>>) semaphore(%run_scoped3A : memref<!tpu.dma_semaphore, #tpu.memory_space<semaphore_mem>>)
      %dma_wait3A_74 = arith.constant 0 : i32
      %dma_wait3A_75 = arith.constant 0 : i32
      %dma_wait3A_76 = tpu.memref_slice %arg15[%dma_wait3A_74, %dma_wait3A_75] : memref<10240x64xf32, #tpu.memory_space<vmem_shared>> -> memref<10240x64xf32, #tpu.memory_space<vmem_shared>>
      tpu.wait_indirect_dma semaphore(%run_scoped3A : memref<!tpu.dma_semaphore, #tpu.memory_space<semaphore_mem>>) src(%dma_wait3A_76 : memref<10240x64xf32, #tpu.memory_space<vmem_shared>>) dst(%arg12 : memref<128x64xf32, #tpu.memory_space<vmem>>)
      tpu.yield
    }) : () -> ()
    "tpu.region"() ({
      %run_scoped3A = tpu.sem_alloc : memref<!tpu.dma_semaphore, #tpu.memory_space<semaphore_mem>>
      %dma_start3A_71 = tpu.memref_slice %arg7[%add3A_62, %mul3A_2] : memref<10240x128xf32, #tpu.memory_space<hbm>> -> memref<128x64xf32, #tpu.memory_space<hbm>>
      %dma_start3A_72 = tpu.memref_slice %arg7[%add3A_62, %mul3A_2] : memref<10240x128xf32, #tpu.memory_space<hbm>> -> memref<128x64xf32, #tpu.memory_space<hbm>>
      tpu.enqueue_dma source(%arg12 : memref<128x64xf32, #tpu.memory_space<vmem>>) target(%dma_start3A_72 : memref<128x64xf32, #tpu.memory_space<hbm>>) target_semaphore(%run_scoped3A : memref<!tpu.dma_semaphore, #tpu.memory_space<semaphore_mem>>)
      %dma_wait3A_73 = tpu.memref_slice %arg7[%add3A_62, %mul3A_2] : memref<10240x128xf32, #tpu.memory_space<hbm>> -> memref<128x64xf32, #tpu.memory_space<hbm>>
      %dma_wait3A_74 = tpu.memref_slice %arg7[%add3A_62, %mul3A_2] : memref<10240x128xf32, #tpu.memory_space<hbm>> -> memref<128x64xf32, #tpu.memory_space<hbm>>
      tpu.wait_dma2 semaphore(%run_scoped3A : memref<!tpu.dma_semaphore, #tpu.memory_space<semaphore_mem>>) src(%arg12 : memref<128x64xf32, #tpu.memory_space<vmem>>) dst(%dma_wait3A_74 : memref<128x64xf32, #tpu.memory_space<hbm>>)
      tpu.yield
    }) : () -> ()
    %mul3A_63 = arith.constant 640 : i32
    %mul3A_64 = arith.muli %arg1, %mul3A_63 : i32
    %add3A_65 = arith.constant 384 : i32
    %add3A_66 = arith.addi %mul3A_64, %add3A_65 : i32
    "tpu.region"() ({
      %run_scoped3A = tpu.sem_alloc : memref<!tpu.dma_semaphore, #tpu.memory_space<semaphore_mem>>
      %dma_start3A_71 = tpu.memref_slice %arg6[%add3A_66] : memref<10240xi32, #tpu.memory_space<hbm>> -> memref<128xi32, #tpu.memory_space<hbm>>
      %dma_start3A_72 = tpu.memref_slice %arg6[%add3A_66] : memref<10240xi32, #tpu.memory_space<hbm>> -> memref<128xi32, #tpu.memory_space<hbm>>
      tpu.enqueue_dma source(%dma_start3A_72 : memref<128xi32, #tpu.memory_space<hbm>>) target(%arg11 : memref<128xi32, #tpu.memory_space<vmem>>) target_semaphore(%run_scoped3A : memref<!tpu.dma_semaphore, #tpu.memory_space<semaphore_mem>>)
      %dma_wait3A_73 = tpu.memref_slice %arg6[%add3A_66] : memref<10240xi32, #tpu.memory_space<hbm>> -> memref<128xi32, #tpu.memory_space<hbm>>
      %dma_wait3A_74 = tpu.memref_slice %arg6[%add3A_66] : memref<10240xi32, #tpu.memory_space<hbm>> -> memref<128xi32, #tpu.memory_space<hbm>>
      tpu.wait_dma2 semaphore(%run_scoped3A : memref<!tpu.dma_semaphore, #tpu.memory_space<semaphore_mem>>) src(%dma_wait3A_74 : memref<128xi32, #tpu.memory_space<hbm>>) dst(%arg11 : memref<128xi32, #tpu.memory_space<vmem>>)
      tpu.yield
    }) : () -> ()
    "tpu.region"() ({
      %run_scoped3A = tpu.sem_alloc : memref<!tpu.dma_semaphore, #tpu.memory_space<semaphore_mem>>
      %dma_start3A_71 = arith.constant 0 : i32
      %dma_start3A_72 = arith.constant 0 : i32
      %dma_start3A_73 = tpu.memref_slice %arg15[%dma_start3A_71, %dma_start3A_72] : memref<10240x64xf32, #tpu.memory_space<vmem_shared>> -> memref<10240x64xf32, #tpu.memory_space<vmem_shared>>
      tpu.enqueue_indirect_dma source(%dma_start3A_73 : memref<10240x64xf32, #tpu.memory_space<vmem_shared>>) target(%arg12 : memref<128x64xf32, #tpu.memory_space<vmem>>) offsets(%arg11 : memref<128xi32, #tpu.memory_space<vmem>>) semaphore(%run_scoped3A : memref<!tpu.dma_semaphore, #tpu.memory_space<semaphore_mem>>)
      %dma_wait3A_74 = arith.constant 0 : i32
      %dma_wait3A_75 = arith.constant 0 : i32
      %dma_wait3A_76 = tpu.memref_slice %arg15[%dma_wait3A_74, %dma_wait3A_75] : memref<10240x64xf32, #tpu.memory_space<vmem_shared>> -> memref<10240x64xf32, #tpu.memory_space<vmem_shared>>
      tpu.wait_indirect_dma semaphore(%run_scoped3A : memref<!tpu.dma_semaphore, #tpu.memory_space<semaphore_mem>>) src(%dma_wait3A_76 : memref<10240x64xf32, #tpu.memory_space<vmem_shared>>) dst(%arg12 : memref<128x64xf32, #tpu.memory_space<vmem>>)
      tpu.yield
    }) : () -> ()
    "tpu.region"() ({
      %run_scoped3A = tpu.sem_alloc : memref<!tpu.dma_semaphore, #tpu.memory_space<semaphore_mem>>
      %dma_start3A_71 = tpu.memref_slice %arg7[%add3A_66, %mul3A_2] : memref<10240x128xf32, #tpu.memory_space<hbm>> -> memref<128x64xf32, #tpu.memory_space<hbm>>
      %dma_start3A_72 = tpu.memref_slice %arg7[%add3A_66, %mul3A_2] : memref<10240x128xf32, #tpu.memory_space<hbm>> -> memref<128x64xf32, #tpu.memory_space<hbm>>
      tpu.enqueue_dma source(%arg12 : memref<128x64xf32, #tpu.memory_space<vmem>>) target(%dma_start3A_72 : memref<128x64xf32, #tpu.memory_space<hbm>>) target_semaphore(%run_scoped3A : memref<!tpu.dma_semaphore, #tpu.memory_space<semaphore_mem>>)
      %dma_wait3A_73 = tpu.memref_slice %arg7[%add3A_66, %mul3A_2] : memref<10240x128xf32, #tpu.memory_space<hbm>> -> memref<128x64xf32, #tpu.memory_space<hbm>>
      %dma_wait3A_74 = tpu.memref_slice %arg7[%add3A_66, %mul3A_2] : memref<10240x128xf32, #tpu.memory_space<hbm>> -> memref<128x64xf32, #tpu.memory_space<hbm>>
      tpu.wait_dma2 semaphore(%run_scoped3A : memref<!tpu.dma_semaphore, #tpu.memory_space<semaphore_mem>>) src(%arg12 : memref<128x64xf32, #tpu.memory_space<vmem>>) dst(%dma_wait3A_74 : memref<128x64xf32, #tpu.memory_space<hbm>>)
      tpu.yield
    }) : () -> ()
    %mul3A_67 = arith.constant 640 : i32
    %mul3A_68 = arith.muli %arg1, %mul3A_67 : i32
    %add3A_69 = arith.constant 512 : i32
    %add3A_70 = arith.addi %mul3A_68, %add3A_69 : i32
    "tpu.region"() ({
      %run_scoped3A = tpu.sem_alloc : memref<!tpu.dma_semaphore, #tpu.memory_space<semaphore_mem>>
      %dma_start3A_71 = tpu.memref_slice %arg6[%add3A_70] : memref<10240xi32, #tpu.memory_space<hbm>> -> memref<128xi32, #tpu.memory_space<hbm>>
      %dma_start3A_72 = tpu.memref_slice %arg6[%add3A_70] : memref<10240xi32, #tpu.memory_space<hbm>> -> memref<128xi32, #tpu.memory_space<hbm>>
      tpu.enqueue_dma source(%dma_start3A_72 : memref<128xi32, #tpu.memory_space<hbm>>) target(%arg11 : memref<128xi32, #tpu.memory_space<vmem>>) target_semaphore(%run_scoped3A : memref<!tpu.dma_semaphore, #tpu.memory_space<semaphore_mem>>)
      %dma_wait3A_73 = tpu.memref_slice %arg6[%add3A_70] : memref<10240xi32, #tpu.memory_space<hbm>> -> memref<128xi32, #tpu.memory_space<hbm>>
      %dma_wait3A_74 = tpu.memref_slice %arg6[%add3A_70] : memref<10240xi32, #tpu.memory_space<hbm>> -> memref<128xi32, #tpu.memory_space<hbm>>
      tpu.wait_dma2 semaphore(%run_scoped3A : memref<!tpu.dma_semaphore, #tpu.memory_space<semaphore_mem>>) src(%dma_wait3A_74 : memref<128xi32, #tpu.memory_space<hbm>>) dst(%arg11 : memref<128xi32, #tpu.memory_space<vmem>>)
      tpu.yield
    }) : () -> ()
    "tpu.region"() ({
      %run_scoped3A = tpu.sem_alloc : memref<!tpu.dma_semaphore, #tpu.memory_space<semaphore_mem>>
      %dma_start3A_71 = arith.constant 0 : i32
      %dma_start3A_72 = arith.constant 0 : i32
      %dma_start3A_73 = tpu.memref_slice %arg15[%dma_start3A_71, %dma_start3A_72] : memref<10240x64xf32, #tpu.memory_space<vmem_shared>> -> memref<10240x64xf32, #tpu.memory_space<vmem_shared>>
      tpu.enqueue_indirect_dma source(%dma_start3A_73 : memref<10240x64xf32, #tpu.memory_space<vmem_shared>>) target(%arg12 : memref<128x64xf32, #tpu.memory_space<vmem>>) offsets(%arg11 : memref<128xi32, #tpu.memory_space<vmem>>) semaphore(%run_scoped3A : memref<!tpu.dma_semaphore, #tpu.memory_space<semaphore_mem>>)
      %dma_wait3A_74 = arith.constant 0 : i32
      %dma_wait3A_75 = arith.constant 0 : i32
      %dma_wait3A_76 = tpu.memref_slice %arg15[%dma_wait3A_74, %dma_wait3A_75] : memref<10240x64xf32, #tpu.memory_space<vmem_shared>> -> memref<10240x64xf32, #tpu.memory_space<vmem_shared>>
      tpu.wait_indirect_dma semaphore(%run_scoped3A : memref<!tpu.dma_semaphore, #tpu.memory_space<semaphore_mem>>) src(%dma_wait3A_76 : memref<10240x64xf32, #tpu.memory_space<vmem_shared>>) dst(%arg12 : memref<128x64xf32, #tpu.memory_space<vmem>>)
      tpu.yield
    }) : () -> ()
    "tpu.region"() ({
      %run_scoped3A = tpu.sem_alloc : memref<!tpu.dma_semaphore, #tpu.memory_space<semaphore_mem>>
      %dma_start3A_71 = tpu.memref_slice %arg7[%add3A_70, %mul3A_2] : memref<10240x128xf32, #tpu.memory_space<hbm>> -> memref<128x64xf32, #tpu.memory_space<hbm>>
      %dma_start3A_72 = tpu.memref_slice %arg7[%add3A_70, %mul3A_2] : memref<10240x128xf32, #tpu.memory_space<hbm>> -> memref<128x64xf32, #tpu.memory_space<hbm>>
      tpu.enqueue_dma source(%arg12 : memref<128x64xf32, #tpu.memory_space<vmem>>) target(%dma_start3A_72 : memref<128x64xf32, #tpu.memory_space<hbm>>) target_semaphore(%run_scoped3A : memref<!tpu.dma_semaphore, #tpu.memory_space<semaphore_mem>>)
      %dma_wait3A_73 = tpu.memref_slice %arg7[%add3A_70, %mul3A_2] : memref<10240x128xf32, #tpu.memory_space<hbm>> -> memref<128x64xf32, #tpu.memory_space<hbm>>
      %dma_wait3A_74 = tpu.memref_slice %arg7[%add3A_70, %mul3A_2] : memref<10240x128xf32, #tpu.memory_space<hbm>> -> memref<128x64xf32, #tpu.memory_space<hbm>>
      tpu.wait_dma2 semaphore(%run_scoped3A : memref<!tpu.dma_semaphore, #tpu.memory_space<semaphore_mem>>) src(%arg12 : memref<128x64xf32, #tpu.memory_space<vmem>>) dst(%dma_wait3A_74 : memref<128x64xf32, #tpu.memory_space<hbm>>)
      tpu.yield
    }) : () -> ()
    return
  }
}

module attributes {stable_mosaic.version = 14 : i64} {
  func.func @_tc_first_body(%arg0: i32, %arg1: memref<128x16xf32, #tpu.memory_space<vmem>>, %arg2: memref<128x16xf32, #tpu.memory_space<vmem>>, %arg3: memref<128x128xf32, #tpu.memory_space<vmem>>, %arg4: memref<128x128xf32, #tpu.memory_space<vmem>>, %arg5: memref<128x128xf32, #tpu.memory_space<vmem>>, %arg6: memref<128x128xf32, #tpu.memory_space<vmem>>) attributes {dimension_semantics = [#tpu.dimension_semantics<arbitrary>], iteration_bounds = array<i64: 80>, scalar_prefetch = 0 : i64, scratch_operands = 0 : i64, tpu.core_type = #tpu.core_type<tc>, window_params = [{transform_indices = @transform_0, window_bounds = array<i64: 128, 16>}, {transform_indices = @transform_1, window_bounds = array<i64: 128, 16>}, {transform_indices = @transform_2, window_bounds = array<i64: 128, 128>}, {pipeline_mode = #tpu.pipeline_mode<synchronous>, transform_indices = @transform_3, window_bounds = array<i64: 128, 128>}, {transform_indices = @transform_4, window_bounds = array<i64: 128, 128>}, {transform_indices = @transform_5, window_bounds = array<i64: 128, 128>}]} {
    %get3A = arith.constant 0 : index
    %get3A_0 = arith.constant 0 : index
    %get3A_1 = vector.load %arg1[%get3A, %get3A_0] : memref<128x16xf32, #tpu.memory_space<vmem>>, vector<128x1xf32>
    %get3A_2 = arith.constant 0 : index
    %get3A_3 = arith.constant 0 : index
    %get3A_4 = vector.load %arg2[%get3A_2, %get3A_3] : memref<128x16xf32, #tpu.memory_space<vmem>>, vector<128x1xf32>
    %add3A = arith.addf %get3A_1, %get3A_4 : vector<128x1xf32>
    %add3A_5 = arith.constant 1.000000e+00 : f32
    %add3A_6 = vector.broadcast %add3A_5 : f32 to vector<128x1xf32>
    %add3A_7 = arith.addf %add3A, %add3A_6 : vector<128x1xf32>
    %iota3A = tpu.iota {dimensions = array<i32: 0>} : vector<128x1xi32>
    %mul3A = arith.constant 128 : i32
    %mul3A_8 = arith.muli %arg0, %mul3A : i32
    %add3A_9 = vector.broadcast %mul3A_8 : i32 to vector<128x1xi32>
    %add3A_10 = arith.addi %iota3A, %add3A_9 : vector<128x1xi32>
    %lt3A = arith.constant 10000 : i32
    %lt3A_11 = vector.broadcast %lt3A : i32 to vector<128x1xi32>
    %lt3A_12 = arith.cmpi slt, %add3A_10, %lt3A_11 : vector<128x1xi32>
    %rsqrt3A = math.rsqrt %add3A_7 : vector<128x1xf32>
    %jit3A = arith.constant 0.000000e+00 : f32
    %broadcast_in_dim3A = vector.broadcast %jit3A : f32 to vector<128x1xf32>
    %select_n3A = arith.select %lt3A_12, %rsqrt3A, %broadcast_in_dim3A : vector<128x1xi1>, vector<128x1xf32>
    %broadcast_in_dim3A_13 = vector.shape_cast %select_n3A : vector<128x1xf32> to vector<128x1xf32>
    %broadcast_in_dim3A_14 = vector.broadcast %broadcast_in_dim3A_13 : vector<128x1xf32> to vector<128x128xf32>
    %swap3A = arith.constant 0 : index
    %swap3A_15 = arith.constant 0 : index
    %swap3A_16 = vector.load %arg5[%swap3A, %swap3A_15] : memref<128x128xf32, #tpu.memory_space<vmem>>, vector<128x128xf32>
    tpu.vector_store %arg5[%swap3A, %swap3A_15], %broadcast_in_dim3A_14 {strides = array<i32>} : memref<128x128xf32, #tpu.memory_space<vmem>>, vector<128x128xf32>,
    %get3A_17 = arith.constant 0 : index
    %get3A_18 = arith.constant 0 : index
    %get3A_19 = vector.load %arg3[%get3A_17, %get3A_18] : memref<128x128xf32, #tpu.memory_space<vmem>>, vector<128x128xf32>
    %get3A_20 = arith.constant 0 : index
    %get3A_21 = arith.constant 0 : index
    %get3A_22 = vector.load %arg4[%get3A_20, %get3A_21] : memref<128x128xf32, #tpu.memory_space<vmem>>, vector<128x128xf32>
    %dot_general3A = arith.constant dense<0.000000e+00> : vector<128x128xf32>
    %dot_general3A_23 = tpu.matmul %get3A_19, %get3A_22, %dot_general3A {dimension_numbers = #tpu.dot_dimension_numbers<[1], [0], [0], [1], [0, 0, 1, 1], [], []>, transpose_lhs_hint = false} : vector<128x128xf32>, vector<128x128xf32>, vector<128x128xf32> -> vector<128x128xf32>
    %mul3A_24 = arith.mulf %broadcast_in_dim3A_14, %dot_general3A_23 : vector<128x128xf32>
    %swap3A_25 = arith.constant 0 : index
    %swap3A_26 = arith.constant 0 : index
    %swap3A_27 = vector.load %arg6[%swap3A_25, %swap3A_26] : memref<128x128xf32, #tpu.memory_space<vmem>>, vector<128x128xf32>
    tpu.vector_store %arg6[%swap3A_25, %swap3A_26], %mul3A_24 {strides = array<i32>} : memref<128x128xf32, #tpu.memory_space<vmem>>, vector<128x128xf32>,
    return
  }
  func.func @transform_0(%arg0: i32) -> (i32, i32) {
    %c0_i32 = arith.constant 0 : i32
    %c0_i32_0 = arith.constant 0 : i32
    return %arg0, %c0_i32 : i32, i32
  }
  func.func @transform_1(%arg0: i32) -> (i32, i32) {
    %add3A = arith.constant 80 : i32
    %add3A_0 = arith.addi %arg0, %add3A : i32
    %c0_i32 = arith.constant 0 : i32
    %c0_i32_1 = arith.constant 0 : i32
    return %add3A_0, %c0_i32 : i32, i32
  }
  func.func @transform_2(%arg0: i32) -> (i32, i32) {
    %c0_i32 = arith.constant 0 : i32
    %c0_i32_0 = arith.constant 0 : i32
    return %arg0, %c0_i32 : i32, i32
  }
  func.func @transform_3(%arg0: i32) -> (i32, i32) {
    %c0_i32 = arith.constant 0 : i32
    %c0_i32_0 = arith.constant 0 : i32
    %c0_i32_1 = arith.constant 0 : i32
    return %c0_i32, %c0_i32_0 : i32, i32
  }
  func.func @transform_4(%arg0: i32) -> (i32, i32) {
    %c0_i32 = arith.constant 0 : i32
    %c0_i32_0 = arith.constant 0 : i32
    return %arg0, %c0_i32 : i32, i32
  }
  func.func @transform_5(%arg0: i32) -> (i32, i32) {
    %c0_i32 = arith.constant 0 : i32
    %c0_i32_0 = arith.constant 0 : i32
    return %arg0, %c0_i32 : i32, i32
  }
}

module attributes {stable_mosaic.version = 14 : i64} {
  func.func @_tc_final_body(%arg0: i32, %arg1: memref<128x128xf32, #tpu.memory_space<vmem>>, %arg2: memref<128x128xf32, #tpu.memory_space<vmem>>, %arg3: memref<128x128xf32, #tpu.memory_space<vmem>>, %arg4: memref<1x128xf32, #tpu.memory_space<vmem>>, %arg5: memref<128x128xf32, #tpu.memory_space<vmem>>) attributes {dimension_semantics = [#tpu.dimension_semantics<arbitrary>], iteration_bounds = array<i64: 80>, scalar_prefetch = 0 : i64, scratch_operands = 0 : i64, tpu.core_type = #tpu.core_type<tc>, window_params = [{transform_indices = @transform_0, window_bounds = array<i64: 128, 128>}, {transform_indices = @transform_1, window_bounds = array<i64: 128, 128>}, {transform_indices = @transform_2, window_bounds = array<i64: 128, 128>}, {pipeline_mode = #tpu.pipeline_mode<synchronous>, transform_indices = @transform_3, window_bounds = array<i64: 1, 128>}, {transform_indices = @transform_4, window_bounds = array<i64: 128, 128>}]} {
    %get3A = arith.constant 0 : index
    %get3A_0 = arith.constant 0 : index
    %get3A_1 = vector.load %arg3[%get3A, %get3A_0] : memref<128x128xf32, #tpu.memory_space<vmem>>, vector<128x128xf32>
    %get3A_2 = arith.constant 0 : index
    %get3A_3 = arith.constant 0 : index
    %get3A_4 = vector.load %arg1[%get3A_2, %get3A_3] : memref<128x128xf32, #tpu.memory_space<vmem>>, vector<128x128xf32>
    %get3A_5 = arith.constant 0 : index
    %get3A_6 = arith.constant 0 : index
    %get3A_7 = vector.load %arg2[%get3A_5, %get3A_6] : memref<128x128xf32, #tpu.memory_space<vmem>>, vector<128x128xf32>
    %add3A = arith.addf %get3A_4, %get3A_7 : vector<128x128xf32>
    %mul3A = arith.mulf %get3A_1, %add3A : vector<128x128xf32>
    %get3A_8 = arith.constant 0 : index
    %get3A_9 = arith.constant 0 : index
    %get3A_10 = vector.load %arg4[%get3A_8, %get3A_9] : memref<1x128xf32, #tpu.memory_space<vmem>>, vector<1x128xf32>
    %add3A_11 = vector.broadcast %get3A_10 : vector<1x128xf32> to vector<128x128xf32>
    %add3A_12 = arith.addf %mul3A, %add3A_11 : vector<128x128xf32>
    %tanh3A = math.tanh %add3A_12 : vector<128x128xf32>
    %swap3A = arith.constant 0 : index
    %swap3A_13 = arith.constant 0 : index
    %swap3A_14 = vector.load %arg5[%swap3A, %swap3A_13] : memref<128x128xf32, #tpu.memory_space<vmem>>, vector<128x128xf32>
    tpu.vector_store %arg5[%swap3A, %swap3A_13], %tanh3A {strides = array<i32>} : memref<128x128xf32, #tpu.memory_space<vmem>>, vector<128x128xf32>,
    return
  }
  func.func @transform_0(%arg0: i32) -> (i32, i32) {
    %c0_i32 = arith.constant 0 : i32
    %c0_i32_0 = arith.constant 0 : i32
    return %arg0, %c0_i32 : i32, i32
  }
  func.func @transform_1(%arg0: i32) -> (i32, i32) {
    %c0_i32 = arith.constant 0 : i32
    %c0_i32_0 = arith.constant 0 : i32
    return %arg0, %c0_i32 : i32, i32
  }
  func.func @transform_2(%arg0: i32) -> (i32, i32) {
    %c0_i32 = arith.constant 0 : i32
    %c0_i32_0 = arith.constant 0 : i32
    return %arg0, %c0_i32 : i32, i32
  }
  func.func @transform_3(%arg0: i32) -> (i32, i32) {
    %c0_i32 = arith.constant 0 : i32
    %c0_i32_0 = arith.constant 0 : i32
    %c0_i32_1 = arith.constant 0 : i32
    return %c0_i32, %c0_i32_0 : i32, i32
  }
  func.func @transform_4(%arg0: i32) -> (i32, i32) {
    %c0_i32 = arith.constant 0 : i32
    %c0_i32_0 = arith.constant 0 : i32
    return %arg0, %c0_i32 : i32, i32
  }
}

module attributes {stable_mosaic.version = 14 : i64} {
  func.func @_tc_mid_body(%arg0: i32, %arg1: memref<128x128xf32, #tpu.memory_space<vmem>>, %arg2: memref<128x128xf32, #tpu.memory_space<vmem>>, %arg3: memref<128x128xf32, #tpu.memory_space<vmem>>, %arg4: memref<1x128xf32, #tpu.memory_space<vmem>>, %arg5: memref<128x128xf32, #tpu.memory_space<vmem>>, %arg6: memref<128x128xf32, #tpu.memory_space<vmem>>) attributes {dimension_semantics = [#tpu.dimension_semantics<arbitrary>], iteration_bounds = array<i64: 80>, scalar_prefetch = 0 : i64, scratch_operands = 0 : i64, tpu.core_type = #tpu.core_type<tc>, window_params = [{transform_indices = @transform_0, window_bounds = array<i64: 128, 128>}, {transform_indices = @transform_1, window_bounds = array<i64: 128, 128>}, {transform_indices = @transform_2, window_bounds = array<i64: 128, 128>}, {pipeline_mode = #tpu.pipeline_mode<synchronous>, transform_indices = @transform_3, window_bounds = array<i64: 1, 128>}, {pipeline_mode = #tpu.pipeline_mode<synchronous>, transform_indices = @transform_4, window_bounds = array<i64: 128, 128>}, {transform_indices = @transform_5, window_bounds = array<i64: 128, 128>}]} {
    %get3A = arith.constant 0 : index
    %get3A_0 = arith.constant 0 : index
    %get3A_1 = vector.load %arg3[%get3A, %get3A_0] : memref<128x128xf32, #tpu.memory_space<vmem>>, vector<128x128xf32>
    %get3A_2 = arith.constant 0 : index
    %get3A_3 = arith.constant 0 : index
    %get3A_4 = vector.load %arg1[%get3A_2, %get3A_3] : memref<128x128xf32, #tpu.memory_space<vmem>>, vector<128x128xf32>
    %get3A_5 = arith.constant 0 : index
    %get3A_6 = arith.constant 0 : index
    %get3A_7 = vector.load %arg2[%get3A_5, %get3A_6] : memref<128x128xf32, #tpu.memory_space<vmem>>, vector<128x128xf32>
    %add3A = arith.addf %get3A_4, %get3A_7 : vector<128x128xf32>
    %mul3A = arith.mulf %get3A_1, %add3A : vector<128x128xf32>
    %get3A_8 = arith.constant 0 : index
    %get3A_9 = arith.constant 0 : index
    %get3A_10 = vector.load %arg4[%get3A_8, %get3A_9] : memref<1x128xf32, #tpu.memory_space<vmem>>, vector<1x128xf32>
    %add3A_11 = vector.broadcast %get3A_10 : vector<1x128xf32> to vector<128x128xf32>
    %add3A_12 = arith.addf %mul3A, %add3A_11 : vector<128x128xf32>
    %tanh3A = math.tanh %add3A_12 : vector<128x128xf32>
    %get3A_13 = arith.constant 0 : index
    %get3A_14 = arith.constant 0 : index
    %get3A_15 = vector.load %arg3[%get3A_13, %get3A_14] : memref<128x128xf32, #tpu.memory_space<vmem>>, vector<128x128xf32>
    %get3A_16 = arith.constant 0 : index
    %get3A_17 = arith.constant 0 : index
    %get3A_18 = vector.load %arg5[%get3A_16, %get3A_17] : memref<128x128xf32, #tpu.memory_space<vmem>>, vector<128x128xf32>
    %dot_general3A = arith.constant dense<0.000000e+00> : vector<128x128xf32>
    %dot_general3A_19 = tpu.matmul %tanh3A, %get3A_18, %dot_general3A {dimension_numbers = #tpu.dot_dimension_numbers<[1], [0], [0], [1], [0, 0, 1, 1], [], []>, transpose_lhs_hint = false} : vector<128x128xf32>, vector<128x128xf32>, vector<128x128xf32> -> vector<128x128xf32>
    %mul3A_20 = arith.mulf %get3A_15, %dot_general3A_19 : vector<128x128xf32>
    %swap3A = arith.constant 0 : index
    %swap3A_21 = arith.constant 0 : index
    %swap3A_22 = vector.load %arg6[%swap3A, %swap3A_21] : memref<128x128xf32, #tpu.memory_space<vmem>>, vector<128x128xf32>
    tpu.vector_store %arg6[%swap3A, %swap3A_21], %mul3A_20 {strides = array<i32>} : memref<128x128xf32, #tpu.memory_space<vmem>>, vector<128x128xf32>,
    return
  }
  func.func @transform_0(%arg0: i32) -> (i32, i32) {
    %c0_i32 = arith.constant 0 : i32
    %c0_i32_0 = arith.constant 0 : i32
    return %arg0, %c0_i32 : i32, i32
  }
  func.func @transform_1(%arg0: i32) -> (i32, i32) {
    %c0_i32 = arith.constant 0 : i32
    %c0_i32_0 = arith.constant 0 : i32
    return %arg0, %c0_i32 : i32, i32
  }
  func.func @transform_2(%arg0: i32) -> (i32, i32) {
    %c0_i32 = arith.constant 0 : i32
    %c0_i32_0 = arith.constant 0 : i32
    return %arg0, %c0_i32 : i32, i32
  }
  func.func @transform_3(%arg0: i32) -> (i32, i32) {
    %c0_i32 = arith.constant 0 : i32
    %c0_i32_0 = arith.constant 0 : i32
    %c0_i32_1 = arith.constant 0 : i32
    return %c0_i32, %c0_i32_0 : i32, i32
  }
  func.func @transform_4(%arg0: i32) -> (i32, i32) {
    %c0_i32 = arith.constant 0 : i32
    %c0_i32_0 = arith.constant 0 : i32
    %c0_i32_1 = arith.constant 0 : i32
    return %c0_i32, %c0_i32_0 : i32, i32
  }
  func.func @transform_5(%arg0: i32) -> (i32, i32) {
    %c0_i32 = arith.constant 0 : i32
    %c0_i32_0 = arith.constant 0 : i32
    return %arg0, %c0_i32 : i32, i32
  }
}

</mosaic_0001>

<sc_bundles>
// kernel: kernel.12.cloned.1.call-start
scs
__scs_entry_jumppad:
0x0: {  	(pc) =	sbr.rel $0x88, $3  }
0x1: {  	(tag) =	ssettag $0x0;
	lr =	simm.s32 $0x1  }
0x2: {  	[smem:$0x3F97] =	sst lr;
	_ =	strace $0xD0000000  }
0x3: {  	_ = 	snop  }
0x4: {  	_ = 	snop  }
0x5: {  	_ = 	snop  }
0x6: {  	_ = 	snop  }
0x7: {  	_ = 	snop  }
__scs_overlays_trampoline_lowered:
0x8: {  	[smem:$0x3FA6] =	sst s0  }
0x9: {  	[smem:$0x3FA7] =	sst s1  }
0xa: {  	[smem:$0x3FA8] =	sst s2  }
0xb: {  	[smem:$0x3FA9] =	sst s3  }
0xc: {  	[smem:$0x3FAA] =	sst s4  }
0xd: {  	[smem:$0x3FAB] =	sst s5  }
0xe: {  	[smem:$0x3FAC] =	sst s6  }
0xf: {  	[smem:$0x3FAD] =	sst s7  }
0x10: {  	[smem:$0x3FAE] =	sst s8  }
0x11: {  	[smem:$0x3FAF] =	sst s9;
	s0 =	simm.s32 @!p0 $0x0  }
0x12: {  	s1 =	sld [smem:$0x3F95];
	s0 =	simm.s32 @p0 $0x1  }
0x13: {  	[smem:$0x3FB0] =	sst s0;
	s0 =	simm.s32 @!p1 $0x0  }
0x14: {  	s2 =	sld [smem:$0x3F94];
	s0 =	simm.s32 @p1 $0x1  }
0x15: {  	[smem:$0x3FB1] =	sst s0;
	s0 =	simm.s32 @!p2 $0x0  }
0x16: {  	s3 =	sld [smem:$0x3FDB];
	s0 =	simm.s32 @p2 $0x1  }
0x17: {  	s4 =	simm.s32 $0x1BF5;
	[smem:$0x3FB3] =	sst s0  }
0x18: {  	s0 =	sld [smem:$0x3F96];
	_ =	swait.ge [sflag:s4], $0x0  }
0x19: {  	s7 =	sld [smem:$0x3F97]  }
0x1a: {  	s8 =	sadd.s32 $0xFFFFE003, lr  }
0x1b: {  	s9 =	sadd.s32 $0xFFFFFEF7, lr;
	s5 =	simm.s32 $0xFFFFFFFF;
	p2 =	slt.u32 s8, $0xFFFFF086  }
0x1c: {  	p1 =	slt.u32 s9, $0xF7A;
	s5 =	simm.s32 @!p2 $0x0  }
0x1d: {  	s5 =	simm.s32 @p1 $0x1;
	p0 =	seq.s32 s7, s2  }
0x1e: {  	s7 =	smul.u32 @!p0 $0xF7A, s2;
	p2 =	seq.s32 @!p0 s5, $0x0  }
0x1f: {  	s9 =	smul.u32 $0xF7A, s1;
	s8 =	simm.s32 @!p0 $0x1BF5;
	p2 =	por !p2, p0  }
0x20: {  	[sflag:s8] =	ssyncset.s32 @!p0 $0xFFFFF086;
	s6 =	sadd.s32 @!p0 s3, s7;
	s7 =	simm.s32 @!p0 $0x108  }
0x21: {  	s3 =	sadd.s32 s3, s9;
	s6 =	sadd.s32 @!p0 $0x88, s6;
	s7 =	simm.s32 @p2 $0x1082  }
0x22: {  	[simem:s7], [sflag:s8] =	dma.local @!p0 [hbm:s6], $0xF7A  }
0x23: {  	s9 =	sor.u32 $0xD0000000, s2;
	s6 =	simm.s32 $0x108;
	_ =	swait.ge @!p0 [sflag:s8], $0x0  }
0x24: {  	s3 =	sadd.s32 $0x88, s3;
	s6 =	simm.s32 @!p1 $0x1082;
	[sflag:s4] =	ssyncset.s32 $0xFFFFF086  }
0x25: {  	[simem:s6], [sflag:s4] =	dma.local [hbm:s3], $0xF7A  }
0x26: {  	[smem:$0x3F97] =	sst s1;
	(tag) =	ssettag s2;
	_ =	strace s9  }
0x27: {  	s1 =	sld [smem:$0x3FA7]  }
0x28: {  	s2 =	sld [smem:$0x3FA8]  }
0x29: {  	s4 =	sld [smem:$0x3FAA]  }
0x2a: {  	p0 =	seq.s32 s5, $0x0;
	s5 =	sld [smem:$0x3FAB]  }
0x2b: {  	s6 =	sld [smem:$0x3FAC]  }
0x2c: {  	s7 =	sld [smem:$0x3FAD]  }
0x2d: {  	s3 =	simm.s32 $0x108;
	s8 =	sld [smem:$0x3FAE]  }
0x2e: {  	s3 =	simm.s32 @!p0 $0x1082;
	s9 =	sld [smem:$0x3FAF]  }
0x2f: {  	lr =	sadd.s32 s0, s3;
	s0 =	sld [smem:$0x3FA6]  }
0x30: {  	s3 =	sld [smem:$0x3FA9]  }
0x31: {  	[smem:$0x3FB2] =	sst s10  }
0x32: {  	s10 =	sld [smem:$0x3FB0];
	_ =	sdelay $0x3  }
0x33: {  	p0 =	seq.s32 s10, $0x1;
	s10 =	sld [smem:$0x3FB2];
	_ =	sdelay $0x3  }
0x34: {  	[smem:$0x3FB2] =	sst s10  }
0x35: {  	s10 =	sld [smem:$0x3FB1];
	_ =	sdelay $0x3  }
0x36: {  	p1 =	seq.s32 s10, $0x1;
	s10 =	sld [smem:$0x3FB2];
	_ =	sdelay $0x3  }
0x37: {  	[smem:$0x3FB2] =	sst s10  }
0x38: {  	s10 =	sld [smem:$0x3FB3]  }
0x39: {  	_ = 	snop;
	(pc) =	sbr.ind lr, $3  }
0x3a: {  	_ = 	snop  }
0x3b: {  	_ = 	snop  }
0x3c: {  	p2 =	seq.s32 s10, $0x1;
	s10 =	sld [smem:$0x3FB2]  }
0x3d: {  	_ =	shalt  }
0x3e: {  	_ =	shalt  }
0x3f: {  	_ =	shalt  }
0x40: {  	_ =	shalt  }
0x41: {  	_ =	shalt  }
0x42: {  	_ =	shalt  }
0x43: {  	_ =	shalt  }
0x44: {  	_ =	shalt  }
0x45: {  	_ =	shalt  }
0x46: {  	_ =	shalt  }
0x47: {  	_ =	shalt  }
0x48: {  	_ =	shalt  }
0x49: {  	_ =	shalt  }
0x4a: {  	_ =	shalt  }
0x4b: {  	_ =	shalt  }
0x4c: {  	_ =	shalt  }
0x4d: {  	_ =	shalt  }
0x4e: {  	_ =	shalt  }
0x4f: {  	_ =	shalt  }
0x50: {  	_ =	shalt  }
0x51: {  	_ =	shalt  }
0x52: {  	_ =	shalt  }
0x53: {  	_ =	shalt  }
0x54: {  	_ =	shalt  }
0x55: {  	_ =	shalt  }
0x56: {  	_ =	shalt  }
0x57: {  	_ =	shalt  }
0x58: {  	_ =	shalt  }
0x59: {  	_ =	shalt  }
0x5a: {  	_ =	shalt  }
0x5b: {  	_ =	shalt  }
0x5c: {  	_ =	shalt  }
0x5d: {  	_ =	shalt  }
0x5e: {  	_ =	shalt  }
0x5f: {  	_ =	shalt  }
0x60: {  	_ =	shalt  }
0x61: {  	_ =	shalt  }
0x62: {  	_ =	shalt  }
0x63: {  	_ =	shalt  }
0x64: {  	_ =	shalt  }
0x65: {  	_ =	shalt  }
0x66: {  	_ =	shalt  }
0x67: {  	_ =	shalt  }
0x68: {  	_ =	shalt  }
0x69: {  	_ =	shalt  }
0x6a: {  	_ =	shalt  }
0x6b: {  	_ =	shalt  }
0x6c: {  	_ =	shalt  }
0x6d: {  	_ =	shalt  }
0x6e: {  	_ =	shalt  }
0x6f: {  	_ =	shalt  }
0x70: {  	_ =	shalt  }
0x71: {  	_ =	shalt  }
0x72: {  	_ =	shalt  }
0x73: {  	_ =	shalt  }
0x74: {  	_ =	shalt  }
0x75: {  	_ =	shalt  }
0x76: {  	_ =	shalt  }
0x77: {  	_ =	shalt  }
0x78: {  	_ =	shalt  }
0x79: {  	_ =	shalt  }
0x7a: {  	_ =	shalt  }
0x7b: {  	_ =	shalt  }
0x7c: {  	_ =	shalt  }
0x7d: {  	_ =	shalt  }
0x7e: {  	_ =	shalt  }
0x7f: {  	_ =	shalt  }
0x80: {  	_ =	shalt  }
0x81: {  	_ =	shalt  }
0x82: {  	_ =	shalt  }
0x83: {  	_ =	shalt  }
0x84: {  	_ =	shalt  }
0x85: {  	_ =	shalt  }
0x86: {  	_ =	shalt  }
0x87: {  	_ =	shalt  }
.Lfunc_end0:
.L_simem_size_0:
called_computation_lowered:
.L_overlay_start_0:
0x88: {  	s2 =	sld [smem:$0x3FD9]  }
0x89: {  	s3 =	sld [smem:$0x3FFE];
	_ =	sdelay $0x1  }
0x8a: {  	s1 =	srdreg.scid  }
0x8b: {  	s0 =	sand.u32 $0x1, s1  }
0x8c: {  	s17 =	sshll.u32 s0, $0xA;
	s2 =	sadd.s32 s3, s2  }
0x8d: {  	s2 =	sadd.s32 s2, s17  }
0x8e: {  	[smem:$0x3FBE] =	sst s2  }
0x8f: {  	_ = 	snop  }
0x90: {  	s2 =	sld [smem:$0x3FD0];
	(tm) =	ssettm $0x1  }
0x91: {  	s18 =	sld [smem:$0x3FFB];
	_ =	sdelay $0x3  }
0x92: {  	_ =	strace s18  }
0x93: {  	s3 =	sld [smem:$0x3FFC];
	_ =	sdelay $0x3  }
0x94: {  	_ =	strace s3  }
0x95: {  	s3 =	sld [smem:$0x3FFD];
	_ =	sdelay $0x3  }
0x96: {  	_ =	strace s3  }
0x97: {  	_ =	strace $0x8FFFFFFF  }
0x98: {  	s19 =	sld [smem:$0x3FDB];
	_ =	sdelay $0x1  }
0x99: {  	s4 =	simm.s32 $_scs_section_size  }
0x9a: {  	s5 =	simm.s32 $_size__tile_overlayer_lowered;
	s6 =	simm.s32 $_tile_overlayer_lowered  }
0x9b: {  	s22 =	simm.s32 $0x1BFF;
	s21 =	sshll.u32 s6, $0x1;
	s3 =	sadd.s32 s4, s19  }
0x9c: {  	s7 =	simm.s32 $0x0;
	s20 =	sshll.u32 s5, $0x1;
	s5 =	sadd.s32 s21, s3  }
0x9d: {  	[timem:s7], [sflag:s22] =	dma.local [hbm:s5], s20  }
0x9e: {  	_ =	swait.ge [sflag:s22], s20  }
0x9f: {  	s4 =	ssub.s32 $0x0, s20;
	[sflag:s22] =	ssyncset.done $0x0  }
0xa0: {  	[sflag:s22] =	ssyncadd.s32 s4;
	_ =	sdelay $0x1  }
0xa1: {  	s23 =	simm.s32 $0x1B8B  }
0xa2: {  	_ =	swait.ge [sflag:s23], $0x1  }
0xa3: {  	[sflag:s23] =	ssyncset.done $0x0  }
0xa4: {  	s25 =	simm.s32 $0x1B8E;
	s24 =	sld [smem:$0x3FFE];
	[sflag:s23] =	ssyncadd.s32 $0xFFFFFFFF  }
0xa5: {  	s26 =	simm.s32 $execute0_lowered;
	[smem:$0x3FD2] =	sst s25  }
0xa6: {  	s5 =	sshll.u32 s26, $0x1;
	_ =	strace $0x80000046;
	[dreg:$0x1] =	wrdreg $0xFFFFFFFF  }
0xa7: {  	s28 =	simm.s32 $_size_execute0_lowered;
	s3 =	sadd.s32 s3, s5;
	[dreg:$0x0] =	wrdreg $0x0  }
0xa8: {  	s5 =	sshll.u32 s28, $0x1;
	[dreg:$0x2] =	wrdreg s3  }
0xa9: {  	[dreg:$0x3] =	wrdreg s5  }
0xaa: {  	[dreg:$0x4] =	wrdreg $0xC0  }
0xab: {  	_ =	task [dreg:s7], $0x5FFFF  }
0xac: {  	[dreg:$0x1] =	wrdreg $0xFFFFFFFF  }
0xad: {  	[dreg:$0x0] =	wrdreg $0x60  }
0xae: {  	[dreg:$0x2] =	wrdreg s2  }
0xaf: {  	[dreg:$0x3] =	wrdreg s24  }
0xb0: {  	[dreg:$0x4] =	wrdreg $0xC1000  }
0xb1: {  	[dreg:$0x5] =	wrdreg $0x9  }
0xb2: {  	_ =	task.clear_ibuf [dreg:s7], $0x6FFFF;
	_ =	strace $0x90000046  }
0xb3: {  	s29 =	simm.s32 $0x9;
	_ =	strace $0x80000048  }
0xb4: {  	_ =	swait.ge [sflag:s29], $0x1  }
0xb5: {  	[sflag:s29] =	ssyncadd.s32 $0xFFFFFFFF  }
0xb6: {  	_ =	strace $0x90000048  }
0xb7: {  	_ =	sfence  }
0xb8: {  	s30 =	sld [smem:$0x0];
	_ =	sdelay $0x2  }
0xb9: {  	s31 =	sshll.u32 s1, $0xD;
	s1 =	sshrl.u32 s1, $0x2  }
0xba: {  	s3 =	sand.u32 $0x4000, s31;
	s1 =	sadd.s32 s1, s30  }
0xbb: {  	s0 =	sor.u32 s3, s0;
	s1 =	sshll.u32 s1, $0x11  }
0xbc: {  	s0 =	sor.u32 s1, s0  }
0xbd: {  	s0 =	sadd.s32 $0x8F2B, s0  }
0xbe: {  	[sflag:s0] =	ssyncadd.remote.s32 $0x1  }
0xbf: {  	_ =	sfence.sel $0xFFFF  }
0xc0: {  	[dreg:$0x0] =	wrdreg $0xFFFFFFFF;
	(pc) =	sbr.abs _section_cstart, $3  }
0xc1: {  	[dreg:$0x1] =	wrdreg $0xFFFFFFFF  }
0xc2: {  	_ =	task.clear_ibuf [dreg:s7], $0x2FFFF;
	_ =	strace $0x9FFFFFFF  }
0xc3: {  	(tm) =	ssettm $0x7FFFFFFF  }
tec
execute0_lowered:
.L_overlay_start_1:
0x0: {  	(tag) =	ssettag $0x1  }
0x1: {  	s15 =	rddreg [dreg:$0x0]  }
0x2: {  	s6 =	rddreg [dreg:$0x1]  }
0x3: {  	s2 =	rddreg [dreg:$0x2]  }
0x4: {  	s0 =	rddreg [dreg:$0x3]  }
0x5: {  	s1 =	stileid.u32;
	s4 =	srdreg.scid;
	s3 =	simm.s32 $0x0  }
0x6: {  	s20 =	simm.s32 $0x4080;
	s21 =	simm.s32 $0x8080;
	s22 =	simm.s32 $0x8100  }
0x7: {  	s23 =	simm.s32 $0x0;
	s7 =	smul.u32 $0x280, s1;
	s11 =	sand.u32 $0x1, s4  }
0x8: {  	[smem:$0x7FF] =	sst s3;
	s4 =	sadd.s32 $0x10600, s6;
	s19 =	smul.u32 $0x500, s1  }
0x9: {  	s5 =	sadd.s32 $0xFE00, s6;
	s8 =	smul.u32 $0x2800, s11;
	s9 =	ssub.s32 $0x2, s11  }
0xa: {  	_ =	strace $0x80000047;
	s18 =	smul.u32 $0x5000, s11;
	s10 =	sshrl.u32 s9, $0x1  }
0xb: {  	s8 =	sadd.s32 s7, s8;
	s7 =	sshrl.u32 s7, $0x3;
	s17 =	ssub.s32 s9, s10  }
0xc: {  	s18 =	sadd.s32 s18, s15;
	s8 =	sshll.u32 s8, $0x4;
	s12 =	sadd.s32 s7, s6  }
0xd: {  	s16 =	sadd.s32 s8, s6;
	s6 =	sadd.s32 $0xF800, s12;
	s7 =	sadd.s32 $0xF810, s12  }
0xe: {  	s8 =	sadd.s32 $0xF820, s12;
	s9 =	sadd.s32 $0xF830, s12;
	s10 =	sadd.s32 $0xF840, s12  }
0xf: {  	s11 =	sadd.s32 $0x10E00, s16;
	s12 =	sadd.s32 $0x11600, s16;
	s13 =	sadd.s32 $0x11E00, s16  }
0x10: {  	s14 =	sadd.s32 $0x12600, s16;
	s15 =	sadd.s32 $0x12E00, s16;
	s16 =	smax.u32 s17, $0x1  }
0x11: {  	s17 =	sadd.s32 s19, s18;
	s18 =	simm.s32 $0x80;
	s19 =	simm.s32 $0x1  }
.LBB2_1:
0x12: {  	[tilespmem:s18], [sflag:$0x1] =	stream.linear.gather [hbm4b:s4+s3], $0x4000, $0x38;
	[tilespmem:$0xE900] =	vst v63  }
0x13: {  	_ =	swait.ge [sflag:s19], $0x4000  }
0x14: {  	[sflag:s19] =	ssyncset.done $0x0  }
0x15: {  	[sflag:s19] =	ssyncadd.s32 $0xFFFFC000  }
0x16: {  	[tilespmem:s20], [sflag:$0x1] =	stream.linear.gather [hbm4b:s5+s3], $0x4000, $0x38;
	[tilespmem:$0xE900] =	vst v63  }
0x17: {  	_ =	swait.ge [sflag:s19], $0x4000  }
0x18: {  	[sflag:s19] =	ssyncset.done $0x0  }
0x19: {  	[sflag:s19] =	ssyncadd.s32 $0xFFFFC000  }
0x1a: {  	[tilespmem:s21], [sflag:$0x1] =	stream.linear.gather [hbm4b:s6+s3], $0x80, $0x38;
	[tilespmem:$0xE900] =	vst v63  }
0x1b: {  	_ =	swait.ge [sflag:s19], $0x80  }
0x1c: {  	[sflag:s19] =	ssyncset.done $0x0  }
0x1d: {  	[sflag:s19] =	ssyncadd.s32 $0xFFFFFF80  }
0x1e: {  	[spmem:s2] =	stream.indirect.scatter [tilespmem:s20], [sflag:$0x1], $0x10, s21, s18, $0xb8;
	[tilespmem:$0xE900] =	vst v63  }
0x1f: {  	_ =	swait.ge [sflag:s19], $0x800  }
0x20: {  	[sflag:s19] =	ssyncset.done $0x0  }
0x21: {  	[sflag:s19] =	ssyncadd.s32 $0xFFFFF800  }
0x22: {  	[tilespmem:s21], [sflag:$0x1] =	stream.linear.gather [hbm4b:s7+s3], $0x80, $0x38;
	[tilespmem:$0xE900] =	vst v63  }
0x23: {  	_ =	swait.ge [sflag:s19], $0x80  }
0x24: {  	[sflag:s19] =	ssyncset.done $0x0  }
0x25: {  	[sflag:s19] =	ssyncadd.s32 $0xFFFFFF80  }
0x26: {  	[spmem:s2] =	stream.indirect.scatter [tilespmem:s20], [sflag:$0x1], $0x10, s21, s18, $0xb8;
	[tilespmem:$0xE900] =	vst v63  }
0x27: {  	_ =	swait.ge [sflag:s19], $0x800  }
0x28: {  	[sflag:s19] =	ssyncset.done $0x0  }
0x29: {  	[sflag:s19] =	ssyncadd.s32 $0xFFFFF800  }
0x2a: {  	[tilespmem:s21], [sflag:$0x1] =	stream.linear.gather [hbm4b:s8+s3], $0x80, $0x38;
	[tilespmem:$0xE900] =	vst v63  }
0x2b: {  	_ =	swait.ge [sflag:s19], $0x80  }
0x2c: {  	[sflag:s19] =	ssyncset.done $0x0  }
0x2d: {  	[sflag:s19] =	ssyncadd.s32 $0xFFFFFF80  }
0x2e: {  	[spmem:s2] =	stream.indirect.scatter [tilespmem:s20], [sflag:$0x1], $0x10, s21, s18, $0xb8;
	[tilespmem:$0xE900] =	vst v63  }
0x2f: {  	_ =	swait.ge [sflag:s19], $0x800  }
0x30: {  	[sflag:s19] =	ssyncset.done $0x0  }
0x31: {  	[sflag:s19] =	ssyncadd.s32 $0xFFFFF800  }
0x32: {  	[tilespmem:s21], [sflag:$0x1] =	stream.linear.gather [hbm4b:s9+s3], $0x80, $0x38;
	[tilespmem:$0xE900] =	vst v63  }
0x33: {  	_ =	swait.ge [sflag:s19], $0x80  }
0x34: {  	[sflag:s19] =	ssyncset.done $0x0  }
0x35: {  	[sflag:s19] =	ssyncadd.s32 $0xFFFFFF80  }
0x36: {  	[spmem:s2] =	stream.indirect.scatter [tilespmem:s20], [sflag:$0x1], $0x10, s21, s18, $0xb8;
	[tilespmem:$0xE900] =	vst v63  }
0x37: {  	_ =	swait.ge [sflag:s19], $0x800  }
0x38: {  	[sflag:s19] =	ssyncset.done $0x0  }
0x39: {  	[sflag:s19] =	ssyncadd.s32 $0xFFFFF800  }
0x3a: {  	[tilespmem:s21], [sflag:$0x1] =	stream.linear.gather [hbm4b:s10+s3], $0x80, $0x38;
	[tilespmem:$0xE900] =	vst v63  }
0x3b: {  	_ =	swait.ge [sflag:s19], $0x80  }
0x3c: {  	[sflag:s19] =	ssyncset.done $0x0  }
0x3d: {  	[sflag:s19] =	ssyncadd.s32 $0xFFFFFF80  }
0x3e: {  	[spmem:s2] =	stream.indirect.scatter [tilespmem:s20], [sflag:$0x1], $0x10, s21, s18, $0xb8;
	[tilespmem:$0xE900] =	vst v63  }
0x3f: {  	_ =	swait.ge [sflag:s19], $0x800  }
0x40: {  	[sflag:s19] =	ssyncset.done $0x0  }
0x41: {  	[sflag:s19] =	ssyncadd.s32 $0xFFFFF800  }
0x42: {  	s24 =	sadd.s32 $0x0, s17;
	[bflag:$0x0] =	sbarrier.arrive $0xFFFF  }
0x43: {  	[tilespmem:s3], [sflag:$0x1] =	stream.linear.gather [hbm4b:s24+s3], $0x80, $0x38;
	[tilespmem:$0xE900] =	vst v63  }
0x44: {  	_ =	swait.ge [sflag:s19], $0x80  }
0x45: {  	[sflag:s19] =	ssyncset.done $0x0  }
0x46: {  	[sflag:s19] =	ssyncadd.s32 $0xFFFFFF80  }
0x47: {  	[spmem:s2] =	stream.indirect.scatter.add.f32 [tilespmem:s18], [sflag:$0x1], $0x10, s3, s18, $0xb8;
	[tilespmem:$0xE900] =	vst v63  }
0x48: {  	_ =	swait.ge [sflag:s19], $0x800  }
0x49: {  	s25 =	simm.s32 $0x20;
	s24 =	simm.s32 $0x10;
	[sflag:s19] =	ssyncset.done $0x0  }
.LBB2_2:
0x4a: {  	s26 =	sadd.s32 s24, s17  }
0x4b: {  	[sflag:s19] =	ssyncadd.s32 $0xFFFFF800;
	s24 =	smov.u32 s25;
	s28 =	sadd.s32 $0x10, s25  }
0x4c: {  	[tilespmem:s3], [sflag:$0x1] =	stream.linear.gather [hbm4b:s26+s3], $0x80, $0x38;
	[tilespmem:$0xE900] =	vst v63  }
0x4d: {  	p0 =	sne.s32 s25, $0x4F0;
	_ =	swait.ge [sflag:s19], $0x80  }
.Ltmp0:
0x4e: {  	[sflag:s19] =	ssyncset.done $0x0;
	(pc) =	sbr.rel @p0 .LBB2_2-.Ltmp0, $4  }
0x4f: {  	[sflag:s19] =	ssyncadd.s32 $0xFFFFFF80  }
0x50: {  	[spmem:s2] =	stream.indirect.scatter.add.f32 [tilespmem:s18], [sflag:$0x1], $0x10, s3, s18, $0xb8;
	[tilespmem:$0xE900] =	vst v63  }
0x51: {  	_ =	swait.ge [sflag:s19], $0x800  }
0x52: {  	s25 =	smov.u32 s28;
	[sflag:s19] =	ssyncset.done $0x0  }
0x53: {  	s24 =	sadd.s32 s24, s17;
	[sflag:s19] =	ssyncadd.s32 $0xFFFFF800  }
0x54: {  	[tilespmem:s3], [sflag:$0x1] =	stream.linear.gather [hbm4b:s24+s3], $0x80, $0x38;
	[tilespmem:$0xE900] =	vst v63  }
0x55: {  	_ =	swait.ge [sflag:s19], $0x80  }
0x56: {  	[sflag:s19] =	ssyncset.done $0x0  }
0x57: {  	[sflag:s19] =	ssyncadd.s32 $0xFFFFFF80  }
0x58: {  	[spmem:s2] =	stream.indirect.scatter.add.f32 [tilespmem:s18], [sflag:$0x1], $0x10, s3, s18, $0xb8;
	[tilespmem:$0xE900] =	vst v63  }
0x59: {  	_ =	swait.ge [sflag:s19], $0x800  }
0x5a: {  	[sflag:s19] =	ssyncset.done $0x0  }
0x5b: {  	[sflag:s19] =	ssyncadd.s32 $0xFFFFF800  }
0x5c: {  	[bflag:$0x0] =	sbarrier.arrive $0xFFFF  }
0x5d: {  	[tilespmem:s21], [sflag:$0x1] =	stream.linear.gather [hbm4b:s6+s3], $0x80, $0x38;
	[tilespmem:$0xE900] =	vst v63  }
0x5e: {  	_ =	swait.ge [sflag:s19], $0x80  }
0x5f: {  	[sflag:s19] =	ssyncset.done $0x0  }
0x60: {  	[sflag:s19] =	ssyncadd.s32 $0xFFFFFF80  }
0x61: {  	[tilespmem:s22], [sflag:$0x1] =	stream.indirect.gather [spmem:s2], $0x10, s21, s18, $0xb8;
	[tilespmem:$0xE900] =	vst v63  }
0x62: {  	_ =	swait.ge [sflag:s19], $0x800  }
0x63: {  	[sflag:s19] =	ssyncset.done $0x0  }
0x64: {  	[sflag:s19] =	ssyncadd.s32 $0xFFFFF800  }
0x65: {  	[hbm4b:s11+s3] =	stream.linear.scatter [tilespmem:s22], [sflag:$0x1], $0x4000, $0x38;
	[tilespmem:$0xE900] =	vst v63  }
0x66: {  	_ =	swait.ge [sflag:s19], $0x4000  }
0x67: {  	[sflag:s19] =	ssyncset.done $0x0  }
0x68: {  	[sflag:s19] =	ssyncadd.s32 $0xFFFFC000  }
0x69: {  	[tilespmem:s21], [sflag:$0x1] =	stream.linear.gather [hbm4b:s7+s3], $0x80, $0x38;
	[tilespmem:$0xE900] =	vst v63  }
0x6a: {  	_ =	swait.ge [sflag:s19], $0x80  }
0x6b: {  	[sflag:s19] =	ssyncset.done $0x0  }
0x6c: {  	[sflag:s19] =	ssyncadd.s32 $0xFFFFFF80  }
0x6d: {  	[tilespmem:s22], [sflag:$0x1] =	stream.indirect.gather [spmem:s2], $0x10, s21, s18, $0xb8;
	[tilespmem:$0xE900] =	vst v63  }
0x6e: {  	_ =	swait.ge [sflag:s19], $0x800  }
0x6f: {  	[sflag:s19] =	ssyncset.done $0x0  }
0x70: {  	[sflag:s19] =	ssyncadd.s32 $0xFFFFF800  }
0x71: {  	[hbm4b:s12+s3] =	stream.linear.scatter [tilespmem:s22], [sflag:$0x1], $0x4000, $0x38;
	[tilespmem:$0xE900] =	vst v63  }
0x72: {  	_ =	swait.ge [sflag:s19], $0x4000  }
0x73: {  	[sflag:s19] =	ssyncset.done $0x0  }
0x74: {  	[sflag:s19] =	ssyncadd.s32 $0xFFFFC000  }
0x75: {  	[tilespmem:s21], [sflag:$0x1] =	stream.linear.gather [hbm4b:s8+s3], $0x80, $0x38;
	[tilespmem:$0xE900] =	vst v63  }
0x76: {  	_ =	swait.ge [sflag:s19], $0x80  }
0x77: {  	[sflag:s19] =	ssyncset.done $0x0  }
0x78: {  	[sflag:s19] =	ssyncadd.s32 $0xFFFFFF80  }
0x79: {  	[tilespmem:s22], [sflag:$0x1] =	stream.indirect.gather [spmem:s2], $0x10, s21, s18, $0xb8;
	[tilespmem:$0xE900] =	vst v63  }
0x7a: {  	_ =	swait.ge [sflag:s19], $0x800  }
0x7b: {  	[sflag:s19] =	ssyncset.done $0x0  }
0x7c: {  	[sflag:s19] =	ssyncadd.s32 $0xFFFFF800  }
0x7d: {  	[hbm4b:s13+s3] =	stream.linear.scatter [tilespmem:s22], [sflag:$0x1], $0x4000, $0x38;
	[tilespmem:$0xE900] =	vst v63  }
0x7e: {  	_ =	swait.ge [sflag:s19], $0x4000  }
0x7f: {  	[sflag:s19] =	ssyncset.done $0x0  }
0x80: {  	[sflag:s19] =	ssyncadd.s32 $0xFFFFC000  }
0x81: {  	[tilespmem:s21], [sflag:$0x1] =	stream.linear.gather [hbm4b:s9+s3], $0x80, $0x38;
	[tilespmem:$0xE900] =	vst v63  }
0x82: {  	_ =	swait.ge [sflag:s19], $0x80  }
0x83: {  	[sflag:s19] =	ssyncset.done $0x0  }
0x84: {  	[sflag:s19] =	ssyncadd.s32 $0xFFFFFF80  }
0x85: {  	[tilespmem:s22], [sflag:$0x1] =	stream.indirect.gather [spmem:s2], $0x10, s21, s18, $0xb8;
	[tilespmem:$0xE900] =	vst v63  }
0x86: {  	_ =	swait.ge [sflag:s19], $0x800  }
0x87: {  	[sflag:s19] =	ssyncset.done $0x0  }
0x88: {  	[sflag:s19] =	ssyncadd.s32 $0xFFFFF800  }
0x89: {  	[hbm4b:s14+s3] =	stream.linear.scatter [tilespmem:s22], [sflag:$0x1], $0x4000, $0x38;
	[tilespmem:$0xE900] =	vst v63  }
0x8a: {  	_ =	swait.ge [sflag:s19], $0x4000  }
0x8b: {  	[sflag:s19] =	ssyncset.done $0x0  }
0x8c: {  	[sflag:s19] =	ssyncadd.s32 $0xFFFFC000  }
0x8d: {  	[tilespmem:s21], [sflag:$0x1] =	stream.linear.gather [hbm4b:s10+s3], $0x80, $0x38;
	[tilespmem:$0xE900] =	vst v63  }
0x8e: {  	_ =	swait.ge [sflag:s19], $0x80  }
0x8f: {  	[sflag:s19] =	ssyncset.done $0x0  }
0x90: {  	[sflag:s19] =	ssyncadd.s32 $0xFFFFFF80  }
0x91: {  	[tilespmem:s22], [sflag:$0x1] =	stream.indirect.gather [spmem:s2], $0x10, s21, s18, $0xb8;
	[tilespmem:$0xE900] =	vst v63  }
0x92: {  	s23 =	sadd.s32 $0x1, s23;
	_ =	swait.ge [sflag:s19], $0x800  }
0x93: {  	p0 =	sne.s32 s23, s16;
	[sflag:s19] =	ssyncset.done $0x0  }
.Ltmp1:
0x94: {  	[sflag:s19] =	ssyncadd.s32 $0xFFFFF800;
	(pc) =	sbr.rel @p0 .LBB2_1-.Ltmp1, $4  }
0x95: {  	[hbm4b:s15+s3] =	stream.linear.scatter [tilespmem:s22], [sflag:$0x1], $0x4000, $0x38;
	[tilespmem:$0xE900] =	vst v63  }
0x96: {  	_ =	swait.ge [sflag:s19], $0x4000  }
0x97: {  	[sflag:s19] =	ssyncset.done $0x0  }
0x98: {  	[sflag:s19] =	ssyncadd.s32 $0xFFFFC000  }
0x99: {  	_ =	sfence.sel $0x180000  }
0x9a: {  	[bflag:$0x0] =	sbarrier.arrive $0xFFFF  }
0x9b: {  	p0 =	sne.s32 s1, $0x0;
	_ =	strace $0x90000047  }
0x9c: {  	s0 =	sadd.s32 @!p0 $0x100000, s0;
	[bflag:$0x2] =	sbarrier.arrive $0xFFFF  }
0x9d: {  	[sflag:s0] =	ssyncadd.tile.s32 @!p0 $0x1;
	_ =	shalt  }
.Lfunc_end2:
_tile_overlayer_lowered:
.L_overlay_start_2:
0x9e: {  	(tag) =	ssettag $0x2  }
0x9f: {  	s0 =	rddreg [dreg:$0x0];
	s2 =	stileid.u32  }
0xa0: {  	s1 =	rddreg [dreg:$0x1];
	p0 =	sne.s32 s2, $0x0  }
0xa1: {  	s3 =	rddreg [dreg:$0x2];
	[bflag:$0x3] =	sbarrier.arrive $0xFFFF;
	s2 =	simm.s32 @!p0 $0x1C01  }
0xa2: {  	[timem:s3], [sflag:s2] =	dma.local @!p0 [hbm:s0], s1  }
0xa3: {  	s0 =	simm.s32 @!p0 $0x1  }
0xa4: {  	_ =	swait.ge @!p0 [sflag:s0], s1  }
0xa5: {  	s1 =	ssub.s32 @!p0 $0x0, s1;
	[sflag:s0] =	ssyncset.done @!p0 $0x0  }
0xa6: {  	[sflag:s0] =	ssyncadd.s32 @!p0 s1  }
0xa7: {  	[bflag:$0x3] =	sbarrier.arrive $0xFFFF  }
0xa8: {  	_ =	shalt  }

// kernel: kernel.15.cloned.1.call-start
scs
__scs_entry_jumppad:
0x0: {  	(pc) =	sbr.rel $0x88, $3  }
0x1: {  	(tag) =	ssettag $0x0;
	lr =	simm.s32 $0x1  }
0x2: {  	[smem:$0x3F97] =	sst lr;
	_ =	strace $0xD0000000  }
0x3: {  	_ = 	snop  }
0x4: {  	_ = 	snop  }
0x5: {  	_ = 	snop  }
0x6: {  	_ = 	snop  }
0x7: {  	_ = 	snop  }
__scs_overlays_trampoline_lowered:
0x8: {  	[smem:$0x3FA6] =	sst s0  }
0x9: {  	[smem:$0x3FA7] =	sst s1  }
0xa: {  	[smem:$0x3FA8] =	sst s2  }
0xb: {  	[smem:$0x3FA9] =	sst s3  }
0xc: {  	[smem:$0x3FAA] =	sst s4  }
0xd: {  	[smem:$0x3FAB] =	sst s5  }
0xe: {  	[smem:$0x3FAC] =	sst s6  }
0xf: {  	[smem:$0x3FAD] =	sst s7  }
0x10: {  	[smem:$0x3FAE] =	sst s8  }
0x11: {  	[smem:$0x3FAF] =	sst s9;
	s0 =	simm.s32 @!p0 $0x0  }
0x12: {  	s1 =	sld [smem:$0x3F95];
	s0 =	simm.s32 @p0 $0x1  }
0x13: {  	[smem:$0x3FB0] =	sst s0;
	s0 =	simm.s32 @!p1 $0x0  }
0x14: {  	s2 =	sld [smem:$0x3F94];
	s0 =	simm.s32 @p1 $0x1  }
0x15: {  	[smem:$0x3FB1] =	sst s0;
	s0 =	simm.s32 @!p2 $0x0  }
0x16: {  	s3 =	sld [smem:$0x3FDB];
	s0 =	simm.s32 @p2 $0x1  }
0x17: {  	s4 =	simm.s32 $0x1BF5;
	[smem:$0x3FB3] =	sst s0  }
0x18: {  	s0 =	sld [smem:$0x3F96];
	_ =	swait.ge [sflag:s4], $0x0  }
0x19: {  	s7 =	sld [smem:$0x3F97]  }
0x1a: {  	s8 =	sadd.s32 $0xFFFFE003, lr  }
0x1b: {  	s9 =	sadd.s32 $0xFFFFFEF7, lr;
	s5 =	simm.s32 $0xFFFFFFFF;
	p2 =	slt.u32 s8, $0xFFFFF086  }
0x1c: {  	p1 =	slt.u32 s9, $0xF7A;
	s5 =	simm.s32 @!p2 $0x0  }
0x1d: {  	s5 =	simm.s32 @p1 $0x1;
	p0 =	seq.s32 s7, s2  }
0x1e: {  	s7 =	smul.u32 @!p0 $0xF7A, s2;
	p2 =	seq.s32 @!p0 s5, $0x0  }
0x1f: {  	s9 =	smul.u32 $0xF7A, s1;
	s8 =	simm.s32 @!p0 $0x1BF5;
	p2 =	por !p2, p0  }
0x20: {  	[sflag:s8] =	ssyncset.s32 @!p0 $0xFFFFF086;
	s6 =	sadd.s32 @!p0 s3, s7;
	s7 =	simm.s32 @!p0 $0x108  }
0x21: {  	s3 =	sadd.s32 s3, s9;
	s6 =	sadd.s32 @!p0 $0x88, s6;
	s7 =	simm.s32 @p2 $0x1082  }
0x22: {  	[simem:s7], [sflag:s8] =	dma.local @!p0 [hbm:s6], $0xF7A  }
0x23: {  	s9 =	sor.u32 $0xD0000000, s2;
	s6 =	simm.s32 $0x108;
	_ =	swait.ge @!p0 [sflag:s8], $0x0  }
0x24: {  	s3 =	sadd.s32 $0x88, s3;
	s6 =	simm.s32 @!p1 $0x1082;
	[sflag:s4] =	ssyncset.s32 $0xFFFFF086  }
0x25: {  	[simem:s6], [sflag:s4] =	dma.local [hbm:s3], $0xF7A  }
0x26: {  	[smem:$0x3F97] =	sst s1;
	(tag) =	ssettag s2;
	_ =	strace s9  }
0x27: {  	s1 =	sld [smem:$0x3FA7]  }
0x28: {  	s2 =	sld [smem:$0x3FA8]  }
0x29: {  	s4 =	sld [smem:$0x3FAA]  }
0x2a: {  	p0 =	seq.s32 s5, $0x0;
	s5 =	sld [smem:$0x3FAB]  }
0x2b: {  	s6 =	sld [smem:$0x3FAC]  }
0x2c: {  	s7 =	sld [smem:$0x3FAD]  }
0x2d: {  	s3 =	simm.s32 $0x108;
	s8 =	sld [smem:$0x3FAE]  }
0x2e: {  	s3 =	simm.s32 @!p0 $0x1082;
	s9 =	sld [smem:$0x3FAF]  }
0x2f: {  	lr =	sadd.s32 s0, s3;
	s0 =	sld [smem:$0x3FA6]  }
0x30: {  	s3 =	sld [smem:$0x3FA9]  }
0x31: {  	[smem:$0x3FB2] =	sst s10  }
0x32: {  	s10 =	sld [smem:$0x3FB0];
	_ =	sdelay $0x3  }
0x33: {  	p0 =	seq.s32 s10, $0x1;
	s10 =	sld [smem:$0x3FB2];
	_ =	sdelay $0x3  }
0x34: {  	[smem:$0x3FB2] =	sst s10  }
0x35: {  	s10 =	sld [smem:$0x3FB1];
	_ =	sdelay $0x3  }
0x36: {  	p1 =	seq.s32 s10, $0x1;
	s10 =	sld [smem:$0x3FB2];
	_ =	sdelay $0x3  }
0x37: {  	[smem:$0x3FB2] =	sst s10  }
0x38: {  	s10 =	sld [smem:$0x3FB3]  }
0x39: {  	_ = 	snop;
	(pc) =	sbr.ind lr, $3  }
0x3a: {  	_ = 	snop  }
0x3b: {  	_ = 	snop  }
0x3c: {  	p2 =	seq.s32 s10, $0x1;
	s10 =	sld [smem:$0x3FB2]  }
0x3d: {  	_ =	shalt  }
0x3e: {  	_ =	shalt  }
0x3f: {  	_ =	shalt  }
0x40: {  	_ =	shalt  }
0x41: {  	_ =	shalt  }
0x42: {  	_ =	shalt  }
0x43: {  	_ =	shalt  }
0x44: {  	_ =	shalt  }
0x45: {  	_ =	shalt  }
0x46: {  	_ =	shalt  }
0x47: {  	_ =	shalt  }
0x48: {  	_ =	shalt  }
0x49: {  	_ =	shalt  }
0x4a: {  	_ =	shalt  }
0x4b: {  	_ =	shalt  }
0x4c: {  	_ =	shalt  }
0x4d: {  	_ =	shalt  }
0x4e: {  	_ =	shalt  }
0x4f: {  	_ =	shalt  }
0x50: {  	_ =	shalt  }
0x51: {  	_ =	shalt  }
0x52: {  	_ =	shalt  }
0x53: {  	_ =	shalt  }
0x54: {  	_ =	shalt  }
0x55: {  	_ =	shalt  }
0x56: {  	_ =	shalt  }
0x57: {  	_ =	shalt  }
0x58: {  	_ =	shalt  }
0x59: {  	_ =	shalt  }
0x5a: {  	_ =	shalt  }
0x5b: {  	_ =	shalt  }
0x5c: {  	_ =	shalt  }
0x5d: {  	_ =	shalt  }
0x5e: {  	_ =	shalt  }
0x5f: {  	_ =	shalt  }
0x60: {  	_ =	shalt  }
0x61: {  	_ =	shalt  }
0x62: {  	_ =	shalt  }
0x63: {  	_ =	shalt  }
0x64: {  	_ =	shalt  }
0x65: {  	_ =	shalt  }
0x66: {  	_ =	shalt  }
0x67: {  	_ =	shalt  }
0x68: {  	_ =	shalt  }
0x69: {  	_ =	shalt  }
0x6a: {  	_ =	shalt  }
0x6b: {  	_ =	shalt  }
0x6c: {  	_ =	shalt  }
0x6d: {  	_ =	shalt  }
0x6e: {  	_ =	shalt  }
0x6f: {  	_ =	shalt  }
0x70: {  	_ =	shalt  }
0x71: {  	_ =	shalt  }
0x72: {  	_ =	shalt  }
0x73: {  	_ =	shalt  }
0x74: {  	_ =	shalt  }
0x75: {  	_ =	shalt  }
0x76: {  	_ =	shalt  }
0x77: {  	_ =	shalt  }
0x78: {  	_ =	shalt  }
0x79: {  	_ =	shalt  }
0x7a: {  	_ =	shalt  }
0x7b: {  	_ =	shalt  }
0x7c: {  	_ =	shalt  }
0x7d: {  	_ =	shalt  }
0x7e: {  	_ =	shalt  }
0x7f: {  	_ =	shalt  }
0x80: {  	_ =	shalt  }
0x81: {  	_ =	shalt  }
0x82: {  	_ =	shalt  }
0x83: {  	_ =	shalt  }
0x84: {  	_ =	shalt  }
0x85: {  	_ =	shalt  }
0x86: {  	_ =	shalt  }
0x87: {  	_ =	shalt  }
.Lfunc_end0:
.L_simem_size_0:
called_computation.1_lowered:
.L_overlay_start_0:
0x88: {  	s2 =	sld [smem:$0x3FD9]  }
0x89: {  	s3 =	sld [smem:$0x3FFE];
	_ =	sdelay $0x1  }
0x8a: {  	s1 =	srdreg.scid  }
0x8b: {  	s0 =	sand.u32 $0x1, s1  }
0x8c: {  	s17 =	sshll.u32 s0, $0xA;
	s2 =	sadd.s32 s3, s2  }
0x8d: {  	s2 =	sadd.s32 s2, s17  }
0x8e: {  	[smem:$0x3FBE] =	sst s2  }
0x8f: {  	_ = 	snop  }
0x90: {  	s2 =	sld [smem:$0x3FD0];
	(tm) =	ssettm $0x1  }
0x91: {  	s18 =	sld [smem:$0x3FFB];
	_ =	sdelay $0x3  }
0x92: {  	_ =	strace s18  }
0x93: {  	s3 =	sld [smem:$0x3FFC];
	_ =	sdelay $0x3  }
0x94: {  	_ =	strace s3  }
0x95: {  	s3 =	sld [smem:$0x3FFD];
	_ =	sdelay $0x3  }
0x96: {  	_ =	strace s3  }
0x97: {  	_ =	strace $0x8FFFFFFF  }
0x98: {  	s19 =	sld [smem:$0x3FDB];
	_ =	sdelay $0x1  }
0x99: {  	s4 =	simm.s32 $_scs_section_size  }
0x9a: {  	s5 =	simm.s32 $_size__tile_overlayer_lowered;
	s6 =	simm.s32 $_tile_overlayer_lowered  }
0x9b: {  	s22 =	simm.s32 $0x1BFF;
	s21 =	sshll.u32 s6, $0x1;
	s3 =	sadd.s32 s4, s19  }
0x9c: {  	s7 =	simm.s32 $0x0;
	s20 =	sshll.u32 s5, $0x1;
	s5 =	sadd.s32 s21, s3  }
0x9d: {  	[timem:s7], [sflag:s22] =	dma.local [hbm:s5], s20  }
0x9e: {  	_ =	swait.ge [sflag:s22], s20  }
0x9f: {  	s4 =	ssub.s32 $0x0, s20;
	[sflag:s22] =	ssyncset.done $0x0  }
0xa0: {  	[sflag:s22] =	ssyncadd.s32 s4;
	_ =	sdelay $0x1  }
0xa1: {  	s23 =	simm.s32 $0x1B8B  }
0xa2: {  	_ =	swait.ge [sflag:s23], $0x1  }
0xa3: {  	[sflag:s23] =	ssyncset.done $0x0  }
0xa4: {  	s25 =	simm.s32 $0x1B8E;
	s24 =	sld [smem:$0x3FFE];
	[sflag:s23] =	ssyncadd.s32 $0xFFFFFFFF  }
0xa5: {  	s26 =	simm.s32 $execute0_lowered;
	[smem:$0x3FD2] =	sst s25  }
0xa6: {  	s5 =	sshll.u32 s26, $0x1;
	_ =	strace $0x80000049;
	[dreg:$0x1] =	wrdreg $0xFFFFFFFF  }
0xa7: {  	s28 =	simm.s32 $_size_execute0_lowered;
	s3 =	sadd.s32 s3, s5;
	[dreg:$0x0] =	wrdreg $0x0  }
0xa8: {  	s5 =	sshll.u32 s28, $0x1;
	[dreg:$0x2] =	wrdreg s3  }
0xa9: {  	[dreg:$0x3] =	wrdreg s5  }
0xaa: {  	[dreg:$0x4] =	wrdreg $0xC0  }
0xab: {  	_ =	task [dreg:s7], $0x5FFFF  }
0xac: {  	[dreg:$0x1] =	wrdreg $0xFFFFFFFF  }
0xad: {  	[dreg:$0x0] =	wrdreg $0x60  }
0xae: {  	[dreg:$0x2] =	wrdreg s24  }
0xaf: {  	[dreg:$0x3] =	wrdreg s2  }
0xb0: {  	[dreg:$0x4] =	wrdreg $0xE2000  }
0xb1: {  	[dreg:$0x5] =	wrdreg $0x42000  }
0xb2: {  	[dreg:$0x6] =	wrdreg $0x9  }
0xb3: {  	_ =	task.clear_ibuf [dreg:s7], $0x7FFFF;
	_ =	strace $0x90000049  }
0xb4: {  	s29 =	simm.s32 $0x9;
	_ =	strace $0x8000004B  }
0xb5: {  	_ =	swait.ge [sflag:s29], $0x1  }
0xb6: {  	[sflag:s29] =	ssyncadd.s32 $0xFFFFFFFF  }
0xb7: {  	_ =	strace $0x9000004B  }
0xb8: {  	_ =	sfence  }
0xb9: {  	s30 =	sld [smem:$0x0];
	_ =	sdelay $0x2  }
0xba: {  	s31 =	sshll.u32 s1, $0xD;
	s1 =	sshrl.u32 s1, $0x2  }
0xbb: {  	s3 =	sand.u32 $0x4000, s31;
	s1 =	sadd.s32 s1, s30  }
0xbc: {  	s0 =	sor.u32 s3, s0;
	s1 =	sshll.u32 s1, $0x11  }
0xbd: {  	s0 =	sor.u32 s1, s0  }
0xbe: {  	s0 =	sadd.s32 $0x8F2B, s0  }
0xbf: {  	[sflag:s0] =	ssyncadd.remote.s32 $0x1  }
0xc0: {  	_ =	sfence.sel $0xFFFF  }
0xc1: {  	[dreg:$0x0] =	wrdreg $0xFFFFFFFF;
	(pc) =	sbr.abs _section_cstart, $3  }
0xc2: {  	[dreg:$0x1] =	wrdreg $0xFFFFFFFF  }
0xc3: {  	_ =	task.clear_ibuf [dreg:s7], $0x2FFFF;
	_ =	strace $0x9FFFFFFF  }
0xc4: {  	(tm) =	ssettm $0x7FFFFFFF  }
0xc5: {  	_ =	shalt  }
tec
execute0_lowered:
.L_overlay_start_1:
0x0: {  	(tag) =	ssettag $0x1  }
0x1: {  	s1 =	rddreg [dreg:$0x0]  }
0x2: {  	s3 =	rddreg [dreg:$0x1];
	s0 =	simm.s32 $0x0  }
0x3: {  	s2 =	srdreg.scid;
	s21 =	stileid.u32;
	s31 =	simm.s32 $0x40  }
0x4: {  	[smem:$0x7FF] =	sst s0;
	s7 =	sadd.s32 $0xFE00, s1;
	s5 =	sadd.s32 $0x5800, s1  }
0x5: {  	s9 =	sand.u32 $0x1, s2;
	s10 =	sadd.s32 $0xF800, s1;
	s11 =	smul.u32 $0x280, s21  }
0x6: {  	s12 =	sadd.s32 $0x38600, s1;
	s6 =	smul.u32 $0x14000, s21;
	s2 =	ssub.s32 $0x2, s9  }
0x7: {  	s23 =	sshll.u32 s9, $0x4;
	s14 =	sshll.u32 s9, $0x6;
	s9 =	smul.u32 $0x500, s9  }
0x8: {  	s4 =	sshrl.u32 s2, $0x1;
	s15 =	sor.u32 s21, s23;
	s24 =	sor.u32 s14, s6  }
0x9: {  	s25 =	sadd.s32 $0x80, s11;
	s26 =	sshrl.u32 s11, $0x3;
	s19 =	sadd.s32 $0x100, s11  }
0xa: {  	s13 =	ssub.s32 s2, s4;
	s16 =	sshrl.u32 s24, $0x3;
	s8 =	sshll.u32 s25, $0x7  }
0xb: {  	s2 =	sadd.s32 s10, s26;
	s4 =	sshrl.u32 s25, $0x3;
	s15 =	smul.u32 $0x500, s15  }
0xc: {  	s22 =	sshll.u32 s19, $0x7;
	s6 =	sshrl.u32 s19, $0x3;
	s25 =	smul.u32 $0x50, s21  }
0xd: {  	s17 =	sadd.s32 s7, s16;
	s18 =	sor.u32 s14, s8;
	s4 =	sadd.s32 s10, s4  }
0xe: {  	s8 =	sor.u32 s14, s22;
	s6 =	sadd.s32 s10, s6;
	s28 =	smax.u32 s13, $0x1  }
0xf: {  	s13 =	simm.s32 $0x0;
	[dreg:$0x5] =	wrdreg s17;
	s17 =	sshrl.u32 s18, $0x3  }
0x10: {  	s18 =	sadd.s32 $0x180, s11;
	s19 =	sshrl.u32 s8, $0x3;
	s21 =	sadd.s32 s5, s15  }
0x11: {  	s22 =	sadd.s32 s25, s9;
	s25 =	sadd.s32 s12, s16;
	[dreg:$0xa] =	wrdreg s21  }
0x12: {  	s11 =	sadd.s32 $0x200, s11;
	s20 =	sadd.s32 s7, s17;
	[dreg:$0xc] =	wrdreg s25  }
0x13: {  	s23 =	sshrl.u32 s18, $0x3;
	s18 =	sshll.u32 s18, $0x7;
	s21 =	rddreg [dreg:$0x2]  }
0x14: {  	s24 =	sshll.u32 s11, $0x7;
	s11 =	sshrl.u32 s11, $0x3;
	[dreg:$0x6] =	wrdreg s20  }
0x15: {  	s20 =	sadd.s32 s7, s19;
	s8 =	sadd.s32 s10, s23;
	s18 =	sor.u32 s14, s18  }
0x16: {  	s14 =	sor.u32 s14, s24;
	s23 =	sadd.s32 s3, s15;
	[dreg:$0x7] =	wrdreg s20  }
0x17: {  	s24 =	sor.u32 $0x10, s15;
	s15 =	sadd.s32 s12, s19;
	[dreg:$0xb] =	wrdreg s23  }
0x18: {  	s10 =	sadd.s32 s10, s11;
	s18 =	sshrl.u32 s18, $0x3;
	[dreg:$0xe] =	wrdreg s15  }
0x19: {  	s11 =	sshrl.u32 s14, $0x3;
	s23 =	rddreg [dreg:$0x3];
	s26 =	sadd.s32 s7, s18  }
0x1a: {  	s9 =	simm.s32 $0x100;
	s7 =	sadd.s32 s7, s11;
	[dreg:$0x8] =	wrdreg s26  }
0x1b: {  	s19 =	sadd.s32 s5, s24;
	s20 =	sadd.s32 s3, s24;
	[dreg:$0x9] =	wrdreg s7  }
0x1c: {  	s26 =	sadd.s32 s12, s17;
	s17 =	sadd.s32 s12, s18;
	s18 =	sadd.s32 s12, s11  }
0x1d: {  	s7 =	sshll.u32 s22, $0x4;
	s11 =	simm.s32 $0x1;
	s12 =	simm.s32 $0x2  }
0x1e: {  	[dreg:$0xd] =	wrdreg s26;
	s16 =	sadd.s32 s7, s5;
	s22 =	sadd.s32 s7, s3  }
0x1f: {  	s7 =	sor.u32 $0x20, s7;
	s26 =	sadd.s32 $0x37E00, s1;
	s1 =	simm.s32 $0x200  }
0x20: {  	s24 =	sadd.s32 s7, s5;
	s25 =	sadd.s32 s7, s3;
	_ =	strace $0x8000004A  }
0x21: {  	s29 =	sadd.s32 $0x30, s16;
	s30 =	sadd.s32 $0x30, s22;
	s22 =	simm.s32 $0x80  }
0x22: {  	s3 =	simm.s32 $0x3;
	s5 =	simm.s32 $0x180;
	s7 =	simm.s32 $0x2200  }
.LBB2_1:
0x23: {  	[tilespmem:s1], [sflag:$0x3] =	stream.strided.gather [hbm4b:s26+s31], $0x2000, s22, s31, $0x38;
	[tilespmem:$0x18200] =	vst v63  }
0x24: {  	_ =	swait.ge [sflag:s3], $0x2000  }
0x25: {  	[sflag:s3] =	ssyncset.done $0x0  }
0x26: {  	[sflag:s3] =	ssyncadd.s32 $0xFFFFE000  }
0x27: {  	[tilespmem:s5], [sflag:$0x3] =	stream.linear.gather [hbm4b:s2+s0], $0x80, $0x38;
	[tilespmem:$0x18200] =	vst v63  }
0x28: {  	_ =	swait.ge [sflag:s3], $0x80  }
0x29: {  	[sflag:s3] =	ssyncset.done $0x0  }
0x2a: {  	[sflag:s3] =	ssyncadd.s32 $0xFFFFFF80  }
0x2b: {  	[spmem:s21] =	stream.indirect.scatter [tilespmem:s1], [sflag:$0x3], $0x40, s5, s22, $0xb8;
	[tilespmem:$0x18200] =	vst v63  }
0x2c: {  	_ =	swait.ge [sflag:s3], $0x2000  }
0x2d: {  	[sflag:s3] =	ssyncset.done $0x0  }
0x2e: {  	s14 =	rddreg [dreg:$0x5];
	[sflag:s3] =	ssyncadd.s32 $0xFFFFE000  }
0x2f: {  	[tilespmem:s7], [sflag:$0x3] =	stream.strided.gather [hbm4b:s14+s31], $0x2000, s22, s31, $0x38;
	[tilespmem:$0x18200] =	vst v63  }
0x30: {  	_ =	swait.ge [sflag:s3], $0x2000  }
0x31: {  	[sflag:s3] =	ssyncset.done $0x0  }
0x32: {  	[sflag:s3] =	ssyncadd.s32 $0xFFFFE000  }
0x33: {  	[spmem:s23] =	stream.indirect.scatter [tilespmem:s7], [sflag:$0x3], $0x40, s5, s22, $0xb8;
	[tilespmem:$0x18200] =	vst v63  }
0x34: {  	_ =	swait.ge [sflag:s3], $0x2000  }
0x35: {  	[sflag:s3] =	ssyncset.done $0x0  }
0x36: {  	[sflag:s3] =	ssyncadd.s32 $0xFFFFE000  }
0x37: {  	[tilespmem:s5], [sflag:$0x3] =	stream.linear.gather [hbm4b:s4+s0], $0x80, $0x38;
	[tilespmem:$0x18200] =	vst v63  }
0x38: {  	_ =	swait.ge [sflag:s3], $0x80  }
0x39: {  	[sflag:s3] =	ssyncset.done $0x0  }
0x3a: {  	[sflag:s3] =	ssyncadd.s32 $0xFFFFFF80  }
0x3b: {  	[spmem:s21] =	stream.indirect.scatter [tilespmem:s1], [sflag:$0x3], $0x40, s5, s22, $0xb8;
	[tilespmem:$0x18200] =	vst v63  }
0x3c: {  	_ =	swait.ge [sflag:s3], $0x2000  }
0x3d: {  	[sflag:s3] =	ssyncset.done $0x0  }
0x3e: {  	s15 =	rddreg [dreg:$0x6];
	[sflag:s3] =	ssyncadd.s32 $0xFFFFE000  }
0x3f: {  	[tilespmem:s7], [sflag:$0x3] =	stream.strided.gather [hbm4b:s15+s31], $0x2000, s22, s31, $0x38;
	[tilespmem:$0x18200] =	vst v63  }
0x40: {  	_ =	swait.ge [sflag:s3], $0x2000  }
0x41: {  	[sflag:s3] =	ssyncset.done $0x0  }
0x42: {  	[sflag:s3] =	ssyncadd.s32 $0xFFFFE000  }
0x43: {  	[spmem:s23] =	stream.indirect.scatter [tilespmem:s7], [sflag:$0x3], $0x40, s5, s22, $0xb8;
	[tilespmem:$0x18200] =	vst v63  }
0x44: {  	_ =	swait.ge [sflag:s3], $0x2000  }
0x45: {  	[sflag:s3] =	ssyncset.done $0x0  }
0x46: {  	[sflag:s3] =	ssyncadd.s32 $0xFFFFE000  }
0x47: {  	[tilespmem:s5], [sflag:$0x3] =	stream.linear.gather [hbm4b:s6+s0], $0x80, $0x38;
	[tilespmem:$0x18200] =	vst v63  }
0x48: {  	_ =	swait.ge [sflag:s3], $0x80  }
0x49: {  	[sflag:s3] =	ssyncset.done $0x0  }
0x4a: {  	[sflag:s3] =	ssyncadd.s32 $0xFFFFFF80  }
0x4b: {  	[spmem:s21] =	stream.indirect.scatter [tilespmem:s1], [sflag:$0x3], $0x40, s5, s22, $0xb8;
	[tilespmem:$0x18200] =	vst v63  }
0x4c: {  	_ =	swait.ge [sflag:s3], $0x2000  }
0x4d: {  	[sflag:s3] =	ssyncset.done $0x0  }
0x4e: {  	s16 =	rddreg [dreg:$0x7];
	[sflag:s3] =	ssyncadd.s32 $0xFFFFE000  }
0x4f: {  	[tilespmem:s7], [sflag:$0x3] =	stream.strided.gather [hbm4b:s16+s31], $0x2000, s22, s31, $0x38;
	[tilespmem:$0x18200] =	vst v63  }
0x50: {  	_ =	swait.ge [sflag:s3], $0x2000  }
0x51: {  	[sflag:s3] =	ssyncset.done $0x0  }
0x52: {  	[sflag:s3] =	ssyncadd.s32 $0xFFFFE000  }
0x53: {  	[spmem:s23] =	stream.indirect.scatter [tilespmem:s7], [sflag:$0x3], $0x40, s5, s22, $0xb8;
	[tilespmem:$0x18200] =	vst v63  }
0x54: {  	_ =	swait.ge [sflag:s3], $0x2000  }
0x55: {  	[sflag:s3] =	ssyncset.done $0x0  }
0x56: {  	[sflag:s3] =	ssyncadd.s32 $0xFFFFE000  }
0x57: {  	[tilespmem:s5], [sflag:$0x3] =	stream.linear.gather [hbm4b:s8+s0], $0x80, $0x38;
	[tilespmem:$0x18200] =	vst v63  }
0x58: {  	_ =	swait.ge [sflag:s3], $0x80  }
0x59: {  	[sflag:s3] =	ssyncset.done $0x0  }
0x5a: {  	[sflag:s3] =	ssyncadd.s32 $0xFFFFFF80  }
0x5b: {  	[spmem:s21] =	stream.indirect.scatter [tilespmem:s1], [sflag:$0x3], $0x40, s5, s22, $0xb8;
	[tilespmem:$0x18200] =	vst v63  }
0x5c: {  	_ =	swait.ge [sflag:s3], $0x2000  }
0x5d: {  	[sflag:s3] =	ssyncset.done $0x0  }
0x5e: {  	s15 =	rddreg [dreg:$0x8];
	[sflag:s3] =	ssyncadd.s32 $0xFFFFE000  }
0x5f: {  	[tilespmem:s7], [sflag:$0x3] =	stream.strided.gather [hbm4b:s15+s31], $0x2000, s22, s31, $0x38;
	[tilespmem:$0x18200] =	vst v63  }
0x60: {  	_ =	swait.ge [sflag:s3], $0x2000  }
0x61: {  	[sflag:s3] =	ssyncset.done $0x0  }
0x62: {  	[sflag:s3] =	ssyncadd.s32 $0xFFFFE000  }
0x63: {  	[spmem:s23] =	stream.indirect.scatter [tilespmem:s7], [sflag:$0x3], $0x40, s5, s22, $0xb8;
	[tilespmem:$0x18200] =	vst v63  }
0x64: {  	_ =	swait.ge [sflag:s3], $0x2000  }
0x65: {  	[sflag:s3] =	ssyncset.done $0x0  }
0x66: {  	[sflag:s3] =	ssyncadd.s32 $0xFFFFE000  }
0x67: {  	[tilespmem:s5], [sflag:$0x3] =	stream.linear.gather [hbm4b:s10+s0], $0x80, $0x38;
	[tilespmem:$0x18200] =	vst v63  }
0x68: {  	_ =	swait.ge [sflag:s3], $0x80  }
0x69: {  	[sflag:s3] =	ssyncset.done $0x0  }
0x6a: {  	[sflag:s3] =	ssyncadd.s32 $0xFFFFFF80  }
0x6b: {  	[spmem:s21] =	stream.indirect.scatter [tilespmem:s1], [sflag:$0x3], $0x40, s5, s22, $0xb8;
	[tilespmem:$0x18200] =	vst v63  }
0x6c: {  	_ =	swait.ge [sflag:s3], $0x2000  }
0x6d: {  	[sflag:s3] =	ssyncset.done $0x0  }
0x6e: {  	s16 =	rddreg [dreg:$0x9];
	[sflag:s3] =	ssyncadd.s32 $0xFFFFE000  }
0x6f: {  	[tilespmem:s7], [sflag:$0x3] =	stream.strided.gather [hbm4b:s16+s31], $0x2000, s22, s31, $0x38;
	[tilespmem:$0x18200] =	vst v63  }
0x70: {  	_ =	swait.ge [sflag:s3], $0x2000  }
0x71: {  	[sflag:s3] =	ssyncset.done $0x0  }
0x72: {  	[sflag:s3] =	ssyncadd.s32 $0xFFFFE000  }
0x73: {  	[spmem:s23] =	stream.indirect.scatter [tilespmem:s7], [sflag:$0x3], $0x40, s5, s22, $0xb8;
	[tilespmem:$0x18200] =	vst v63  }
0x74: {  	_ =	swait.ge [sflag:s3], $0x2000  }
0x75: {  	[sflag:s3] =	ssyncset.done $0x0  }
0x76: {  	[sflag:s3] =	ssyncadd.s32 $0xFFFFE000  }
0x77: {  	[bflag:$0x0] =	sbarrier.arrive $0xFFFF  }
0x78: {  	s15 =	rddreg [dreg:$0xa]  }
0x79: {  	[tilespmem:s0], [sflag:$0x3] =	stream.linear.gather [hbm4b:s15+s0], $0x80, $0x38;
	[tilespmem:$0x18200] =	vst v63  }
0x7a: {  	_ =	swait.ge [sflag:s3], $0x80  }
0x7b: {  	[sflag:s3] =	ssyncset.done $0x0  }
0x7c: {  	s16 =	rddreg [dreg:$0xb];
	[sflag:s3] =	ssyncadd.s32 $0xFFFFFF80  }
0x7d: {  	[tilespmem:s22], [sflag:$0x3] =	stream.linear.gather [hbm4b:s16+s0], $0x80, $0x38;
	[tilespmem:$0x18200] =	vst v63  }
0x7e: {  	_ =	swait.ge [sflag:s3], $0x80  }
0x7f: {  	[sflag:s3] =	ssyncset.done $0x0  }
0x80: {  	[sflag:s3] =	ssyncadd.s32 $0xFFFFFF80  }
0x81: {  	[tilespmem:s1], [sflag:$0x3] =	stream.indirect.gather [spmem:s23], $0x40, s0, s22, $0xb8;
	[tilespmem:$0x18200] =	vst v63  }
0x82: {  	_ =	swait.ge [sflag:s3], $0x2000  }
0x83: {  	[sflag:s3] =	ssyncset.done $0x0  }
0x84: {  	[sflag:s3] =	ssyncadd.s32 $0xFFFFE000  }
0x85: {  	[spmem:s21] =	stream.indirect.scatter.add.f32 [tilespmem:s1], [sflag:$0x1], $0x40, s22, s22, $0xb8;
	[tilespmem:$0x18200] =	vst v63  }
0x86: {  	_ = 	snop  }
0x87: {  	[tilespmem:s0], [sflag:$0x3] =	stream.linear.gather [hbm4b:s19+s0], $0x80, $0x38;
	[tilespmem:$0x18200] =	vst v63  }
0x88: {  	_ =	swait.ge [sflag:s3], $0x80  }
0x89: {  	[sflag:s3] =	ssyncset.done $0x0  }
0x8a: {  	[sflag:s3] =	ssyncadd.s32 $0xFFFFFF80  }
0x8b: {  	[tilespmem:s9], [sflag:$0x3] =	stream.linear.gather [hbm4b:s20+s0], $0x80, $0x38;
	[tilespmem:$0x18200] =	vst v63  }
0x8c: {  	_ =	swait.ge [sflag:s3], $0x80  }
0x8d: {  	[sflag:s3] =	ssyncset.done $0x0  }
0x8e: {  	[sflag:s3] =	ssyncadd.s32 $0xFFFFFF80  }
0x8f: {  	[tilespmem:s7], [sflag:$0x3] =	stream.indirect.gather [spmem:s23], $0x40, s0, s22, $0xb8;
	[tilespmem:$0x18200] =	vst v63  }
0x90: {  	_ =	swait.ge [sflag:s3], $0x2000  }
0x91: {  	[sflag:s3] =	ssyncset.done $0x0  }
0x92: {  	[sflag:s3] =	ssyncadd.s32 $0xFFFFE000  }
0x93: {  	[spmem:s21] =	stream.indirect.scatter.add.f32 [tilespmem:s7], [sflag:$0x2], $0x40, s9, s22, $0xb8;
	[tilespmem:$0x18200] =	vst v63  }
0x94: {  	_ =	swait.ge [sflag:s11], $0x2000  }
0x95: {  	[sflag:s11] =	ssyncset.done $0x0  }
0x96: {  	s15 =	sadd.s32 $0x0, s24;
	[sflag:s11] =	ssyncadd.s32 $0xFFFFE000  }
0x97: {  	[tilespmem:s0], [sflag:$0x3] =	stream.linear.gather [hbm4b:s15+s0], $0x80, $0x38;
	[tilespmem:$0x18200] =	vst v63  }
0x98: {  	_ =	swait.ge [sflag:s3], $0x80  }
0x99: {  	[sflag:s3] =	ssyncset.done $0x0  }
0x9a: {  	s16 =	sadd.s32 $0x0, s25;
	[sflag:s3] =	ssyncadd.s32 $0xFFFFFF80  }
0x9b: {  	[tilespmem:s22], [sflag:$0x3] =	stream.linear.gather [hbm4b:s16+s0], $0x80, $0x38;
	[tilespmem:$0x18200] =	vst v63  }
0x9c: {  	_ =	swait.ge [sflag:s3], $0x80  }
0x9d: {  	[sflag:s3] =	ssyncset.done $0x0  }
0x9e: {  	[sflag:s3] =	ssyncadd.s32 $0xFFFFFF80  }
0x9f: {  	[tilespmem:s1], [sflag:$0x3] =	stream.indirect.gather [spmem:s23], $0x40, s0, s22, $0xb8;
	[tilespmem:$0x18200] =	vst v63  }
0xa0: {  	_ =	swait.ge [sflag:s3], $0x2000  }
0xa1: {  	[sflag:s3] =	ssyncset.done $0x0  }
0xa2: {  	[sflag:s3] =	ssyncadd.s32 $0xFFFFE000  }
0xa3: {  	[spmem:s21] =	stream.indirect.scatter.add.f32 [tilespmem:s1], [sflag:$0x1], $0x40, s22, s22, $0xb8;
	[tilespmem:$0x18200] =	vst v63  }
0xa4: {  	_ =	swait.ge [sflag:s12], $0x2000  }
0xa5: {  	[sflag:s12] =	ssyncset.done $0x0  }
0xa6: {  	s15 =	sadd.s32 $0x0, s29;
	[sflag:s12] =	ssyncadd.s32 $0xFFFFE000  }
0xa7: {  	[tilespmem:s0], [sflag:$0x3] =	stream.linear.gather [hbm4b:s15+s0], $0x80, $0x38;
	[tilespmem:$0x18200] =	vst v63  }
0xa8: {  	_ =	swait.ge [sflag:s3], $0x80  }
0xa9: {  	[sflag:s3] =	ssyncset.done $0x0  }
0xaa: {  	s16 =	sadd.s32 $0x0, s30;
	[sflag:s3] =	ssyncadd.s32 $0xFFFFFF80  }
0xab: {  	[tilespmem:s9], [sflag:$0x3] =	stream.linear.gather [hbm4b:s16+s0], $0x80, $0x38;
	[tilespmem:$0x18200] =	vst v63  }
0xac: {  	_ =	swait.ge [sflag:s3], $0x80  }
0xad: {  	[sflag:s3] =	ssyncset.done $0x0  }
0xae: {  	[sflag:s3] =	ssyncadd.s32 $0xFFFFFF80  }
0xaf: {  	[tilespmem:s7], [sflag:$0x3] =	stream.indirect.gather [spmem:s23], $0x40, s0, s22, $0xb8;
	[tilespmem:$0x18200] =	vst v63  }
0xb0: {  	_ =	swait.ge [sflag:s3], $0x2000  }
0xb1: {  	[sflag:s3] =	ssyncset.done $0x0  }
0xb2: {  	s14 =	simm.s32 $0x20;
	[sflag:s3] =	ssyncadd.s32 $0xFFFFE000  }
.LBB2_2:
0xb3: {  	[spmem:s21] =	stream.indirect.scatter.add.f32 [tilespmem:s7], [sflag:$0x2], $0x40, s9, s22, $0xb8;
	[tilespmem:$0x18200] =	vst v63  }
0xb4: {  	s15 =	smov.u32 s14  }
0xb5: {  	p0 =	sne.s32 s14, $0x4C0;
	s14 =	sadd.s32 $0x20, s14;
	_ =	swait.ge [sflag:s11], $0x2000  }
0xb6: {  	[sflag:s11] =	ssyncset.done $0x0  }
0xb7: {  	s16 =	sadd.s32 s15, s24;
	[sflag:s11] =	ssyncadd.s32 $0xFFFFE000  }
0xb8: {  	[tilespmem:s0], [sflag:$0x3] =	stream.linear.gather [hbm4b:s16+s0], $0x80, $0x38;
	[tilespmem:$0x18200] =	vst v63  }
0xb9: {  	_ =	swait.ge [sflag:s3], $0x80  }
0xba: {  	[sflag:s3] =	ssyncset.done $0x0  }
0xbb: {  	s16 =	sadd.s32 s15, s25;
	[sflag:s3] =	ssyncadd.s32 $0xFFFFFF80  }
0xbc: {  	[tilespmem:s22], [sflag:$0x3] =	stream.linear.gather [hbm4b:s16+s0], $0x80, $0x38;
	[tilespmem:$0x18200] =	vst v63  }
0xbd: {  	_ =	swait.ge [sflag:s3], $0x80  }
0xbe: {  	[sflag:s3] =	ssyncset.done $0x0  }
0xbf: {  	[sflag:s3] =	ssyncadd.s32 $0xFFFFFF80  }
0xc0: {  	[tilespmem:s1], [sflag:$0x3] =	stream.indirect.gather [spmem:s23], $0x40, s0, s22, $0xb8;
	[tilespmem:$0x18200] =	vst v63  }
0xc1: {  	_ =	swait.ge [sflag:s3], $0x2000  }
0xc2: {  	[sflag:s3] =	ssyncset.done $0x0  }
0xc3: {  	[sflag:s3] =	ssyncadd.s32 $0xFFFFE000  }
0xc4: {  	[spmem:s21] =	stream.indirect.scatter.add.f32 [tilespmem:s1], [sflag:$0x1], $0x40, s22, s22, $0xb8;
	[tilespmem:$0x18200] =	vst v63  }
0xc5: {  	_ =	swait.ge [sflag:s12], $0x2000  }
0xc6: {  	[sflag:s12] =	ssyncset.done $0x0  }
0xc7: {  	s16 =	sadd.s32 s15, s29;
	[sflag:s12] =	ssyncadd.s32 $0xFFFFE000  }
0xc8: {  	[tilespmem:s0], [sflag:$0x3] =	stream.linear.gather [hbm4b:s16+s0], $0x80, $0x38;
	[tilespmem:$0x18200] =	vst v63  }
0xc9: {  	_ =	swait.ge [sflag:s3], $0x80  }
0xca: {  	[sflag:s3] =	ssyncset.done $0x0  }
0xcb: {  	s15 =	sadd.s32 s15, s30;
	[sflag:s3] =	ssyncadd.s32 $0xFFFFFF80  }
0xcc: {  	[tilespmem:s9], [sflag:$0x3] =	stream.linear.gather [hbm4b:s15+s0], $0x80, $0x38;
	[tilespmem:$0x18200] =	vst v63  }
0xcd: {  	_ =	swait.ge [sflag:s3], $0x80  }
0xce: {  	[sflag:s3] =	ssyncset.done $0x0  }
.Ltmp0:
0xcf: {  	[sflag:s3] =	ssyncadd.s32 $0xFFFFFF80;
	(pc) =	sbr.rel @p0 .LBB2_2-.Ltmp0, $4  }
0xd0: {  	[tilespmem:s7], [sflag:$0x3] =	stream.indirect.gather [spmem:s23], $0x40, s0, s22, $0xb8;
	[tilespmem:$0x18200] =	vst v63  }
0xd1: {  	_ =	swait.ge [sflag:s3], $0x2000  }
0xd2: {  	[sflag:s3] =	ssyncset.done $0x0  }
0xd3: {  	[sflag:s3] =	ssyncadd.s32 $0xFFFFE000  }
0xd4: {  	[spmem:s21] =	stream.indirect.scatter.add.f32 [tilespmem:s7], [sflag:$0x2], $0x40, s9, s22, $0xb8;
	[tilespmem:$0x18200] =	vst v63  }
0xd5: {  	_ =	swait.ge [sflag:s11], $0x2000  }
0xd6: {  	[sflag:s11] =	ssyncset.done $0x0  }
0xd7: {  	[sflag:s11] =	ssyncadd.s32 $0xFFFFE000  }
0xd8: {  	_ =	swait.ge [sflag:s12], $0x2000  }
0xd9: {  	[sflag:s12] =	ssyncset.done $0x0  }
0xda: {  	[sflag:s12] =	ssyncadd.s32 $0xFFFFE000  }
0xdb: {  	[bflag:$0x0] =	sbarrier.arrive $0xFFFF  }
0xdc: {  	[tilespmem:s5], [sflag:$0x3] =	stream.linear.gather [hbm4b:s2+s0], $0x80, $0x38;
	[tilespmem:$0x18200] =	vst v63  }
0xdd: {  	_ =	swait.ge [sflag:s3], $0x80  }
0xde: {  	[sflag:s3] =	ssyncset.done $0x0  }
0xdf: {  	[sflag:s3] =	ssyncadd.s32 $0xFFFFFF80  }
0xe0: {  	[tilespmem:s1], [sflag:$0x3] =	stream.indirect.gather [spmem:s21], $0x40, s5, s22, $0xb8;
	[tilespmem:$0x18200] =	vst v63  }
0xe1: {  	_ =	swait.ge [sflag:s3], $0x2000  }
0xe2: {  	[sflag:s3] =	ssyncset.done $0x0  }
0xe3: {  	s14 =	rddreg [dreg:$0xc];
	[sflag:s3] =	ssyncadd.s32 $0xFFFFE000  }
0xe4: {  	[hbm4b:s14+s31] =	stream.strided.scatter [tilespmem:s1], [sflag:$0x3], $0x2000, s22, s31, $0x38;
	[tilespmem:$0x18200] =	vst v63  }
0xe5: {  	_ =	swait.ge [sflag:s3], $0x2000  }
0xe6: {  	[sflag:s3] =	ssyncset.done $0x0  }
0xe7: {  	[sflag:s3] =	ssyncadd.s32 $0xFFFFE000  }
0xe8: {  	[tilespmem:s5], [sflag:$0x3] =	stream.linear.gather [hbm4b:s4+s0], $0x80, $0x38;
	[tilespmem:$0x18200] =	vst v63  }
0xe9: {  	_ =	swait.ge [sflag:s3], $0x80  }
0xea: {  	[sflag:s3] =	ssyncset.done $0x0  }
0xeb: {  	[sflag:s3] =	ssyncadd.s32 $0xFFFFFF80  }
0xec: {  	[tilespmem:s1], [sflag:$0x3] =	stream.indirect.gather [spmem:s21], $0x40, s5, s22, $0xb8;
	[tilespmem:$0x18200] =	vst v63  }
0xed: {  	_ =	swait.ge [sflag:s3], $0x2000  }
0xee: {  	[sflag:s3] =	ssyncset.done $0x0  }
0xef: {  	s15 =	rddreg [dreg:$0xd];
	[sflag:s3] =	ssyncadd.s32 $0xFFFFE000  }
0xf0: {  	[hbm4b:s15+s31] =	stream.strided.scatter [tilespmem:s1], [sflag:$0x3], $0x2000, s22, s31, $0x38;
	[tilespmem:$0x18200] =	vst v63  }
0xf1: {  	_ =	swait.ge [sflag:s3], $0x2000  }
0xf2: {  	[sflag:s3] =	ssyncset.done $0x0  }
0xf3: {  	[sflag:s3] =	ssyncadd.s32 $0xFFFFE000  }
0xf4: {  	[tilespmem:s5], [sflag:$0x3] =	stream.linear.gather [hbm4b:s6+s0], $0x80, $0x38;
	[tilespmem:$0x18200] =	vst v63  }
0xf5: {  	_ =	swait.ge [sflag:s3], $0x80  }
0xf6: {  	[sflag:s3] =	ssyncset.done $0x0  }
0xf7: {  	[sflag:s3] =	ssyncadd.s32 $0xFFFFFF80  }
0xf8: {  	[tilespmem:s1], [sflag:$0x3] =	stream.indirect.gather [spmem:s21], $0x40, s5, s22, $0xb8;
	[tilespmem:$0x18200] =	vst v63  }
0xf9: {  	_ =	swait.ge [sflag:s3], $0x2000  }
0xfa: {  	[sflag:s3] =	ssyncset.done $0x0  }
0xfb: {  	s16 =	rddreg [dreg:$0xe];
	[sflag:s3] =	ssyncadd.s32 $0xFFFFE000  }
0xfc: {  	[hbm4b:s16+s31] =	stream.strided.scatter [tilespmem:s1], [sflag:$0x3], $0x2000, s22, s31, $0x38;
	[tilespmem:$0x18200] =	vst v63  }
0xfd: {  	_ =	swait.ge [sflag:s3], $0x2000  }
0xfe: {  	[sflag:s3] =	ssyncset.done $0x0  }
0xff: {  	[sflag:s3] =	ssyncadd.s32 $0xFFFFE000  }
0x100: {  	[tilespmem:s5], [sflag:$0x3] =	stream.linear.gather [hbm4b:s8+s0], $0x80, $0x38;
	[tilespmem:$0x18200] =	vst v63  }
0x101: {  	_ =	swait.ge [sflag:s3], $0x80  }
0x102: {  	[sflag:s3] =	ssyncset.done $0x0  }
0x103: {  	[sflag:s3] =	ssyncadd.s32 $0xFFFFFF80  }
0x104: {  	[tilespmem:s1], [sflag:$0x3] =	stream.indirect.gather [spmem:s21], $0x40, s5, s22, $0xb8;
	[tilespmem:$0x18200] =	vst v63  }
0x105: {  	_ =	swait.ge [sflag:s3], $0x2000  }
0x106: {  	[sflag:s3] =	ssyncset.done $0x0  }
0x107: {  	[sflag:s3] =	ssyncadd.s32 $0xFFFFE000  }
0x108: {  	[hbm4b:s17+s31] =	stream.strided.scatter [tilespmem:s1], [sflag:$0x3], $0x2000, s22, s31, $0x38;
	[tilespmem:$0x18200] =	vst v63  }
0x109: {  	_ =	swait.ge [sflag:s3], $0x2000  }
0x10a: {  	[sflag:s3] =	ssyncset.done $0x0  }
0x10b: {  	[sflag:s3] =	ssyncadd.s32 $0xFFFFE000  }
0x10c: {  	[tilespmem:s5], [sflag:$0x3] =	stream.linear.gather [hbm4b:s10+s0], $0x80, $0x38;
	[tilespmem:$0x18200] =	vst v63  }
0x10d: {  	_ =	swait.ge [sflag:s3], $0x80  }
0x10e: {  	[sflag:s3] =	ssyncset.done $0x0  }
0x10f: {  	[sflag:s3] =	ssyncadd.s32 $0xFFFFFF80  }
0x110: {  	[tilespmem:s1], [sflag:$0x3] =	stream.indirect.gather [spmem:s21], $0x40, s5, s22, $0xb8;
	[tilespmem:$0x18200] =	vst v63  }
0x111: {  	s13 =	sadd.s32 $0x1, s13;
	_ =	swait.ge [sflag:s3], $0x2000  }
0x112: {  	p0 =	sne.s32 s13, s28;
	[sflag:s3] =	ssyncset.done $0x0  }
.Ltmp1:
0x113: {  	[sflag:s3] =	ssyncadd.s32 $0xFFFFE000;
	(pc) =	sbr.rel @p0 .LBB2_1-.Ltmp1, $4  }
0x114: {  	[hbm4b:s18+s31] =	stream.strided.scatter [tilespmem:s1], [sflag:$0x3], $0x2000, s22, s31, $0x38;
	[tilespmem:$0x18200] =	vst v63  }
0x115: {  	_ =	swait.ge [sflag:s3], $0x2000  }
0x116: {  	[sflag:s3] =	ssyncset.done $0x0  }
0x117: {  	[sflag:s3] =	ssyncadd.s32 $0xFFFFE000  }
0x118: {  	_ =	sfence.sel $0x180000  }
0x119: {  	[bflag:$0x0] =	sbarrier.arrive $0xFFFF  }
0x11a: {  	_ =	strace $0x9000004A  }
0x11b: {  	s0 =	stileid.u32;
	[bflag:$0x2] =	sbarrier.arrive $0xFFFF  }
0x11c: {  	p0 =	sne.s32 s0, $0x0;
	s0 =	rddreg [dreg:$0x4]  }
0x11d: {  	s0 =	sadd.s32 @!p0 $0x100000, s0  }
0x11e: {  	[sflag:s0] =	ssyncadd.tile.s32 @!p0 $0x1;
	_ =	shalt  }
.Lfunc_end2:
_tile_overlayer_lowered:
.L_overlay_start_2:
0x11f: {  	(tag) =	ssettag $0x2  }
0x120: {  	s0 =	rddreg [dreg:$0x0];
	s2 =	stileid.u32  }
0x121: {  	s1 =	rddreg [dreg:$0x1];
	p0 =	sne.s32 s2, $0x0  }
0x122: {  	s3 =	rddreg [dreg:$0x2];
	[bflag:$0x3] =	sbarrier.arrive $0xFFFF;
	s2 =	simm.s32 @!p0 $0x1C03  }
0x123: {  	[timem:s3], [sflag:s2] =	dma.local @!p0 [hbm:s0], s1  }
0x124: {  	s0 =	simm.s32 @!p0 $0x3  }
0x125: {  	_ =	swait.ge @!p0 [sflag:s0], s1  }
0x126: {  	s1 =	ssub.s32 @!p0 $0x0, s1;
	[sflag:s0] =	ssyncset.done @!p0 $0x0  }
0x127: {  	[sflag:s0] =	ssyncadd.s32 @!p0 s1  }
0x128: {  	[bflag:$0x3] =	sbarrier.arrive $0xFFFF  }
0x129: {  	_ =	shalt  }

// kernel: kernel.18.cloned.1.call-start
scs
__scs_entry_jumppad:
0x0: {  	(pc) =	sbr.rel $0x88, $3  }
0x1: {  	(tag) =	ssettag $0x0;
	lr =	simm.s32 $0x1  }
0x2: {  	[smem:$0x3F97] =	sst lr;
	_ =	strace $0xD0000000  }
0x3: {  	_ = 	snop  }
0x4: {  	_ = 	snop  }
0x5: {  	_ = 	snop  }
0x6: {  	_ = 	snop  }
0x7: {  	_ = 	snop  }
__scs_overlays_trampoline_lowered:
0x8: {  	[smem:$0x3FA6] =	sst s0  }
0x9: {  	[smem:$0x3FA7] =	sst s1  }
0xa: {  	[smem:$0x3FA8] =	sst s2  }
0xb: {  	[smem:$0x3FA9] =	sst s3  }
0xc: {  	[smem:$0x3FAA] =	sst s4  }
0xd: {  	[smem:$0x3FAB] =	sst s5  }
0xe: {  	[smem:$0x3FAC] =	sst s6  }
0xf: {  	[smem:$0x3FAD] =	sst s7  }
0x10: {  	[smem:$0x3FAE] =	sst s8  }
0x11: {  	[smem:$0x3FAF] =	sst s9;
	s0 =	simm.s32 @!p0 $0x0  }
0x12: {  	s1 =	sld [smem:$0x3F95];
	s0 =	simm.s32 @p0 $0x1  }
0x13: {  	[smem:$0x3FB0] =	sst s0;
	s0 =	simm.s32 @!p1 $0x0  }
0x14: {  	s2 =	sld [smem:$0x3F94];
	s0 =	simm.s32 @p1 $0x1  }
0x15: {  	[smem:$0x3FB1] =	sst s0;
	s0 =	simm.s32 @!p2 $0x0  }
0x16: {  	s3 =	sld [smem:$0x3FDB];
	s0 =	simm.s32 @p2 $0x1  }
0x17: {  	s4 =	simm.s32 $0x1BF5;
	[smem:$0x3FB3] =	sst s0  }
0x18: {  	s0 =	sld [smem:$0x3F96];
	_ =	swait.ge [sflag:s4], $0x0  }
0x19: {  	s7 =	sld [smem:$0x3F97]  }
0x1a: {  	s8 =	sadd.s32 $0xFFFFE003, lr  }
0x1b: {  	s9 =	sadd.s32 $0xFFFFFEF7, lr;
	s5 =	simm.s32 $0xFFFFFFFF;
	p2 =	slt.u32 s8, $0xFFFFF086  }
0x1c: {  	p1 =	slt.u32 s9, $0xF7A;
	s5 =	simm.s32 @!p2 $0x0  }
0x1d: {  	s5 =	simm.s32 @p1 $0x1;
	p0 =	seq.s32 s7, s2  }
0x1e: {  	s7 =	smul.u32 @!p0 $0xF7A, s2;
	p2 =	seq.s32 @!p0 s5, $0x0  }
0x1f: {  	s9 =	smul.u32 $0xF7A, s1;
	s8 =	simm.s32 @!p0 $0x1BF5;
	p2 =	por !p2, p0  }
0x20: {  	[sflag:s8] =	ssyncset.s32 @!p0 $0xFFFFF086;
	s6 =	sadd.s32 @!p0 s3, s7;
	s7 =	simm.s32 @!p0 $0x108  }
0x21: {  	s3 =	sadd.s32 s3, s9;
	s6 =	sadd.s32 @!p0 $0x88, s6;
	s7 =	simm.s32 @p2 $0x1082  }
0x22: {  	[simem:s7], [sflag:s8] =	dma.local @!p0 [hbm:s6], $0xF7A  }
0x23: {  	s9 =	sor.u32 $0xD0000000, s2;
	s6 =	simm.s32 $0x108;
	_ =	swait.ge @!p0 [sflag:s8], $0x0  }
0x24: {  	s3 =	sadd.s32 $0x88, s3;
	s6 =	simm.s32 @!p1 $0x1082;
	[sflag:s4] =	ssyncset.s32 $0xFFFFF086  }
0x25: {  	[simem:s6], [sflag:s4] =	dma.local [hbm:s3], $0xF7A  }
0x26: {  	[smem:$0x3F97] =	sst s1;
	(tag) =	ssettag s2;
	_ =	strace s9  }
0x27: {  	s1 =	sld [smem:$0x3FA7]  }
0x28: {  	s2 =	sld [smem:$0x3FA8]  }
0x29: {  	s4 =	sld [smem:$0x3FAA]  }
0x2a: {  	p0 =	seq.s32 s5, $0x0;
	s5 =	sld [smem:$0x3FAB]  }
0x2b: {  	s6 =	sld [smem:$0x3FAC]  }
0x2c: {  	s7 =	sld [smem:$0x3FAD]  }
0x2d: {  	s3 =	simm.s32 $0x108;
	s8 =	sld [smem:$0x3FAE]  }
0x2e: {  	s3 =	simm.s32 @!p0 $0x1082;
	s9 =	sld [smem:$0x3FAF]  }
0x2f: {  	lr =	sadd.s32 s0, s3;
	s0 =	sld [smem:$0x3FA6]  }
0x30: {  	s3 =	sld [smem:$0x3FA9]  }
0x31: {  	[smem:$0x3FB2] =	sst s10  }
0x32: {  	s10 =	sld [smem:$0x3FB0];
	_ =	sdelay $0x3  }
0x33: {  	p0 =	seq.s32 s10, $0x1;
	s10 =	sld [smem:$0x3FB2];
	_ =	sdelay $0x3  }
0x34: {  	[smem:$0x3FB2] =	sst s10  }
0x35: {  	s10 =	sld [smem:$0x3FB1];
	_ =	sdelay $0x3  }
0x36: {  	p1 =	seq.s32 s10, $0x1;
	s10 =	sld [smem:$0x3FB2];
	_ =	sdelay $0x3  }
0x37: {  	[smem:$0x3FB2] =	sst s10  }
0x38: {  	s10 =	sld [smem:$0x3FB3]  }
0x39: {  	_ = 	snop;
	(pc) =	sbr.ind lr, $3  }
0x3a: {  	_ = 	snop  }
0x3b: {  	_ = 	snop  }
0x3c: {  	p2 =	seq.s32 s10, $0x1;
	s10 =	sld [smem:$0x3FB2]  }
0x3d: {  	_ =	shalt  }
0x3e: {  	_ =	shalt  }
0x3f: {  	_ =	shalt  }
0x40: {  	_ =	shalt  }
0x41: {  	_ =	shalt  }
0x42: {  	_ =	shalt  }
0x43: {  	_ =	shalt  }
0x44: {  	_ =	shalt  }
0x45: {  	_ =	shalt  }
0x46: {  	_ =	shalt  }
0x47: {  	_ =	shalt  }
0x48: {  	_ =	shalt  }
0x49: {  	_ =	shalt  }
0x4a: {  	_ =	shalt  }
0x4b: {  	_ =	shalt  }
0x4c: {  	_ =	shalt  }
0x4d: {  	_ =	shalt  }
0x4e: {  	_ =	shalt  }
0x4f: {  	_ =	shalt  }
0x50: {  	_ =	shalt  }
0x51: {  	_ =	shalt  }
0x52: {  	_ =	shalt  }
0x53: {  	_ =	shalt  }
0x54: {  	_ =	shalt  }
0x55: {  	_ =	shalt  }
0x56: {  	_ =	shalt  }
0x57: {  	_ =	shalt  }
0x58: {  	_ =	shalt  }
0x59: {  	_ =	shalt  }
0x5a: {  	_ =	shalt  }
0x5b: {  	_ =	shalt  }
0x5c: {  	_ =	shalt  }
0x5d: {  	_ =	shalt  }
0x5e: {  	_ =	shalt  }
0x5f: {  	_ =	shalt  }
0x60: {  	_ =	shalt  }
0x61: {  	_ =	shalt  }
0x62: {  	_ =	shalt  }
0x63: {  	_ =	shalt  }
0x64: {  	_ =	shalt  }
0x65: {  	_ =	shalt  }
0x66: {  	_ =	shalt  }
0x67: {  	_ =	shalt  }
0x68: {  	_ =	shalt  }
0x69: {  	_ =	shalt  }
0x6a: {  	_ =	shalt  }
0x6b: {  	_ =	shalt  }
0x6c: {  	_ =	shalt  }
0x6d: {  	_ =	shalt  }
0x6e: {  	_ =	shalt  }
0x6f: {  	_ =	shalt  }
0x70: {  	_ =	shalt  }
0x71: {  	_ =	shalt  }
0x72: {  	_ =	shalt  }
0x73: {  	_ =	shalt  }
0x74: {  	_ =	shalt  }
0x75: {  	_ =	shalt  }
0x76: {  	_ =	shalt  }
0x77: {  	_ =	shalt  }
0x78: {  	_ =	shalt  }
0x79: {  	_ =	shalt  }
0x7a: {  	_ =	shalt  }
0x7b: {  	_ =	shalt  }
0x7c: {  	_ =	shalt  }
0x7d: {  	_ =	shalt  }
0x7e: {  	_ =	shalt  }
0x7f: {  	_ =	shalt  }
0x80: {  	_ =	shalt  }
0x81: {  	_ =	shalt  }
0x82: {  	_ =	shalt  }
0x83: {  	_ =	shalt  }
0x84: {  	_ =	shalt  }
0x85: {  	_ =	shalt  }
0x86: {  	_ =	shalt  }
0x87: {  	_ =	shalt  }
.Lfunc_end0:
.L_simem_size_0:
called_computation.2_lowered:
.L_overlay_start_0:
0x88: {  	s2 =	sld [smem:$0x3FD9]  }
0x89: {  	s3 =	sld [smem:$0x3FFE];
	_ =	sdelay $0x1  }
0x8a: {  	s1 =	srdreg.scid  }
0x8b: {  	s0 =	sand.u32 $0x1, s1  }
0x8c: {  	s17 =	sshll.u32 s0, $0xA;
	s2 =	sadd.s32 s3, s2  }
0x8d: {  	s2 =	sadd.s32 s2, s17  }
0x8e: {  	[smem:$0x3FBE] =	sst s2  }
0x8f: {  	_ = 	snop  }
0x90: {  	s2 =	sld [smem:$0x3FD0];
	(tm) =	ssettm $0x1  }
0x91: {  	s18 =	sld [smem:$0x3FFB];
	_ =	sdelay $0x3  }
0x92: {  	_ =	strace s18  }
0x93: {  	s3 =	sld [smem:$0x3FFC];
	_ =	sdelay $0x3  }
0x94: {  	_ =	strace s3  }
0x95: {  	s3 =	sld [smem:$0x3FFD];
	_ =	sdelay $0x3  }
0x96: {  	_ =	strace s3  }
0x97: {  	_ =	strace $0x8FFFFFFF  }
0x98: {  	s19 =	sld [smem:$0x3FDB];
	_ =	sdelay $0x1  }
0x99: {  	s4 =	simm.s32 $_scs_section_size  }
0x9a: {  	s5 =	simm.s32 $_size__tile_overlayer_lowered;
	s6 =	simm.s32 $_tile_overlayer_lowered  }
0x9b: {  	s22 =	simm.s32 $0x1BFF;
	s21 =	sshll.u32 s6, $0x1;
	s3 =	sadd.s32 s4, s19  }
0x9c: {  	s7 =	simm.s32 $0x0;
	s20 =	sshll.u32 s5, $0x1;
	s5 =	sadd.s32 s21, s3  }
0x9d: {  	[timem:s7], [sflag:s22] =	dma.local [hbm:s5], s20  }
0x9e: {  	_ =	swait.ge [sflag:s22], s20  }
0x9f: {  	s4 =	ssub.s32 $0x0, s20;
	[sflag:s22] =	ssyncset.done $0x0  }
0xa0: {  	[sflag:s22] =	ssyncadd.s32 s4;
	_ =	sdelay $0x1  }
0xa1: {  	s23 =	simm.s32 $0x1B8B  }
0xa2: {  	_ =	swait.ge [sflag:s23], $0x1  }
0xa3: {  	[sflag:s23] =	ssyncset.done $0x0  }
0xa4: {  	s25 =	simm.s32 $0x1B8E;
	s24 =	sld [smem:$0x3FFE];
	[sflag:s23] =	ssyncadd.s32 $0xFFFFFFFF  }
0xa5: {  	s26 =	simm.s32 $execute0_lowered;
	[smem:$0x3FD2] =	sst s25  }
0xa6: {  	s5 =	sshll.u32 s26, $0x1;
	_ =	strace $0x8000004C;
	[dreg:$0x1] =	wrdreg $0xFFFFFFFF  }
0xa7: {  	s28 =	simm.s32 $_size_execute0_lowered;
	s3 =	sadd.s32 s3, s5;
	[dreg:$0x0] =	wrdreg $0x0  }
0xa8: {  	s5 =	sshll.u32 s28, $0x1;
	[dreg:$0x2] =	wrdreg s3  }
0xa9: {  	[dreg:$0x3] =	wrdreg s5  }
0xaa: {  	[dreg:$0x4] =	wrdreg $0xC0  }
0xab: {  	_ =	task [dreg:s7], $0x5FFFF  }
0xac: {  	[dreg:$0x1] =	wrdreg $0xFFFFFFFF  }
0xad: {  	[dreg:$0x0] =	wrdreg $0x60  }
0xae: {  	[dreg:$0x2] =	wrdreg s24  }
0xaf: {  	[dreg:$0x3] =	wrdreg s2  }
0xb0: {  	[dreg:$0x4] =	wrdreg $0xE2000  }
0xb1: {  	[dreg:$0x5] =	wrdreg $0x42000  }
0xb2: {  	[dreg:$0x6] =	wrdreg $0x9  }
0xb3: {  	_ =	task.clear_ibuf [dreg:s7], $0x7FFFF;
	_ =	strace $0x9000004C  }
0xb4: {  	s29 =	simm.s32 $0x9;
	_ =	strace $0x8000004E  }
0xb5: {  	_ =	swait.ge [sflag:s29], $0x1  }
0xb6: {  	[sflag:s29] =	ssyncadd.s32 $0xFFFFFFFF  }
0xb7: {  	_ =	strace $0x9000004E  }
0xb8: {  	_ =	sfence  }
0xb9: {  	s30 =	sld [smem:$0x0];
	_ =	sdelay $0x2  }
0xba: {  	s31 =	sshll.u32 s1, $0xD;
	s1 =	sshrl.u32 s1, $0x2  }
0xbb: {  	s3 =	sand.u32 $0x4000, s31;
	s1 =	sadd.s32 s1, s30  }
0xbc: {  	s0 =	sor.u32 s3, s0;
	s1 =	sshll.u32 s1, $0x11  }
0xbd: {  	s0 =	sor.u32 s1, s0  }
0xbe: {  	s0 =	sadd.s32 $0x8F2B, s0  }
0xbf: {  	[sflag:s0] =	ssyncadd.remote.s32 $0x1  }
0xc0: {  	_ =	sfence.sel $0xFFFF  }
0xc1: {  	[dreg:$0x0] =	wrdreg $0xFFFFFFFF;
	(pc) =	sbr.abs _section_cstart, $3  }
0xc2: {  	[dreg:$0x1] =	wrdreg $0xFFFFFFFF  }
0xc3: {  	_ =	task.clear_ibuf [dreg:s7], $0x2FFFF;
	_ =	strace $0x9FFFFFFF  }
0xc4: {  	(tm) =	ssettm $0x7FFFFFFF  }
0xc5: {  	_ =	shalt  }
tec
execute0_lowered:
.L_overlay_start_1:
0x0: {  	(tag) =	ssettag $0x1  }
0x1: {  	s1 =	rddreg [dreg:$0x0]  }
0x2: {  	s3 =	rddreg [dreg:$0x1];
	s0 =	simm.s32 $0x0  }
0x3: {  	s2 =	srdreg.scid;
	s21 =	stileid.u32;
	s31 =	simm.s32 $0x40  }
0x4: {  	[smem:$0x7FF] =	sst s0;
	s7 =	sadd.s32 $0xFE00, s1;
	s5 =	sadd.s32 $0x5800, s1  }
0x5: {  	s9 =	sand.u32 $0x1, s2;
	s10 =	sadd.s32 $0xF800, s1;
	s11 =	smul.u32 $0x280, s21  }
0x6: {  	s12 =	sadd.s32 $0x38600, s1;
	s6 =	smul.u32 $0x14000, s21;
	s2 =	ssub.s32 $0x2, s9  }
0x7: {  	s23 =	sshll.u32 s9, $0x4;
	s14 =	sshll.u32 s9, $0x6;
	s9 =	smul.u32 $0x500, s9  }
0x8: {  	s4 =	sshrl.u32 s2, $0x1;
	s15 =	sor.u32 s21, s23;
	s24 =	sor.u32 s14, s6  }
0x9: {  	s25 =	sadd.s32 $0x80, s11;
	s26 =	sshrl.u32 s11, $0x3;
	s19 =	sadd.s32 $0x100, s11  }
0xa: {  	s13 =	ssub.s32 s2, s4;
	s16 =	sshrl.u32 s24, $0x3;
	s8 =	sshll.u32 s25, $0x7  }
0xb: {  	s2 =	sadd.s32 s10, s26;
	s4 =	sshrl.u32 s25, $0x3;
	s15 =	smul.u32 $0x500, s15  }
0xc: {  	s22 =	sshll.u32 s19, $0x7;
	s6 =	sshrl.u32 s19, $0x3;
	s25 =	smul.u32 $0x50, s21  }
0xd: {  	s17 =	sadd.s32 s7, s16;
	s18 =	sor.u32 s14, s8;
	s4 =	sadd.s32 s10, s4  }
0xe: {  	s8 =	sor.u32 s14, s22;
	s6 =	sadd.s32 s10, s6;
	s28 =	smax.u32 s13, $0x1  }
0xf: {  	s13 =	simm.s32 $0x0;
	[dreg:$0x5] =	wrdreg s17;
	s17 =	sshrl.u32 s18, $0x3  }
0x10: {  	s18 =	sadd.s32 $0x180, s11;
	s19 =	sshrl.u32 s8, $0x3;
	s21 =	sadd.s32 s5, s15  }
0x11: {  	s22 =	sadd.s32 s25, s9;
	s25 =	sadd.s32 s12, s16;
	[dreg:$0xa] =	wrdreg s21  }
0x12: {  	s11 =	sadd.s32 $0x200, s11;
	s20 =	sadd.s32 s7, s17;
	[dreg:$0xc] =	wrdreg s25  }
0x13: {  	s23 =	sshrl.u32 s18, $0x3;
	s18 =	sshll.u32 s18, $0x7;
	s21 =	rddreg [dreg:$0x2]  }
0x14: {  	s24 =	sshll.u32 s11, $0x7;
	s11 =	sshrl.u32 s11, $0x3;
	[dreg:$0x6] =	wrdreg s20  }
0x15: {  	s20 =	sadd.s32 s7, s19;
	s8 =	sadd.s32 s10, s23;
	s18 =	sor.u32 s14, s18  }
0x16: {  	s14 =	sor.u32 s14, s24;
	s23 =	sadd.s32 s3, s15;
	[dreg:$0x7] =	wrdreg s20  }
0x17: {  	s24 =	sor.u32 $0x10, s15;
	s15 =	sadd.s32 s12, s19;
	[dreg:$0xb] =	wrdreg s23  }
0x18: {  	s10 =	sadd.s32 s10, s11;
	s18 =	sshrl.u32 s18, $0x3;
	[dreg:$0xe] =	wrdreg s15  }
0x19: {  	s11 =	sshrl.u32 s14, $0x3;
	s23 =	rddreg [dreg:$0x3];
	s26 =	sadd.s32 s7, s18  }
0x1a: {  	s9 =	simm.s32 $0x100;
	s7 =	sadd.s32 s7, s11;
	[dreg:$0x8] =	wrdreg s26  }
0x1b: {  	s19 =	sadd.s32 s5, s24;
	s20 =	sadd.s32 s3, s24;
	[dreg:$0x9] =	wrdreg s7  }
0x1c: {  	s26 =	sadd.s32 s12, s17;
	s17 =	sadd.s32 s12, s18;
	s18 =	sadd.s32 s12, s11  }
0x1d: {  	s7 =	sshll.u32 s22, $0x4;
	s11 =	simm.s32 $0x1;
	s12 =	simm.s32 $0x2  }
0x1e: {  	[dreg:$0xd] =	wrdreg s26;
	s16 =	sadd.s32 s7, s5;
	s22 =	sadd.s32 s7, s3  }
0x1f: {  	s7 =	sor.u32 $0x20, s7;
	s26 =	sadd.s32 $0x37E00, s1;
	s1 =	simm.s32 $0x200  }
0x20: {  	s24 =	sadd.s32 s7, s5;
	s25 =	sadd.s32 s7, s3;
	_ =	strace $0x8000004D  }
0x21: {  	s29 =	sadd.s32 $0x30, s16;
	s30 =	sadd.s32 $0x30, s22;
	s22 =	simm.s32 $0x80  }
0x22: {  	s3 =	simm.s32 $0x3;
	s5 =	simm.s32 $0x180;
	s7 =	simm.s32 $0x2200  }
.LBB2_1:
0x23: {  	[tilespmem:s1], [sflag:$0x3] =	stream.strided.gather [hbm4b:s26+s31], $0x2000, s22, s31, $0x38;
	[tilespmem:$0x18200] =	vst v63  }
0x24: {  	_ =	swait.ge [sflag:s3], $0x2000  }
0x25: {  	[sflag:s3] =	ssyncset.done $0x0  }
0x26: {  	[sflag:s3] =	ssyncadd.s32 $0xFFFFE000  }
0x27: {  	[tilespmem:s5], [sflag:$0x3] =	stream.linear.gather [hbm4b:s2+s0], $0x80, $0x38;
	[tilespmem:$0x18200] =	vst v63  }
0x28: {  	_ =	swait.ge [sflag:s3], $0x80  }
0x29: {  	[sflag:s3] =	ssyncset.done $0x0  }
0x2a: {  	[sflag:s3] =	ssyncadd.s32 $0xFFFFFF80  }
0x2b: {  	[spmem:s21] =	stream.indirect.scatter [tilespmem:s1], [sflag:$0x3], $0x40, s5, s22, $0xb8;
	[tilespmem:$0x18200] =	vst v63  }
0x2c: {  	_ =	swait.ge [sflag:s3], $0x2000  }
0x2d: {  	[sflag:s3] =	ssyncset.done $0x0  }
0x2e: {  	s14 =	rddreg [dreg:$0x5];
	[sflag:s3] =	ssyncadd.s32 $0xFFFFE000  }
0x2f: {  	[tilespmem:s7], [sflag:$0x3] =	stream.strided.gather [hbm4b:s14+s31], $0x2000, s22, s31, $0x38;
	[tilespmem:$0x18200] =	vst v63  }
0x30: {  	_ =	swait.ge [sflag:s3], $0x2000  }
0x31: {  	[sflag:s3] =	ssyncset.done $0x0  }
0x32: {  	[sflag:s3] =	ssyncadd.s32 $0xFFFFE000  }
0x33: {  	[spmem:s23] =	stream.indirect.scatter [tilespmem:s7], [sflag:$0x3], $0x40, s5, s22, $0xb8;
	[tilespmem:$0x18200] =	vst v63  }
0x34: {  	_ =	swait.ge [sflag:s3], $0x2000  }
0x35: {  	[sflag:s3] =	ssyncset.done $0x0  }
0x36: {  	[sflag:s3] =	ssyncadd.s32 $0xFFFFE000  }
0x37: {  	[tilespmem:s5], [sflag:$0x3] =	stream.linear.gather [hbm4b:s4+s0], $0x80, $0x38;
	[tilespmem:$0x18200] =	vst v63  }
0x38: {  	_ =	swait.ge [sflag:s3], $0x80  }
0x39: {  	[sflag:s3] =	ssyncset.done $0x0  }
0x3a: {  	[sflag:s3] =	ssyncadd.s32 $0xFFFFFF80  }
0x3b: {  	[spmem:s21] =	stream.indirect.scatter [tilespmem:s1], [sflag:$0x3], $0x40, s5, s22, $0xb8;
	[tilespmem:$0x18200] =	vst v63  }
0x3c: {  	_ =	swait.ge [sflag:s3], $0x2000  }
0x3d: {  	[sflag:s3] =	ssyncset.done $0x0  }
0x3e: {  	s15 =	rddreg [dreg:$0x6];
	[sflag:s3] =	ssyncadd.s32 $0xFFFFE000  }
0x3f: {  	[tilespmem:s7], [sflag:$0x3] =	stream.strided.gather [hbm4b:s15+s31], $0x2000, s22, s31, $0x38;
	[tilespmem:$0x18200] =	vst v63  }
0x40: {  	_ =	swait.ge [sflag:s3], $0x2000  }
0x41: {  	[sflag:s3] =	ssyncset.done $0x0  }
0x42: {  	[sflag:s3] =	ssyncadd.s32 $0xFFFFE000  }
0x43: {  	[spmem:s23] =	stream.indirect.scatter [tilespmem:s7], [sflag:$0x3], $0x40, s5, s22, $0xb8;
	[tilespmem:$0x18200] =	vst v63  }
0x44: {  	_ =	swait.ge [sflag:s3], $0x2000  }
0x45: {  	[sflag:s3] =	ssyncset.done $0x0  }
0x46: {  	[sflag:s3] =	ssyncadd.s32 $0xFFFFE000  }
0x47: {  	[tilespmem:s5], [sflag:$0x3] =	stream.linear.gather [hbm4b:s6+s0], $0x80, $0x38;
	[tilespmem:$0x18200] =	vst v63  }
0x48: {  	_ =	swait.ge [sflag:s3], $0x80  }
0x49: {  	[sflag:s3] =	ssyncset.done $0x0  }
0x4a: {  	[sflag:s3] =	ssyncadd.s32 $0xFFFFFF80  }
0x4b: {  	[spmem:s21] =	stream.indirect.scatter [tilespmem:s1], [sflag:$0x3], $0x40, s5, s22, $0xb8;
	[tilespmem:$0x18200] =	vst v63  }
0x4c: {  	_ =	swait.ge [sflag:s3], $0x2000  }
0x4d: {  	[sflag:s3] =	ssyncset.done $0x0  }
0x4e: {  	s16 =	rddreg [dreg:$0x7];
	[sflag:s3] =	ssyncadd.s32 $0xFFFFE000  }
0x4f: {  	[tilespmem:s7], [sflag:$0x3] =	stream.strided.gather [hbm4b:s16+s31], $0x2000, s22, s31, $0x38;
	[tilespmem:$0x18200] =	vst v63  }
0x50: {  	_ =	swait.ge [sflag:s3], $0x2000  }
0x51: {  	[sflag:s3] =	ssyncset.done $0x0  }
0x52: {  	[sflag:s3] =	ssyncadd.s32 $0xFFFFE000  }
0x53: {  	[spmem:s23] =	stream.indirect.scatter [tilespmem:s7], [sflag:$0x3], $0x40, s5, s22, $0xb8;
	[tilespmem:$0x18200] =	vst v63  }
0x54: {  	_ =	swait.ge [sflag:s3], $0x2000  }
0x55: {  	[sflag:s3] =	ssyncset.done $0x0  }
0x56: {  	[sflag:s3] =	ssyncadd.s32 $0xFFFFE000  }
0x57: {  	[tilespmem:s5], [sflag:$0x3] =	stream.linear.gather [hbm4b:s8+s0], $0x80, $0x38;
	[tilespmem:$0x18200] =	vst v63  }
0x58: {  	_ =	swait.ge [sflag:s3], $0x80  }
0x59: {  	[sflag:s3] =	ssyncset.done $0x0  }
0x5a: {  	[sflag:s3] =	ssyncadd.s32 $0xFFFFFF80  }
0x5b: {  	[spmem:s21] =	stream.indirect.scatter [tilespmem:s1], [sflag:$0x3], $0x40, s5, s22, $0xb8;
	[tilespmem:$0x18200] =	vst v63  }
0x5c: {  	_ =	swait.ge [sflag:s3], $0x2000  }
0x5d: {  	[sflag:s3] =	ssyncset.done $0x0  }
0x5e: {  	s15 =	rddreg [dreg:$0x8];
	[sflag:s3] =	ssyncadd.s32 $0xFFFFE000  }
0x5f: {  	[tilespmem:s7], [sflag:$0x3] =	stream.strided.gather [hbm4b:s15+s31], $0x2000, s22, s31, $0x38;
	[tilespmem:$0x18200] =	vst v63  }
0x60: {  	_ =	swait.ge [sflag:s3], $0x2000  }
0x61: {  	[sflag:s3] =	ssyncset.done $0x0  }
0x62: {  	[sflag:s3] =	ssyncadd.s32 $0xFFFFE000  }
0x63: {  	[spmem:s23] =	stream.indirect.scatter [tilespmem:s7], [sflag:$0x3], $0x40, s5, s22, $0xb8;
	[tilespmem:$0x18200] =	vst v63  }
0x64: {  	_ =	swait.ge [sflag:s3], $0x2000  }
0x65: {  	[sflag:s3] =	ssyncset.done $0x0  }
0x66: {  	[sflag:s3] =	ssyncadd.s32 $0xFFFFE000  }
0x67: {  	[tilespmem:s5], [sflag:$0x3] =	stream.linear.gather [hbm4b:s10+s0], $0x80, $0x38;
	[tilespmem:$0x18200] =	vst v63  }
0x68: {  	_ =	swait.ge [sflag:s3], $0x80  }
0x69: {  	[sflag:s3] =	ssyncset.done $0x0  }
0x6a: {  	[sflag:s3] =	ssyncadd.s32 $0xFFFFFF80  }
0x6b: {  	[spmem:s21] =	stream.indirect.scatter [tilespmem:s1], [sflag:$0x3], $0x40, s5, s22, $0xb8;
	[tilespmem:$0x18200] =	vst v63  }
0x6c: {  	_ =	swait.ge [sflag:s3], $0x2000  }
0x6d: {  	[sflag:s3] =	ssyncset.done $0x0  }
0x6e: {  	s16 =	rddreg [dreg:$0x9];
	[sflag:s3] =	ssyncadd.s32 $0xFFFFE000  }
0x6f: {  	[tilespmem:s7], [sflag:$0x3] =	stream.strided.gather [hbm4b:s16+s31], $0x2000, s22, s31, $0x38;
	[tilespmem:$0x18200] =	vst v63  }
0x70: {  	_ =	swait.ge [sflag:s3], $0x2000  }
0x71: {  	[sflag:s3] =	ssyncset.done $0x0  }
0x72: {  	[sflag:s3] =	ssyncadd.s32 $0xFFFFE000  }
0x73: {  	[spmem:s23] =	stream.indirect.scatter [tilespmem:s7], [sflag:$0x3], $0x40, s5, s22, $0xb8;
	[tilespmem:$0x18200] =	vst v63  }
0x74: {  	_ =	swait.ge [sflag:s3], $0x2000  }
0x75: {  	[sflag:s3] =	ssyncset.done $0x0  }
0x76: {  	[sflag:s3] =	ssyncadd.s32 $0xFFFFE000  }
0x77: {  	[bflag:$0x0] =	sbarrier.arrive $0xFFFF  }
0x78: {  	s15 =	rddreg [dreg:$0xa]  }
0x79: {  	[tilespmem:s0], [sflag:$0x3] =	stream.linear.gather [hbm4b:s15+s0], $0x80, $0x38;
	[tilespmem:$0x18200] =	vst v63  }
0x7a: {  	_ =	swait.ge [sflag:s3], $0x80  }
0x7b: {  	[sflag:s3] =	ssyncset.done $0x0  }
0x7c: {  	s16 =	rddreg [dreg:$0xb];
	[sflag:s3] =	ssyncadd.s32 $0xFFFFFF80  }
0x7d: {  	[tilespmem:s22], [sflag:$0x3] =	stream.linear.gather [hbm4b:s16+s0], $0x80, $0x38;
	[tilespmem:$0x18200] =	vst v63  }
0x7e: {  	_ =	swait.ge [sflag:s3], $0x80  }
0x7f: {  	[sflag:s3] =	ssyncset.done $0x0  }
0x80: {  	[sflag:s3] =	ssyncadd.s32 $0xFFFFFF80  }
0x81: {  	[tilespmem:s1], [sflag:$0x3] =	stream.indirect.gather [spmem:s23], $0x40, s0, s22, $0xb8;
	[tilespmem:$0x18200] =	vst v63  }
0x82: {  	_ =	swait.ge [sflag:s3], $0x2000  }
0x83: {  	[sflag:s3] =	ssyncset.done $0x0  }
0x84: {  	[sflag:s3] =	ssyncadd.s32 $0xFFFFE000  }
0x85: {  	[spmem:s21] =	stream.indirect.scatter.add.f32 [tilespmem:s1], [sflag:$0x1], $0x40, s22, s22, $0xb8;
	[tilespmem:$0x18200] =	vst v63  }
0x86: {  	_ = 	snop  }
0x87: {  	[tilespmem:s0], [sflag:$0x3] =	stream.linear.gather [hbm4b:s19+s0], $0x80, $0x38;
	[tilespmem:$0x18200] =	vst v63  }
0x88: {  	_ =	swait.ge [sflag:s3], $0x80  }
0x89: {  	[sflag:s3] =	ssyncset.done $0x0  }
0x8a: {  	[sflag:s3] =	ssyncadd.s32 $0xFFFFFF80  }
0x8b: {  	[tilespmem:s9], [sflag:$0x3] =	stream.linear.gather [hbm4b:s20+s0], $0x80, $0x38;
	[tilespmem:$0x18200] =	vst v63  }
0x8c: {  	_ =	swait.ge [sflag:s3], $0x80  }
0x8d: {  	[sflag:s3] =	ssyncset.done $0x0  }
0x8e: {  	[sflag:s3] =	ssyncadd.s32 $0xFFFFFF80  }
0x8f: {  	[tilespmem:s7], [sflag:$0x3] =	stream.indirect.gather [spmem:s23], $0x40, s0, s22, $0xb8;
	[tilespmem:$0x18200] =	vst v63  }
0x90: {  	_ =	swait.ge [sflag:s3], $0x2000  }
0x91: {  	[sflag:s3] =	ssyncset.done $0x0  }
0x92: {  	[sflag:s3] =	ssyncadd.s32 $0xFFFFE000  }
0x93: {  	[spmem:s21] =	stream.indirect.scatter.add.f32 [tilespmem:s7], [sflag:$0x2], $0x40, s9, s22, $0xb8;
	[tilespmem:$0x18200] =	vst v63  }
0x94: {  	_ =	swait.ge [sflag:s11], $0x2000  }
0x95: {  	[sflag:s11] =	ssyncset.done $0x0  }
0x96: {  	s15 =	sadd.s32 $0x0, s24;
	[sflag:s11] =	ssyncadd.s32 $0xFFFFE000  }
0x97: {  	[tilespmem:s0], [sflag:$0x3] =	stream.linear.gather [hbm4b:s15+s0], $0x80, $0x38;
	[tilespmem:$0x18200] =	vst v63  }
0x98: {  	_ =	swait.ge [sflag:s3], $0x80  }
0x99: {  	[sflag:s3] =	ssyncset.done $0x0  }
0x9a: {  	s16 =	sadd.s32 $0x0, s25;
	[sflag:s3] =	ssyncadd.s32 $0xFFFFFF80  }
0x9b: {  	[tilespmem:s22], [sflag:$0x3] =	stream.linear.gather [hbm4b:s16+s0], $0x80, $0x38;
	[tilespmem:$0x18200] =	vst v63  }
0x9c: {  	_ =	swait.ge [sflag:s3], $0x80  }
0x9d: {  	[sflag:s3] =	ssyncset.done $0x0  }
0x9e: {  	[sflag:s3] =	ssyncadd.s32 $0xFFFFFF80  }
0x9f: {  	[tilespmem:s1], [sflag:$0x3] =	stream.indirect.gather [spmem:s23], $0x40, s0, s22, $0xb8;
	[tilespmem:$0x18200] =	vst v63  }
0xa0: {  	_ =	swait.ge [sflag:s3], $0x2000  }
0xa1: {  	[sflag:s3] =	ssyncset.done $0x0  }
0xa2: {  	[sflag:s3] =	ssyncadd.s32 $0xFFFFE000  }
0xa3: {  	[spmem:s21] =	stream.indirect.scatter.add.f32 [tilespmem:s1], [sflag:$0x1], $0x40, s22, s22, $0xb8;
	[tilespmem:$0x18200] =	vst v63  }
0xa4: {  	_ =	swait.ge [sflag:s12], $0x2000  }
0xa5: {  	[sflag:s12] =	ssyncset.done $0x0  }
0xa6: {  	s15 =	sadd.s32 $0x0, s29;
	[sflag:s12] =	ssyncadd.s32 $0xFFFFE000  }
0xa7: {  	[tilespmem:s0], [sflag:$0x3] =	stream.linear.gather [hbm4b:s15+s0], $0x80, $0x38;
	[tilespmem:$0x18200] =	vst v63  }
0xa8: {  	_ =	swait.ge [sflag:s3], $0x80  }
0xa9: {  	[sflag:s3] =	ssyncset.done $0x0  }
0xaa: {  	s16 =	sadd.s32 $0x0, s30;
	[sflag:s3] =	ssyncadd.s32 $0xFFFFFF80  }
0xab: {  	[tilespmem:s9], [sflag:$0x3] =	stream.linear.gather [hbm4b:s16+s0], $0x80, $0x38;
	[tilespmem:$0x18200] =	vst v63  }
0xac: {  	_ =	swait.ge [sflag:s3], $0x80  }
0xad: {  	[sflag:s3] =	ssyncset.done $0x0  }
0xae: {  	[sflag:s3] =	ssyncadd.s32 $0xFFFFFF80  }
0xaf: {  	[tilespmem:s7], [sflag:$0x3] =	stream.indirect.gather [spmem:s23], $0x40, s0, s22, $0xb8;
	[tilespmem:$0x18200] =	vst v63  }
0xb0: {  	_ =	swait.ge [sflag:s3], $0x2000  }
0xb1: {  	[sflag:s3] =	ssyncset.done $0x0  }
0xb2: {  	s14 =	simm.s32 $0x20;
	[sflag:s3] =	ssyncadd.s32 $0xFFFFE000  }
.LBB2_2:
0xb3: {  	[spmem:s21] =	stream.indirect.scatter.add.f32 [tilespmem:s7], [sflag:$0x2], $0x40, s9, s22, $0xb8;
	[tilespmem:$0x18200] =	vst v63  }
0xb4: {  	s15 =	smov.u32 s14  }
0xb5: {  	p0 =	sne.s32 s14, $0x4C0;
	s14 =	sadd.s32 $0x20, s14;
	_ =	swait.ge [sflag:s11], $0x2000  }
0xb6: {  	[sflag:s11] =	ssyncset.done $0x0  }
0xb7: {  	s16 =	sadd.s32 s15, s24;
	[sflag:s11] =	ssyncadd.s32 $0xFFFFE000  }
0xb8: {  	[tilespmem:s0], [sflag:$0x3] =	stream.linear.gather [hbm4b:s16+s0], $0x80, $0x38;
	[tilespmem:$0x18200] =	vst v63  }
0xb9: {  	_ =	swait.ge [sflag:s3], $0x80  }
0xba: {  	[sflag:s3] =	ssyncset.done $0x0  }
0xbb: {  	s16 =	sadd.s32 s15, s25;
	[sflag:s3] =	ssyncadd.s32 $0xFFFFFF80  }
0xbc: {  	[tilespmem:s22], [sflag:$0x3] =	stream.linear.gather [hbm4b:s16+s0], $0x80, $0x38;
	[tilespmem:$0x18200] =	vst v63  }
0xbd: {  	_ =	swait.ge [sflag:s3], $0x80  }
0xbe: {  	[sflag:s3] =	ssyncset.done $0x0  }
0xbf: {  	[sflag:s3] =	ssyncadd.s32 $0xFFFFFF80  }
0xc0: {  	[tilespmem:s1], [sflag:$0x3] =	stream.indirect.gather [spmem:s23], $0x40, s0, s22, $0xb8;
	[tilespmem:$0x18200] =	vst v63  }
0xc1: {  	_ =	swait.ge [sflag:s3], $0x2000  }
0xc2: {  	[sflag:s3] =	ssyncset.done $0x0  }
0xc3: {  	[sflag:s3] =	ssyncadd.s32 $0xFFFFE000  }
0xc4: {  	[spmem:s21] =	stream.indirect.scatter.add.f32 [tilespmem:s1], [sflag:$0x1], $0x40, s22, s22, $0xb8;
	[tilespmem:$0x18200] =	vst v63  }
0xc5: {  	_ =	swait.ge [sflag:s12], $0x2000  }
0xc6: {  	[sflag:s12] =	ssyncset.done $0x0  }
0xc7: {  	s16 =	sadd.s32 s15, s29;
	[sflag:s12] =	ssyncadd.s32 $0xFFFFE000  }
0xc8: {  	[tilespmem:s0], [sflag:$0x3] =	stream.linear.gather [hbm4b:s16+s0], $0x80, $0x38;
	[tilespmem:$0x18200] =	vst v63  }
0xc9: {  	_ =	swait.ge [sflag:s3], $0x80  }
0xca: {  	[sflag:s3] =	ssyncset.done $0x0  }
0xcb: {  	s15 =	sadd.s32 s15, s30;
	[sflag:s3] =	ssyncadd.s32 $0xFFFFFF80  }
0xcc: {  	[tilespmem:s9], [sflag:$0x3] =	stream.linear.gather [hbm4b:s15+s0], $0x80, $0x38;
	[tilespmem:$0x18200] =	vst v63  }
0xcd: {  	_ =	swait.ge [sflag:s3], $0x80  }
0xce: {  	[sflag:s3] =	ssyncset.done $0x0  }
.Ltmp0:
0xcf: {  	[sflag:s3] =	ssyncadd.s32 $0xFFFFFF80;
	(pc) =	sbr.rel @p0 .LBB2_2-.Ltmp0, $4  }
0xd0: {  	[tilespmem:s7], [sflag:$0x3] =	stream.indirect.gather [spmem:s23], $0x40, s0, s22, $0xb8;
	[tilespmem:$0x18200] =	vst v63  }
0xd1: {  	_ =	swait.ge [sflag:s3], $0x2000  }
0xd2: {  	[sflag:s3] =	ssyncset.done $0x0  }
0xd3: {  	[sflag:s3] =	ssyncadd.s32 $0xFFFFE000  }
0xd4: {  	[spmem:s21] =	stream.indirect.scatter.add.f32 [tilespmem:s7], [sflag:$0x2], $0x40, s9, s22, $0xb8;
	[tilespmem:$0x18200] =	vst v63  }
0xd5: {  	_ =	swait.ge [sflag:s11], $0x2000  }
0xd6: {  	[sflag:s11] =	ssyncset.done $0x0  }
0xd7: {  	[sflag:s11] =	ssyncadd.s32 $0xFFFFE000  }
0xd8: {  	_ =	swait.ge [sflag:s12], $0x2000  }
0xd9: {  	[sflag:s12] =	ssyncset.done $0x0  }
0xda: {  	[sflag:s12] =	ssyncadd.s32 $0xFFFFE000  }
0xdb: {  	[bflag:$0x0] =	sbarrier.arrive $0xFFFF  }
0xdc: {  	[tilespmem:s5], [sflag:$0x3] =	stream.linear.gather [hbm4b:s2+s0], $0x80, $0x38;
	[tilespmem:$0x18200] =	vst v63  }
0xdd: {  	_ =	swait.ge [sflag:s3], $0x80  }
0xde: {  	[sflag:s3] =	ssyncset.done $0x0  }
0xdf: {  	[sflag:s3] =	ssyncadd.s32 $0xFFFFFF80  }
0xe0: {  	[tilespmem:s1], [sflag:$0x3] =	stream.indirect.gather [spmem:s21], $0x40, s5, s22, $0xb8;
	[tilespmem:$0x18200] =	vst v63  }
0xe1: {  	_ =	swait.ge [sflag:s3], $0x2000  }
0xe2: {  	[sflag:s3] =	ssyncset.done $0x0  }
0xe3: {  	s14 =	rddreg [dreg:$0xc];
	[sflag:s3] =	ssyncadd.s32 $0xFFFFE000  }
0xe4: {  	[hbm4b:s14+s31] =	stream.strided.scatter [tilespmem:s1], [sflag:$0x3], $0x2000, s22, s31, $0x38;
	[tilespmem:$0x18200] =	vst v63  }
0xe5: {  	_ =	swait.ge [sflag:s3], $0x2000  }
0xe6: {  	[sflag:s3] =	ssyncset.done $0x0  }
0xe7: {  	[sflag:s3] =	ssyncadd.s32 $0xFFFFE000  }
0xe8: {  	[tilespmem:s5], [sflag:$0x3] =	stream.linear.gather [hbm4b:s4+s0], $0x80, $0x38;
	[tilespmem:$0x18200] =	vst v63  }
0xe9: {  	_ =	swait.ge [sflag:s3], $0x80  }
0xea: {  	[sflag:s3] =	ssyncset.done $0x0  }
0xeb: {  	[sflag:s3] =	ssyncadd.s32 $0xFFFFFF80  }
0xec: {  	[tilespmem:s1], [sflag:$0x3] =	stream.indirect.gather [spmem:s21], $0x40, s5, s22, $0xb8;
	[tilespmem:$0x18200] =	vst v63  }
0xed: {  	_ =	swait.ge [sflag:s3], $0x2000  }
0xee: {  	[sflag:s3] =	ssyncset.done $0x0  }
0xef: {  	s15 =	rddreg [dreg:$0xd];
	[sflag:s3] =	ssyncadd.s32 $0xFFFFE000  }
0xf0: {  	[hbm4b:s15+s31] =	stream.strided.scatter [tilespmem:s1], [sflag:$0x3], $0x2000, s22, s31, $0x38;
	[tilespmem:$0x18200] =	vst v63  }
0xf1: {  	_ =	swait.ge [sflag:s3], $0x2000  }
0xf2: {  	[sflag:s3] =	ssyncset.done $0x0  }
0xf3: {  	[sflag:s3] =	ssyncadd.s32 $0xFFFFE000  }
0xf4: {  	[tilespmem:s5], [sflag:$0x3] =	stream.linear.gather [hbm4b:s6+s0], $0x80, $0x38;
	[tilespmem:$0x18200] =	vst v63  }
0xf5: {  	_ =	swait.ge [sflag:s3], $0x80  }
0xf6: {  	[sflag:s3] =	ssyncset.done $0x0  }
0xf7: {  	[sflag:s3] =	ssyncadd.s32 $0xFFFFFF80  }
0xf8: {  	[tilespmem:s1], [sflag:$0x3] =	stream.indirect.gather [spmem:s21], $0x40, s5, s22, $0xb8;
	[tilespmem:$0x18200] =	vst v63  }
0xf9: {  	_ =	swait.ge [sflag:s3], $0x2000  }
0xfa: {  	[sflag:s3] =	ssyncset.done $0x0  }
0xfb: {  	s16 =	rddreg [dreg:$0xe];
	[sflag:s3] =	ssyncadd.s32 $0xFFFFE000  }
0xfc: {  	[hbm4b:s16+s31] =	stream.strided.scatter [tilespmem:s1], [sflag:$0x3], $0x2000, s22, s31, $0x38;
	[tilespmem:$0x18200] =	vst v63  }
0xfd: {  	_ =	swait.ge [sflag:s3], $0x2000  }
0xfe: {  	[sflag:s3] =	ssyncset.done $0x0  }
0xff: {  	[sflag:s3] =	ssyncadd.s32 $0xFFFFE000  }
0x100: {  	[tilespmem:s5], [sflag:$0x3] =	stream.linear.gather [hbm4b:s8+s0], $0x80, $0x38;
	[tilespmem:$0x18200] =	vst v63  }
0x101: {  	_ =	swait.ge [sflag:s3], $0x80  }
0x102: {  	[sflag:s3] =	ssyncset.done $0x0  }
0x103: {  	[sflag:s3] =	ssyncadd.s32 $0xFFFFFF80  }
0x104: {  	[tilespmem:s1], [sflag:$0x3] =	stream.indirect.gather [spmem:s21], $0x40, s5, s22, $0xb8;
	[tilespmem:$0x18200] =	vst v63  }
0x105: {  	_ =	swait.ge [sflag:s3], $0x2000  }
0x106: {  	[sflag:s3] =	ssyncset.done $0x0  }
0x107: {  	[sflag:s3] =	ssyncadd.s32 $0xFFFFE000  }
0x108: {  	[hbm4b:s17+s31] =	stream.strided.scatter [tilespmem:s1], [sflag:$0x3], $0x2000, s22, s31, $0x38;
	[tilespmem:$0x18200] =	vst v63  }
0x109: {  	_ =	swait.ge [sflag:s3], $0x2000  }
0x10a: {  	[sflag:s3] =	ssyncset.done $0x0  }
0x10b: {  	[sflag:s3] =	ssyncadd.s32 $0xFFFFE000  }
0x10c: {  	[tilespmem:s5], [sflag:$0x3] =	stream.linear.gather [hbm4b:s10+s0], $0x80, $0x38;
	[tilespmem:$0x18200] =	vst v63  }
0x10d: {  	_ =	swait.ge [sflag:s3], $0x80  }
0x10e: {  	[sflag:s3] =	ssyncset.done $0x0  }
0x10f: {  	[sflag:s3] =	ssyncadd.s32 $0xFFFFFF80  }
0x110: {  	[tilespmem:s1], [sflag:$0x3] =	stream.indirect.gather [spmem:s21], $0x40, s5, s22, $0xb8;
	[tilespmem:$0x18200] =	vst v63  }
0x111: {  	s13 =	sadd.s32 $0x1, s13;
	_ =	swait.ge [sflag:s3], $0x2000  }
0x112: {  	p0 =	sne.s32 s13, s28;
	[sflag:s3] =	ssyncset.done $0x0  }
.Ltmp1:
0x113: {  	[sflag:s3] =	ssyncadd.s32 $0xFFFFE000;
	(pc) =	sbr.rel @p0 .LBB2_1-.Ltmp1, $4  }
0x114: {  	[hbm4b:s18+s31] =	stream.strided.scatter [tilespmem:s1], [sflag:$0x3], $0x2000, s22, s31, $0x38;
	[tilespmem:$0x18200] =	vst v63  }
0x115: {  	_ =	swait.ge [sflag:s3], $0x2000  }
0x116: {  	[sflag:s3] =	ssyncset.done $0x0  }
0x117: {  	[sflag:s3] =	ssyncadd.s32 $0xFFFFE000  }
0x118: {  	_ =	sfence.sel $0x180000  }
0x119: {  	[bflag:$0x0] =	sbarrier.arrive $0xFFFF  }
0x11a: {  	_ =	strace $0x9000004D  }
0x11b: {  	s0 =	stileid.u32;
	[bflag:$0x2] =	sbarrier.arrive $0xFFFF  }
0x11c: {  	p0 =	sne.s32 s0, $0x0;
	s0 =	rddreg [dreg:$0x4]  }
0x11d: {  	s0 =	sadd.s32 @!p0 $0x100000, s0  }
0x11e: {  	[sflag:s0] =	ssyncadd.tile.s32 @!p0 $0x1;
	_ =	shalt  }
.Lfunc_end2:
_tile_overlayer_lowered:
.L_overlay_start_2:
0x11f: {  	(tag) =	ssettag $0x2  }
0x120: {  	s0 =	rddreg [dreg:$0x0];
	s2 =	stileid.u32  }
0x121: {  	s1 =	rddreg [dreg:$0x1];
	p0 =	sne.s32 s2, $0x0  }
0x122: {  	s3 =	rddreg [dreg:$0x2];
	[bflag:$0x3] =	sbarrier.arrive $0xFFFF;
	s2 =	simm.s32 @!p0 $0x1C03  }
0x123: {  	[timem:s3], [sflag:s2] =	dma.local @!p0 [hbm:s0], s1  }
0x124: {  	s0 =	simm.s32 @!p0 $0x3  }
0x125: {  	_ =	swait.ge @!p0 [sflag:s0], s1  }
0x126: {  	s1 =	ssub.s32 @!p0 $0x0, s1;
	[sflag:s0] =	ssyncset.done @!p0 $0x0  }
0x127: {  	[sflag:s0] =	ssyncadd.s32 @!p0 s1  }
0x128: {  	[bflag:$0x3] =	sbarrier.arrive $0xFFFF  }
0x129: {  	_ =	shalt  }

// kernel: kernel.21.cloned.1.call-start
scs
__scs_entry_jumppad:
0x0: {  	(pc) =	sbr.rel $0x88, $3  }
0x1: {  	(tag) =	ssettag $0x0;
	lr =	simm.s32 $0x1  }
0x2: {  	[smem:$0x3F97] =	sst lr;
	_ =	strace $0xD0000000  }
0x3: {  	_ = 	snop  }
0x4: {  	_ = 	snop  }
0x5: {  	_ = 	snop  }
0x6: {  	_ = 	snop  }
0x7: {  	_ = 	snop  }
__scs_overlays_trampoline_lowered:
0x8: {  	[smem:$0x3FA6] =	sst s0  }
0x9: {  	[smem:$0x3FA7] =	sst s1  }
0xa: {  	[smem:$0x3FA8] =	sst s2  }
0xb: {  	[smem:$0x3FA9] =	sst s3  }
0xc: {  	[smem:$0x3FAA] =	sst s4  }
0xd: {  	[smem:$0x3FAB] =	sst s5  }
0xe: {  	[smem:$0x3FAC] =	sst s6  }
0xf: {  	[smem:$0x3FAD] =	sst s7  }
0x10: {  	[smem:$0x3FAE] =	sst s8  }
0x11: {  	[smem:$0x3FAF] =	sst s9;
	s0 =	simm.s32 @!p0 $0x0  }
0x12: {  	s1 =	sld [smem:$0x3F95];
	s0 =	simm.s32 @p0 $0x1  }
0x13: {  	[smem:$0x3FB0] =	sst s0;
	s0 =	simm.s32 @!p1 $0x0  }
0x14: {  	s2 =	sld [smem:$0x3F94];
	s0 =	simm.s32 @p1 $0x1  }
0x15: {  	[smem:$0x3FB1] =	sst s0;
	s0 =	simm.s32 @!p2 $0x0  }
0x16: {  	s3 =	sld [smem:$0x3FDB];
	s0 =	simm.s32 @p2 $0x1  }
0x17: {  	s4 =	simm.s32 $0x1BF5;
	[smem:$0x3FB3] =	sst s0  }
0x18: {  	s0 =	sld [smem:$0x3F96];
	_ =	swait.ge [sflag:s4], $0x0  }
0x19: {  	s7 =	sld [smem:$0x3F97]  }
0x1a: {  	s8 =	sadd.s32 $0xFFFFE003, lr  }
0x1b: {  	s9 =	sadd.s32 $0xFFFFFEF7, lr;
	s5 =	simm.s32 $0xFFFFFFFF;
	p2 =	slt.u32 s8, $0xFFFFF086  }
0x1c: {  	p1 =	slt.u32 s9, $0xF7A;
	s5 =	simm.s32 @!p2 $0x0  }
0x1d: {  	s5 =	simm.s32 @p1 $0x1;
	p0 =	seq.s32 s7, s2  }
0x1e: {  	s7 =	smul.u32 @!p0 $0xF7A, s2;
	p2 =	seq.s32 @!p0 s5, $0x0  }
0x1f: {  	s9 =	smul.u32 $0xF7A, s1;
	s8 =	simm.s32 @!p0 $0x1BF5;
	p2 =	por !p2, p0  }
0x20: {  	[sflag:s8] =	ssyncset.s32 @!p0 $0xFFFFF086;
	s6 =	sadd.s32 @!p0 s3, s7;
	s7 =	simm.s32 @!p0 $0x108  }
0x21: {  	s3 =	sadd.s32 s3, s9;
	s6 =	sadd.s32 @!p0 $0x88, s6;
	s7 =	simm.s32 @p2 $0x1082  }
0x22: {  	[simem:s7], [sflag:s8] =	dma.local @!p0 [hbm:s6], $0xF7A  }
0x23: {  	s9 =	sor.u32 $0xD0000000, s2;
	s6 =	simm.s32 $0x108;
	_ =	swait.ge @!p0 [sflag:s8], $0x0  }
0x24: {  	s3 =	sadd.s32 $0x88, s3;
	s6 =	simm.s32 @!p1 $0x1082;
	[sflag:s4] =	ssyncset.s32 $0xFFFFF086  }
0x25: {  	[simem:s6], [sflag:s4] =	dma.local [hbm:s3], $0xF7A  }
0x26: {  	[smem:$0x3F97] =	sst s1;
	(tag) =	ssettag s2;
	_ =	strace s9  }
0x27: {  	s1 =	sld [smem:$0x3FA7]  }
0x28: {  	s2 =	sld [smem:$0x3FA8]  }
0x29: {  	s4 =	sld [smem:$0x3FAA]  }
0x2a: {  	p0 =	seq.s32 s5, $0x0;
	s5 =	sld [smem:$0x3FAB]  }
0x2b: {  	s6 =	sld [smem:$0x3FAC]  }
0x2c: {  	s7 =	sld [smem:$0x3FAD]  }
0x2d: {  	s3 =	simm.s32 $0x108;
	s8 =	sld [smem:$0x3FAE]  }
0x2e: {  	s3 =	simm.s32 @!p0 $0x1082;
	s9 =	sld [smem:$0x3FAF]  }
0x2f: {  	lr =	sadd.s32 s0, s3;
	s0 =	sld [smem:$0x3FA6]  }
0x30: {  	s3 =	sld [smem:$0x3FA9]  }
0x31: {  	[smem:$0x3FB2] =	sst s10  }
0x32: {  	s10 =	sld [smem:$0x3FB0];
	_ =	sdelay $0x3  }
0x33: {  	p0 =	seq.s32 s10, $0x1;
	s10 =	sld [smem:$0x3FB2];
	_ =	sdelay $0x3  }
0x34: {  	[smem:$0x3FB2] =	sst s10  }
0x35: {  	s10 =	sld [smem:$0x3FB1];
	_ =	sdelay $0x3  }
0x36: {  	p1 =	seq.s32 s10, $0x1;
	s10 =	sld [smem:$0x3FB2];
	_ =	sdelay $0x3  }
0x37: {  	[smem:$0x3FB2] =	sst s10  }
0x38: {  	s10 =	sld [smem:$0x3FB3]  }
0x39: {  	_ = 	snop;
	(pc) =	sbr.ind lr, $3  }
0x3a: {  	_ = 	snop  }
0x3b: {  	_ = 	snop  }
0x3c: {  	p2 =	seq.s32 s10, $0x1;
	s10 =	sld [smem:$0x3FB2]  }
0x3d: {  	_ =	shalt  }
0x3e: {  	_ =	shalt  }
0x3f: {  	_ =	shalt  }
0x40: {  	_ =	shalt  }
0x41: {  	_ =	shalt  }
0x42: {  	_ =	shalt  }
0x43: {  	_ =	shalt  }
0x44: {  	_ =	shalt  }
0x45: {  	_ =	shalt  }
0x46: {  	_ =	shalt  }
0x47: {  	_ =	shalt  }
0x48: {  	_ =	shalt  }
0x49: {  	_ =	shalt  }
0x4a: {  	_ =	shalt  }
0x4b: {  	_ =	shalt  }
0x4c: {  	_ =	shalt  }
0x4d: {  	_ =	shalt  }
0x4e: {  	_ =	shalt  }
0x4f: {  	_ =	shalt  }
0x50: {  	_ =	shalt  }
0x51: {  	_ =	shalt  }
0x52: {  	_ =	shalt  }
0x53: {  	_ =	shalt  }
0x54: {  	_ =	shalt  }
0x55: {  	_ =	shalt  }
0x56: {  	_ =	shalt  }
0x57: {  	_ =	shalt  }
0x58: {  	_ =	shalt  }
0x59: {  	_ =	shalt  }
0x5a: {  	_ =	shalt  }
0x5b: {  	_ =	shalt  }
0x5c: {  	_ =	shalt  }
0x5d: {  	_ =	shalt  }
0x5e: {  	_ =	shalt  }
0x5f: {  	_ =	shalt  }
0x60: {  	_ =	shalt  }
0x61: {  	_ =	shalt  }
0x62: {  	_ =	shalt  }
0x63: {  	_ =	shalt  }
0x64: {  	_ =	shalt  }
0x65: {  	_ =	shalt  }
0x66: {  	_ =	shalt  }
0x67: {  	_ =	shalt  }
0x68: {  	_ =	shalt  }
0x69: {  	_ =	shalt  }
0x6a: {  	_ =	shalt  }
0x6b: {  	_ =	shalt  }
0x6c: {  	_ =	shalt  }
0x6d: {  	_ =	shalt  }
0x6e: {  	_ =	shalt  }
0x6f: {  	_ =	shalt  }
0x70: {  	_ =	shalt  }
0x71: {  	_ =	shalt  }
0x72: {  	_ =	shalt  }
0x73: {  	_ =	shalt  }
0x74: {  	_ =	shalt  }
0x75: {  	_ =	shalt  }
0x76: {  	_ =	shalt  }
0x77: {  	_ =	shalt  }
0x78: {  	_ =	shalt  }
0x79: {  	_ =	shalt  }
0x7a: {  	_ =	shalt  }
0x7b: {  	_ =	shalt  }
0x7c: {  	_ =	shalt  }
0x7d: {  	_ =	shalt  }
0x7e: {  	_ =	shalt  }
0x7f: {  	_ =	shalt  }
0x80: {  	_ =	shalt  }
0x81: {  	_ =	shalt  }
0x82: {  	_ =	shalt  }
0x83: {  	_ =	shalt  }
0x84: {  	_ =	shalt  }
0x85: {  	_ =	shalt  }
0x86: {  	_ =	shalt  }
0x87: {  	_ =	shalt  }
.Lfunc_end0:
.L_simem_size_0:
called_computation.3_lowered:
.L_overlay_start_0:
0x88: {  	s2 =	sld [smem:$0x3FD9]  }
0x89: {  	s3 =	sld [smem:$0x3FFE];
	_ =	sdelay $0x1  }
0x8a: {  	s1 =	srdreg.scid  }
0x8b: {  	s0 =	sand.u32 $0x1, s1  }
0x8c: {  	s17 =	sshll.u32 s0, $0xA;
	s2 =	sadd.s32 s3, s2  }
0x8d: {  	s2 =	sadd.s32 s2, s17  }
0x8e: {  	[smem:$0x3FBE] =	sst s2  }
0x8f: {  	_ = 	snop  }
0x90: {  	s2 =	sld [smem:$0x3FD0];
	(tm) =	ssettm $0x1  }
0x91: {  	s18 =	sld [smem:$0x3FFB];
	_ =	sdelay $0x3  }
0x92: {  	_ =	strace s18  }
0x93: {  	s3 =	sld [smem:$0x3FFC];
	_ =	sdelay $0x3  }
0x94: {  	_ =	strace s3  }
0x95: {  	s3 =	sld [smem:$0x3FFD];
	_ =	sdelay $0x3  }
0x96: {  	_ =	strace s3  }
0x97: {  	_ =	strace $0x8FFFFFFF  }
0x98: {  	s19 =	sld [smem:$0x3FDB];
	_ =	sdelay $0x1  }
0x99: {  	s4 =	simm.s32 $_scs_section_size  }
0x9a: {  	s5 =	simm.s32 $_size__tile_overlayer_lowered;
	s6 =	simm.s32 $_tile_overlayer_lowered  }
0x9b: {  	s22 =	simm.s32 $0x1BFF;
	s21 =	sshll.u32 s6, $0x1;
	s3 =	sadd.s32 s4, s19  }
0x9c: {  	s7 =	simm.s32 $0x0;
	s20 =	sshll.u32 s5, $0x1;
	s5 =	sadd.s32 s21, s3  }
0x9d: {  	[timem:s7], [sflag:s22] =	dma.local [hbm:s5], s20  }
0x9e: {  	_ =	swait.ge [sflag:s22], s20  }
0x9f: {  	s4 =	ssub.s32 $0x0, s20;
	[sflag:s22] =	ssyncset.done $0x0  }
0xa0: {  	[sflag:s22] =	ssyncadd.s32 s4;
	_ =	sdelay $0x1  }
0xa1: {  	s23 =	simm.s32 $0x1B8B  }
0xa2: {  	_ =	swait.ge [sflag:s23], $0x1  }
0xa3: {  	[sflag:s23] =	ssyncset.done $0x0  }
0xa4: {  	s25 =	simm.s32 $0x1B8E;
	s24 =	sld [smem:$0x3FFE];
	[sflag:s23] =	ssyncadd.s32 $0xFFFFFFFF  }
0xa5: {  	s26 =	simm.s32 $execute0_lowered;
	[smem:$0x3FD2] =	sst s25  }
0xa6: {  	s5 =	sshll.u32 s26, $0x1;
	_ =	strace $0x8000004F;
	[dreg:$0x1] =	wrdreg $0xFFFFFFFF  }
0xa7: {  	s28 =	simm.s32 $_size_execute0_lowered;
	s3 =	sadd.s32 s3, s5;
	[dreg:$0x0] =	wrdreg $0x0  }
0xa8: {  	s5 =	sshll.u32 s28, $0x1;
	[dreg:$0x2] =	wrdreg s3  }
0xa9: {  	[dreg:$0x3] =	wrdreg s5  }
0xaa: {  	[dreg:$0x4] =	wrdreg $0xC0  }
0xab: {  	_ =	task [dreg:s7], $0x5FFFF  }
0xac: {  	[dreg:$0x1] =	wrdreg $0xFFFFFFFF  }
0xad: {  	[dreg:$0x0] =	wrdreg $0x60  }
0xae: {  	[dreg:$0x2] =	wrdreg s24  }
0xaf: {  	[dreg:$0x3] =	wrdreg s2  }
0xb0: {  	[dreg:$0x4] =	wrdreg $0xE2000  }
0xb1: {  	[dreg:$0x5] =	wrdreg $0x42000  }
0xb2: {  	[dreg:$0x6] =	wrdreg $0x9  }
0xb3: {  	_ =	task.clear_ibuf [dreg:s7], $0x7FFFF;
	_ =	strace $0x9000004F  }
0xb4: {  	s29 =	simm.s32 $0x9;
	_ =	strace $0x80000051  }
0xb5: {  	_ =	swait.ge [sflag:s29], $0x1  }
0xb6: {  	[sflag:s29] =	ssyncadd.s32 $0xFFFFFFFF  }
0xb7: {  	_ =	strace $0x90000051  }
0xb8: {  	_ =	sfence  }
0xb9: {  	s30 =	sld [smem:$0x0];
	_ =	sdelay $0x2  }
0xba: {  	s31 =	sshll.u32 s1, $0xD;
	s1 =	sshrl.u32 s1, $0x2  }
0xbb: {  	s3 =	sand.u32 $0x4000, s31;
	s1 =	sadd.s32 s1, s30  }
0xbc: {  	s0 =	sor.u32 s3, s0;
	s1 =	sshll.u32 s1, $0x11  }
0xbd: {  	s0 =	sor.u32 s1, s0  }
0xbe: {  	s0 =	sadd.s32 $0x8F2B, s0  }
0xbf: {  	[sflag:s0] =	ssyncadd.remote.s32 $0x1  }
0xc0: {  	_ =	sfence.sel $0xFFFF  }
0xc1: {  	[dreg:$0x0] =	wrdreg $0xFFFFFFFF;
	(pc) =	sbr.abs _section_cstart, $3  }
0xc2: {  	[dreg:$0x1] =	wrdreg $0xFFFFFFFF  }
0xc3: {  	_ =	task.clear_ibuf [dreg:s7], $0x2FFFF;
	_ =	strace $0x9FFFFFFF  }
0xc4: {  	(tm) =	ssettm $0x7FFFFFFF  }
0xc5: {  	_ =	shalt  }
tec
execute0_lowered:
.L_overlay_start_1:
0x0: {  	(tag) =	ssettag $0x1  }
0x1: {  	s1 =	rddreg [dreg:$0x0]  }
0x2: {  	s3 =	rddreg [dreg:$0x1];
	s0 =	simm.s32 $0x0  }
0x3: {  	s2 =	srdreg.scid;
	s21 =	stileid.u32;
	s31 =	simm.s32 $0x40  }
0x4: {  	[smem:$0x7FF] =	sst s0;
	s7 =	sadd.s32 $0xFE00, s1;
	s5 =	sadd.s32 $0x5800, s1  }
0x5: {  	s9 =	sand.u32 $0x1, s2;
	s10 =	sadd.s32 $0xF800, s1;
	s11 =	smul.u32 $0x280, s21  }
0x6: {  	s12 =	sadd.s32 $0x38600, s1;
	s6 =	smul.u32 $0x14000, s21;
	s2 =	ssub.s32 $0x2, s9  }
0x7: {  	s23 =	sshll.u32 s9, $0x4;
	s14 =	sshll.u32 s9, $0x6;
	s9 =	smul.u32 $0x500, s9  }
0x8: {  	s4 =	sshrl.u32 s2, $0x1;
	s15 =	sor.u32 s21, s23;
	s24 =	sor.u32 s14, s6  }
0x9: {  	s25 =	sadd.s32 $0x80, s11;
	s26 =	sshrl.u32 s11, $0x3;
	s19 =	sadd.s32 $0x100, s11  }
0xa: {  	s13 =	ssub.s32 s2, s4;
	s16 =	sshrl.u32 s24, $0x3;
	s8 =	sshll.u32 s25, $0x7  }
0xb: {  	s2 =	sadd.s32 s10, s26;
	s4 =	sshrl.u32 s25, $0x3;
	s15 =	smul.u32 $0x500, s15  }
0xc: {  	s22 =	sshll.u32 s19, $0x7;
	s6 =	sshrl.u32 s19, $0x3;
	s25 =	smul.u32 $0x50, s21  }
0xd: {  	s17 =	sadd.s32 s7, s16;
	s18 =	sor.u32 s14, s8;
	s4 =	sadd.s32 s10, s4  }
0xe: {  	s8 =	sor.u32 s14, s22;
	s6 =	sadd.s32 s10, s6;
	s28 =	smax.u32 s13, $0x1  }
0xf: {  	s13 =	simm.s32 $0x0;
	[dreg:$0x5] =	wrdreg s17;
	s17 =	sshrl.u32 s18, $0x3  }
0x10: {  	s18 =	sadd.s32 $0x180, s11;
	s19 =	sshrl.u32 s8, $0x3;
	s21 =	sadd.s32 s5, s15  }
0x11: {  	s22 =	sadd.s32 s25, s9;
	s25 =	sadd.s32 s12, s16;
	[dreg:$0xa] =	wrdreg s21  }
0x12: {  	s11 =	sadd.s32 $0x200, s11;
	s20 =	sadd.s32 s7, s17;
	[dreg:$0xc] =	wrdreg s25  }
0x13: {  	s23 =	sshrl.u32 s18, $0x3;
	s18 =	sshll.u32 s18, $0x7;
	s21 =	rddreg [dreg:$0x2]  }
0x14: {  	s24 =	sshll.u32 s11, $0x7;
	s11 =	sshrl.u32 s11, $0x3;
	[dreg:$0x6] =	wrdreg s20  }
0x15: {  	s20 =	sadd.s32 s7, s19;
	s8 =	sadd.s32 s10, s23;
	s18 =	sor.u32 s14, s18  }
0x16: {  	s14 =	sor.u32 s14, s24;
	s23 =	sadd.s32 s3, s15;
	[dreg:$0x7] =	wrdreg s20  }
0x17: {  	s24 =	sor.u32 $0x10, s15;
	s15 =	sadd.s32 s12, s19;
	[dreg:$0xb] =	wrdreg s23  }
0x18: {  	s10 =	sadd.s32 s10, s11;
	s18 =	sshrl.u32 s18, $0x3;
	[dreg:$0xe] =	wrdreg s15  }
0x19: {  	s11 =	sshrl.u32 s14, $0x3;
	s23 =	rddreg [dreg:$0x3];
	s26 =	sadd.s32 s7, s18  }
0x1a: {  	s9 =	simm.s32 $0x100;
	s7 =	sadd.s32 s7, s11;
	[dreg:$0x8] =	wrdreg s26  }
0x1b: {  	s19 =	sadd.s32 s5, s24;
	s20 =	sadd.s32 s3, s24;
	[dreg:$0x9] =	wrdreg s7  }
0x1c: {  	s26 =	sadd.s32 s12, s17;
	s17 =	sadd.s32 s12, s18;
	s18 =	sadd.s32 s12, s11  }
0x1d: {  	s7 =	sshll.u32 s22, $0x4;
	s11 =	simm.s32 $0x1;
	s12 =	simm.s32 $0x2  }
0x1e: {  	[dreg:$0xd] =	wrdreg s26;
	s16 =	sadd.s32 s7, s5;
	s22 =	sadd.s32 s7, s3  }
0x1f: {  	s7 =	sor.u32 $0x20, s7;
	s26 =	sadd.s32 $0x37E00, s1;
	s1 =	simm.s32 $0x200  }
0x20: {  	s24 =	sadd.s32 s7, s5;
	s25 =	sadd.s32 s7, s3;
	_ =	strace $0x80000050  }
0x21: {  	s29 =	sadd.s32 $0x30, s16;
	s30 =	sadd.s32 $0x30, s22;
	s22 =	simm.s32 $0x80  }
0x22: {  	s3 =	simm.s32 $0x3;
	s5 =	simm.s32 $0x180;
	s7 =	simm.s32 $0x2200  }
.LBB2_1:
0x23: {  	[tilespmem:s1], [sflag:$0x3] =	stream.strided.gather [hbm4b:s26+s31], $0x2000, s22, s31, $0x38;
	[tilespmem:$0x18200] =	vst v63  }
0x24: {  	_ =	swait.ge [sflag:s3], $0x2000  }
0x25: {  	[sflag:s3] =	ssyncset.done $0x0  }
0x26: {  	[sflag:s3] =	ssyncadd.s32 $0xFFFFE000  }
0x27: {  	[tilespmem:s5], [sflag:$0x3] =	stream.linear.gather [hbm4b:s2+s0], $0x80, $0x38;
	[tilespmem:$0x18200] =	vst v63  }
0x28: {  	_ =	swait.ge [sflag:s3], $0x80  }
0x29: {  	[sflag:s3] =	ssyncset.done $0x0  }
0x2a: {  	[sflag:s3] =	ssyncadd.s32 $0xFFFFFF80  }
0x2b: {  	[spmem:s21] =	stream.indirect.scatter [tilespmem:s1], [sflag:$0x3], $0x40, s5, s22, $0xb8;
	[tilespmem:$0x18200] =	vst v63  }
0x2c: {  	_ =	swait.ge [sflag:s3], $0x2000  }
0x2d: {  	[sflag:s3] =	ssyncset.done $0x0  }
0x2e: {  	s14 =	rddreg [dreg:$0x5];
	[sflag:s3] =	ssyncadd.s32 $0xFFFFE000  }
0x2f: {  	[tilespmem:s7], [sflag:$0x3] =	stream.strided.gather [hbm4b:s14+s31], $0x2000, s22, s31, $0x38;
	[tilespmem:$0x18200] =	vst v63  }
0x30: {  	_ =	swait.ge [sflag:s3], $0x2000  }
0x31: {  	[sflag:s3] =	ssyncset.done $0x0  }
0x32: {  	[sflag:s3] =	ssyncadd.s32 $0xFFFFE000  }
0x33: {  	[spmem:s23] =	stream.indirect.scatter [tilespmem:s7], [sflag:$0x3], $0x40, s5, s22, $0xb8;
	[tilespmem:$0x18200] =	vst v63  }
0x34: {  	_ =	swait.ge [sflag:s3], $0x2000  }
0x35: {  	[sflag:s3] =	ssyncset.done $0x0  }
0x36: {  	[sflag:s3] =	ssyncadd.s32 $0xFFFFE000  }
0x37: {  	[tilespmem:s5], [sflag:$0x3] =	stream.linear.gather [hbm4b:s4+s0], $0x80, $0x38;
	[tilespmem:$0x18200] =	vst v63  }
0x38: {  	_ =	swait.ge [sflag:s3], $0x80  }
0x39: {  	[sflag:s3] =	ssyncset.done $0x0  }
0x3a: {  	[sflag:s3] =	ssyncadd.s32 $0xFFFFFF80  }
0x3b: {  	[spmem:s21] =	stream.indirect.scatter [tilespmem:s1], [sflag:$0x3], $0x40, s5, s22, $0xb8;
	[tilespmem:$0x18200] =	vst v63  }
0x3c: {  	_ =	swait.ge [sflag:s3], $0x2000  }
0x3d: {  	[sflag:s3] =	ssyncset.done $0x0  }
0x3e: {  	s15 =	rddreg [dreg:$0x6];
	[sflag:s3] =	ssyncadd.s32 $0xFFFFE000  }
0x3f: {  	[tilespmem:s7], [sflag:$0x3] =	stream.strided.gather [hbm4b:s15+s31], $0x2000, s22, s31, $0x38;
	[tilespmem:$0x18200] =	vst v63  }
0x40: {  	_ =	swait.ge [sflag:s3], $0x2000  }
0x41: {  	[sflag:s3] =	ssyncset.done $0x0  }
0x42: {  	[sflag:s3] =	ssyncadd.s32 $0xFFFFE000  }
0x43: {  	[spmem:s23] =	stream.indirect.scatter [tilespmem:s7], [sflag:$0x3], $0x40, s5, s22, $0xb8;
	[tilespmem:$0x18200] =	vst v63  }
0x44: {  	_ =	swait.ge [sflag:s3], $0x2000  }
0x45: {  	[sflag:s3] =	ssyncset.done $0x0  }
0x46: {  	[sflag:s3] =	ssyncadd.s32 $0xFFFFE000  }
0x47: {  	[tilespmem:s5], [sflag:$0x3] =	stream.linear.gather [hbm4b:s6+s0], $0x80, $0x38;
	[tilespmem:$0x18200] =	vst v63  }
0x48: {  	_ =	swait.ge [sflag:s3], $0x80  }
0x49: {  	[sflag:s3] =	ssyncset.done $0x0  }
0x4a: {  	[sflag:s3] =	ssyncadd.s32 $0xFFFFFF80  }
0x4b: {  	[spmem:s21] =	stream.indirect.scatter [tilespmem:s1], [sflag:$0x3], $0x40, s5, s22, $0xb8;
	[tilespmem:$0x18200] =	vst v63  }
0x4c: {  	_ =	swait.ge [sflag:s3], $0x2000  }
0x4d: {  	[sflag:s3] =	ssyncset.done $0x0  }
0x4e: {  	s16 =	rddreg [dreg:$0x7];
	[sflag:s3] =	ssyncadd.s32 $0xFFFFE000  }
0x4f: {  	[tilespmem:s7], [sflag:$0x3] =	stream.strided.gather [hbm4b:s16+s31], $0x2000, s22, s31, $0x38;
	[tilespmem:$0x18200] =	vst v63  }
0x50: {  	_ =	swait.ge [sflag:s3], $0x2000  }
0x51: {  	[sflag:s3] =	ssyncset.done $0x0  }
0x52: {  	[sflag:s3] =	ssyncadd.s32 $0xFFFFE000  }
0x53: {  	[spmem:s23] =	stream.indirect.scatter [tilespmem:s7], [sflag:$0x3], $0x40, s5, s22, $0xb8;
	[tilespmem:$0x18200] =	vst v63  }
0x54: {  	_ =	swait.ge [sflag:s3], $0x2000  }
0x55: {  	[sflag:s3] =	ssyncset.done $0x0  }
0x56: {  	[sflag:s3] =	ssyncadd.s32 $0xFFFFE000  }
0x57: {  	[tilespmem:s5], [sflag:$0x3] =	stream.linear.gather [hbm4b:s8+s0], $0x80, $0x38;
	[tilespmem:$0x18200] =	vst v63  }
0x58: {  	_ =	swait.ge [sflag:s3], $0x80  }
0x59: {  	[sflag:s3] =	ssyncset.done $0x0  }
0x5a: {  	[sflag:s3] =	ssyncadd.s32 $0xFFFFFF80  }
0x5b: {  	[spmem:s21] =	stream.indirect.scatter [tilespmem:s1], [sflag:$0x3], $0x40, s5, s22, $0xb8;
	[tilespmem:$0x18200] =	vst v63  }
0x5c: {  	_ =	swait.ge [sflag:s3], $0x2000  }
0x5d: {  	[sflag:s3] =	ssyncset.done $0x0  }
0x5e: {  	s15 =	rddreg [dreg:$0x8];
	[sflag:s3] =	ssyncadd.s32 $0xFFFFE000  }
0x5f: {  	[tilespmem:s7], [sflag:$0x3] =	stream.strided.gather [hbm4b:s15+s31], $0x2000, s22, s31, $0x38;
	[tilespmem:$0x18200] =	vst v63  }
0x60: {  	_ =	swait.ge [sflag:s3], $0x2000  }
0x61: {  	[sflag:s3] =	ssyncset.done $0x0  }
0x62: {  	[sflag:s3] =	ssyncadd.s32 $0xFFFFE000  }
0x63: {  	[spmem:s23] =	stream.indirect.scatter [tilespmem:s7], [sflag:$0x3], $0x40, s5, s22, $0xb8;
	[tilespmem:$0x18200] =	vst v63  }
0x64: {  	_ =	swait.ge [sflag:s3], $0x2000  }
0x65: {  	[sflag:s3] =	ssyncset.done $0x0  }
0x66: {  	[sflag:s3] =	ssyncadd.s32 $0xFFFFE000  }
0x67: {  	[tilespmem:s5], [sflag:$0x3] =	stream.linear.gather [hbm4b:s10+s0], $0x80, $0x38;
	[tilespmem:$0x18200] =	vst v63  }
0x68: {  	_ =	swait.ge [sflag:s3], $0x80  }
0x69: {  	[sflag:s3] =	ssyncset.done $0x0  }
0x6a: {  	[sflag:s3] =	ssyncadd.s32 $0xFFFFFF80  }
0x6b: {  	[spmem:s21] =	stream.indirect.scatter [tilespmem:s1], [sflag:$0x3], $0x40, s5, s22, $0xb8;
	[tilespmem:$0x18200] =	vst v63  }
0x6c: {  	_ =	swait.ge [sflag:s3], $0x2000  }
0x6d: {  	[sflag:s3] =	ssyncset.done $0x0  }
0x6e: {  	s16 =	rddreg [dreg:$0x9];
	[sflag:s3] =	ssyncadd.s32 $0xFFFFE000  }
0x6f: {  	[tilespmem:s7], [sflag:$0x3] =	stream.strided.gather [hbm4b:s16+s31], $0x2000, s22, s31, $0x38;
	[tilespmem:$0x18200] =	vst v63  }
0x70: {  	_ =	swait.ge [sflag:s3], $0x2000  }
0x71: {  	[sflag:s3] =	ssyncset.done $0x0  }
0x72: {  	[sflag:s3] =	ssyncadd.s32 $0xFFFFE000  }
0x73: {  	[spmem:s23] =	stream.indirect.scatter [tilespmem:s7], [sflag:$0x3], $0x40, s5, s22, $0xb8;
	[tilespmem:$0x18200] =	vst v63  }
0x74: {  	_ =	swait.ge [sflag:s3], $0x2000  }
0x75: {  	[sflag:s3] =	ssyncset.done $0x0  }
0x76: {  	[sflag:s3] =	ssyncadd.s32 $0xFFFFE000  }
0x77: {  	[bflag:$0x0] =	sbarrier.arrive $0xFFFF  }
0x78: {  	s15 =	rddreg [dreg:$0xa]  }
0x79: {  	[tilespmem:s0], [sflag:$0x3] =	stream.linear.gather [hbm4b:s15+s0], $0x80, $0x38;
	[tilespmem:$0x18200] =	vst v63  }
0x7a: {  	_ =	swait.ge [sflag:s3], $0x80  }
0x7b: {  	[sflag:s3] =	ssyncset.done $0x0  }
0x7c: {  	s16 =	rddreg [dreg:$0xb];
	[sflag:s3] =	ssyncadd.s32 $0xFFFFFF80  }
0x7d: {  	[tilespmem:s22], [sflag:$0x3] =	stream.linear.gather [hbm4b:s16+s0], $0x80, $0x38;
	[tilespmem:$0x18200] =	vst v63  }
0x7e: {  	_ =	swait.ge [sflag:s3], $0x80  }
0x7f: {  	[sflag:s3] =	ssyncset.done $0x0  }
0x80: {  	[sflag:s3] =	ssyncadd.s32 $0xFFFFFF80  }
0x81: {  	[tilespmem:s1], [sflag:$0x3] =	stream.indirect.gather [spmem:s23], $0x40, s0, s22, $0xb8;
	[tilespmem:$0x18200] =	vst v63  }
0x82: {  	_ =	swait.ge [sflag:s3], $0x2000  }
0x83: {  	[sflag:s3] =	ssyncset.done $0x0  }
0x84: {  	[sflag:s3] =	ssyncadd.s32 $0xFFFFE000  }
0x85: {  	[spmem:s21] =	stream.indirect.scatter.add.f32 [tilespmem:s1], [sflag:$0x1], $0x40, s22, s22, $0xb8;
	[tilespmem:$0x18200] =	vst v63  }
0x86: {  	_ = 	snop  }
0x87: {  	[tilespmem:s0], [sflag:$0x3] =	stream.linear.gather [hbm4b:s19+s0], $0x80, $0x38;
	[tilespmem:$0x18200] =	vst v63  }
0x88: {  	_ =	swait.ge [sflag:s3], $0x80  }
0x89: {  	[sflag:s3] =	ssyncset.done $0x0  }
0x8a: {  	[sflag:s3] =	ssyncadd.s32 $0xFFFFFF80  }
0x8b: {  	[tilespmem:s9], [sflag:$0x3] =	stream.linear.gather [hbm4b:s20+s0], $0x80, $0x38;
	[tilespmem:$0x18200] =	vst v63  }
0x8c: {  	_ =	swait.ge [sflag:s3], $0x80  }
0x8d: {  	[sflag:s3] =	ssyncset.done $0x0  }
0x8e: {  	[sflag:s3] =	ssyncadd.s32 $0xFFFFFF80  }
0x8f: {  	[tilespmem:s7], [sflag:$0x3] =	stream.indirect.gather [spmem:s23], $0x40, s0, s22, $0xb8;
	[tilespmem:$0x18200] =	vst v63  }
0x90: {  	_ =	swait.ge [sflag:s3], $0x2000  }
0x91: {  	[sflag:s3] =	ssyncset.done $0x0  }
0x92: {  	[sflag:s3] =	ssyncadd.s32 $0xFFFFE000  }
0x93: {  	[spmem:s21] =	stream.indirect.scatter.add.f32 [tilespmem:s7], [sflag:$0x2], $0x40, s9, s22, $0xb8;
	[tilespmem:$0x18200] =	vst v63  }
0x94: {  	_ =	swait.ge [sflag:s11], $0x2000  }
0x95: {  	[sflag:s11] =	ssyncset.done $0x0  }
0x96: {  	s15 =	sadd.s32 $0x0, s24;
	[sflag:s11] =	ssyncadd.s32 $0xFFFFE000  }
0x97: {  	[tilespmem:s0], [sflag:$0x3] =	stream.linear.gather [hbm4b:s15+s0], $0x80, $0x38;
	[tilespmem:$0x18200] =	vst v63  }
0x98: {  	_ =	swait.ge [sflag:s3], $0x80  }
0x99: {  	[sflag:s3] =	ssyncset.done $0x0  }
0x9a: {  	s16 =	sadd.s32 $0x0, s25;
	[sflag:s3] =	ssyncadd.s32 $0xFFFFFF80  }
0x9b: {  	[tilespmem:s22], [sflag:$0x3] =	stream.linear.gather [hbm4b:s16+s0], $0x80, $0x38;
	[tilespmem:$0x18200] =	vst v63  }
0x9c: {  	_ =	swait.ge [sflag:s3], $0x80  }
0x9d: {  	[sflag:s3] =	ssyncset.done $0x0  }
0x9e: {  	[sflag:s3] =	ssyncadd.s32 $0xFFFFFF80  }
0x9f: {  	[tilespmem:s1], [sflag:$0x3] =	stream.indirect.gather [spmem:s23], $0x40, s0, s22, $0xb8;
	[tilespmem:$0x18200] =	vst v63  }
0xa0: {  	_ =	swait.ge [sflag:s3], $0x2000  }
0xa1: {  	[sflag:s3] =	ssyncset.done $0x0  }
0xa2: {  	[sflag:s3] =	ssyncadd.s32 $0xFFFFE000  }
0xa3: {  	[spmem:s21] =	stream.indirect.scatter.add.f32 [tilespmem:s1], [sflag:$0x1], $0x40, s22, s22, $0xb8;
	[tilespmem:$0x18200] =	vst v63  }
0xa4: {  	_ =	swait.ge [sflag:s12], $0x2000  }
0xa5: {  	[sflag:s12] =	ssyncset.done $0x0  }
0xa6: {  	s15 =	sadd.s32 $0x0, s29;
	[sflag:s12] =	ssyncadd.s32 $0xFFFFE000  }
0xa7: {  	[tilespmem:s0], [sflag:$0x3] =	stream.linear.gather [hbm4b:s15+s0], $0x80, $0x38;
	[tilespmem:$0x18200] =	vst v63  }
0xa8: {  	_ =	swait.ge [sflag:s3], $0x80  }
0xa9: {  	[sflag:s3] =	ssyncset.done $0x0  }
0xaa: {  	s16 =	sadd.s32 $0x0, s30;
	[sflag:s3] =	ssyncadd.s32 $0xFFFFFF80  }
0xab: {  	[tilespmem:s9], [sflag:$0x3] =	stream.linear.gather [hbm4b:s16+s0], $0x80, $0x38;
	[tilespmem:$0x18200] =	vst v63  }
0xac: {  	_ =	swait.ge [sflag:s3], $0x80  }
0xad: {  	[sflag:s3] =	ssyncset.done $0x0  }
0xae: {  	[sflag:s3] =	ssyncadd.s32 $0xFFFFFF80  }
0xaf: {  	[tilespmem:s7], [sflag:$0x3] =	stream.indirect.gather [spmem:s23], $0x40, s0, s22, $0xb8;
	[tilespmem:$0x18200] =	vst v63  }
0xb0: {  	_ =	swait.ge [sflag:s3], $0x2000  }
0xb1: {  	[sflag:s3] =	ssyncset.done $0x0  }
0xb2: {  	s14 =	simm.s32 $0x20;
	[sflag:s3] =	ssyncadd.s32 $0xFFFFE000  }
.LBB2_2:
0xb3: {  	[spmem:s21] =	stream.indirect.scatter.add.f32 [tilespmem:s7], [sflag:$0x2], $0x40, s9, s22, $0xb8;
	[tilespmem:$0x18200] =	vst v63  }
0xb4: {  	s15 =	smov.u32 s14  }
0xb5: {  	p0 =	sne.s32 s14, $0x4C0;
	s14 =	sadd.s32 $0x20, s14;
	_ =	swait.ge [sflag:s11], $0x2000  }
0xb6: {  	[sflag:s11] =	ssyncset.done $0x0  }
0xb7: {  	s16 =	sadd.s32 s15, s24;
	[sflag:s11] =	ssyncadd.s32 $0xFFFFE000  }
0xb8: {  	[tilespmem:s0], [sflag:$0x3] =	stream.linear.gather [hbm4b:s16+s0], $0x80, $0x38;
	[tilespmem:$0x18200] =	vst v63  }
0xb9: {  	_ =	swait.ge [sflag:s3], $0x80  }
0xba: {  	[sflag:s3] =	ssyncset.done $0x0  }
0xbb: {  	s16 =	sadd.s32 s15, s25;
	[sflag:s3] =	ssyncadd.s32 $0xFFFFFF80  }
0xbc: {  	[tilespmem:s22], [sflag:$0x3] =	stream.linear.gather [hbm4b:s16+s0], $0x80, $0x38;
	[tilespmem:$0x18200] =	vst v63  }
0xbd: {  	_ =	swait.ge [sflag:s3], $0x80  }
0xbe: {  	[sflag:s3] =	ssyncset.done $0x0  }
0xbf: {  	[sflag:s3] =	ssyncadd.s32 $0xFFFFFF80  }
0xc0: {  	[tilespmem:s1], [sflag:$0x3] =	stream.indirect.gather [spmem:s23], $0x40, s0, s22, $0xb8;
	[tilespmem:$0x18200] =	vst v63  }
0xc1: {  	_ =	swait.ge [sflag:s3], $0x2000  }
0xc2: {  	[sflag:s3] =	ssyncset.done $0x0  }
0xc3: {  	[sflag:s3] =	ssyncadd.s32 $0xFFFFE000  }
0xc4: {  	[spmem:s21] =	stream.indirect.scatter.add.f32 [tilespmem:s1], [sflag:$0x1], $0x40, s22, s22, $0xb8;
	[tilespmem:$0x18200] =	vst v63  }
0xc5: {  	_ =	swait.ge [sflag:s12], $0x2000  }
0xc6: {  	[sflag:s12] =	ssyncset.done $0x0  }
0xc7: {  	s16 =	sadd.s32 s15, s29;
	[sflag:s12] =	ssyncadd.s32 $0xFFFFE000  }
0xc8: {  	[tilespmem:s0], [sflag:$0x3] =	stream.linear.gather [hbm4b:s16+s0], $0x80, $0x38;
	[tilespmem:$0x18200] =	vst v63  }
0xc9: {  	_ =	swait.ge [sflag:s3], $0x80  }
0xca: {  	[sflag:s3] =	ssyncset.done $0x0  }
0xcb: {  	s15 =	sadd.s32 s15, s30;
	[sflag:s3] =	ssyncadd.s32 $0xFFFFFF80  }
0xcc: {  	[tilespmem:s9], [sflag:$0x3] =	stream.linear.gather [hbm4b:s15+s0], $0x80, $0x38;
	[tilespmem:$0x18200] =	vst v63  }
0xcd: {  	_ =	swait.ge [sflag:s3], $0x80  }
0xce: {  	[sflag:s3] =	ssyncset.done $0x0  }
.Ltmp0:
0xcf: {  	[sflag:s3] =	ssyncadd.s32 $0xFFFFFF80;
	(pc) =	sbr.rel @p0 .LBB2_2-.Ltmp0, $4  }
0xd0: {  	[tilespmem:s7], [sflag:$0x3] =	stream.indirect.gather [spmem:s23], $0x40, s0, s22, $0xb8;
	[tilespmem:$0x18200] =	vst v63  }
0xd1: {  	_ =	swait.ge [sflag:s3], $0x2000  }
0xd2: {  	[sflag:s3] =	ssyncset.done $0x0  }
0xd3: {  	[sflag:s3] =	ssyncadd.s32 $0xFFFFE000  }
0xd4: {  	[spmem:s21] =	stream.indirect.scatter.add.f32 [tilespmem:s7], [sflag:$0x2], $0x40, s9, s22, $0xb8;
	[tilespmem:$0x18200] =	vst v63  }
0xd5: {  	_ =	swait.ge [sflag:s11], $0x2000  }
0xd6: {  	[sflag:s11] =	ssyncset.done $0x0  }
0xd7: {  	[sflag:s11] =	ssyncadd.s32 $0xFFFFE000  }
0xd8: {  	_ =	swait.ge [sflag:s12], $0x2000  }
0xd9: {  	[sflag:s12] =	ssyncset.done $0x0  }
0xda: {  	[sflag:s12] =	ssyncadd.s32 $0xFFFFE000  }
0xdb: {  	[bflag:$0x0] =	sbarrier.arrive $0xFFFF  }
0xdc: {  	[tilespmem:s5], [sflag:$0x3] =	stream.linear.gather [hbm4b:s2+s0], $0x80, $0x38;
	[tilespmem:$0x18200] =	vst v63  }
0xdd: {  	_ =	swait.ge [sflag:s3], $0x80  }
0xde: {  	[sflag:s3] =	ssyncset.done $0x0  }
0xdf: {  	[sflag:s3] =	ssyncadd.s32 $0xFFFFFF80  }
0xe0: {  	[tilespmem:s1], [sflag:$0x3] =	stream.indirect.gather [spmem:s21], $0x40, s5, s22, $0xb8;
	[tilespmem:$0x18200] =	vst v63  }
0xe1: {  	_ =	swait.ge [sflag:s3], $0x2000  }
0xe2: {  	[sflag:s3] =	ssyncset.done $0x0  }
0xe3: {  	s14 =	rddreg [dreg:$0xc];
	[sflag:s3] =	ssyncadd.s32 $0xFFFFE000  }
0xe4: {  	[hbm4b:s14+s31] =	stream.strided.scatter [tilespmem:s1], [sflag:$0x3], $0x2000, s22, s31, $0x38;
	[tilespmem:$0x18200] =	vst v63  }
0xe5: {  	_ =	swait.ge [sflag:s3], $0x2000  }
0xe6: {  	[sflag:s3] =	ssyncset.done $0x0  }
0xe7: {  	[sflag:s3] =	ssyncadd.s32 $0xFFFFE000  }
0xe8: {  	[tilespmem:s5], [sflag:$0x3] =	stream.linear.gather [hbm4b:s4+s0], $0x80, $0x38;
	[tilespmem:$0x18200] =	vst v63  }
0xe9: {  	_ =	swait.ge [sflag:s3], $0x80  }
0xea: {  	[sflag:s3] =	ssyncset.done $0x0  }
0xeb: {  	[sflag:s3] =	ssyncadd.s32 $0xFFFFFF80  }
0xec: {  	[tilespmem:s1], [sflag:$0x3] =	stream.indirect.gather [spmem:s21], $0x40, s5, s22, $0xb8;
	[tilespmem:$0x18200] =	vst v63  }
0xed: {  	_ =	swait.ge [sflag:s3], $0x2000  }
0xee: {  	[sflag:s3] =	ssyncset.done $0x0  }
0xef: {  	s15 =	rddreg [dreg:$0xd];
	[sflag:s3] =	ssyncadd.s32 $0xFFFFE000  }
0xf0: {  	[hbm4b:s15+s31] =	stream.strided.scatter [tilespmem:s1], [sflag:$0x3], $0x2000, s22, s31, $0x38;
	[tilespmem:$0x18200] =	vst v63  }
0xf1: {  	_ =	swait.ge [sflag:s3], $0x2000  }
0xf2: {  	[sflag:s3] =	ssyncset.done $0x0  }
0xf3: {  	[sflag:s3] =	ssyncadd.s32 $0xFFFFE000  }
0xf4: {  	[tilespmem:s5], [sflag:$0x3] =	stream.linear.gather [hbm4b:s6+s0], $0x80, $0x38;
	[tilespmem:$0x18200] =	vst v63  }
0xf5: {  	_ =	swait.ge [sflag:s3], $0x80  }
0xf6: {  	[sflag:s3] =	ssyncset.done $0x0  }
0xf7: {  	[sflag:s3] =	ssyncadd.s32 $0xFFFFFF80  }
0xf8: {  	[tilespmem:s1], [sflag:$0x3] =	stream.indirect.gather [spmem:s21], $0x40, s5, s22, $0xb8;
	[tilespmem:$0x18200] =	vst v63  }
0xf9: {  	_ =	swait.ge [sflag:s3], $0x2000  }
0xfa: {  	[sflag:s3] =	ssyncset.done $0x0  }
0xfb: {  	s16 =	rddreg [dreg:$0xe];
	[sflag:s3] =	ssyncadd.s32 $0xFFFFE000  }
0xfc: {  	[hbm4b:s16+s31] =	stream.strided.scatter [tilespmem:s1], [sflag:$0x3], $0x2000, s22, s31, $0x38;
	[tilespmem:$0x18200] =	vst v63  }
0xfd: {  	_ =	swait.ge [sflag:s3], $0x2000  }
0xfe: {  	[sflag:s3] =	ssyncset.done $0x0  }
0xff: {  	[sflag:s3] =	ssyncadd.s32 $0xFFFFE000  }
0x100: {  	[tilespmem:s5], [sflag:$0x3] =	stream.linear.gather [hbm4b:s8+s0], $0x80, $0x38;
	[tilespmem:$0x18200] =	vst v63  }
0x101: {  	_ =	swait.ge [sflag:s3], $0x80  }
0x102: {  	[sflag:s3] =	ssyncset.done $0x0  }
0x103: {  	[sflag:s3] =	ssyncadd.s32 $0xFFFFFF80  }
0x104: {  	[tilespmem:s1], [sflag:$0x3] =	stream.indirect.gather [spmem:s21], $0x40, s5, s22, $0xb8;
	[tilespmem:$0x18200] =	vst v63  }
0x105: {  	_ =	swait.ge [sflag:s3], $0x2000  }
0x106: {  	[sflag:s3] =	ssyncset.done $0x0  }
0x107: {  	[sflag:s3] =	ssyncadd.s32 $0xFFFFE000  }
0x108: {  	[hbm4b:s17+s31] =	stream.strided.scatter [tilespmem:s1], [sflag:$0x3], $0x2000, s22, s31, $0x38;
	[tilespmem:$0x18200] =	vst v63  }
0x109: {  	_ =	swait.ge [sflag:s3], $0x2000  }
0x10a: {  	[sflag:s3] =	ssyncset.done $0x0  }
0x10b: {  	[sflag:s3] =	ssyncadd.s32 $0xFFFFE000  }
0x10c: {  	[tilespmem:s5], [sflag:$0x3] =	stream.linear.gather [hbm4b:s10+s0], $0x80, $0x38;
	[tilespmem:$0x18200] =	vst v63  }
0x10d: {  	_ =	swait.ge [sflag:s3], $0x80  }
0x10e: {  	[sflag:s3] =	ssyncset.done $0x0  }
0x10f: {  	[sflag:s3] =	ssyncadd.s32 $0xFFFFFF80  }
0x110: {  	[tilespmem:s1], [sflag:$0x3] =	stream.indirect.gather [spmem:s21], $0x40, s5, s22, $0xb8;
	[tilespmem:$0x18200] =	vst v63  }
0x111: {  	s13 =	sadd.s32 $0x1, s13;
	_ =	swait.ge [sflag:s3], $0x2000  }
0x112: {  	p0 =	sne.s32 s13, s28;
	[sflag:s3] =	ssyncset.done $0x0  }
.Ltmp1:
0x113: {  	[sflag:s3] =	ssyncadd.s32 $0xFFFFE000;
	(pc) =	sbr.rel @p0 .LBB2_1-.Ltmp1, $4  }
0x114: {  	[hbm4b:s18+s31] =	stream.strided.scatter [tilespmem:s1], [sflag:$0x3], $0x2000, s22, s31, $0x38;
	[tilespmem:$0x18200] =	vst v63  }
0x115: {  	_ =	swait.ge [sflag:s3], $0x2000  }
0x116: {  	[sflag:s3] =	ssyncset.done $0x0  }
0x117: {  	[sflag:s3] =	ssyncadd.s32 $0xFFFFE000  }
0x118: {  	_ =	sfence.sel $0x180000  }
0x119: {  	[bflag:$0x0] =	sbarrier.arrive $0xFFFF  }
0x11a: {  	_ =	strace $0x90000050  }
0x11b: {  	s0 =	stileid.u32;
	[bflag:$0x2] =	sbarrier.arrive $0xFFFF  }
0x11c: {  	p0 =	sne.s32 s0, $0x0;
	s0 =	rddreg [dreg:$0x4]  }
0x11d: {  	s0 =	sadd.s32 @!p0 $0x100000, s0  }
0x11e: {  	[sflag:s0] =	ssyncadd.tile.s32 @!p0 $0x1;
	_ =	shalt  }
.Lfunc_end2:
_tile_overlayer_lowered:
.L_overlay_start_2:
0x11f: {  	(tag) =	ssettag $0x2  }
0x120: {  	s0 =	rddreg [dreg:$0x0];
	s2 =	stileid.u32  }
0x121: {  	s1 =	rddreg [dreg:$0x1];
	p0 =	sne.s32 s2, $0x0  }
0x122: {  	s3 =	rddreg [dreg:$0x2];
	[bflag:$0x3] =	sbarrier.arrive $0xFFFF;
	s2 =	simm.s32 @!p0 $0x1C03  }
0x123: {  	[timem:s3], [sflag:s2] =	dma.local @!p0 [hbm:s0], s1  }
0x124: {  	s0 =	simm.s32 @!p0 $0x3  }
0x125: {  	_ =	swait.ge @!p0 [sflag:s0], s1  }
0x126: {  	s1 =	ssub.s32 @!p0 $0x0, s1;
	[sflag:s0] =	ssyncset.done @!p0 $0x0  }
0x127: {  	[sflag:s0] =	ssyncadd.s32 @!p0 s1  }
0x128: {  	[bflag:$0x3] =	sbarrier.arrive $0xFFFF  }
0x129: {  	_ =	shalt  }

// kernel: kernel.24.cloned.1.call-start
scs
__scs_entry_jumppad:
0x0: {  	(pc) =	sbr.rel $0x88, $3  }
0x1: {  	(tag) =	ssettag $0x0;
	lr =	simm.s32 $0x1  }
0x2: {  	[smem:$0x3F97] =	sst lr;
	_ =	strace $0xD0000000  }
0x3: {  	_ = 	snop  }
0x4: {  	_ = 	snop  }
0x5: {  	_ = 	snop  }
0x6: {  	_ = 	snop  }
0x7: {  	_ = 	snop  }
__scs_overlays_trampoline_lowered:
0x8: {  	[smem:$0x3FA6] =	sst s0  }
0x9: {  	[smem:$0x3FA7] =	sst s1  }
0xa: {  	[smem:$0x3FA8] =	sst s2  }
0xb: {  	[smem:$0x3FA9] =	sst s3  }
0xc: {  	[smem:$0x3FAA] =	sst s4  }
0xd: {  	[smem:$0x3FAB] =	sst s5  }
0xe: {  	[smem:$0x3FAC] =	sst s6  }
0xf: {  	[smem:$0x3FAD] =	sst s7  }
0x10: {  	[smem:$0x3FAE] =	sst s8  }
0x11: {  	[smem:$0x3FAF] =	sst s9;
	s0 =	simm.s32 @!p0 $0x0  }
0x12: {  	s1 =	sld [smem:$0x3F95];
	s0 =	simm.s32 @p0 $0x1  }
0x13: {  	[smem:$0x3FB0] =	sst s0;
	s0 =	simm.s32 @!p1 $0x0  }
0x14: {  	s2 =	sld [smem:$0x3F94];
	s0 =	simm.s32 @p1 $0x1  }
0x15: {  	[smem:$0x3FB1] =	sst s0;
	s0 =	simm.s32 @!p2 $0x0  }
0x16: {  	s3 =	sld [smem:$0x3FDB];
	s0 =	simm.s32 @p2 $0x1  }
0x17: {  	s4 =	simm.s32 $0x1BF5;
	[smem:$0x3FB3] =	sst s0  }
0x18: {  	s0 =	sld [smem:$0x3F96];
	_ =	swait.ge [sflag:s4], $0x0  }
0x19: {  	s7 =	sld [smem:$0x3F97]  }
0x1a: {  	s8 =	sadd.s32 $0xFFFFE003, lr  }
0x1b: {  	s9 =	sadd.s32 $0xFFFFFEF7, lr;
	s5 =	simm.s32 $0xFFFFFFFF;
	p2 =	slt.u32 s8, $0xFFFFF086  }
0x1c: {  	p1 =	slt.u32 s9, $0xF7A;
	s5 =	simm.s32 @!p2 $0x0  }
0x1d: {  	s5 =	simm.s32 @p1 $0x1;
	p0 =	seq.s32 s7, s2  }
0x1e: {  	s7 =	smul.u32 @!p0 $0xF7A, s2;
	p2 =	seq.s32 @!p0 s5, $0x0  }
0x1f: {  	s9 =	smul.u32 $0xF7A, s1;
	s8 =	simm.s32 @!p0 $0x1BF5;
	p2 =	por !p2, p0  }
0x20: {  	[sflag:s8] =	ssyncset.s32 @!p0 $0xFFFFF086;
	s6 =	sadd.s32 @!p0 s3, s7;
	s7 =	simm.s32 @!p0 $0x108  }
0x21: {  	s3 =	sadd.s32 s3, s9;
	s6 =	sadd.s32 @!p0 $0x88, s6;
	s7 =	simm.s32 @p2 $0x1082  }
0x22: {  	[simem:s7], [sflag:s8] =	dma.local @!p0 [hbm:s6], $0xF7A  }
0x23: {  	s9 =	sor.u32 $0xD0000000, s2;
	s6 =	simm.s32 $0x108;
	_ =	swait.ge @!p0 [sflag:s8], $0x0  }
0x24: {  	s3 =	sadd.s32 $0x88, s3;
	s6 =	simm.s32 @!p1 $0x1082;
	[sflag:s4] =	ssyncset.s32 $0xFFFFF086  }
0x25: {  	[simem:s6], [sflag:s4] =	dma.local [hbm:s3], $0xF7A  }
0x26: {  	[smem:$0x3F97] =	sst s1;
	(tag) =	ssettag s2;
	_ =	strace s9  }
0x27: {  	s1 =	sld [smem:$0x3FA7]  }
0x28: {  	s2 =	sld [smem:$0x3FA8]  }
0x29: {  	s4 =	sld [smem:$0x3FAA]  }
0x2a: {  	p0 =	seq.s32 s5, $0x0;
	s5 =	sld [smem:$0x3FAB]  }
0x2b: {  	s6 =	sld [smem:$0x3FAC]  }
0x2c: {  	s7 =	sld [smem:$0x3FAD]  }
0x2d: {  	s3 =	simm.s32 $0x108;
	s8 =	sld [smem:$0x3FAE]  }
0x2e: {  	s3 =	simm.s32 @!p0 $0x1082;
	s9 =	sld [smem:$0x3FAF]  }
0x2f: {  	lr =	sadd.s32 s0, s3;
	s0 =	sld [smem:$0x3FA6]  }
0x30: {  	s3 =	sld [smem:$0x3FA9]  }
0x31: {  	[smem:$0x3FB2] =	sst s10  }
0x32: {  	s10 =	sld [smem:$0x3FB0];
	_ =	sdelay $0x3  }
0x33: {  	p0 =	seq.s32 s10, $0x1;
	s10 =	sld [smem:$0x3FB2];
	_ =	sdelay $0x3  }
0x34: {  	[smem:$0x3FB2] =	sst s10  }
0x35: {  	s10 =	sld [smem:$0x3FB1];
	_ =	sdelay $0x3  }
0x36: {  	p1 =	seq.s32 s10, $0x1;
	s10 =	sld [smem:$0x3FB2];
	_ =	sdelay $0x3  }
0x37: {  	[smem:$0x3FB2] =	sst s10  }
0x38: {  	s10 =	sld [smem:$0x3FB3]  }
0x39: {  	_ = 	snop;
	(pc) =	sbr.ind lr, $3  }
0x3a: {  	_ = 	snop  }
0x3b: {  	_ = 	snop  }
0x3c: {  	p2 =	seq.s32 s10, $0x1;
	s10 =	sld [smem:$0x3FB2]  }
0x3d: {  	_ =	shalt  }
0x3e: {  	_ =	shalt  }
0x3f: {  	_ =	shalt  }
0x40: {  	_ =	shalt  }
0x41: {  	_ =	shalt  }
0x42: {  	_ =	shalt  }
0x43: {  	_ =	shalt  }
0x44: {  	_ =	shalt  }
0x45: {  	_ =	shalt  }
0x46: {  	_ =	shalt  }
0x47: {  	_ =	shalt  }
0x48: {  	_ =	shalt  }
0x49: {  	_ =	shalt  }
0x4a: {  	_ =	shalt  }
0x4b: {  	_ =	shalt  }
0x4c: {  	_ =	shalt  }
0x4d: {  	_ =	shalt  }
0x4e: {  	_ =	shalt  }
0x4f: {  	_ =	shalt  }
0x50: {  	_ =	shalt  }
0x51: {  	_ =	shalt  }
0x52: {  	_ =	shalt  }
0x53: {  	_ =	shalt  }
0x54: {  	_ =	shalt  }
0x55: {  	_ =	shalt  }
0x56: {  	_ =	shalt  }
0x57: {  	_ =	shalt  }
0x58: {  	_ =	shalt  }
0x59: {  	_ =	shalt  }
0x5a: {  	_ =	shalt  }
0x5b: {  	_ =	shalt  }
0x5c: {  	_ =	shalt  }
0x5d: {  	_ =	shalt  }
0x5e: {  	_ =	shalt  }
0x5f: {  	_ =	shalt  }
0x60: {  	_ =	shalt  }
0x61: {  	_ =	shalt  }
0x62: {  	_ =	shalt  }
0x63: {  	_ =	shalt  }
0x64: {  	_ =	shalt  }
0x65: {  	_ =	shalt  }
0x66: {  	_ =	shalt  }
0x67: {  	_ =	shalt  }
0x68: {  	_ =	shalt  }
0x69: {  	_ =	shalt  }
0x6a: {  	_ =	shalt  }
0x6b: {  	_ =	shalt  }
0x6c: {  	_ =	shalt  }
0x6d: {  	_ =	shalt  }
0x6e: {  	_ =	shalt  }
0x6f: {  	_ =	shalt  }
0x70: {  	_ =	shalt  }
0x71: {  	_ =	shalt  }
0x72: {  	_ =	shalt  }
0x73: {  	_ =	shalt  }
0x74: {  	_ =	shalt  }
0x75: {  	_ =	shalt  }
0x76: {  	_ =	shalt  }
0x77: {  	_ =	shalt  }
0x78: {  	_ =	shalt  }
0x79: {  	_ =	shalt  }
0x7a: {  	_ =	shalt  }
0x7b: {  	_ =	shalt  }
0x7c: {  	_ =	shalt  }
0x7d: {  	_ =	shalt  }
0x7e: {  	_ =	shalt  }
0x7f: {  	_ =	shalt  }
0x80: {  	_ =	shalt  }
0x81: {  	_ =	shalt  }
0x82: {  	_ =	shalt  }
0x83: {  	_ =	shalt  }
0x84: {  	_ =	shalt  }
0x85: {  	_ =	shalt  }
0x86: {  	_ =	shalt  }
0x87: {  	_ =	shalt  }
.Lfunc_end0:
.L_simem_size_0:
called_computation.4_lowered:
.L_overlay_start_0:
0x88: {  	s2 =	sld [smem:$0x3FD9]  }
0x89: {  	s3 =	sld [smem:$0x3FFE];
	_ =	sdelay $0x1  }
0x8a: {  	s1 =	srdreg.scid  }
0x8b: {  	s0 =	sand.u32 $0x1, s1  }
0x8c: {  	s17 =	sshll.u32 s0, $0xA;
	s2 =	sadd.s32 s3, s2  }
0x8d: {  	s2 =	sadd.s32 s2, s17  }
0x8e: {  	[smem:$0x3FBE] =	sst s2  }
0x8f: {  	_ = 	snop  }
0x90: {  	s2 =	sld [smem:$0x3FD0];
	(tm) =	ssettm $0x1  }
0x91: {  	s18 =	sld [smem:$0x3FFB];
	_ =	sdelay $0x3  }
0x92: {  	_ =	strace s18  }
0x93: {  	s3 =	sld [smem:$0x3FFC];
	_ =	sdelay $0x3  }
0x94: {  	_ =	strace s3  }
0x95: {  	s3 =	sld [smem:$0x3FFD];
	_ =	sdelay $0x3  }
0x96: {  	_ =	strace s3  }
0x97: {  	_ =	strace $0x8FFFFFFF  }
0x98: {  	s19 =	sld [smem:$0x3FDB];
	_ =	sdelay $0x1  }
0x99: {  	s4 =	simm.s32 $_scs_section_size  }
0x9a: {  	s5 =	simm.s32 $_size__tile_overlayer_lowered;
	s6 =	simm.s32 $_tile_overlayer_lowered  }
0x9b: {  	s22 =	simm.s32 $0x1BFF;
	s21 =	sshll.u32 s6, $0x1;
	s3 =	sadd.s32 s4, s19  }
0x9c: {  	s7 =	simm.s32 $0x0;
	s20 =	sshll.u32 s5, $0x1;
	s5 =	sadd.s32 s21, s3  }
0x9d: {  	[timem:s7], [sflag:s22] =	dma.local [hbm:s5], s20  }
0x9e: {  	_ =	swait.ge [sflag:s22], s20  }
0x9f: {  	s4 =	ssub.s32 $0x0, s20;
	[sflag:s22] =	ssyncset.done $0x0  }
0xa0: {  	[sflag:s22] =	ssyncadd.s32 s4;
	_ =	sdelay $0x1  }
0xa1: {  	s23 =	simm.s32 $0x1B8B  }
0xa2: {  	_ =	swait.ge [sflag:s23], $0x1  }
0xa3: {  	[sflag:s23] =	ssyncset.done $0x0  }
0xa4: {  	s25 =	simm.s32 $0x1B8E;
	s24 =	sld [smem:$0x3FFE];
	[sflag:s23] =	ssyncadd.s32 $0xFFFFFFFF  }
0xa5: {  	s26 =	simm.s32 $execute0_lowered;
	[smem:$0x3FD2] =	sst s25  }
0xa6: {  	s5 =	sshll.u32 s26, $0x1;
	_ =	strace $0x80000052;
	[dreg:$0x1] =	wrdreg $0xFFFFFFFF  }
0xa7: {  	s28 =	simm.s32 $_size_execute0_lowered;
	s3 =	sadd.s32 s3, s5;
	[dreg:$0x0] =	wrdreg $0x0  }
0xa8: {  	s5 =	sshll.u32 s28, $0x1;
	[dreg:$0x2] =	wrdreg s3  }
0xa9: {  	[dreg:$0x3] =	wrdreg s5  }
0xaa: {  	[dreg:$0x4] =	wrdreg $0xC0  }
0xab: {  	_ =	task [dreg:s7], $0x5FFFF  }
0xac: {  	[dreg:$0x1] =	wrdreg $0xFFFFFFFF  }
0xad: {  	[dreg:$0x0] =	wrdreg $0x60  }
0xae: {  	[dreg:$0x2] =	wrdreg s24  }
0xaf: {  	[dreg:$0x3] =	wrdreg s2  }
0xb0: {  	[dreg:$0x4] =	wrdreg $0xE2000  }
0xb1: {  	[dreg:$0x5] =	wrdreg $0x42000  }
0xb2: {  	[dreg:$0x6] =	wrdreg $0x9  }
0xb3: {  	_ =	task.clear_ibuf [dreg:s7], $0x7FFFF;
	_ =	strace $0x90000052  }
0xb4: {  	s29 =	simm.s32 $0x9;
	_ =	strace $0x80000054  }
0xb5: {  	_ =	swait.ge [sflag:s29], $0x1  }
0xb6: {  	[sflag:s29] =	ssyncadd.s32 $0xFFFFFFFF  }
0xb7: {  	_ =	strace $0x90000054  }
0xb8: {  	_ =	sfence  }
0xb9: {  	s30 =	sld [smem:$0x0];
	_ =	sdelay $0x2  }
0xba: {  	s31 =	sshll.u32 s1, $0xD;
	s1 =	sshrl.u32 s1, $0x2  }
0xbb: {  	s3 =	sand.u32 $0x4000, s31;
	s1 =	sadd.s32 s1, s30  }
0xbc: {  	s0 =	sor.u32 s3, s0;
	s1 =	sshll.u32 s1, $0x11  }
0xbd: {  	s0 =	sor.u32 s1, s0  }
0xbe: {  	s0 =	sadd.s32 $0x8F2B, s0  }
0xbf: {  	[sflag:s0] =	ssyncadd.remote.s32 $0x1  }
0xc0: {  	_ =	sfence.sel $0xFFFF  }
0xc1: {  	[dreg:$0x0] =	wrdreg $0xFFFFFFFF;
	(pc) =	sbr.abs _section_cstart, $3  }
0xc2: {  	[dreg:$0x1] =	wrdreg $0xFFFFFFFF  }
0xc3: {  	_ =	task.clear_ibuf [dreg:s7], $0x2FFFF;
	_ =	strace $0x9FFFFFFF  }
0xc4: {  	(tm) =	ssettm $0x7FFFFFFF  }
0xc5: {  	_ =	shalt  }
tec
execute0_lowered:
.L_overlay_start_1:
0x0: {  	(tag) =	ssettag $0x1  }
0x1: {  	s1 =	rddreg [dreg:$0x0]  }
0x2: {  	s3 =	rddreg [dreg:$0x1];
	s0 =	simm.s32 $0x0  }
0x3: {  	s2 =	srdreg.scid;
	s21 =	stileid.u32;
	s31 =	simm.s32 $0x40  }
0x4: {  	[smem:$0x7FF] =	sst s0;
	s7 =	sadd.s32 $0xFE00, s1;
	s5 =	sadd.s32 $0x5800, s1  }
0x5: {  	s9 =	sand.u32 $0x1, s2;
	s10 =	sadd.s32 $0xF800, s1;
	s11 =	smul.u32 $0x280, s21  }
0x6: {  	s12 =	sadd.s32 $0x38600, s1;
	s6 =	smul.u32 $0x14000, s21;
	s2 =	ssub.s32 $0x2, s9  }
0x7: {  	s23 =	sshll.u32 s9, $0x4;
	s14 =	sshll.u32 s9, $0x6;
	s9 =	smul.u32 $0x500, s9  }
0x8: {  	s4 =	sshrl.u32 s2, $0x1;
	s15 =	sor.u32 s21, s23;
	s24 =	sor.u32 s14, s6  }
0x9: {  	s25 =	sadd.s32 $0x80, s11;
	s26 =	sshrl.u32 s11, $0x3;
	s19 =	sadd.s32 $0x100, s11  }
0xa: {  	s13 =	ssub.s32 s2, s4;
	s16 =	sshrl.u32 s24, $0x3;
	s8 =	sshll.u32 s25, $0x7  }
0xb: {  	s2 =	sadd.s32 s10, s26;
	s4 =	sshrl.u32 s25, $0x3;
	s15 =	smul.u32 $0x500, s15  }
0xc: {  	s22 =	sshll.u32 s19, $0x7;
	s6 =	sshrl.u32 s19, $0x3;
	s25 =	smul.u32 $0x50, s21  }
0xd: {  	s17 =	sadd.s32 s7, s16;
	s18 =	sor.u32 s14, s8;
	s4 =	sadd.s32 s10, s4  }
0xe: {  	s8 =	sor.u32 s14, s22;
	s6 =	sadd.s32 s10, s6;
	s28 =	smax.u32 s13, $0x1  }
0xf: {  	s13 =	simm.s32 $0x0;
	[dreg:$0x5] =	wrdreg s17;
	s17 =	sshrl.u32 s18, $0x3  }
0x10: {  	s18 =	sadd.s32 $0x180, s11;
	s19 =	sshrl.u32 s8, $0x3;
	s21 =	sadd.s32 s5, s15  }
0x11: {  	s22 =	sadd.s32 s25, s9;
	s25 =	sadd.s32 s12, s16;
	[dreg:$0xa] =	wrdreg s21  }
0x12: {  	s11 =	sadd.s32 $0x200, s11;
	s20 =	sadd.s32 s7, s17;
	[dreg:$0xc] =	wrdreg s25  }
0x13: {  	s23 =	sshrl.u32 s18, $0x3;
	s18 =	sshll.u32 s18, $0x7;
	s21 =	rddreg [dreg:$0x2]  }
0x14: {  	s24 =	sshll.u32 s11, $0x7;
	s11 =	sshrl.u32 s11, $0x3;
	[dreg:$0x6] =	wrdreg s20  }
0x15: {  	s20 =	sadd.s32 s7, s19;
	s8 =	sadd.s32 s10, s23;
	s18 =	sor.u32 s14, s18  }
0x16: {  	s14 =	sor.u32 s14, s24;
	s23 =	sadd.s32 s3, s15;
	[dreg:$0x7] =	wrdreg s20  }
0x17: {  	s24 =	sor.u32 $0x10, s15;
	s15 =	sadd.s32 s12, s19;
	[dreg:$0xb] =	wrdreg s23  }
0x18: {  	s10 =	sadd.s32 s10, s11;
	s18 =	sshrl.u32 s18, $0x3;
	[dreg:$0xe] =	wrdreg s15  }
0x19: {  	s11 =	sshrl.u32 s14, $0x3;
	s23 =	rddreg [dreg:$0x3];
	s26 =	sadd.s32 s7, s18  }
0x1a: {  	s9 =	simm.s32 $0x100;
	s7 =	sadd.s32 s7, s11;
	[dreg:$0x8] =	wrdreg s26  }
0x1b: {  	s19 =	sadd.s32 s5, s24;
	s20 =	sadd.s32 s3, s24;
	[dreg:$0x9] =	wrdreg s7  }
0x1c: {  	s26 =	sadd.s32 s12, s17;
	s17 =	sadd.s32 s12, s18;
	s18 =	sadd.s32 s12, s11  }
0x1d: {  	s7 =	sshll.u32 s22, $0x4;
	s11 =	simm.s32 $0x1;
	s12 =	simm.s32 $0x2  }
0x1e: {  	[dreg:$0xd] =	wrdreg s26;
	s16 =	sadd.s32 s7, s5;
	s22 =	sadd.s32 s7, s3  }
0x1f: {  	s7 =	sor.u32 $0x20, s7;
	s26 =	sadd.s32 $0x37E00, s1;
	s1 =	simm.s32 $0x200  }
0x20: {  	s24 =	sadd.s32 s7, s5;
	s25 =	sadd.s32 s7, s3;
	_ =	strace $0x80000053  }
0x21: {  	s29 =	sadd.s32 $0x30, s16;
	s30 =	sadd.s32 $0x30, s22;
	s22 =	simm.s32 $0x80  }
0x22: {  	s3 =	simm.s32 $0x3;
	s5 =	simm.s32 $0x180;
	s7 =	simm.s32 $0x2200  }
.LBB2_1:
0x23: {  	[tilespmem:s1], [sflag:$0x3] =	stream.strided.gather [hbm4b:s26+s31], $0x2000, s22, s31, $0x38;
	[tilespmem:$0x18200] =	vst v63  }
0x24: {  	_ =	swait.ge [sflag:s3], $0x2000  }
0x25: {  	[sflag:s3] =	ssyncset.done $0x0  }
0x26: {  	[sflag:s3] =	ssyncadd.s32 $0xFFFFE000  }
0x27: {  	[tilespmem:s5], [sflag:$0x3] =	stream.linear.gather [hbm4b:s2+s0], $0x80, $0x38;
	[tilespmem:$0x18200] =	vst v63  }
0x28: {  	_ =	swait.ge [sflag:s3], $0x80  }
0x29: {  	[sflag:s3] =	ssyncset.done $0x0  }
0x2a: {  	[sflag:s3] =	ssyncadd.s32 $0xFFFFFF80  }
0x2b: {  	[spmem:s21] =	stream.indirect.scatter [tilespmem:s1], [sflag:$0x3], $0x40, s5, s22, $0xb8;
	[tilespmem:$0x18200] =	vst v63  }
0x2c: {  	_ =	swait.ge [sflag:s3], $0x2000  }
0x2d: {  	[sflag:s3] =	ssyncset.done $0x0  }
0x2e: {  	s14 =	rddreg [dreg:$0x5];
	[sflag:s3] =	ssyncadd.s32 $0xFFFFE000  }
0x2f: {  	[tilespmem:s7], [sflag:$0x3] =	stream.strided.gather [hbm4b:s14+s31], $0x2000, s22, s31, $0x38;
	[tilespmem:$0x18200] =	vst v63  }
0x30: {  	_ =	swait.ge [sflag:s3], $0x2000  }
0x31: {  	[sflag:s3] =	ssyncset.done $0x0  }
0x32: {  	[sflag:s3] =	ssyncadd.s32 $0xFFFFE000  }
0x33: {  	[spmem:s23] =	stream.indirect.scatter [tilespmem:s7], [sflag:$0x3], $0x40, s5, s22, $0xb8;
	[tilespmem:$0x18200] =	vst v63  }
0x34: {  	_ =	swait.ge [sflag:s3], $0x2000  }
0x35: {  	[sflag:s3] =	ssyncset.done $0x0  }
0x36: {  	[sflag:s3] =	ssyncadd.s32 $0xFFFFE000  }
0x37: {  	[tilespmem:s5], [sflag:$0x3] =	stream.linear.gather [hbm4b:s4+s0], $0x80, $0x38;
	[tilespmem:$0x18200] =	vst v63  }
0x38: {  	_ =	swait.ge [sflag:s3], $0x80  }
0x39: {  	[sflag:s3] =	ssyncset.done $0x0  }
0x3a: {  	[sflag:s3] =	ssyncadd.s32 $0xFFFFFF80  }
0x3b: {  	[spmem:s21] =	stream.indirect.scatter [tilespmem:s1], [sflag:$0x3], $0x40, s5, s22, $0xb8;
	[tilespmem:$0x18200] =	vst v63  }
0x3c: {  	_ =	swait.ge [sflag:s3], $0x2000  }
0x3d: {  	[sflag:s3] =	ssyncset.done $0x0  }
0x3e: {  	s15 =	rddreg [dreg:$0x6];
	[sflag:s3] =	ssyncadd.s32 $0xFFFFE000  }
0x3f: {  	[tilespmem:s7], [sflag:$0x3] =	stream.strided.gather [hbm4b:s15+s31], $0x2000, s22, s31, $0x38;
	[tilespmem:$0x18200] =	vst v63  }
0x40: {  	_ =	swait.ge [sflag:s3], $0x2000  }
0x41: {  	[sflag:s3] =	ssyncset.done $0x0  }
0x42: {  	[sflag:s3] =	ssyncadd.s32 $0xFFFFE000  }
0x43: {  	[spmem:s23] =	stream.indirect.scatter [tilespmem:s7], [sflag:$0x3], $0x40, s5, s22, $0xb8;
	[tilespmem:$0x18200] =	vst v63  }
0x44: {  	_ =	swait.ge [sflag:s3], $0x2000  }
0x45: {  	[sflag:s3] =	ssyncset.done $0x0  }
0x46: {  	[sflag:s3] =	ssyncadd.s32 $0xFFFFE000  }
0x47: {  	[tilespmem:s5], [sflag:$0x3] =	stream.linear.gather [hbm4b:s6+s0], $0x80, $0x38;
	[tilespmem:$0x18200] =	vst v63  }
0x48: {  	_ =	swait.ge [sflag:s3], $0x80  }
0x49: {  	[sflag:s3] =	ssyncset.done $0x0  }
0x4a: {  	[sflag:s3] =	ssyncadd.s32 $0xFFFFFF80  }
0x4b: {  	[spmem:s21] =	stream.indirect.scatter [tilespmem:s1], [sflag:$0x3], $0x40, s5, s22, $0xb8;
	[tilespmem:$0x18200] =	vst v63  }
0x4c: {  	_ =	swait.ge [sflag:s3], $0x2000  }
0x4d: {  	[sflag:s3] =	ssyncset.done $0x0  }
0x4e: {  	s16 =	rddreg [dreg:$0x7];
	[sflag:s3] =	ssyncadd.s32 $0xFFFFE000  }
0x4f: {  	[tilespmem:s7], [sflag:$0x3] =	stream.strided.gather [hbm4b:s16+s31], $0x2000, s22, s31, $0x38;
	[tilespmem:$0x18200] =	vst v63  }
0x50: {  	_ =	swait.ge [sflag:s3], $0x2000  }
0x51: {  	[sflag:s3] =	ssyncset.done $0x0  }
0x52: {  	[sflag:s3] =	ssyncadd.s32 $0xFFFFE000  }
0x53: {  	[spmem:s23] =	stream.indirect.scatter [tilespmem:s7], [sflag:$0x3], $0x40, s5, s22, $0xb8;
	[tilespmem:$0x18200] =	vst v63  }
0x54: {  	_ =	swait.ge [sflag:s3], $0x2000  }
0x55: {  	[sflag:s3] =	ssyncset.done $0x0  }
0x56: {  	[sflag:s3] =	ssyncadd.s32 $0xFFFFE000  }
0x57: {  	[tilespmem:s5], [sflag:$0x3] =	stream.linear.gather [hbm4b:s8+s0], $0x80, $0x38;
	[tilespmem:$0x18200] =	vst v63  }
0x58: {  	_ =	swait.ge [sflag:s3], $0x80  }
0x59: {  	[sflag:s3] =	ssyncset.done $0x0  }
0x5a: {  	[sflag:s3] =	ssyncadd.s32 $0xFFFFFF80  }
0x5b: {  	[spmem:s21] =	stream.indirect.scatter [tilespmem:s1], [sflag:$0x3], $0x40, s5, s22, $0xb8;
	[tilespmem:$0x18200] =	vst v63  }
0x5c: {  	_ =	swait.ge [sflag:s3], $0x2000  }
0x5d: {  	[sflag:s3] =	ssyncset.done $0x0  }
0x5e: {  	s15 =	rddreg [dreg:$0x8];
	[sflag:s3] =	ssyncadd.s32 $0xFFFFE000  }
0x5f: {  	[tilespmem:s7], [sflag:$0x3] =	stream.strided.gather [hbm4b:s15+s31], $0x2000, s22, s31, $0x38;
	[tilespmem:$0x18200] =	vst v63  }
0x60: {  	_ =	swait.ge [sflag:s3], $0x2000  }
0x61: {  	[sflag:s3] =	ssyncset.done $0x0  }
0x62: {  	[sflag:s3] =	ssyncadd.s32 $0xFFFFE000  }
0x63: {  	[spmem:s23] =	stream.indirect.scatter [tilespmem:s7], [sflag:$0x3], $0x40, s5, s22, $0xb8;
	[tilespmem:$0x18200] =	vst v63  }
0x64: {  	_ =	swait.ge [sflag:s3], $0x2000  }
0x65: {  	[sflag:s3] =	ssyncset.done $0x0  }
0x66: {  	[sflag:s3] =	ssyncadd.s32 $0xFFFFE000  }
0x67: {  	[tilespmem:s5], [sflag:$0x3] =	stream.linear.gather [hbm4b:s10+s0], $0x80, $0x38;
	[tilespmem:$0x18200] =	vst v63  }
0x68: {  	_ =	swait.ge [sflag:s3], $0x80  }
0x69: {  	[sflag:s3] =	ssyncset.done $0x0  }
0x6a: {  	[sflag:s3] =	ssyncadd.s32 $0xFFFFFF80  }
0x6b: {  	[spmem:s21] =	stream.indirect.scatter [tilespmem:s1], [sflag:$0x3], $0x40, s5, s22, $0xb8;
	[tilespmem:$0x18200] =	vst v63  }
0x6c: {  	_ =	swait.ge [sflag:s3], $0x2000  }
0x6d: {  	[sflag:s3] =	ssyncset.done $0x0  }
0x6e: {  	s16 =	rddreg [dreg:$0x9];
	[sflag:s3] =	ssyncadd.s32 $0xFFFFE000  }
0x6f: {  	[tilespmem:s7], [sflag:$0x3] =	stream.strided.gather [hbm4b:s16+s31], $0x2000, s22, s31, $0x38;
	[tilespmem:$0x18200] =	vst v63  }
0x70: {  	_ =	swait.ge [sflag:s3], $0x2000  }
0x71: {  	[sflag:s3] =	ssyncset.done $0x0  }
0x72: {  	[sflag:s3] =	ssyncadd.s32 $0xFFFFE000  }
0x73: {  	[spmem:s23] =	stream.indirect.scatter [tilespmem:s7], [sflag:$0x3], $0x40, s5, s22, $0xb8;
	[tilespmem:$0x18200] =	vst v63  }
0x74: {  	_ =	swait.ge [sflag:s3], $0x2000  }
0x75: {  	[sflag:s3] =	ssyncset.done $0x0  }
0x76: {  	[sflag:s3] =	ssyncadd.s32 $0xFFFFE000  }
0x77: {  	[bflag:$0x0] =	sbarrier.arrive $0xFFFF  }
0x78: {  	s15 =	rddreg [dreg:$0xa]  }
0x79: {  	[tilespmem:s0], [sflag:$0x3] =	stream.linear.gather [hbm4b:s15+s0], $0x80, $0x38;
	[tilespmem:$0x18200] =	vst v63  }
0x7a: {  	_ =	swait.ge [sflag:s3], $0x80  }
0x7b: {  	[sflag:s3] =	ssyncset.done $0x0  }
0x7c: {  	s16 =	rddreg [dreg:$0xb];
	[sflag:s3] =	ssyncadd.s32 $0xFFFFFF80  }
0x7d: {  	[tilespmem:s22], [sflag:$0x3] =	stream.linear.gather [hbm4b:s16+s0], $0x80, $0x38;
	[tilespmem:$0x18200] =	vst v63  }
0x7e: {  	_ =	swait.ge [sflag:s3], $0x80  }
0x7f: {  	[sflag:s3] =	ssyncset.done $0x0  }
0x80: {  	[sflag:s3] =	ssyncadd.s32 $0xFFFFFF80  }
0x81: {  	[tilespmem:s1], [sflag:$0x3] =	stream.indirect.gather [spmem:s23], $0x40, s0, s22, $0xb8;
	[tilespmem:$0x18200] =	vst v63  }
0x82: {  	_ =	swait.ge [sflag:s3], $0x2000  }
0x83: {  	[sflag:s3] =	ssyncset.done $0x0  }
0x84: {  	[sflag:s3] =	ssyncadd.s32 $0xFFFFE000  }
0x85: {  	[spmem:s21] =	stream.indirect.scatter.add.f32 [tilespmem:s1], [sflag:$0x1], $0x40, s22, s22, $0xb8;
	[tilespmem:$0x18200] =	vst v63  }
0x86: {  	_ = 	snop  }
0x87: {  	[tilespmem:s0], [sflag:$0x3] =	stream.linear.gather [hbm4b:s19+s0], $0x80, $0x38;
	[tilespmem:$0x18200] =	vst v63  }
0x88: {  	_ =	swait.ge [sflag:s3], $0x80  }
0x89: {  	[sflag:s3] =	ssyncset.done $0x0  }
0x8a: {  	[sflag:s3] =	ssyncadd.s32 $0xFFFFFF80  }
0x8b: {  	[tilespmem:s9], [sflag:$0x3] =	stream.linear.gather [hbm4b:s20+s0], $0x80, $0x38;
	[tilespmem:$0x18200] =	vst v63  }
0x8c: {  	_ =	swait.ge [sflag:s3], $0x80  }
0x8d: {  	[sflag:s3] =	ssyncset.done $0x0  }
0x8e: {  	[sflag:s3] =	ssyncadd.s32 $0xFFFFFF80  }
0x8f: {  	[tilespmem:s7], [sflag:$0x3] =	stream.indirect.gather [spmem:s23], $0x40, s0, s22, $0xb8;
	[tilespmem:$0x18200] =	vst v63  }
0x90: {  	_ =	swait.ge [sflag:s3], $0x2000  }
0x91: {  	[sflag:s3] =	ssyncset.done $0x0  }
0x92: {  	[sflag:s3] =	ssyncadd.s32 $0xFFFFE000  }
0x93: {  	[spmem:s21] =	stream.indirect.scatter.add.f32 [tilespmem:s7], [sflag:$0x2], $0x40, s9, s22, $0xb8;
	[tilespmem:$0x18200] =	vst v63  }
0x94: {  	_ =	swait.ge [sflag:s11], $0x2000  }
0x95: {  	[sflag:s11] =	ssyncset.done $0x0  }
0x96: {  	s15 =	sadd.s32 $0x0, s24;
	[sflag:s11] =	ssyncadd.s32 $0xFFFFE000  }
0x97: {  	[tilespmem:s0], [sflag:$0x3] =	stream.linear.gather [hbm4b:s15+s0], $0x80, $0x38;
	[tilespmem:$0x18200] =	vst v63  }
0x98: {  	_ =	swait.ge [sflag:s3], $0x80  }
0x99: {  	[sflag:s3] =	ssyncset.done $0x0  }
0x9a: {  	s16 =	sadd.s32 $0x0, s25;
	[sflag:s3] =	ssyncadd.s32 $0xFFFFFF80  }
0x9b: {  	[tilespmem:s22], [sflag:$0x3] =	stream.linear.gather [hbm4b:s16+s0], $0x80, $0x38;
	[tilespmem:$0x18200] =	vst v63  }
0x9c: {  	_ =	swait.ge [sflag:s3], $0x80  }
0x9d: {  	[sflag:s3] =	ssyncset.done $0x0  }
0x9e: {  	[sflag:s3] =	ssyncadd.s32 $0xFFFFFF80  }
0x9f: {  	[tilespmem:s1], [sflag:$0x3] =	stream.indirect.gather [spmem:s23], $0x40, s0, s22, $0xb8;
	[tilespmem:$0x18200] =	vst v63  }
0xa0: {  	_ =	swait.ge [sflag:s3], $0x2000  }
0xa1: {  	[sflag:s3] =	ssyncset.done $0x0  }
0xa2: {  	[sflag:s3] =	ssyncadd.s32 $0xFFFFE000  }
0xa3: {  	[spmem:s21] =	stream.indirect.scatter.add.f32 [tilespmem:s1], [sflag:$0x1], $0x40, s22, s22, $0xb8;
	[tilespmem:$0x18200] =	vst v63  }
0xa4: {  	_ =	swait.ge [sflag:s12], $0x2000  }
0xa5: {  	[sflag:s12] =	ssyncset.done $0x0  }
0xa6: {  	s15 =	sadd.s32 $0x0, s29;
	[sflag:s12] =	ssyncadd.s32 $0xFFFFE000  }
0xa7: {  	[tilespmem:s0], [sflag:$0x3] =	stream.linear.gather [hbm4b:s15+s0], $0x80, $0x38;
	[tilespmem:$0x18200] =	vst v63  }
0xa8: {  	_ =	swait.ge [sflag:s3], $0x80  }
0xa9: {  	[sflag:s3] =	ssyncset.done $0x0  }
0xaa: {  	s16 =	sadd.s32 $0x0, s30;
	[sflag:s3] =	ssyncadd.s32 $0xFFFFFF80  }
0xab: {  	[tilespmem:s9], [sflag:$0x3] =	stream.linear.gather [hbm4b:s16+s0], $0x80, $0x38;
	[tilespmem:$0x18200] =	vst v63  }
0xac: {  	_ =	swait.ge [sflag:s3], $0x80  }
0xad: {  	[sflag:s3] =	ssyncset.done $0x0  }
0xae: {  	[sflag:s3] =	ssyncadd.s32 $0xFFFFFF80  }
0xaf: {  	[tilespmem:s7], [sflag:$0x3] =	stream.indirect.gather [spmem:s23], $0x40, s0, s22, $0xb8;
	[tilespmem:$0x18200] =	vst v63  }
0xb0: {  	_ =	swait.ge [sflag:s3], $0x2000  }
0xb1: {  	[sflag:s3] =	ssyncset.done $0x0  }
0xb2: {  	s14 =	simm.s32 $0x20;
	[sflag:s3] =	ssyncadd.s32 $0xFFFFE000  }
.LBB2_2:
0xb3: {  	[spmem:s21] =	stream.indirect.scatter.add.f32 [tilespmem:s7], [sflag:$0x2], $0x40, s9, s22, $0xb8;
	[tilespmem:$0x18200] =	vst v63  }
0xb4: {  	s15 =	smov.u32 s14  }
0xb5: {  	p0 =	sne.s32 s14, $0x4C0;
	s14 =	sadd.s32 $0x20, s14;
	_ =	swait.ge [sflag:s11], $0x2000  }
0xb6: {  	[sflag:s11] =	ssyncset.done $0x0  }
0xb7: {  	s16 =	sadd.s32 s15, s24;
	[sflag:s11] =	ssyncadd.s32 $0xFFFFE000  }
0xb8: {  	[tilespmem:s0], [sflag:$0x3] =	stream.linear.gather [hbm4b:s16+s0], $0x80, $0x38;
	[tilespmem:$0x18200] =	vst v63  }
0xb9: {  	_ =	swait.ge [sflag:s3], $0x80  }
0xba: {  	[sflag:s3] =	ssyncset.done $0x0  }
0xbb: {  	s16 =	sadd.s32 s15, s25;
	[sflag:s3] =	ssyncadd.s32 $0xFFFFFF80  }
0xbc: {  	[tilespmem:s22], [sflag:$0x3] =	stream.linear.gather [hbm4b:s16+s0], $0x80, $0x38;
	[tilespmem:$0x18200] =	vst v63  }
0xbd: {  	_ =	swait.ge [sflag:s3], $0x80  }
0xbe: {  	[sflag:s3] =	ssyncset.done $0x0  }
0xbf: {  	[sflag:s3] =	ssyncadd.s32 $0xFFFFFF80  }
0xc0: {  	[tilespmem:s1], [sflag:$0x3] =	stream.indirect.gather [spmem:s23], $0x40, s0, s22, $0xb8;
	[tilespmem:$0x18200] =	vst v63  }
0xc1: {  	_ =	swait.ge [sflag:s3], $0x2000  }
0xc2: {  	[sflag:s3] =	ssyncset.done $0x0  }
0xc3: {  	[sflag:s3] =	ssyncadd.s32 $0xFFFFE000  }
0xc4: {  	[spmem:s21] =	stream.indirect.scatter.add.f32 [tilespmem:s1], [sflag:$0x1], $0x40, s22, s22, $0xb8;
	[tilespmem:$0x18200] =	vst v63  }
0xc5: {  	_ =	swait.ge [sflag:s12], $0x2000  }
0xc6: {  	[sflag:s12] =	ssyncset.done $0x0  }
0xc7: {  	s16 =	sadd.s32 s15, s29;
	[sflag:s12] =	ssyncadd.s32 $0xFFFFE000  }
0xc8: {  	[tilespmem:s0], [sflag:$0x3] =	stream.linear.gather [hbm4b:s16+s0], $0x80, $0x38;
	[tilespmem:$0x18200] =	vst v63  }
0xc9: {  	_ =	swait.ge [sflag:s3], $0x80  }
0xca: {  	[sflag:s3] =	ssyncset.done $0x0  }
0xcb: {  	s15 =	sadd.s32 s15, s30;
	[sflag:s3] =	ssyncadd.s32 $0xFFFFFF80  }
0xcc: {  	[tilespmem:s9], [sflag:$0x3] =	stream.linear.gather [hbm4b:s15+s0], $0x80, $0x38;
	[tilespmem:$0x18200] =	vst v63  }
0xcd: {  	_ =	swait.ge [sflag:s3], $0x80  }
0xce: {  	[sflag:s3] =	ssyncset.done $0x0  }
.Ltmp0:
0xcf: {  	[sflag:s3] =	ssyncadd.s32 $0xFFFFFF80;
	(pc) =	sbr.rel @p0 .LBB2_2-.Ltmp0, $4  }
0xd0: {  	[tilespmem:s7], [sflag:$0x3] =	stream.indirect.gather [spmem:s23], $0x40, s0, s22, $0xb8;
	[tilespmem:$0x18200] =	vst v63  }
0xd1: {  	_ =	swait.ge [sflag:s3], $0x2000  }
0xd2: {  	[sflag:s3] =	ssyncset.done $0x0  }
0xd3: {  	[sflag:s3] =	ssyncadd.s32 $0xFFFFE000  }
0xd4: {  	[spmem:s21] =	stream.indirect.scatter.add.f32 [tilespmem:s7], [sflag:$0x2], $0x40, s9, s22, $0xb8;
	[tilespmem:$0x18200] =	vst v63  }
0xd5: {  	_ =	swait.ge [sflag:s11], $0x2000  }
0xd6: {  	[sflag:s11] =	ssyncset.done $0x0  }
0xd7: {  	[sflag:s11] =	ssyncadd.s32 $0xFFFFE000  }
0xd8: {  	_ =	swait.ge [sflag:s12], $0x2000  }
0xd9: {  	[sflag:s12] =	ssyncset.done $0x0  }
0xda: {  	[sflag:s12] =	ssyncadd.s32 $0xFFFFE000  }
0xdb: {  	[bflag:$0x0] =	sbarrier.arrive $0xFFFF  }
0xdc: {  	[tilespmem:s5], [sflag:$0x3] =	stream.linear.gather [hbm4b:s2+s0], $0x80, $0x38;
	[tilespmem:$0x18200] =	vst v63  }
0xdd: {  	_ =	swait.ge [sflag:s3], $0x80  }
0xde: {  	[sflag:s3] =	ssyncset.done $0x0  }
0xdf: {  	[sflag:s3] =	ssyncadd.s32 $0xFFFFFF80  }
0xe0: {  	[tilespmem:s1], [sflag:$0x3] =	stream.indirect.gather [spmem:s21], $0x40, s5, s22, $0xb8;
	[tilespmem:$0x18200] =	vst v63  }
0xe1: {  	_ =	swait.ge [sflag:s3], $0x2000  }
0xe2: {  	[sflag:s3] =	ssyncset.done $0x0  }
0xe3: {  	s14 =	rddreg [dreg:$0xc];
	[sflag:s3] =	ssyncadd.s32 $0xFFFFE000  }
0xe4: {  	[hbm4b:s14+s31] =	stream.strided.scatter [tilespmem:s1], [sflag:$0x3], $0x2000, s22, s31, $0x38;
	[tilespmem:$0x18200] =	vst v63  }
0xe5: {  	_ =	swait.ge [sflag:s3], $0x2000  }
0xe6: {  	[sflag:s3] =	ssyncset.done $0x0  }
0xe7: {  	[sflag:s3] =	ssyncadd.s32 $0xFFFFE000  }
0xe8: {  	[tilespmem:s5], [sflag:$0x3] =	stream.linear.gather [hbm4b:s4+s0], $0x80, $0x38;
	[tilespmem:$0x18200] =	vst v63  }
0xe9: {  	_ =	swait.ge [sflag:s3], $0x80  }
0xea: {  	[sflag:s3] =	ssyncset.done $0x0  }
0xeb: {  	[sflag:s3] =	ssyncadd.s32 $0xFFFFFF80  }
0xec: {  	[tilespmem:s1], [sflag:$0x3] =	stream.indirect.gather [spmem:s21], $0x40, s5, s22, $0xb8;
	[tilespmem:$0x18200] =	vst v63  }
0xed: {  	_ =	swait.ge [sflag:s3], $0x2000  }
0xee: {  	[sflag:s3] =	ssyncset.done $0x0  }
0xef: {  	s15 =	rddreg [dreg:$0xd];
	[sflag:s3] =	ssyncadd.s32 $0xFFFFE000  }
0xf0: {  	[hbm4b:s15+s31] =	stream.strided.scatter [tilespmem:s1], [sflag:$0x3], $0x2000, s22, s31, $0x38;
	[tilespmem:$0x18200] =	vst v63  }
0xf1: {  	_ =	swait.ge [sflag:s3], $0x2000  }
0xf2: {  	[sflag:s3] =	ssyncset.done $0x0  }
0xf3: {  	[sflag:s3] =	ssyncadd.s32 $0xFFFFE000  }
0xf4: {  	[tilespmem:s5], [sflag:$0x3] =	stream.linear.gather [hbm4b:s6+s0], $0x80, $0x38;
	[tilespmem:$0x18200] =	vst v63  }
0xf5: {  	_ =	swait.ge [sflag:s3], $0x80  }
0xf6: {  	[sflag:s3] =	ssyncset.done $0x0  }
0xf7: {  	[sflag:s3] =	ssyncadd.s32 $0xFFFFFF80  }
0xf8: {  	[tilespmem:s1], [sflag:$0x3] =	stream.indirect.gather [spmem:s21], $0x40, s5, s22, $0xb8;
	[tilespmem:$0x18200] =	vst v63  }
0xf9: {  	_ =	swait.ge [sflag:s3], $0x2000  }
0xfa: {  	[sflag:s3] =	ssyncset.done $0x0  }
0xfb: {  	s16 =	rddreg [dreg:$0xe];
	[sflag:s3] =	ssyncadd.s32 $0xFFFFE000  }
0xfc: {  	[hbm4b:s16+s31] =	stream.strided.scatter [tilespmem:s1], [sflag:$0x3], $0x2000, s22, s31, $0x38;
	[tilespmem:$0x18200] =	vst v63  }
0xfd: {  	_ =	swait.ge [sflag:s3], $0x2000  }
0xfe: {  	[sflag:s3] =	ssyncset.done $0x0  }
0xff: {  	[sflag:s3] =	ssyncadd.s32 $0xFFFFE000  }
0x100: {  	[tilespmem:s5], [sflag:$0x3] =	stream.linear.gather [hbm4b:s8+s0], $0x80, $0x38;
	[tilespmem:$0x18200] =	vst v63  }
0x101: {  	_ =	swait.ge [sflag:s3], $0x80  }
0x102: {  	[sflag:s3] =	ssyncset.done $0x0  }
0x103: {  	[sflag:s3] =	ssyncadd.s32 $0xFFFFFF80  }
0x104: {  	[tilespmem:s1], [sflag:$0x3] =	stream.indirect.gather [spmem:s21], $0x40, s5, s22, $0xb8;
	[tilespmem:$0x18200] =	vst v63  }
0x105: {  	_ =	swait.ge [sflag:s3], $0x2000  }
0x106: {  	[sflag:s3] =	ssyncset.done $0x0  }
0x107: {  	[sflag:s3] =	ssyncadd.s32 $0xFFFFE000  }
0x108: {  	[hbm4b:s17+s31] =	stream.strided.scatter [tilespmem:s1], [sflag:$0x3], $0x2000, s22, s31, $0x38;
	[tilespmem:$0x18200] =	vst v63  }
0x109: {  	_ =	swait.ge [sflag:s3], $0x2000  }
0x10a: {  	[sflag:s3] =	ssyncset.done $0x0  }
0x10b: {  	[sflag:s3] =	ssyncadd.s32 $0xFFFFE000  }
0x10c: {  	[tilespmem:s5], [sflag:$0x3] =	stream.linear.gather [hbm4b:s10+s0], $0x80, $0x38;
	[tilespmem:$0x18200] =	vst v63  }
0x10d: {  	_ =	swait.ge [sflag:s3], $0x80  }
0x10e: {  	[sflag:s3] =	ssyncset.done $0x0  }
0x10f: {  	[sflag:s3] =	ssyncadd.s32 $0xFFFFFF80  }
0x110: {  	[tilespmem:s1], [sflag:$0x3] =	stream.indirect.gather [spmem:s21], $0x40, s5, s22, $0xb8;
	[tilespmem:$0x18200] =	vst v63  }
0x111: {  	s13 =	sadd.s32 $0x1, s13;
	_ =	swait.ge [sflag:s3], $0x2000  }
0x112: {  	p0 =	sne.s32 s13, s28;
	[sflag:s3] =	ssyncset.done $0x0  }
.Ltmp1:
0x113: {  	[sflag:s3] =	ssyncadd.s32 $0xFFFFE000;
	(pc) =	sbr.rel @p0 .LBB2_1-.Ltmp1, $4  }
0x114: {  	[hbm4b:s18+s31] =	stream.strided.scatter [tilespmem:s1], [sflag:$0x3], $0x2000, s22, s31, $0x38;
	[tilespmem:$0x18200] =	vst v63  }
0x115: {  	_ =	swait.ge [sflag:s3], $0x2000  }
0x116: {  	[sflag:s3] =	ssyncset.done $0x0  }
0x117: {  	[sflag:s3] =	ssyncadd.s32 $0xFFFFE000  }
0x118: {  	_ =	sfence.sel $0x180000  }
0x119: {  	[bflag:$0x0] =	sbarrier.arrive $0xFFFF  }
0x11a: {  	_ =	strace $0x90000053  }
0x11b: {  	s0 =	stileid.u32;
	[bflag:$0x2] =	sbarrier.arrive $0xFFFF  }
0x11c: {  	p0 =	sne.s32 s0, $0x0;
	s0 =	rddreg [dreg:$0x4]  }
0x11d: {  	s0 =	sadd.s32 @!p0 $0x100000, s0  }
0x11e: {  	[sflag:s0] =	ssyncadd.tile.s32 @!p0 $0x1;
	_ =	shalt  }
.Lfunc_end2:
_tile_overlayer_lowered:
.L_overlay_start_2:
0x11f: {  	(tag) =	ssettag $0x2  }
0x120: {  	s0 =	rddreg [dreg:$0x0];
	s2 =	stileid.u32  }
0x121: {  	s1 =	rddreg [dreg:$0x1];
	p0 =	sne.s32 s2, $0x0  }
0x122: {  	s3 =	rddreg [dreg:$0x2];
	[bflag:$0x3] =	sbarrier.arrive $0xFFFF;
	s2 =	simm.s32 @!p0 $0x1C03  }
0x123: {  	[timem:s3], [sflag:s2] =	dma.local @!p0 [hbm:s0], s1  }
0x124: {  	s0 =	simm.s32 @!p0 $0x3  }
0x125: {  	_ =	swait.ge @!p0 [sflag:s0], s1  }
0x126: {  	s1 =	ssub.s32 @!p0 $0x0, s1;
	[sflag:s0] =	ssyncset.done @!p0 $0x0  }
0x127: {  	[sflag:s0] =	ssyncadd.s32 @!p0 s1  }
0x128: {  	[bflag:$0x3] =	sbarrier.arrive $0xFFFF  }
0x129: {  	_ =	shalt  }

</sc_bundles>
